<compile_context>
chip_gen: v7x
topology: tpu7x:2x2x1
jax: 0.10.2.dev20260603
libtpu: 0.0.44.dev20260713+nightly
codegen_flags: <defaults>
</compile_context>

<pallas_src>
import jax
import jax.numpy as jnp
from jax import lax
from jax.experimental import pallas as pl
from jax.experimental.pallas import tpu as pltpu
from jax.experimental.pallas import tpu_sc as plsc

N = 10000
E = 320000
D = 128
WIN = 128
NC = 2
NS = 16
WPT = 80
CW = 16
NCHUNK = 5
NWINP = NC * NS * WPT
EPAD = NWINP * WIN - E
ACC_ROWS = 10240
RPT = ACC_ROWS // NS

_mesh = plsc.VectorSubcoreMesh(core_axis_name="c", subcore_axis_name="s")


def _zero_fill(buf, rows, width):
    zero = jnp.zeros((16,), jnp.float32)

    def row(i, _):
        for j in range(width // 16):
            buf[i, pl.ds(j * 16, 16)] = zero
        return 0

    lax.fori_loop(0, rows, row, 0)


def _zero_acc(acc, zbuf, s, width):
    _zero_fill(zbuf, 128, width)
    for k in range(RPT // 128):
        pltpu.sync_copy(zbuf, acc.at[pl.ds(s * RPT + k * 128, 128)])


def _writeback(acc, outp, c, s):
    for k in range(RPT // 128):
        pltpu.sync_copy(acc.at[pl.ds(s * RPT + k * 128, 128)],
                        outp.at[c, pl.ds(s * RPT + k * 128, 128)])


def _deg_body(dst2d, outp, acc, idxbuf, onesbuf, dsem):
    c = lax.axis_index("c")
    s = lax.axis_index("s")
    base = (c * NS + s) * WPT

    _zero_acc(acc, onesbuf, s, 16)
    pltpu.sync_copy(dst2d.at[pl.ds(base, WPT)], idxbuf)

    one = jnp.ones((16,), jnp.float32)

    def fill(i, _):
        onesbuf[i, :] = one
        return 0

    lax.fori_loop(0, 128, fill, 0)
    plsc.subcore_barrier()

    def win(j, _):
        pltpu.async_copy(onesbuf, acc.at[idxbuf.at[j]], dsem, add=True)

        @pl.when(j >= 8)
        def _():
            pltpu.make_async_copy(onesbuf, acc.at[idxbuf.at[j]], dsem).wait()

        return 0

    lax.fori_loop(0, WPT, win, 0)
    for _ in range(8):
        pltpu.make_async_copy(onesbuf, acc.at[idxbuf.at[0]], dsem).wait()
    plsc.subcore_barrier()
    _writeback(acc, outp, c, s)


_deg_call = pl.kernel(
    _deg_body,
    out_type=jax.ShapeDtypeStruct((NC, ACC_ROWS, 16), jnp.float32),
    mesh=_mesh,
    scratch_types=[
        pltpu.VMEM_SHARED((ACC_ROWS, 16), jnp.float32),
        pltpu.VMEM((WPT, WIN), jnp.int32),
        pltpu.VMEM((128, 16), jnp.float32),
        pltpu.SemaphoreType.DMA,
    ],
)


def _spmm_body(xp, src2d, dst2d, outp, acc, sbuf, dbuf, rbuf0, rbuf1,
               gsem0, gsem1, ssem0, ssem1, isem):
    c = lax.axis_index("c")
    s = lax.axis_index("s")
    base = (c * NS + s) * WPT

    _zero_acc(acc, rbuf0, s, D)
    plsc.subcore_barrier()

    pltpu.sync_copy(src2d.at[pl.ds(base, CW)], sbuf.at[0])
    pltpu.sync_copy(dst2d.at[pl.ds(base, CW)], dbuf.at[0])
    pltpu.async_copy(xp.at[sbuf.at[0, 0]], rbuf0, gsem0)

    def chunk(ch, _):
        par = ch % 2
        nxt = 1 - par

        @pl.when(ch + 1 < NCHUNK)
        def _():
            pltpu.async_copy(src2d.at[pl.ds(base + (ch + 1) * CW, CW)],
                             sbuf.at[nxt], isem)
            pltpu.async_copy(dst2d.at[pl.ds(base + (ch + 1) * CW, CW)],
                             dbuf.at[nxt], isem)

        def step(t, _):
            j0 = 2 * t
            j1 = j0 + 1
            pltpu.make_async_copy(xp.at[sbuf.at[par, j0]], rbuf0, gsem0).wait()
            pltpu.async_copy(rbuf0, acc.at[dbuf.at[par, j0]], ssem0, add=True)

            @pl.when(t > 0)
            def _():
                pltpu.make_async_copy(
                    rbuf1, acc.at[dbuf.at[par, j1 - 2]], ssem1).wait()

            pltpu.async_copy(xp.at[sbuf.at[par, j1]], rbuf1, gsem1)
            pltpu.make_async_copy(xp.at[sbuf.at[par, j1]], rbuf1, gsem1).wait()
            pltpu.async_copy(rbuf1, acc.at[dbuf.at[par, j1]], ssem1, add=True)
            pltpu.make_async_copy(rbuf0, acc.at[dbuf.at[par, j0]], ssem0).wait()

            @pl.when(j0 + 2 < CW)
            def _():
                pltpu.async_copy(xp.at[sbuf.at[par, j0 + 2]], rbuf0, gsem0)

            return 0

        lax.fori_loop(0, CW // 2, step, 0)
        pltpu.make_async_copy(rbuf1, acc.at[dbuf.at[par, CW - 1]], ssem1).wait()

        @pl.when(ch + 1 < NCHUNK)
        def _():
            pltpu.make_async_copy(src2d.at[pl.ds(base + (ch + 1) * CW, CW)],
                                  sbuf.at[nxt], isem).wait()
            pltpu.make_async_copy(dst2d.at[pl.ds(base + (ch + 1) * CW, CW)],
                                  dbuf.at[nxt], isem).wait()
            pltpu.async_copy(xp.at[sbuf.at[nxt, 0]], rbuf0, gsem0)

        return 0

    lax.fori_loop(0, NCHUNK, chunk, 0)
    plsc.subcore_barrier()
    _writeback(acc, outp, c, s)


_spmm_call = pl.kernel(
    _spmm_body,
    out_type=jax.ShapeDtypeStruct((NC, ACC_ROWS, D), jnp.float32),
    mesh=_mesh,
    scratch_types=[
        pltpu.VMEM_SHARED((ACC_ROWS, D), jnp.float32),
        pltpu.VMEM((2, CW, WIN), jnp.int32),
        pltpu.VMEM((2, CW, WIN), jnp.int32),
        pltpu.VMEM((WIN, D), jnp.float32),
        pltpu.VMEM((WIN, D), jnp.float32),
        pltpu.SemaphoreType.DMA,
        pltpu.SemaphoreType.DMA,
        pltpu.SemaphoreType.DMA,
        pltpu.SemaphoreType.DMA,
        pltpu.SemaphoreType.DMA,
    ],
)



BR = 2000
_GRID = (N // BR,)


def _dinv_of(degp):
    return lax.rsqrt(degp[0, :, 0:1] + degp[1, :, 0:1] + 1.0)


def _scale_body(degp, x, o):
    o[...] = x[...] * _dinv_of(degp)


def _layer1_body(degp, s0p, xp, w1, b1, o):
    dinv = _dinv_of(degp)
    p = (s0p[0] + s0p[1] + xp[...]) * dinv
    h = jnp.dot(p, w1[...], preferred_element_type=jnp.float32) + b1[...]
    o[...] = jnp.maximum(h, 0.0) * dinv


def _layer2_body(degp, s1p, h1p, w2, b2, wcat, o):
    dinv = _dinv_of(degp)
    p = (s1p[0] + s1p[1] + h1p[...]) * dinv
    h2 = jnp.dot(p, w2[...], preferred_element_type=jnp.float32) + b2[...]
    h2 = jnp.maximum(h2, 0.0)
    o[...] = jnp.dot(h2, wcat[...], preferred_element_type=jnp.float32) * dinv


def _out_body(degp, s2p, gp, bmu, bls, mu, ls):
    dinv = _dinv_of(degp)
    p = (s2p[0] + s2p[1] + gp[...]) * dinv
    mu[...] = p[:, :64] + bmu[...]
    ls[...] = p[:, 64:] + bls[...]


def _rows(block_w):
    return pl.BlockSpec((BR, block_w), lambda i: (i, 0))


def _parts(block_w):
    return pl.BlockSpec((NC, BR, block_w), lambda i: (0, i, 0))


def _full(shape):
    nd = len(shape)
    return pl.BlockSpec(shape, lambda i: (0,) * nd)


_degp_spec = _parts(16)

_scale = pl.pallas_call(
    _scale_body,
    grid=_GRID,
    in_specs=[_degp_spec, _rows(D)],
    out_specs=_rows(D),
    out_shape=jax.ShapeDtypeStruct((N, D), jnp.float32),
)

_layer1 = pl.pallas_call(
    _layer1_body,
    grid=_GRID,
    in_specs=[_degp_spec, _parts(D), _rows(D), _full((D, D)), _full((1, D))],
    out_specs=_rows(D),
    out_shape=jax.ShapeDtypeStruct((N, D), jnp.float32),
)

_layer2 = pl.pallas_call(
    _layer2_body,
    grid=_GRID,
    in_specs=[_degp_spec, _parts(D), _rows(D), _full((D, 256)),
              _full((1, 256)), _full((256, D))],
    out_specs=_rows(D),
    out_shape=jax.ShapeDtypeStruct((N, D), jnp.float32),
)

_outs = pl.pallas_call(
    _out_body,
    grid=_GRID,
    in_specs=[_degp_spec, _parts(D), _rows(D), _full((1, 64)), _full((1, 64))],
    out_specs=[_rows(64), _rows(64)],
    out_shape=[jax.ShapeDtypeStruct((N, 64), jnp.float32),
               jax.ShapeDtypeStruct((N, 64), jnp.float32)],
)


def kernel(x, edge_index, W1, b1, W2, b2, Wmu, bmu, Wls, bls):
    ar = jnp.arange(EPAD, dtype=jnp.int32)
    pad_src = ar % 4096
    pad_dst = N + (ar % (ACC_ROWS - N))
    src2d = jnp.concatenate([edge_index[0], pad_src]).reshape(NWINP, WIN)
    dst2d = jnp.concatenate([edge_index[1], pad_dst]).reshape(NWINP, WIN)
    wcat = jnp.concatenate([Wmu, Wls], axis=1)
    b1r = b1.reshape(1, D)
    b2r = b2.reshape(1, 256)
    bmur = bmu.reshape(1, 64)
    blsr = bls.reshape(1, 64)

    degp = _deg_call(dst2d)
    xp = _scale(degp, x)
    s0p = _spmm_call(xp, src2d, dst2d)
    h1p = _layer1(degp, s0p, xp, W1, b1r)
    s1p = _spmm_call(h1p, src2d, dst2d)
    gp = _layer2(degp, s1p, h1p, W2, b2r, wcat)
    s2p = _spmm_call(gp, src2d, dst2d)
    mu, ls = _outs(degp, s2p, gp, bmur, blsr)
    return (mu, ls)

# --- scband reference (transcript-rebuilt; emitter-appended) ---
"""Pipeline reference for scband-encoder-83906481094955 (READ-ONLY COPY).

The authoritative reference and input builder live on the scoring server;
editing this copy changes nothing except your own understanding.
"""

import jax, jax.numpy as jnp
import numpy as np

N = 10000
E = 320000
D_IN = 128
D_H = 128
D_H2 = 256
D_LAT = 64


def _glorot_linear(key, fan_in, fan_out):
    s = 1.0 / np.sqrt(fan_in)
    kw, kb = jax.random.split(key)
    W = jax.random.uniform(kw, (fan_in, fan_out), minval=-s, maxval=s, dtype=jnp.float32)
    b = jax.random.uniform(kb, (fan_out,), minval=-s, maxval=s, dtype=jnp.float32)
    return W, b


def setup_inputs(seed: int = 0) -> dict:
    key = jax.random.key(seed)
    ks = jax.random.split(key, 6)
    x = jax.random.normal(ks[0], (N, D_IN), dtype=jnp.float32)
    edge_index = jax.random.randint(ks[1], (2, E), 0, N, dtype=jnp.int32)
    W1, b1 = _glorot_linear(ks[2], D_IN, D_H)
    W2, b2 = _glorot_linear(ks[3], D_H, D_H2)
    Wmu, bmu = _glorot_linear(ks[4], D_H2, D_LAT)
    Wls, bls = _glorot_linear(ks[5], D_H2, D_LAT)
    return {"x": x, "edge_index": edge_index, "W1": W1, "b1": b1, "W2": W2, "b2": b2, "Wmu": Wmu, "bmu": bmu, "Wls": Wls, "bls": bls}


def _gcn_conv(x, src, dst, norm, W, b):
    # x' = D^{-1/2} (A + I) D^{-1/2} X W + b  (PyG GCNConv default)
    h = x @ W
    msg = h[src] * norm[:, None]
    out = jnp.zeros((N, W.shape[1]), dtype=x.dtype).at[dst].add(msg)
    return out + b


def _build_norm(edge_index):
    loop = jnp.arange(N, dtype=edge_index.dtype)
    src = jnp.concatenate([edge_index[0], loop])
    dst = jnp.concatenate([edge_index[1], loop])
    deg = jnp.zeros((N,), dtype=jnp.float32).at[dst].add(1.0)
    dinv = jnp.where(deg > 0, 1.0 / jnp.sqrt(deg), 0.0)
    norm = dinv[src] * dinv[dst]
    return src, dst, norm


def reference(x, edge_index, W1, b1, W2, b2, Wmu, bmu, Wls, bls):
    src, dst, norm = _build_norm(edge_index)
    h = jax.nn.relu(_gcn_conv(x, src, dst, norm, W1, b1))
    h = jax.nn.relu(_gcn_conv(h, src, dst, norm, W2, b2))
    mu = _gcn_conv(h, src, dst, norm, Wmu, bmu)
    logstd = _gcn_conv(h, src, dst, norm, Wls, bls)
    return (mu, logstd)

if __name__ == "__main__":
    import jax
    _d = setup_inputs()
    print(jax.jit(kernel)(*tuple(_d.values())))

</pallas_src>

<mosaic_0001>
#map = affine_map<(d0, d1) -> (0, 0)>
#map1 = affine_map<(d0, d1) -> (0, 0, 0)>
module attributes {stable_mosaic.version = 14 : i64} {
  func.func @_spmm_body(%arg0: i32, %arg1: i32, %arg2: memref<10000x128xf32, #tpu.memory_space<hbm>>, %arg3: memref<2560x128xi32, #tpu.memory_space<hbm>>, %arg4: memref<2560x128xi32, #tpu.memory_space<hbm>>, %arg5: memref<2x10240x128xf32, #tpu.memory_space<hbm>>, %arg6: memref<10240x128xf32, #tpu.memory_space<vmem_shared>>, %arg7: memref<2x16x128xi32, #tpu.memory_space<vmem>>, %arg8: memref<2x16x128xi32, #tpu.memory_space<vmem>>, %arg9: memref<128x128xf32, #tpu.memory_space<vmem>>, %arg10: memref<128x128xf32, #tpu.memory_space<vmem>>, %arg11: memref<!tpu.dma_semaphore, #tpu.memory_space<semaphore_mem>>, %arg12: memref<!tpu.dma_semaphore, #tpu.memory_space<semaphore_mem>>, %arg13: memref<!tpu.dma_semaphore, #tpu.memory_space<semaphore_mem>>, %arg14: memref<!tpu.dma_semaphore, #tpu.memory_space<semaphore_mem>>, %arg15: memref<!tpu.dma_semaphore, #tpu.memory_space<semaphore_mem>>) attributes {dimension_semantics = [#tpu.dimension_semantics<core_parallel>, #tpu.dimension_semantics<subcore_parallel>], iteration_bounds = array<i64: 2, 16>, scalar_prefetch = 0 : i64, scratch_operands = 10 : i64, tpu.core_type = #tpu.core_type<sc_vector_subcore>, window_params = [{transform_indices = #map}, {transform_indices = #map}, {transform_indices = #map}, {transform_indices = #map1}]} {
    %mul3A = arith.constant 16 : i32
    %mul3A_0 = arith.muli %arg0, %mul3A : i32
    %add3A = arith.addi %mul3A_0, %arg1 : i32
    %mul3A_1 = arith.constant 80 : i32
    %mul3A_2 = arith.muli %add3A, %mul3A_1 : i32
    %broadcast_in_dim3A = arith.constant 0.000000e+00 : f32
    %broadcast_in_dim3A_3 = vector.broadcast %broadcast_in_dim3A : f32 to vector<16xf32>
    %scan3A = arith.constant 0 : i32
    %scan3A_4 = arith.constant 0 : i32
    %scan3A_5 = arith.constant 128 : i32
    %scan3A_6 = arith.addi %scan3A_4, %scan3A_5 : i32
    %scan3A_7 = arith.constant 1 : i32
    %scan3A_8 = scf.for %scan3A_86 = %scan3A_4 to %scan3A_6 step %scan3A_7 iter_args(%scan3A_87 = %scan3A) -> (i32)  : i32 {
      %swap3A = arith.index_cast %scan3A_86 : i32 to index
      %swap3A_88 = arith.constant 0 : index
      %swap3A_89 = tpu.vector_load %arg9[%swap3A, %swap3A_88] {strides = array<i32>} : memref<128x128xf32, #tpu.memory_space<vmem>>, vector<1x16xf32>,
      %swap3A_90 = vector.shape_cast %swap3A_89 : vector<1x16xf32> to vector<16xf32>
      %swap3A_91 = vector.shape_cast %broadcast_in_dim3A_3 : vector<16xf32> to vector<1x16xf32>
      tpu.vector_store %arg9[%swap3A, %swap3A_88], %swap3A_91 {strides = array<i32>} : memref<128x128xf32, #tpu.memory_space<vmem>>, vector<1x16xf32>,
      %swap3A_92 = arith.index_cast %scan3A_86 : i32 to index
      %swap3A_93 = arith.constant 16 : index
      %swap3A_94 = tpu.vector_load %arg9[%swap3A_92, %swap3A_93] {strides = array<i32>} : memref<128x128xf32, #tpu.memory_space<vmem>>, vector<1x16xf32>,
      %swap3A_95 = vector.shape_cast %swap3A_94 : vector<1x16xf32> to vector<16xf32>
      %swap3A_96 = vector.shape_cast %broadcast_in_dim3A_3 : vector<16xf32> to vector<1x16xf32>
      tpu.vector_store %arg9[%swap3A_92, %swap3A_93], %swap3A_96 {strides = array<i32>} : memref<128x128xf32, #tpu.memory_space<vmem>>, vector<1x16xf32>,
      %swap3A_97 = arith.index_cast %scan3A_86 : i32 to index
      %swap3A_98 = arith.constant 32 : index
      %swap3A_99 = tpu.vector_load %arg9[%swap3A_97, %swap3A_98] {strides = array<i32>} : memref<128x128xf32, #tpu.memory_space<vmem>>, vector<1x16xf32>,
      %swap3A_100 = vector.shape_cast %swap3A_99 : vector<1x16xf32> to vector<16xf32>
      %swap3A_101 = vector.shape_cast %broadcast_in_dim3A_3 : vector<16xf32> to vector<1x16xf32>
      tpu.vector_store %arg9[%swap3A_97, %swap3A_98], %swap3A_101 {strides = array<i32>} : memref<128x128xf32, #tpu.memory_space<vmem>>, vector<1x16xf32>,
      %swap3A_102 = arith.index_cast %scan3A_86 : i32 to index
      %swap3A_103 = arith.constant 48 : index
      %swap3A_104 = tpu.vector_load %arg9[%swap3A_102, %swap3A_103] {strides = array<i32>} : memref<128x128xf32, #tpu.memory_space<vmem>>, vector<1x16xf32>,
      %swap3A_105 = vector.shape_cast %swap3A_104 : vector<1x16xf32> to vector<16xf32>
      %swap3A_106 = vector.shape_cast %broadcast_in_dim3A_3 : vector<16xf32> to vector<1x16xf32>
      tpu.vector_store %arg9[%swap3A_102, %swap3A_103], %swap3A_106 {strides = array<i32>} : memref<128x128xf32, #tpu.memory_space<vmem>>, vector<1x16xf32>,
      %swap3A_107 = arith.index_cast %scan3A_86 : i32 to index
      %swap3A_108 = arith.constant 64 : index
      %swap3A_109 = tpu.vector_load %arg9[%swap3A_107, %swap3A_108] {strides = array<i32>} : memref<128x128xf32, #tpu.memory_space<vmem>>, vector<1x16xf32>,
      %swap3A_110 = vector.shape_cast %swap3A_109 : vector<1x16xf32> to vector<16xf32>
      %swap3A_111 = vector.shape_cast %broadcast_in_dim3A_3 : vector<16xf32> to vector<1x16xf32>
      tpu.vector_store %arg9[%swap3A_107, %swap3A_108], %swap3A_111 {strides = array<i32>} : memref<128x128xf32, #tpu.memory_space<vmem>>, vector<1x16xf32>,
      %swap3A_112 = arith.index_cast %scan3A_86 : i32 to index
      %swap3A_113 = arith.constant 80 : index
      %swap3A_114 = tpu.vector_load %arg9[%swap3A_112, %swap3A_113] {strides = array<i32>} : memref<128x128xf32, #tpu.memory_space<vmem>>, vector<1x16xf32>,
      %swap3A_115 = vector.shape_cast %swap3A_114 : vector<1x16xf32> to vector<16xf32>
      %swap3A_116 = vector.shape_cast %broadcast_in_dim3A_3 : vector<16xf32> to vector<1x16xf32>
      tpu.vector_store %arg9[%swap3A_112, %swap3A_113], %swap3A_116 {strides = array<i32>} : memref<128x128xf32, #tpu.memory_space<vmem>>, vector<1x16xf32>,
      %swap3A_117 = arith.index_cast %scan3A_86 : i32 to index
      %swap3A_118 = arith.constant 96 : index
      %swap3A_119 = tpu.vector_load %arg9[%swap3A_117, %swap3A_118] {strides = array<i32>} : memref<128x128xf32, #tpu.memory_space<vmem>>, vector<1x16xf32>,
      %swap3A_120 = vector.shape_cast %swap3A_119 : vector<1x16xf32> to vector<16xf32>
      %swap3A_121 = vector.shape_cast %broadcast_in_dim3A_3 : vector<16xf32> to vector<1x16xf32>
      tpu.vector_store %arg9[%swap3A_117, %swap3A_118], %swap3A_121 {strides = array<i32>} : memref<128x128xf32, #tpu.memory_space<vmem>>, vector<1x16xf32>,
      %swap3A_122 = arith.index_cast %scan3A_86 : i32 to index
      %swap3A_123 = arith.constant 112 : index
      %swap3A_124 = tpu.vector_load %arg9[%swap3A_122, %swap3A_123] {strides = array<i32>} : memref<128x128xf32, #tpu.memory_space<vmem>>, vector<1x16xf32>,
      %swap3A_125 = vector.shape_cast %swap3A_124 : vector<1x16xf32> to vector<16xf32>
      %swap3A_126 = vector.shape_cast %broadcast_in_dim3A_3 : vector<16xf32> to vector<1x16xf32>
      tpu.vector_store %arg9[%swap3A_122, %swap3A_123], %swap3A_126 {strides = array<i32>} : memref<128x128xf32, #tpu.memory_space<vmem>>, vector<1x16xf32>,
      %scan3A_127 = arith.constant 0 : i32
      scf.yield %scan3A_127 : i32
    }
    %scan3A_9 = arith.constant 128 : i32
    %mul3A_10 = arith.constant 640 : i32
    %mul3A_11 = arith.muli %arg1, %mul3A_10 : i32
    %add3A_12 = arith.constant 0 : i32
    %add3A_13 = arith.addi %mul3A_11, %add3A_12 : i32
    "tpu.region"() ({
      %run_scoped3A_86 = tpu.sem_alloc : memref<!tpu.dma_semaphore, #tpu.memory_space<semaphore_mem>>
      %dma_start3A_87 = arith.constant 0 : i32
      %dma_start3A_88 = tpu.memref_slice %arg6[%add3A_13, %dma_start3A_87] : memref<10240x128xf32, #tpu.memory_space<vmem_shared>> -> memref<128x128xf32, #tpu.memory_space<vmem_shared>>
      %dma_start3A_89 = arith.constant 0 : i32
      %dma_start3A_90 = tpu.memref_slice %arg6[%add3A_13, %dma_start3A_89] : memref<10240x128xf32, #tpu.memory_space<vmem_shared>> -> memref<128x128xf32, #tpu.memory_space<vmem_shared>>
      tpu.enqueue_dma source(%arg9 : memref<128x128xf32, #tpu.memory_space<vmem>>) target(%dma_start3A_90 : memref<128x128xf32, #tpu.memory_space<vmem_shared>>) target_semaphore(%run_scoped3A_86 : memref<!tpu.dma_semaphore, #tpu.memory_space<semaphore_mem>>)
      %dma_wait3A = arith.constant 0 : i32
      %dma_wait3A_91 = tpu.memref_slice %arg6[%add3A_13, %dma_wait3A] : memref<10240x128xf32, #tpu.memory_space<vmem_shared>> -> memref<128x128xf32, #tpu.memory_space<vmem_shared>>
      %dma_wait3A_92 = arith.constant 0 : i32
      %dma_wait3A_93 = tpu.memref_slice %arg6[%add3A_13, %dma_wait3A_92] : memref<10240x128xf32, #tpu.memory_space<vmem_shared>> -> memref<128x128xf32, #tpu.memory_space<vmem_shared>>
      tpu.wait_dma2 semaphore(%run_scoped3A_86 : memref<!tpu.dma_semaphore, #tpu.memory_space<semaphore_mem>>) src(%arg9 : memref<128x128xf32, #tpu.memory_space<vmem>>) dst(%dma_wait3A_93 : memref<128x128xf32, #tpu.memory_space<vmem_shared>>)
      tpu.yield
    }) : () -> ()
    %mul3A_14 = arith.constant 640 : i32
    %mul3A_15 = arith.muli %arg1, %mul3A_14 : i32
    %add3A_16 = arith.constant 128 : i32
    %add3A_17 = arith.addi %mul3A_15, %add3A_16 : i32
    "tpu.region"() ({
      %run_scoped3A_86 = tpu.sem_alloc : memref<!tpu.dma_semaphore, #tpu.memory_space<semaphore_mem>>
      %dma_start3A_87 = arith.constant 0 : i32
      %dma_start3A_88 = tpu.memref_slice %arg6[%add3A_17, %dma_start3A_87] : memref<10240x128xf32, #tpu.memory_space<vmem_shared>> -> memref<128x128xf32, #tpu.memory_space<vmem_shared>>
      %dma_start3A_89 = arith.constant 0 : i32
      %dma_start3A_90 = tpu.memref_slice %arg6[%add3A_17, %dma_start3A_89] : memref<10240x128xf32, #tpu.memory_space<vmem_shared>> -> memref<128x128xf32, #tpu.memory_space<vmem_shared>>
      tpu.enqueue_dma source(%arg9 : memref<128x128xf32, #tpu.memory_space<vmem>>) target(%dma_start3A_90 : memref<128x128xf32, #tpu.memory_space<vmem_shared>>) target_semaphore(%run_scoped3A_86 : memref<!tpu.dma_semaphore, #tpu.memory_space<semaphore_mem>>)
      %dma_wait3A = arith.constant 0 : i32
      %dma_wait3A_91 = tpu.memref_slice %arg6[%add3A_17, %dma_wait3A] : memref<10240x128xf32, #tpu.memory_space<vmem_shared>> -> memref<128x128xf32, #tpu.memory_space<vmem_shared>>
      %dma_wait3A_92 = arith.constant 0 : i32
      %dma_wait3A_93 = tpu.memref_slice %arg6[%add3A_17, %dma_wait3A_92] : memref<10240x128xf32, #tpu.memory_space<vmem_shared>> -> memref<128x128xf32, #tpu.memory_space<vmem_shared>>
      tpu.wait_dma2 semaphore(%run_scoped3A_86 : memref<!tpu.dma_semaphore, #tpu.memory_space<semaphore_mem>>) src(%arg9 : memref<128x128xf32, #tpu.memory_space<vmem>>) dst(%dma_wait3A_93 : memref<128x128xf32, #tpu.memory_space<vmem_shared>>)
      tpu.yield
    }) : () -> ()
    %mul3A_18 = arith.constant 640 : i32
    %mul3A_19 = arith.muli %arg1, %mul3A_18 : i32
    %add3A_20 = arith.constant 256 : i32
    %add3A_21 = arith.addi %mul3A_19, %add3A_20 : i32
    "tpu.region"() ({
      %run_scoped3A_86 = tpu.sem_alloc : memref<!tpu.dma_semaphore, #tpu.memory_space<semaphore_mem>>
      %dma_start3A_87 = arith.constant 0 : i32
      %dma_start3A_88 = tpu.memref_slice %arg6[%add3A_21, %dma_start3A_87] : memref<10240x128xf32, #tpu.memory_space<vmem_shared>> -> memref<128x128xf32, #tpu.memory_space<vmem_shared>>
      %dma_start3A_89 = arith.constant 0 : i32
      %dma_start3A_90 = tpu.memref_slice %arg6[%add3A_21, %dma_start3A_89] : memref<10240x128xf32, #tpu.memory_space<vmem_shared>> -> memref<128x128xf32, #tpu.memory_space<vmem_shared>>
      tpu.enqueue_dma source(%arg9 : memref<128x128xf32, #tpu.memory_space<vmem>>) target(%dma_start3A_90 : memref<128x128xf32, #tpu.memory_space<vmem_shared>>) target_semaphore(%run_scoped3A_86 : memref<!tpu.dma_semaphore, #tpu.memory_space<semaphore_mem>>)
      %dma_wait3A = arith.constant 0 : i32
      %dma_wait3A_91 = tpu.memref_slice %arg6[%add3A_21, %dma_wait3A] : memref<10240x128xf32, #tpu.memory_space<vmem_shared>> -> memref<128x128xf32, #tpu.memory_space<vmem_shared>>
      %dma_wait3A_92 = arith.constant 0 : i32
      %dma_wait3A_93 = tpu.memref_slice %arg6[%add3A_21, %dma_wait3A_92] : memref<10240x128xf32, #tpu.memory_space<vmem_shared>> -> memref<128x128xf32, #tpu.memory_space<vmem_shared>>
      tpu.wait_dma2 semaphore(%run_scoped3A_86 : memref<!tpu.dma_semaphore, #tpu.memory_space<semaphore_mem>>) src(%arg9 : memref<128x128xf32, #tpu.memory_space<vmem>>) dst(%dma_wait3A_93 : memref<128x128xf32, #tpu.memory_space<vmem_shared>>)
      tpu.yield
    }) : () -> ()
    %mul3A_22 = arith.constant 640 : i32
    %mul3A_23 = arith.muli %arg1, %mul3A_22 : i32
    %add3A_24 = arith.constant 384 : i32
    %add3A_25 = arith.addi %mul3A_23, %add3A_24 : i32
    "tpu.region"() ({
      %run_scoped3A_86 = tpu.sem_alloc : memref<!tpu.dma_semaphore, #tpu.memory_space<semaphore_mem>>
      %dma_start3A_87 = arith.constant 0 : i32
      %dma_start3A_88 = tpu.memref_slice %arg6[%add3A_25, %dma_start3A_87] : memref<10240x128xf32, #tpu.memory_space<vmem_shared>> -> memref<128x128xf32, #tpu.memory_space<vmem_shared>>
      %dma_start3A_89 = arith.constant 0 : i32
      %dma_start3A_90 = tpu.memref_slice %arg6[%add3A_25, %dma_start3A_89] : memref<10240x128xf32, #tpu.memory_space<vmem_shared>> -> memref<128x128xf32, #tpu.memory_space<vmem_shared>>
      tpu.enqueue_dma source(%arg9 : memref<128x128xf32, #tpu.memory_space<vmem>>) target(%dma_start3A_90 : memref<128x128xf32, #tpu.memory_space<vmem_shared>>) target_semaphore(%run_scoped3A_86 : memref<!tpu.dma_semaphore, #tpu.memory_space<semaphore_mem>>)
      %dma_wait3A = arith.constant 0 : i32
      %dma_wait3A_91 = tpu.memref_slice %arg6[%add3A_25, %dma_wait3A] : memref<10240x128xf32, #tpu.memory_space<vmem_shared>> -> memref<128x128xf32, #tpu.memory_space<vmem_shared>>
      %dma_wait3A_92 = arith.constant 0 : i32
      %dma_wait3A_93 = tpu.memref_slice %arg6[%add3A_25, %dma_wait3A_92] : memref<10240x128xf32, #tpu.memory_space<vmem_shared>> -> memref<128x128xf32, #tpu.memory_space<vmem_shared>>
      tpu.wait_dma2 semaphore(%run_scoped3A_86 : memref<!tpu.dma_semaphore, #tpu.memory_space<semaphore_mem>>) src(%arg9 : memref<128x128xf32, #tpu.memory_space<vmem>>) dst(%dma_wait3A_93 : memref<128x128xf32, #tpu.memory_space<vmem_shared>>)
      tpu.yield
    }) : () -> ()
    %mul3A_26 = arith.constant 640 : i32
    %mul3A_27 = arith.muli %arg1, %mul3A_26 : i32
    %add3A_28 = arith.constant 512 : i32
    %add3A_29 = arith.addi %mul3A_27, %add3A_28 : i32
    "tpu.region"() ({
      %run_scoped3A_86 = tpu.sem_alloc : memref<!tpu.dma_semaphore, #tpu.memory_space<semaphore_mem>>
      %dma_start3A_87 = arith.constant 0 : i32
      %dma_start3A_88 = tpu.memref_slice %arg6[%add3A_29, %dma_start3A_87] : memref<10240x128xf32, #tpu.memory_space<vmem_shared>> -> memref<128x128xf32, #tpu.memory_space<vmem_shared>>
      %dma_start3A_89 = arith.constant 0 : i32
      %dma_start3A_90 = tpu.memref_slice %arg6[%add3A_29, %dma_start3A_89] : memref<10240x128xf32, #tpu.memory_space<vmem_shared>> -> memref<128x128xf32, #tpu.memory_space<vmem_shared>>
      tpu.enqueue_dma source(%arg9 : memref<128x128xf32, #tpu.memory_space<vmem>>) target(%dma_start3A_90 : memref<128x128xf32, #tpu.memory_space<vmem_shared>>) target_semaphore(%run_scoped3A_86 : memref<!tpu.dma_semaphore, #tpu.memory_space<semaphore_mem>>)
      %dma_wait3A = arith.constant 0 : i32
      %dma_wait3A_91 = tpu.memref_slice %arg6[%add3A_29, %dma_wait3A] : memref<10240x128xf32, #tpu.memory_space<vmem_shared>> -> memref<128x128xf32, #tpu.memory_space<vmem_shared>>
      %dma_wait3A_92 = arith.constant 0 : i32
      %dma_wait3A_93 = tpu.memref_slice %arg6[%add3A_29, %dma_wait3A_92] : memref<10240x128xf32, #tpu.memory_space<vmem_shared>> -> memref<128x128xf32, #tpu.memory_space<vmem_shared>>
      tpu.wait_dma2 semaphore(%run_scoped3A_86 : memref<!tpu.dma_semaphore, #tpu.memory_space<semaphore_mem>>) src(%arg9 : memref<128x128xf32, #tpu.memory_space<vmem>>) dst(%dma_wait3A_93 : memref<128x128xf32, #tpu.memory_space<vmem_shared>>)
      tpu.yield
    }) : () -> ()
    %barrier3A = arith.constant 0 : index
    tpu.barrier barrier_id(%barrier3A)
    %run_scoped3A = arith.constant 0 : i32
    "tpu.region"() ({
      %run_scoped3A_86 = tpu.sem_alloc : memref<!tpu.dma_semaphore, #tpu.memory_space<semaphore_mem>>
      %dma_start3A_87 = arith.constant 0 : i32
      %dma_start3A_88 = arith.constant 0 : i32
      %dma_start3A_89 = tpu.memref_slice %arg7[%run_scoped3A, %dma_start3A_87, %dma_start3A_88] : memref<2x16x128xi32, #tpu.memory_space<vmem>> -> memref<1x16x128xi32, #tpu.memory_space<vmem>>
      %dma_start3A_90 = tpu.memref_squeeze %dma_start3A_89 : memref<1x16x128xi32, #tpu.memory_space<vmem>> -> memref<16x128xi32, #tpu.memory_space<vmem>>
      %dma_start3A_91 = arith.constant 0 : i32
      %dma_start3A_92 = tpu.memref_slice %arg3[%mul3A_2, %dma_start3A_91] : memref<2560x128xi32, #tpu.memory_space<hbm>> -> memref<16x128xi32, #tpu.memory_space<hbm>>
      %dma_start3A_93 = arith.constant 0 : i32
      %dma_start3A_94 = arith.constant 0 : i32
      %dma_start3A_95 = tpu.memref_slice %arg7[%run_scoped3A, %dma_start3A_93, %dma_start3A_94] : memref<2x16x128xi32, #tpu.memory_space<vmem>> -> memref<1x16x128xi32, #tpu.memory_space<vmem>>
      %dma_start3A_96 = tpu.memref_squeeze %dma_start3A_95 : memref<1x16x128xi32, #tpu.memory_space<vmem>> -> memref<16x128xi32, #tpu.memory_space<vmem>>
      %dma_start3A_97 = arith.constant 0 : i32
      %dma_start3A_98 = tpu.memref_slice %arg3[%mul3A_2, %dma_start3A_97] : memref<2560x128xi32, #tpu.memory_space<hbm>> -> memref<16x128xi32, #tpu.memory_space<hbm>>
      tpu.enqueue_dma source(%dma_start3A_98 : memref<16x128xi32, #tpu.memory_space<hbm>>) target(%dma_start3A_96 : memref<16x128xi32, #tpu.memory_space<vmem>>) target_semaphore(%run_scoped3A_86 : memref<!tpu.dma_semaphore, #tpu.memory_space<semaphore_mem>>)
      %dma_wait3A = arith.constant 0 : i32
      %dma_wait3A_99 = arith.constant 0 : i32
      %dma_wait3A_100 = tpu.memref_slice %arg7[%run_scoped3A, %dma_wait3A, %dma_wait3A_99] : memref<2x16x128xi32, #tpu.memory_space<vmem>> -> memref<1x16x128xi32, #tpu.memory_space<vmem>>
      %dma_wait3A_101 = tpu.memref_squeeze %dma_wait3A_100 : memref<1x16x128xi32, #tpu.memory_space<vmem>> -> memref<16x128xi32, #tpu.memory_space<vmem>>
      %dma_wait3A_102 = arith.constant 0 : i32
      %dma_wait3A_103 = tpu.memref_slice %arg3[%mul3A_2, %dma_wait3A_102] : memref<2560x128xi32, #tpu.memory_space<hbm>> -> memref<16x128xi32, #tpu.memory_space<hbm>>
      %dma_wait3A_104 = arith.constant 0 : i32
      %dma_wait3A_105 = arith.constant 0 : i32
      %dma_wait3A_106 = tpu.memref_slice %arg7[%run_scoped3A, %dma_wait3A_104, %dma_wait3A_105] : memref<2x16x128xi32, #tpu.memory_space<vmem>> -> memref<1x16x128xi32, #tpu.memory_space<vmem>>
      %dma_wait3A_107 = tpu.memref_squeeze %dma_wait3A_106 : memref<1x16x128xi32, #tpu.memory_space<vmem>> -> memref<16x128xi32, #tpu.memory_space<vmem>>
      %dma_wait3A_108 = arith.constant 0 : i32
      %dma_wait3A_109 = tpu.memref_slice %arg3[%mul3A_2, %dma_wait3A_108] : memref<2560x128xi32, #tpu.memory_space<hbm>> -> memref<16x128xi32, #tpu.memory_space<hbm>>
      tpu.wait_dma2 semaphore(%run_scoped3A_86 : memref<!tpu.dma_semaphore, #tpu.memory_space<semaphore_mem>>) src(%dma_wait3A_109 : memref<16x128xi32, #tpu.memory_space<hbm>>) dst(%dma_wait3A_107 : memref<16x128xi32, #tpu.memory_space<vmem>>)
      tpu.yield
    }) : () -> ()
    %run_scoped3A_30 = arith.constant 0 : i32
    "tpu.region"() ({
      %run_scoped3A_86 = tpu.sem_alloc : memref<!tpu.dma_semaphore, #tpu.memory_space<semaphore_mem>>
      %dma_start3A_87 = arith.constant 0 : i32
      %dma_start3A_88 = arith.constant 0 : i32
      %dma_start3A_89 = tpu.memref_slice %arg8[%run_scoped3A_30, %dma_start3A_87, %dma_start3A_88] : memref<2x16x128xi32, #tpu.memory_space<vmem>> -> memref<1x16x128xi32, #tpu.memory_space<vmem>>
      %dma_start3A_90 = tpu.memref_squeeze %dma_start3A_89 : memref<1x16x128xi32, #tpu.memory_space<vmem>> -> memref<16x128xi32, #tpu.memory_space<vmem>>
      %dma_start3A_91 = arith.constant 0 : i32
      %dma_start3A_92 = tpu.memref_slice %arg4[%mul3A_2, %dma_start3A_91] : memref<2560x128xi32, #tpu.memory_space<hbm>> -> memref<16x128xi32, #tpu.memory_space<hbm>>
      %dma_start3A_93 = arith.constant 0 : i32
      %dma_start3A_94 = arith.constant 0 : i32
      %dma_start3A_95 = tpu.memref_slice %arg8[%run_scoped3A_30, %dma_start3A_93, %dma_start3A_94] : memref<2x16x128xi32, #tpu.memory_space<vmem>> -> memref<1x16x128xi32, #tpu.memory_space<vmem>>
      %dma_start3A_96 = tpu.memref_squeeze %dma_start3A_95 : memref<1x16x128xi32, #tpu.memory_space<vmem>> -> memref<16x128xi32, #tpu.memory_space<vmem>>
      %dma_start3A_97 = arith.constant 0 : i32
      %dma_start3A_98 = tpu.memref_slice %arg4[%mul3A_2, %dma_start3A_97] : memref<2560x128xi32, #tpu.memory_space<hbm>> -> memref<16x128xi32, #tpu.memory_space<hbm>>
      tpu.enqueue_dma source(%dma_start3A_98 : memref<16x128xi32, #tpu.memory_space<hbm>>) target(%dma_start3A_96 : memref<16x128xi32, #tpu.memory_space<vmem>>) target_semaphore(%run_scoped3A_86 : memref<!tpu.dma_semaphore, #tpu.memory_space<semaphore_mem>>)
      %dma_wait3A = arith.constant 0 : i32
      %dma_wait3A_99 = arith.constant 0 : i32
      %dma_wait3A_100 = tpu.memref_slice %arg8[%run_scoped3A_30, %dma_wait3A, %dma_wait3A_99] : memref<2x16x128xi32, #tpu.memory_space<vmem>> -> memref<1x16x128xi32, #tpu.memory_space<vmem>>
      %dma_wait3A_101 = tpu.memref_squeeze %dma_wait3A_100 : memref<1x16x128xi32, #tpu.memory_space<vmem>> -> memref<16x128xi32, #tpu.memory_space<vmem>>
      %dma_wait3A_102 = arith.constant 0 : i32
      %dma_wait3A_103 = tpu.memref_slice %arg4[%mul3A_2, %dma_wait3A_102] : memref<2560x128xi32, #tpu.memory_space<hbm>> -> memref<16x128xi32, #tpu.memory_space<hbm>>
      %dma_wait3A_104 = arith.constant 0 : i32
      %dma_wait3A_105 = arith.constant 0 : i32
      %dma_wait3A_106 = tpu.memref_slice %arg8[%run_scoped3A_30, %dma_wait3A_104, %dma_wait3A_105] : memref<2x16x128xi32, #tpu.memory_space<vmem>> -> memref<1x16x128xi32, #tpu.memory_space<vmem>>
      %dma_wait3A_107 = tpu.memref_squeeze %dma_wait3A_106 : memref<1x16x128xi32, #tpu.memory_space<vmem>> -> memref<16x128xi32, #tpu.memory_space<vmem>>
      %dma_wait3A_108 = arith.constant 0 : i32
      %dma_wait3A_109 = tpu.memref_slice %arg4[%mul3A_2, %dma_wait3A_108] : memref<2560x128xi32, #tpu.memory_space<hbm>> -> memref<16x128xi32, #tpu.memory_space<hbm>>
      tpu.wait_dma2 semaphore(%run_scoped3A_86 : memref<!tpu.dma_semaphore, #tpu.memory_space<semaphore_mem>>) src(%dma_wait3A_109 : memref<16x128xi32, #tpu.memory_space<hbm>>) dst(%dma_wait3A_107 : memref<16x128xi32, #tpu.memory_space<vmem>>)
      tpu.yield
    }) : () -> ()
    %dma_start3A = arith.constant 0 : i32
    %dma_start3A_31 = arith.constant 0 : i32
    %dma_start3A_32 = arith.constant 0 : i32
    %dma_start3A_33 = tpu.memref_slice %arg7[%dma_start3A, %dma_start3A_31, %dma_start3A_32] : memref<2x16x128xi32, #tpu.memory_space<vmem>> -> memref<1x1x128xi32, #tpu.memory_space<vmem>>
    %dma_start3A_34 = tpu.memref_squeeze %dma_start3A_33 : memref<1x1x128xi32, #tpu.memory_space<vmem>> -> memref<128xi32, #tpu.memory_space<vmem>>
    %dma_start3A_35 = arith.constant 0 : i32
    %dma_start3A_36 = arith.constant 0 : i32
    %dma_start3A_37 = tpu.memref_slice %arg2[%dma_start3A_35, %dma_start3A_36] : memref<10000x128xf32, #tpu.memory_space<hbm>> -> memref<10000x128xf32, #tpu.memory_space<hbm>>
    tpu.enqueue_indirect_dma source(%dma_start3A_37 : memref<10000x128xf32, #tpu.memory_space<hbm>>) target(%arg9 : memref<128x128xf32, #tpu.memory_space<vmem>>) offsets(%dma_start3A_34 : memref<128xi32, #tpu.memory_space<vmem>>) semaphore(%arg11 : memref<!tpu.dma_semaphore, #tpu.memory_space<semaphore_mem>>)
    %scan3A_38 = arith.constant 0 : i32
    %scan3A_39 = arith.constant 0 : i32
    %scan3A_40 = arith.constant 5 : i32
    %scan3A_41 = arith.addi %scan3A_39, %scan3A_40 : i32
    %scan3A_42 = arith.constant 1 : i32
    %scan3A_43 = scf.for %scan3A_86 = %scan3A_39 to %scan3A_41 step %scan3A_42 iter_args(%scan3A_87 = %scan3A_38) -> (i32)  : i32 {
      %jit3A = arith.constant 2 : i32
      %eq3A = arith.constant 0 : i32
      %eq3A_88 = arith.cmpi eq, %jit3A, %eq3A : i32
      %jit3A_89 = arith.constant 1 : i32
      %select_n3A = arith.select %eq3A_88, %jit3A_89, %jit3A : i32
      %rem3A = arith.remsi %scan3A_86, %select_n3A : i32
      %ne3A = arith.constant 0 : i32
      %ne3A_90 = arith.cmpi ne, %rem3A, %ne3A : i32
      %lt3A = arith.constant 0 : i32
      %lt3A_91 = arith.cmpi slt, %rem3A, %lt3A : i32
      %lt3A_92 = arith.constant 0 : i32
      %lt3A_93 = arith.cmpi slt, %select_n3A, %lt3A_92 : i32
      %ne3A_94 = arith.xori %lt3A_91, %lt3A_93 : i1
      %and3A = arith.andi %ne3A_94, %ne3A_90 : i1
      %add3A_95 = arith.addi %rem3A, %select_n3A : i32
      %select_n3A_96 = arith.select %and3A, %add3A_95, %rem3A : i32
      %sub3A = arith.constant 1 : i32
      %sub3A_97 = arith.subi %sub3A, %select_n3A_96 : i32
      %add3A_98 = arith.constant 1 : i32
      %add3A_99 = arith.addi %scan3A_86, %add3A_98 : i32
      %lt3A_100 = arith.constant 5 : i32
      %lt3A_101 = arith.cmpi slt, %add3A_99, %lt3A_100 : i32
      %convert_element_type3A = arith.extui %lt3A_101 : i1 to i32
      %cond3A = arith.constant 0 : i32
      %cond3A_102 = arith.cmpi ne, %convert_element_type3A, %cond3A : i32
      scf.if %cond3A_102 {
        %add3A_124 = arith.constant 1 : i32
        %add3A_125 = arith.addi %scan3A_86, %add3A_124 : i32
        %mul3A_126 = arith.constant 16 : i32
        %mul3A_127 = arith.muli %add3A_125, %mul3A_126 : i32
        %add3A_128 = arith.addi %mul3A_2, %mul3A_127 : i32
        %dma_start3A_129 = arith.constant 0 : i32
        %dma_start3A_130 = arith.constant 0 : i32
        %dma_start3A_131 = tpu.memref_slice %arg7[%sub3A_97, %dma_start3A_129, %dma_start3A_130] : memref<2x16x128xi32, #tpu.memory_space<vmem>> -> memref<1x16x128xi32, #tpu.memory_space<vmem>>
        %dma_start3A_132 = tpu.memref_squeeze %dma_start3A_131 : memref<1x16x128xi32, #tpu.memory_space<vmem>> -> memref<16x128xi32, #tpu.memory_space<vmem>>
        %dma_start3A_133 = arith.constant 0 : i32
        %dma_start3A_134 = tpu.memref_slice %arg3[%add3A_128, %dma_start3A_133] : memref<2560x128xi32, #tpu.memory_space<hbm>> -> memref<16x128xi32, #tpu.memory_space<hbm>>
        %dma_start3A_135 = arith.constant 0 : i32
        %dma_start3A_136 = arith.constant 0 : i32
        %dma_start3A_137 = tpu.memref_slice %arg7[%sub3A_97, %dma_start3A_135, %dma_start3A_136] : memref<2x16x128xi32, #tpu.memory_space<vmem>> -> memref<1x16x128xi32, #tpu.memory_space<vmem>>
        %dma_start3A_138 = tpu.memref_squeeze %dma_start3A_137 : memref<1x16x128xi32, #tpu.memory_space<vmem>> -> memref<16x128xi32, #tpu.memory_space<vmem>>
        %dma_start3A_139 = arith.constant 0 : i32
        %dma_start3A_140 = tpu.memref_slice %arg3[%add3A_128, %dma_start3A_139] : memref<2560x128xi32, #tpu.memory_space<hbm>> -> memref<16x128xi32, #tpu.memory_space<hbm>>
        tpu.enqueue_dma source(%dma_start3A_140 : memref<16x128xi32, #tpu.memory_space<hbm>>) target(%dma_start3A_138 : memref<16x128xi32, #tpu.memory_space<vmem>>) target_semaphore(%arg15 : memref<!tpu.dma_semaphore, #tpu.memory_space<semaphore_mem>>)
        %add3A_141 = arith.constant 1 : i32
        %add3A_142 = arith.addi %scan3A_86, %add3A_141 : i32
        %mul3A_143 = arith.constant 16 : i32
        %mul3A_144 = arith.muli %add3A_142, %mul3A_143 : i32
        %add3A_145 = arith.addi %mul3A_2, %mul3A_144 : i32
        %dma_start3A_146 = arith.constant 0 : i32
        %dma_start3A_147 = arith.constant 0 : i32
        %dma_start3A_148 = tpu.memref_slice %arg8[%sub3A_97, %dma_start3A_146, %dma_start3A_147] : memref<2x16x128xi32, #tpu.memory_space<vmem>> -> memref<1x16x128xi32, #tpu.memory_space<vmem>>
        %dma_start3A_149 = tpu.memref_squeeze %dma_start3A_148 : memref<1x16x128xi32, #tpu.memory_space<vmem>> -> memref<16x128xi32, #tpu.memory_space<vmem>>
        %dma_start3A_150 = arith.constant 0 : i32
        %dma_start3A_151 = tpu.memref_slice %arg4[%add3A_145, %dma_start3A_150] : memref<2560x128xi32, #tpu.memory_space<hbm>> -> memref<16x128xi32, #tpu.memory_space<hbm>>
        %dma_start3A_152 = arith.constant 0 : i32
        %dma_start3A_153 = arith.constant 0 : i32
        %dma_start3A_154 = tpu.memref_slice %arg8[%sub3A_97, %dma_start3A_152, %dma_start3A_153] : memref<2x16x128xi32, #tpu.memory_space<vmem>> -> memref<1x16x128xi32, #tpu.memory_space<vmem>>
        %dma_start3A_155 = tpu.memref_squeeze %dma_start3A_154 : memref<1x16x128xi32, #tpu.memory_space<vmem>> -> memref<16x128xi32, #tpu.memory_space<vmem>>
        %dma_start3A_156 = arith.constant 0 : i32
        %dma_start3A_157 = tpu.memref_slice %arg4[%add3A_145, %dma_start3A_156] : memref<2560x128xi32, #tpu.memory_space<hbm>> -> memref<16x128xi32, #tpu.memory_space<hbm>>
        tpu.enqueue_dma source(%dma_start3A_157 : memref<16x128xi32, #tpu.memory_space<hbm>>) target(%dma_start3A_155 : memref<16x128xi32, #tpu.memory_space<vmem>>) target_semaphore(%arg15 : memref<!tpu.dma_semaphore, #tpu.memory_space<semaphore_mem>>)
      } else {
      }
      %scan3A_103 = arith.constant 0 : i32
      %scan3A_104 = arith.constant 0 : i32
      %scan3A_105 = arith.constant 8 : i32
      %scan3A_106 = arith.addi %scan3A_104, %scan3A_105 : i32
      %scan3A_107 = arith.constant 1 : i32
      %scan3A_108 = scf.for %scan3A_124 = %scan3A_104 to %scan3A_106 step %scan3A_107 iter_args(%scan3A_125 = %scan3A_103) -> (i32)  : i32 {
        %mul3A_126 = arith.constant 2 : i32
        %mul3A_127 = arith.muli %mul3A_126, %scan3A_124 : i32
        %add3A_128 = arith.constant 1 : i32
        %add3A_129 = arith.addi %mul3A_127, %add3A_128 : i32
        %dma_wait3A_130 = arith.constant 0 : i32
        %dma_wait3A_131 = tpu.memref_slice %arg7[%select_n3A_96, %mul3A_127, %dma_wait3A_130] : memref<2x16x128xi32, #tpu.memory_space<vmem>> -> memref<1x1x128xi32, #tpu.memory_space<vmem>>
        %dma_wait3A_132 = tpu.memref_squeeze %dma_wait3A_131 : memref<1x1x128xi32, #tpu.memory_space<vmem>> -> memref<128xi32, #tpu.memory_space<vmem>>
        %dma_wait3A_133 = arith.constant 0 : i32
        %dma_wait3A_134 = arith.constant 0 : i32
        %dma_wait3A_135 = tpu.memref_slice %arg2[%dma_wait3A_133, %dma_wait3A_134] : memref<10000x128xf32, #tpu.memory_space<hbm>> -> memref<10000x128xf32, #tpu.memory_space<hbm>>
        tpu.wait_indirect_dma semaphore(%arg11 : memref<!tpu.dma_semaphore, #tpu.memory_space<semaphore_mem>>) src(%dma_wait3A_135 : memref<10000x128xf32, #tpu.memory_space<hbm>>) dst(%arg9 : memref<128x128xf32, #tpu.memory_space<vmem>>)
        %dma_start3A_136 = arith.constant 0 : i32
        %dma_start3A_137 = tpu.memref_slice %arg8[%select_n3A_96, %mul3A_127, %dma_start3A_136] : memref<2x16x128xi32, #tpu.memory_space<vmem>> -> memref<1x1x128xi32, #tpu.memory_space<vmem>>
        %dma_start3A_138 = tpu.memref_squeeze %dma_start3A_137 : memref<1x1x128xi32, #tpu.memory_space<vmem>> -> memref<128xi32, #tpu.memory_space<vmem>>
        %dma_start3A_139 = arith.constant 0 : i32
        %dma_start3A_140 = arith.constant 0 : i32
        %dma_start3A_141 = tpu.memref_slice %arg6[%dma_start3A_139, %dma_start3A_140] : memref<10240x128xf32, #tpu.memory_space<vmem_shared>> -> memref<10240x128xf32, #tpu.memory_space<vmem_shared>>
        tpu.enqueue_indirect_dma source(%arg9 : memref<128x128xf32, #tpu.memory_space<vmem>>) target(%dma_start3A_141 : memref<10240x128xf32, #tpu.memory_space<vmem_shared>>) offsets(%dma_start3A_138 : memref<128xi32, #tpu.memory_space<vmem>>) semaphore(%arg13 : memref<!tpu.dma_semaphore, #tpu.memory_space<semaphore_mem>>) {add = true}
        %gt3A = arith.constant 0 : i32
        %gt3A_142 = arith.cmpi sgt, %scan3A_124, %gt3A : i32
        %convert_element_type3A_143 = arith.extui %gt3A_142 : i1 to i32
        %cond3A_144 = arith.constant 0 : i32
        %cond3A_145 = arith.cmpi ne, %convert_element_type3A_143, %cond3A_144 : i32
        scf.if %cond3A_145 {
          %sub3A_178 = arith.constant 2 : i32
          %sub3A_179 = arith.subi %add3A_129, %sub3A_178 : i32
          %dma_wait3A_180 = arith.constant 0 : i32
          %dma_wait3A_181 = tpu.memref_slice %arg8[%select_n3A_96, %sub3A_179, %dma_wait3A_180] : memref<2x16x128xi32, #tpu.memory_space<vmem>> -> memref<1x1x128xi32, #tpu.memory_space<vmem>>
          %dma_wait3A_182 = tpu.memref_squeeze %dma_wait3A_181 : memref<1x1x128xi32, #tpu.memory_space<vmem>> -> memref<128xi32, #tpu.memory_space<vmem>>
          %dma_wait3A_183 = arith.constant 0 : i32
          %dma_wait3A_184 = arith.constant 0 : i32
          %dma_wait3A_185 = tpu.memref_slice %arg6[%dma_wait3A_183, %dma_wait3A_184] : memref<10240x128xf32, #tpu.memory_space<vmem_shared>> -> memref<10240x128xf32, #tpu.memory_space<vmem_shared>>
          tpu.wait_indirect_dma semaphore(%arg14 : memref<!tpu.dma_semaphore, #tpu.memory_space<semaphore_mem>>) src(%arg10 : memref<128x128xf32, #tpu.memory_space<vmem>>) dst(%dma_wait3A_185 : memref<10240x128xf32, #tpu.memory_space<vmem_shared>>)
        } else {
        }
        %dma_start3A_146 = arith.constant 0 : i32
        %dma_start3A_147 = tpu.memref_slice %arg7[%select_n3A_96, %add3A_129, %dma_start3A_146] : memref<2x16x128xi32, #tpu.memory_space<vmem>> -> memref<1x1x128xi32, #tpu.memory_space<vmem>>
        %dma_start3A_148 = tpu.memref_squeeze %dma_start3A_147 : memref<1x1x128xi32, #tpu.memory_space<vmem>> -> memref<128xi32, #tpu.memory_space<vmem>>
        %dma_start3A_149 = arith.constant 0 : i32
        %dma_start3A_150 = arith.constant 0 : i32
        %dma_start3A_151 = tpu.memref_slice %arg2[%dma_start3A_149, %dma_start3A_150] : memref<10000x128xf32, #tpu.memory_space<hbm>> -> memref<10000x128xf32, #tpu.memory_space<hbm>>
        tpu.enqueue_indirect_dma source(%dma_start3A_151 : memref<10000x128xf32, #tpu.memory_space<hbm>>) target(%arg10 : memref<128x128xf32, #tpu.memory_space<vmem>>) offsets(%dma_start3A_148 : memref<128xi32, #tpu.memory_space<vmem>>) semaphore(%arg12 : memref<!tpu.dma_semaphore, #tpu.memory_space<semaphore_mem>>)
        %dma_wait3A_152 = arith.constant 0 : i32
        %dma_wait3A_153 = tpu.memref_slice %arg7[%select_n3A_96, %add3A_129, %dma_wait3A_152] : memref<2x16x128xi32, #tpu.memory_space<vmem>> -> memref<1x1x128xi32, #tpu.memory_space<vmem>>
        %dma_wait3A_154 = tpu.memref_squeeze %dma_wait3A_153 : memref<1x1x128xi32, #tpu.memory_space<vmem>> -> memref<128xi32, #tpu.memory_space<vmem>>
        %dma_wait3A_155 = arith.constant 0 : i32
        %dma_wait3A_156 = arith.constant 0 : i32
        %dma_wait3A_157 = tpu.memref_slice %arg2[%dma_wait3A_155, %dma_wait3A_156] : memref<10000x128xf32, #tpu.memory_space<hbm>> -> memref<10000x128xf32, #tpu.memory_space<hbm>>
        tpu.wait_indirect_dma semaphore(%arg12 : memref<!tpu.dma_semaphore, #tpu.memory_space<semaphore_mem>>) src(%dma_wait3A_157 : memref<10000x128xf32, #tpu.memory_space<hbm>>) dst(%arg10 : memref<128x128xf32, #tpu.memory_space<vmem>>)
        %dma_start3A_158 = arith.constant 0 : i32
        %dma_start3A_159 = tpu.memref_slice %arg8[%select_n3A_96, %add3A_129, %dma_start3A_158] : memref<2x16x128xi32, #tpu.memory_space<vmem>> -> memref<1x1x128xi32, #tpu.memory_space<vmem>>
        %dma_start3A_160 = tpu.memref_squeeze %dma_start3A_159 : memref<1x1x128xi32, #tpu.memory_space<vmem>> -> memref<128xi32, #tpu.memory_space<vmem>>
        %dma_start3A_161 = arith.constant 0 : i32
        %dma_start3A_162 = arith.constant 0 : i32
        %dma_start3A_163 = tpu.memref_slice %arg6[%dma_start3A_161, %dma_start3A_162] : memref<10240x128xf32, #tpu.memory_space<vmem_shared>> -> memref<10240x128xf32, #tpu.memory_space<vmem_shared>>
        tpu.enqueue_indirect_dma source(%arg10 : memref<128x128xf32, #tpu.memory_space<vmem>>) target(%dma_start3A_163 : memref<10240x128xf32, #tpu.memory_space<vmem_shared>>) offsets(%dma_start3A_160 : memref<128xi32, #tpu.memory_space<vmem>>) semaphore(%arg14 : memref<!tpu.dma_semaphore, #tpu.memory_space<semaphore_mem>>) {add = true}
        %dma_wait3A_164 = arith.constant 0 : i32
        %dma_wait3A_165 = tpu.memref_slice %arg8[%select_n3A_96, %mul3A_127, %dma_wait3A_164] : memref<2x16x128xi32, #tpu.memory_space<vmem>> -> memref<1x1x128xi32, #tpu.memory_space<vmem>>
        %dma_wait3A_166 = tpu.memref_squeeze %dma_wait3A_165 : memref<1x1x128xi32, #tpu.memory_space<vmem>> -> memref<128xi32, #tpu.memory_space<vmem>>
        %dma_wait3A_167 = arith.constant 0 : i32
        %dma_wait3A_168 = arith.constant 0 : i32
        %dma_wait3A_169 = tpu.memref_slice %arg6[%dma_wait3A_167, %dma_wait3A_168] : memref<10240x128xf32, #tpu.memory_space<vmem_shared>> -> memref<10240x128xf32, #tpu.memory_space<vmem_shared>>
        tpu.wait_indirect_dma semaphore(%arg13 : memref<!tpu.dma_semaphore, #tpu.memory_space<semaphore_mem>>) src(%arg9 : memref<128x128xf32, #tpu.memory_space<vmem>>) dst(%dma_wait3A_169 : memref<10240x128xf32, #tpu.memory_space<vmem_shared>>)
        %add3A_170 = arith.constant 2 : i32
        %add3A_171 = arith.addi %mul3A_127, %add3A_170 : i32
        %lt3A_172 = arith.constant 16 : i32
        %lt3A_173 = arith.cmpi slt, %add3A_171, %lt3A_172 : i32
        %convert_element_type3A_174 = arith.extui %lt3A_173 : i1 to i32
        %cond3A_175 = arith.constant 0 : i32
        %cond3A_176 = arith.cmpi ne, %convert_element_type3A_174, %cond3A_175 : i32
        scf.if %cond3A_176 {
          %add3A_178 = arith.constant 2 : i32
          %add3A_179 = arith.addi %mul3A_127, %add3A_178 : i32
          %dma_start3A_180 = arith.constant 0 : i32
          %dma_start3A_181 = tpu.memref_slice %arg7[%select_n3A_96, %add3A_179, %dma_start3A_180] : memref<2x16x128xi32, #tpu.memory_space<vmem>> -> memref<1x1x128xi32, #tpu.memory_space<vmem>>
          %dma_start3A_182 = tpu.memref_squeeze %dma_start3A_181 : memref<1x1x128xi32, #tpu.memory_space<vmem>> -> memref<128xi32, #tpu.memory_space<vmem>>
          %dma_start3A_183 = arith.constant 0 : i32
          %dma_start3A_184 = arith.constant 0 : i32
          %dma_start3A_185 = tpu.memref_slice %arg2[%dma_start3A_183, %dma_start3A_184] : memref<10000x128xf32, #tpu.memory_space<hbm>> -> memref<10000x128xf32, #tpu.memory_space<hbm>>
          tpu.enqueue_indirect_dma source(%dma_start3A_185 : memref<10000x128xf32, #tpu.memory_space<hbm>>) target(%arg9 : memref<128x128xf32, #tpu.memory_space<vmem>>) offsets(%dma_start3A_182 : memref<128xi32, #tpu.memory_space<vmem>>) semaphore(%arg11 : memref<!tpu.dma_semaphore, #tpu.memory_space<semaphore_mem>>)
        } else {
        }
        %scan3A_177 = arith.constant 0 : i32
        scf.yield %scan3A_177 : i32
      }
      %scan3A_109 = arith.constant 8 : i32
      %dma_wait3A = arith.constant 15 : i32
      %dma_wait3A_110 = arith.constant 0 : i32
      %dma_wait3A_111 = tpu.memref_slice %arg8[%select_n3A_96, %dma_wait3A, %dma_wait3A_110] : memref<2x16x128xi32, #tpu.memory_space<vmem>> -> memref<1x1x128xi32, #tpu.memory_space<vmem>>
      %dma_wait3A_112 = tpu.memref_squeeze %dma_wait3A_111 : memref<1x1x128xi32, #tpu.memory_space<vmem>> -> memref<128xi32, #tpu.memory_space<vmem>>
      %dma_wait3A_113 = arith.constant 0 : i32
      %dma_wait3A_114 = arith.constant 0 : i32
      %dma_wait3A_115 = tpu.memref_slice %arg6[%dma_wait3A_113, %dma_wait3A_114] : memref<10240x128xf32, #tpu.memory_space<vmem_shared>> -> memref<10240x128xf32, #tpu.memory_space<vmem_shared>>
      tpu.wait_indirect_dma semaphore(%arg14 : memref<!tpu.dma_semaphore, #tpu.memory_space<semaphore_mem>>) src(%arg10 : memref<128x128xf32, #tpu.memory_space<vmem>>) dst(%dma_wait3A_115 : memref<10240x128xf32, #tpu.memory_space<vmem_shared>>)
      %add3A_116 = arith.constant 1 : i32
      %add3A_117 = arith.addi %scan3A_86, %add3A_116 : i32
      %lt3A_118 = arith.constant 5 : i32
      %lt3A_119 = arith.cmpi slt, %add3A_117, %lt3A_118 : i32
      %convert_element_type3A_120 = arith.extui %lt3A_119 : i1 to i32
      %cond3A_121 = arith.constant 0 : i32
      %cond3A_122 = arith.cmpi ne, %convert_element_type3A_120, %cond3A_121 : i32
      scf.if %cond3A_122 {
        %add3A_124 = arith.constant 1 : i32
        %add3A_125 = arith.addi %scan3A_86, %add3A_124 : i32
        %mul3A_126 = arith.constant 16 : i32
        %mul3A_127 = arith.muli %add3A_125, %mul3A_126 : i32
        %add3A_128 = arith.addi %mul3A_2, %mul3A_127 : i32
        %dma_wait3A_129 = arith.constant 0 : i32
        %dma_wait3A_130 = arith.constant 0 : i32
        %dma_wait3A_131 = tpu.memref_slice %arg7[%sub3A_97, %dma_wait3A_129, %dma_wait3A_130] : memref<2x16x128xi32, #tpu.memory_space<vmem>> -> memref<1x16x128xi32, #tpu.memory_space<vmem>>
        %dma_wait3A_132 = tpu.memref_squeeze %dma_wait3A_131 : memref<1x16x128xi32, #tpu.memory_space<vmem>> -> memref<16x128xi32, #tpu.memory_space<vmem>>
        %dma_wait3A_133 = arith.constant 0 : i32
        %dma_wait3A_134 = tpu.memref_slice %arg3[%add3A_128, %dma_wait3A_133] : memref<2560x128xi32, #tpu.memory_space<hbm>> -> memref<16x128xi32, #tpu.memory_space<hbm>>
        %dma_wait3A_135 = arith.constant 0 : i32
        %dma_wait3A_136 = arith.constant 0 : i32
        %dma_wait3A_137 = tpu.memref_slice %arg7[%sub3A_97, %dma_wait3A_135, %dma_wait3A_136] : memref<2x16x128xi32, #tpu.memory_space<vmem>> -> memref<1x16x128xi32, #tpu.memory_space<vmem>>
        %dma_wait3A_138 = tpu.memref_squeeze %dma_wait3A_137 : memref<1x16x128xi32, #tpu.memory_space<vmem>> -> memref<16x128xi32, #tpu.memory_space<vmem>>
        %dma_wait3A_139 = arith.constant 0 : i32
        %dma_wait3A_140 = tpu.memref_slice %arg3[%add3A_128, %dma_wait3A_139] : memref<2560x128xi32, #tpu.memory_space<hbm>> -> memref<16x128xi32, #tpu.memory_space<hbm>>
        tpu.wait_dma2 semaphore(%arg15 : memref<!tpu.dma_semaphore, #tpu.memory_space<semaphore_mem>>) src(%dma_wait3A_140 : memref<16x128xi32, #tpu.memory_space<hbm>>) dst(%dma_wait3A_138 : memref<16x128xi32, #tpu.memory_space<vmem>>)
        %add3A_141 = arith.constant 1 : i32
        %add3A_142 = arith.addi %scan3A_86, %add3A_141 : i32
        %mul3A_143 = arith.constant 16 : i32
        %mul3A_144 = arith.muli %add3A_142, %mul3A_143 : i32
        %add3A_145 = arith.addi %mul3A_2, %mul3A_144 : i32
        %dma_wait3A_146 = arith.constant 0 : i32
        %dma_wait3A_147 = arith.constant 0 : i32
        %dma_wait3A_148 = tpu.memref_slice %arg8[%sub3A_97, %dma_wait3A_146, %dma_wait3A_147] : memref<2x16x128xi32, #tpu.memory_space<vmem>> -> memref<1x16x128xi32, #tpu.memory_space<vmem>>
        %dma_wait3A_149 = tpu.memref_squeeze %dma_wait3A_148 : memref<1x16x128xi32, #tpu.memory_space<vmem>> -> memref<16x128xi32, #tpu.memory_space<vmem>>
        %dma_wait3A_150 = arith.constant 0 : i32
        %dma_wait3A_151 = tpu.memref_slice %arg4[%add3A_145, %dma_wait3A_150] : memref<2560x128xi32, #tpu.memory_space<hbm>> -> memref<16x128xi32, #tpu.memory_space<hbm>>
        %dma_wait3A_152 = arith.constant 0 : i32
        %dma_wait3A_153 = arith.constant 0 : i32
        %dma_wait3A_154 = tpu.memref_slice %arg8[%sub3A_97, %dma_wait3A_152, %dma_wait3A_153] : memref<2x16x128xi32, #tpu.memory_space<vmem>> -> memref<1x16x128xi32, #tpu.memory_space<vmem>>
        %dma_wait3A_155 = tpu.memref_squeeze %dma_wait3A_154 : memref<1x16x128xi32, #tpu.memory_space<vmem>> -> memref<16x128xi32, #tpu.memory_space<vmem>>
        %dma_wait3A_156 = arith.constant 0 : i32
        %dma_wait3A_157 = tpu.memref_slice %arg4[%add3A_145, %dma_wait3A_156] : memref<2560x128xi32, #tpu.memory_space<hbm>> -> memref<16x128xi32, #tpu.memory_space<hbm>>
        tpu.wait_dma2 semaphore(%arg15 : memref<!tpu.dma_semaphore, #tpu.memory_space<semaphore_mem>>) src(%dma_wait3A_157 : memref<16x128xi32, #tpu.memory_space<hbm>>) dst(%dma_wait3A_155 : memref<16x128xi32, #tpu.memory_space<vmem>>)
        %dma_start3A_158 = arith.constant 0 : i32
        %dma_start3A_159 = arith.constant 0 : i32
        %dma_start3A_160 = tpu.memref_slice %arg7[%sub3A_97, %dma_start3A_158, %dma_start3A_159] : memref<2x16x128xi32, #tpu.memory_space<vmem>> -> memref<1x1x128xi32, #tpu.memory_space<vmem>>
        %dma_start3A_161 = tpu.memref_squeeze %dma_start3A_160 : memref<1x1x128xi32, #tpu.memory_space<vmem>> -> memref<128xi32, #tpu.memory_space<vmem>>
        %dma_start3A_162 = arith.constant 0 : i32
        %dma_start3A_163 = arith.constant 0 : i32
        %dma_start3A_164 = tpu.memref_slice %arg2[%dma_start3A_162, %dma_start3A_163] : memref<10000x128xf32, #tpu.memory_space<hbm>> -> memref<10000x128xf32, #tpu.memory_space<hbm>>
        tpu.enqueue_indirect_dma source(%dma_start3A_164 : memref<10000x128xf32, #tpu.memory_space<hbm>>) target(%arg9 : memref<128x128xf32, #tpu.memory_space<vmem>>) offsets(%dma_start3A_161 : memref<128xi32, #tpu.memory_space<vmem>>) semaphore(%arg11 : memref<!tpu.dma_semaphore, #tpu.memory_space<semaphore_mem>>)
      } else {
      }
      %scan3A_123 = arith.constant 0 : i32
      scf.yield %scan3A_123 : i32
    }
    %scan3A_44 = arith.constant 5 : i32
    %barrier3A_45 = arith.constant 0 : index
    tpu.barrier barrier_id(%barrier3A_45)
    %mul3A_46 = arith.constant 640 : i32
    %mul3A_47 = arith.muli %arg1, %mul3A_46 : i32
    %add3A_48 = arith.constant 0 : i32
    %add3A_49 = arith.addi %mul3A_47, %add3A_48 : i32
    %mul3A_50 = arith.constant 640 : i32
    %mul3A_51 = arith.muli %arg1, %mul3A_50 : i32
    %add3A_52 = arith.constant 0 : i32
    %add3A_53 = arith.addi %mul3A_51, %add3A_52 : i32
    "tpu.region"() ({
      %run_scoped3A_86 = tpu.sem_alloc : memref<!tpu.dma_semaphore, #tpu.memory_space<semaphore_mem>>
      %dma_start3A_87 = arith.constant 0 : i32
      %dma_start3A_88 = tpu.memref_slice %arg5[%arg0, %add3A_53, %dma_start3A_87] : memref<2x10240x128xf32, #tpu.memory_space<hbm>> -> memref<1x128x128xf32, #tpu.memory_space<hbm>>
      %dma_start3A_89 = tpu.memref_squeeze %dma_start3A_88 : memref<1x128x128xf32, #tpu.memory_space<hbm>> -> memref<128x128xf32, #tpu.memory_space<hbm>>
      %dma_start3A_90 = arith.constant 0 : i32
      %dma_start3A_91 = tpu.memref_slice %arg6[%add3A_49, %dma_start3A_90] : memref<10240x128xf32, #tpu.memory_space<vmem_shared>> -> memref<128x128xf32, #tpu.memory_space<vmem_shared>>
      tpu.enqueue_dma source(%dma_start3A_91 : memref<128x128xf32, #tpu.memory_space<vmem_shared>>) target(%dma_start3A_89 : memref<128x128xf32, #tpu.memory_space<hbm>>) target_semaphore(%run_scoped3A_86 : memref<!tpu.dma_semaphore, #tpu.memory_space<semaphore_mem>>)
      %dma_wait3A = arith.constant 0 : i32
      %dma_wait3A_92 = tpu.memref_slice %arg5[%arg0, %add3A_53, %dma_wait3A] : memref<2x10240x128xf32, #tpu.memory_space<hbm>> -> memref<1x128x128xf32, #tpu.memory_space<hbm>>
      %dma_wait3A_93 = tpu.memref_squeeze %dma_wait3A_92 : memref<1x128x128xf32, #tpu.memory_space<hbm>> -> memref<128x128xf32, #tpu.memory_space<hbm>>
      %dma_wait3A_94 = arith.constant 0 : i32
      %dma_wait3A_95 = tpu.memref_slice %arg6[%add3A_49, %dma_wait3A_94] : memref<10240x128xf32, #tpu.memory_space<vmem_shared>> -> memref<128x128xf32, #tpu.memory_space<vmem_shared>>
      tpu.wait_dma2 semaphore(%run_scoped3A_86 : memref<!tpu.dma_semaphore, #tpu.memory_space<semaphore_mem>>) src(%dma_wait3A_95 : memref<128x128xf32, #tpu.memory_space<vmem_shared>>) dst(%dma_wait3A_93 : memref<128x128xf32, #tpu.memory_space<hbm>>)
      tpu.yield
    }) : () -> ()
    %mul3A_54 = arith.constant 640 : i32
    %mul3A_55 = arith.muli %arg1, %mul3A_54 : i32
    %add3A_56 = arith.constant 128 : i32
    %add3A_57 = arith.addi %mul3A_55, %add3A_56 : i32
    %mul3A_58 = arith.constant 640 : i32
    %mul3A_59 = arith.muli %arg1, %mul3A_58 : i32
    %add3A_60 = arith.constant 128 : i32
    %add3A_61 = arith.addi %mul3A_59, %add3A_60 : i32
    "tpu.region"() ({
      %run_scoped3A_86 = tpu.sem_alloc : memref<!tpu.dma_semaphore, #tpu.memory_space<semaphore_mem>>
      %dma_start3A_87 = arith.constant 0 : i32
      %dma_start3A_88 = tpu.memref_slice %arg5[%arg0, %add3A_61, %dma_start3A_87] : memref<2x10240x128xf32, #tpu.memory_space<hbm>> -> memref<1x128x128xf32, #tpu.memory_space<hbm>>
      %dma_start3A_89 = tpu.memref_squeeze %dma_start3A_88 : memref<1x128x128xf32, #tpu.memory_space<hbm>> -> memref<128x128xf32, #tpu.memory_space<hbm>>
      %dma_start3A_90 = arith.constant 0 : i32
      %dma_start3A_91 = tpu.memref_slice %arg6[%add3A_57, %dma_start3A_90] : memref<10240x128xf32, #tpu.memory_space<vmem_shared>> -> memref<128x128xf32, #tpu.memory_space<vmem_shared>>
      tpu.enqueue_dma source(%dma_start3A_91 : memref<128x128xf32, #tpu.memory_space<vmem_shared>>) target(%dma_start3A_89 : memref<128x128xf32, #tpu.memory_space<hbm>>) target_semaphore(%run_scoped3A_86 : memref<!tpu.dma_semaphore, #tpu.memory_space<semaphore_mem>>)
      %dma_wait3A = arith.constant 0 : i32
      %dma_wait3A_92 = tpu.memref_slice %arg5[%arg0, %add3A_61, %dma_wait3A] : memref<2x10240x128xf32, #tpu.memory_space<hbm>> -> memref<1x128x128xf32, #tpu.memory_space<hbm>>
      %dma_wait3A_93 = tpu.memref_squeeze %dma_wait3A_92 : memref<1x128x128xf32, #tpu.memory_space<hbm>> -> memref<128x128xf32, #tpu.memory_space<hbm>>
      %dma_wait3A_94 = arith.constant 0 : i32
      %dma_wait3A_95 = tpu.memref_slice %arg6[%add3A_57, %dma_wait3A_94] : memref<10240x128xf32, #tpu.memory_space<vmem_shared>> -> memref<128x128xf32, #tpu.memory_space<vmem_shared>>
      tpu.wait_dma2 semaphore(%run_scoped3A_86 : memref<!tpu.dma_semaphore, #tpu.memory_space<semaphore_mem>>) src(%dma_wait3A_95 : memref<128x128xf32, #tpu.memory_space<vmem_shared>>) dst(%dma_wait3A_93 : memref<128x128xf32, #tpu.memory_space<hbm>>)
      tpu.yield
    }) : () -> ()
    %mul3A_62 = arith.constant 640 : i32
    %mul3A_63 = arith.muli %arg1, %mul3A_62 : i32
    %add3A_64 = arith.constant 256 : i32
    %add3A_65 = arith.addi %mul3A_63, %add3A_64 : i32
    %mul3A_66 = arith.constant 640 : i32
    %mul3A_67 = arith.muli %arg1, %mul3A_66 : i32
    %add3A_68 = arith.constant 256 : i32
    %add3A_69 = arith.addi %mul3A_67, %add3A_68 : i32
    "tpu.region"() ({
      %run_scoped3A_86 = tpu.sem_alloc : memref<!tpu.dma_semaphore, #tpu.memory_space<semaphore_mem>>
      %dma_start3A_87 = arith.constant 0 : i32
      %dma_start3A_88 = tpu.memref_slice %arg5[%arg0, %add3A_69, %dma_start3A_87] : memref<2x10240x128xf32, #tpu.memory_space<hbm>> -> memref<1x128x128xf32, #tpu.memory_space<hbm>>
      %dma_start3A_89 = tpu.memref_squeeze %dma_start3A_88 : memref<1x128x128xf32, #tpu.memory_space<hbm>> -> memref<128x128xf32, #tpu.memory_space<hbm>>
      %dma_start3A_90 = arith.constant 0 : i32
      %dma_start3A_91 = tpu.memref_slice %arg6[%add3A_65, %dma_start3A_90] : memref<10240x128xf32, #tpu.memory_space<vmem_shared>> -> memref<128x128xf32, #tpu.memory_space<vmem_shared>>
      tpu.enqueue_dma source(%dma_start3A_91 : memref<128x128xf32, #tpu.memory_space<vmem_shared>>) target(%dma_start3A_89 : memref<128x128xf32, #tpu.memory_space<hbm>>) target_semaphore(%run_scoped3A_86 : memref<!tpu.dma_semaphore, #tpu.memory_space<semaphore_mem>>)
      %dma_wait3A = arith.constant 0 : i32
      %dma_wait3A_92 = tpu.memref_slice %arg5[%arg0, %add3A_69, %dma_wait3A] : memref<2x10240x128xf32, #tpu.memory_space<hbm>> -> memref<1x128x128xf32, #tpu.memory_space<hbm>>
      %dma_wait3A_93 = tpu.memref_squeeze %dma_wait3A_92 : memref<1x128x128xf32, #tpu.memory_space<hbm>> -> memref<128x128xf32, #tpu.memory_space<hbm>>
      %dma_wait3A_94 = arith.constant 0 : i32
      %dma_wait3A_95 = tpu.memref_slice %arg6[%add3A_65, %dma_wait3A_94] : memref<10240x128xf32, #tpu.memory_space<vmem_shared>> -> memref<128x128xf32, #tpu.memory_space<vmem_shared>>
      tpu.wait_dma2 semaphore(%run_scoped3A_86 : memref<!tpu.dma_semaphore, #tpu.memory_space<semaphore_mem>>) src(%dma_wait3A_95 : memref<128x128xf32, #tpu.memory_space<vmem_shared>>) dst(%dma_wait3A_93 : memref<128x128xf32, #tpu.memory_space<hbm>>)
      tpu.yield
    }) : () -> ()
    %mul3A_70 = arith.constant 640 : i32
    %mul3A_71 = arith.muli %arg1, %mul3A_70 : i32
    %add3A_72 = arith.constant 384 : i32
    %add3A_73 = arith.addi %mul3A_71, %add3A_72 : i32
    %mul3A_74 = arith.constant 640 : i32
    %mul3A_75 = arith.muli %arg1, %mul3A_74 : i32
    %add3A_76 = arith.constant 384 : i32
    %add3A_77 = arith.addi %mul3A_75, %add3A_76 : i32
    "tpu.region"() ({
      %run_scoped3A_86 = tpu.sem_alloc : memref<!tpu.dma_semaphore, #tpu.memory_space<semaphore_mem>>
      %dma_start3A_87 = arith.constant 0 : i32
      %dma_start3A_88 = tpu.memref_slice %arg5[%arg0, %add3A_77, %dma_start3A_87] : memref<2x10240x128xf32, #tpu.memory_space<hbm>> -> memref<1x128x128xf32, #tpu.memory_space<hbm>>
      %dma_start3A_89 = tpu.memref_squeeze %dma_start3A_88 : memref<1x128x128xf32, #tpu.memory_space<hbm>> -> memref<128x128xf32, #tpu.memory_space<hbm>>
      %dma_start3A_90 = arith.constant 0 : i32
      %dma_start3A_91 = tpu.memref_slice %arg6[%add3A_73, %dma_start3A_90] : memref<10240x128xf32, #tpu.memory_space<vmem_shared>> -> memref<128x128xf32, #tpu.memory_space<vmem_shared>>
      tpu.enqueue_dma source(%dma_start3A_91 : memref<128x128xf32, #tpu.memory_space<vmem_shared>>) target(%dma_start3A_89 : memref<128x128xf32, #tpu.memory_space<hbm>>) target_semaphore(%run_scoped3A_86 : memref<!tpu.dma_semaphore, #tpu.memory_space<semaphore_mem>>)
      %dma_wait3A = arith.constant 0 : i32
      %dma_wait3A_92 = tpu.memref_slice %arg5[%arg0, %add3A_77, %dma_wait3A] : memref<2x10240x128xf32, #tpu.memory_space<hbm>> -> memref<1x128x128xf32, #tpu.memory_space<hbm>>
      %dma_wait3A_93 = tpu.memref_squeeze %dma_wait3A_92 : memref<1x128x128xf32, #tpu.memory_space<hbm>> -> memref<128x128xf32, #tpu.memory_space<hbm>>
      %dma_wait3A_94 = arith.constant 0 : i32
      %dma_wait3A_95 = tpu.memref_slice %arg6[%add3A_73, %dma_wait3A_94] : memref<10240x128xf32, #tpu.memory_space<vmem_shared>> -> memref<128x128xf32, #tpu.memory_space<vmem_shared>>
      tpu.wait_dma2 semaphore(%run_scoped3A_86 : memref<!tpu.dma_semaphore, #tpu.memory_space<semaphore_mem>>) src(%dma_wait3A_95 : memref<128x128xf32, #tpu.memory_space<vmem_shared>>) dst(%dma_wait3A_93 : memref<128x128xf32, #tpu.memory_space<hbm>>)
      tpu.yield
    }) : () -> ()
    %mul3A_78 = arith.constant 640 : i32
    %mul3A_79 = arith.muli %arg1, %mul3A_78 : i32
    %add3A_80 = arith.constant 512 : i32
    %add3A_81 = arith.addi %mul3A_79, %add3A_80 : i32
    %mul3A_82 = arith.constant 640 : i32
    %mul3A_83 = arith.muli %arg1, %mul3A_82 : i32
    %add3A_84 = arith.constant 512 : i32
    %add3A_85 = arith.addi %mul3A_83, %add3A_84 : i32
    "tpu.region"() ({
      %run_scoped3A_86 = tpu.sem_alloc : memref<!tpu.dma_semaphore, #tpu.memory_space<semaphore_mem>>
      %dma_start3A_87 = arith.constant 0 : i32
      %dma_start3A_88 = tpu.memref_slice %arg5[%arg0, %add3A_85, %dma_start3A_87] : memref<2x10240x128xf32, #tpu.memory_space<hbm>> -> memref<1x128x128xf32, #tpu.memory_space<hbm>>
      %dma_start3A_89 = tpu.memref_squeeze %dma_start3A_88 : memref<1x128x128xf32, #tpu.memory_space<hbm>> -> memref<128x128xf32, #tpu.memory_space<hbm>>
      %dma_start3A_90 = arith.constant 0 : i32
      %dma_start3A_91 = tpu.memref_slice %arg6[%add3A_81, %dma_start3A_90] : memref<10240x128xf32, #tpu.memory_space<vmem_shared>> -> memref<128x128xf32, #tpu.memory_space<vmem_shared>>
      tpu.enqueue_dma source(%dma_start3A_91 : memref<128x128xf32, #tpu.memory_space<vmem_shared>>) target(%dma_start3A_89 : memref<128x128xf32, #tpu.memory_space<hbm>>) target_semaphore(%run_scoped3A_86 : memref<!tpu.dma_semaphore, #tpu.memory_space<semaphore_mem>>)
      %dma_wait3A = arith.constant 0 : i32
      %dma_wait3A_92 = tpu.memref_slice %arg5[%arg0, %add3A_85, %dma_wait3A] : memref<2x10240x128xf32, #tpu.memory_space<hbm>> -> memref<1x128x128xf32, #tpu.memory_space<hbm>>
      %dma_wait3A_93 = tpu.memref_squeeze %dma_wait3A_92 : memref<1x128x128xf32, #tpu.memory_space<hbm>> -> memref<128x128xf32, #tpu.memory_space<hbm>>
      %dma_wait3A_94 = arith.constant 0 : i32
      %dma_wait3A_95 = tpu.memref_slice %arg6[%add3A_81, %dma_wait3A_94] : memref<10240x128xf32, #tpu.memory_space<vmem_shared>> -> memref<128x128xf32, #tpu.memory_space<vmem_shared>>
      tpu.wait_dma2 semaphore(%run_scoped3A_86 : memref<!tpu.dma_semaphore, #tpu.memory_space<semaphore_mem>>) src(%dma_wait3A_95 : memref<128x128xf32, #tpu.memory_space<vmem_shared>>) dst(%dma_wait3A_93 : memref<128x128xf32, #tpu.memory_space<hbm>>)
      tpu.yield
    }) : () -> ()
    return
  }
}

#map = affine_map<(d0, d1) -> (0, 0)>
#map1 = affine_map<(d0, d1) -> (0, 0, 0)>
module attributes {stable_mosaic.version = 14 : i64} {
  func.func @_deg_body(%arg0: i32, %arg1: i32, %arg2: memref<2560x128xi32, #tpu.memory_space<hbm>>, %arg3: memref<2x10240x16xf32, #tpu.memory_space<hbm>>, %arg4: memref<10240x16xf32, #tpu.memory_space<vmem_shared>>, %arg5: memref<80x128xi32, #tpu.memory_space<vmem>>, %arg6: memref<128x16xf32, #tpu.memory_space<vmem>>, %arg7: memref<!tpu.dma_semaphore, #tpu.memory_space<semaphore_mem>>) attributes {dimension_semantics = [#tpu.dimension_semantics<core_parallel>, #tpu.dimension_semantics<subcore_parallel>], iteration_bounds = array<i64: 2, 16>, scalar_prefetch = 0 : i64, scratch_operands = 4 : i64, tpu.core_type = #tpu.core_type<sc_vector_subcore>, window_params = [{transform_indices = #map}, {transform_indices = #map1}]} {
    %mul3A = arith.constant 16 : i32
    %mul3A_0 = arith.muli %arg0, %mul3A : i32
    %add3A = arith.addi %mul3A_0, %arg1 : i32
    %mul3A_1 = arith.constant 80 : i32
    %mul3A_2 = arith.muli %add3A, %mul3A_1 : i32
    %broadcast_in_dim3A = arith.constant 0.000000e+00 : f32
    %broadcast_in_dim3A_3 = vector.broadcast %broadcast_in_dim3A : f32 to vector<16xf32>
    %scan3A = arith.constant 0 : i32
    %scan3A_4 = arith.constant 0 : i32
    %scan3A_5 = arith.constant 128 : i32
    %scan3A_6 = arith.addi %scan3A_4, %scan3A_5 : i32
    %scan3A_7 = arith.constant 1 : i32
    %scan3A_8 = scf.for %scan3A_142 = %scan3A_4 to %scan3A_6 step %scan3A_7 iter_args(%scan3A_143 = %scan3A) -> (i32)  : i32 {
      %swap3A = arith.index_cast %scan3A_142 : i32 to index
      %swap3A_144 = arith.constant 0 : index
      %swap3A_145 = tpu.vector_load %arg6[%swap3A, %swap3A_144] {strides = array<i32>} : memref<128x16xf32, #tpu.memory_space<vmem>>, vector<1x16xf32>,
      %swap3A_146 = vector.shape_cast %swap3A_145 : vector<1x16xf32> to vector<16xf32>
      %swap3A_147 = vector.shape_cast %broadcast_in_dim3A_3 : vector<16xf32> to vector<1x16xf32>
      tpu.vector_store %arg6[%swap3A, %swap3A_144], %swap3A_147 {strides = array<i32>} : memref<128x16xf32, #tpu.memory_space<vmem>>, vector<1x16xf32>,
      %scan3A_148 = arith.constant 0 : i32
      scf.yield %scan3A_148 : i32
    }
    %scan3A_9 = arith.constant 128 : i32
    %mul3A_10 = arith.constant 640 : i32
    %mul3A_11 = arith.muli %arg1, %mul3A_10 : i32
    %add3A_12 = arith.constant 0 : i32
    %add3A_13 = arith.addi %mul3A_11, %add3A_12 : i32
    "tpu.region"() ({
      %run_scoped3A = tpu.sem_alloc : memref<!tpu.dma_semaphore, #tpu.memory_space<semaphore_mem>>
      %dma_start3A = arith.constant 0 : i32
      %dma_start3A_142 = tpu.memref_slice %arg4[%add3A_13, %dma_start3A] : memref<10240x16xf32, #tpu.memory_space<vmem_shared>> -> memref<128x16xf32, #tpu.memory_space<vmem_shared>>
      %dma_start3A_143 = arith.constant 0 : i32
      %dma_start3A_144 = tpu.memref_slice %arg4[%add3A_13, %dma_start3A_143] : memref<10240x16xf32, #tpu.memory_space<vmem_shared>> -> memref<128x16xf32, #tpu.memory_space<vmem_shared>>
      tpu.enqueue_dma source(%arg6 : memref<128x16xf32, #tpu.memory_space<vmem>>) target(%dma_start3A_144 : memref<128x16xf32, #tpu.memory_space<vmem_shared>>) target_semaphore(%run_scoped3A : memref<!tpu.dma_semaphore, #tpu.memory_space<semaphore_mem>>)
      %dma_wait3A_145 = arith.constant 0 : i32
      %dma_wait3A_146 = tpu.memref_slice %arg4[%add3A_13, %dma_wait3A_145] : memref<10240x16xf32, #tpu.memory_space<vmem_shared>> -> memref<128x16xf32, #tpu.memory_space<vmem_shared>>
      %dma_wait3A_147 = arith.constant 0 : i32
      %dma_wait3A_148 = tpu.memref_slice %arg4[%add3A_13, %dma_wait3A_147] : memref<10240x16xf32, #tpu.memory_space<vmem_shared>> -> memref<128x16xf32, #tpu.memory_space<vmem_shared>>
      tpu.wait_dma2 semaphore(%run_scoped3A : memref<!tpu.dma_semaphore, #tpu.memory_space<semaphore_mem>>) src(%arg6 : memref<128x16xf32, #tpu.memory_space<vmem>>) dst(%dma_wait3A_148 : memref<128x16xf32, #tpu.memory_space<vmem_shared>>)
      tpu.yield
    }) : () -> ()
    %mul3A_14 = arith.constant 640 : i32
    %mul3A_15 = arith.muli %arg1, %mul3A_14 : i32
    %add3A_16 = arith.constant 128 : i32
    %add3A_17 = arith.addi %mul3A_15, %add3A_16 : i32
    "tpu.region"() ({
      %run_scoped3A = tpu.sem_alloc : memref<!tpu.dma_semaphore, #tpu.memory_space<semaphore_mem>>
      %dma_start3A = arith.constant 0 : i32
      %dma_start3A_142 = tpu.memref_slice %arg4[%add3A_17, %dma_start3A] : memref<10240x16xf32, #tpu.memory_space<vmem_shared>> -> memref<128x16xf32, #tpu.memory_space<vmem_shared>>
      %dma_start3A_143 = arith.constant 0 : i32
      %dma_start3A_144 = tpu.memref_slice %arg4[%add3A_17, %dma_start3A_143] : memref<10240x16xf32, #tpu.memory_space<vmem_shared>> -> memref<128x16xf32, #tpu.memory_space<vmem_shared>>
      tpu.enqueue_dma source(%arg6 : memref<128x16xf32, #tpu.memory_space<vmem>>) target(%dma_start3A_144 : memref<128x16xf32, #tpu.memory_space<vmem_shared>>) target_semaphore(%run_scoped3A : memref<!tpu.dma_semaphore, #tpu.memory_space<semaphore_mem>>)
      %dma_wait3A_145 = arith.constant 0 : i32
      %dma_wait3A_146 = tpu.memref_slice %arg4[%add3A_17, %dma_wait3A_145] : memref<10240x16xf32, #tpu.memory_space<vmem_shared>> -> memref<128x16xf32, #tpu.memory_space<vmem_shared>>
      %dma_wait3A_147 = arith.constant 0 : i32
      %dma_wait3A_148 = tpu.memref_slice %arg4[%add3A_17, %dma_wait3A_147] : memref<10240x16xf32, #tpu.memory_space<vmem_shared>> -> memref<128x16xf32, #tpu.memory_space<vmem_shared>>
      tpu.wait_dma2 semaphore(%run_scoped3A : memref<!tpu.dma_semaphore, #tpu.memory_space<semaphore_mem>>) src(%arg6 : memref<128x16xf32, #tpu.memory_space<vmem>>) dst(%dma_wait3A_148 : memref<128x16xf32, #tpu.memory_space<vmem_shared>>)
      tpu.yield
    }) : () -> ()
    %mul3A_18 = arith.constant 640 : i32
    %mul3A_19 = arith.muli %arg1, %mul3A_18 : i32
    %add3A_20 = arith.constant 256 : i32
    %add3A_21 = arith.addi %mul3A_19, %add3A_20 : i32
    "tpu.region"() ({
      %run_scoped3A = tpu.sem_alloc : memref<!tpu.dma_semaphore, #tpu.memory_space<semaphore_mem>>
      %dma_start3A = arith.constant 0 : i32
      %dma_start3A_142 = tpu.memref_slice %arg4[%add3A_21, %dma_start3A] : memref<10240x16xf32, #tpu.memory_space<vmem_shared>> -> memref<128x16xf32, #tpu.memory_space<vmem_shared>>
      %dma_start3A_143 = arith.constant 0 : i32
      %dma_start3A_144 = tpu.memref_slice %arg4[%add3A_21, %dma_start3A_143] : memref<10240x16xf32, #tpu.memory_space<vmem_shared>> -> memref<128x16xf32, #tpu.memory_space<vmem_shared>>
      tpu.enqueue_dma source(%arg6 : memref<128x16xf32, #tpu.memory_space<vmem>>) target(%dma_start3A_144 : memref<128x16xf32, #tpu.memory_space<vmem_shared>>) target_semaphore(%run_scoped3A : memref<!tpu.dma_semaphore, #tpu.memory_space<semaphore_mem>>)
      %dma_wait3A_145 = arith.constant 0 : i32
      %dma_wait3A_146 = tpu.memref_slice %arg4[%add3A_21, %dma_wait3A_145] : memref<10240x16xf32, #tpu.memory_space<vmem_shared>> -> memref<128x16xf32, #tpu.memory_space<vmem_shared>>
      %dma_wait3A_147 = arith.constant 0 : i32
      %dma_wait3A_148 = tpu.memref_slice %arg4[%add3A_21, %dma_wait3A_147] : memref<10240x16xf32, #tpu.memory_space<vmem_shared>> -> memref<128x16xf32, #tpu.memory_space<vmem_shared>>
      tpu.wait_dma2 semaphore(%run_scoped3A : memref<!tpu.dma_semaphore, #tpu.memory_space<semaphore_mem>>) src(%arg6 : memref<128x16xf32, #tpu.memory_space<vmem>>) dst(%dma_wait3A_148 : memref<128x16xf32, #tpu.memory_space<vmem_shared>>)
      tpu.yield
    }) : () -> ()
    %mul3A_22 = arith.constant 640 : i32
    %mul3A_23 = arith.muli %arg1, %mul3A_22 : i32
    %add3A_24 = arith.constant 384 : i32
    %add3A_25 = arith.addi %mul3A_23, %add3A_24 : i32
    "tpu.region"() ({
      %run_scoped3A = tpu.sem_alloc : memref<!tpu.dma_semaphore, #tpu.memory_space<semaphore_mem>>
      %dma_start3A = arith.constant 0 : i32
      %dma_start3A_142 = tpu.memref_slice %arg4[%add3A_25, %dma_start3A] : memref<10240x16xf32, #tpu.memory_space<vmem_shared>> -> memref<128x16xf32, #tpu.memory_space<vmem_shared>>
      %dma_start3A_143 = arith.constant 0 : i32
      %dma_start3A_144 = tpu.memref_slice %arg4[%add3A_25, %dma_start3A_143] : memref<10240x16xf32, #tpu.memory_space<vmem_shared>> -> memref<128x16xf32, #tpu.memory_space<vmem_shared>>
      tpu.enqueue_dma source(%arg6 : memref<128x16xf32, #tpu.memory_space<vmem>>) target(%dma_start3A_144 : memref<128x16xf32, #tpu.memory_space<vmem_shared>>) target_semaphore(%run_scoped3A : memref<!tpu.dma_semaphore, #tpu.memory_space<semaphore_mem>>)
      %dma_wait3A_145 = arith.constant 0 : i32
      %dma_wait3A_146 = tpu.memref_slice %arg4[%add3A_25, %dma_wait3A_145] : memref<10240x16xf32, #tpu.memory_space<vmem_shared>> -> memref<128x16xf32, #tpu.memory_space<vmem_shared>>
      %dma_wait3A_147 = arith.constant 0 : i32
      %dma_wait3A_148 = tpu.memref_slice %arg4[%add3A_25, %dma_wait3A_147] : memref<10240x16xf32, #tpu.memory_space<vmem_shared>> -> memref<128x16xf32, #tpu.memory_space<vmem_shared>>
      tpu.wait_dma2 semaphore(%run_scoped3A : memref<!tpu.dma_semaphore, #tpu.memory_space<semaphore_mem>>) src(%arg6 : memref<128x16xf32, #tpu.memory_space<vmem>>) dst(%dma_wait3A_148 : memref<128x16xf32, #tpu.memory_space<vmem_shared>>)
      tpu.yield
    }) : () -> ()
    %mul3A_26 = arith.constant 640 : i32
    %mul3A_27 = arith.muli %arg1, %mul3A_26 : i32
    %add3A_28 = arith.constant 512 : i32
    %add3A_29 = arith.addi %mul3A_27, %add3A_28 : i32
    "tpu.region"() ({
      %run_scoped3A = tpu.sem_alloc : memref<!tpu.dma_semaphore, #tpu.memory_space<semaphore_mem>>
      %dma_start3A = arith.constant 0 : i32
      %dma_start3A_142 = tpu.memref_slice %arg4[%add3A_29, %dma_start3A] : memref<10240x16xf32, #tpu.memory_space<vmem_shared>> -> memref<128x16xf32, #tpu.memory_space<vmem_shared>>
      %dma_start3A_143 = arith.constant 0 : i32
      %dma_start3A_144 = tpu.memref_slice %arg4[%add3A_29, %dma_start3A_143] : memref<10240x16xf32, #tpu.memory_space<vmem_shared>> -> memref<128x16xf32, #tpu.memory_space<vmem_shared>>
      tpu.enqueue_dma source(%arg6 : memref<128x16xf32, #tpu.memory_space<vmem>>) target(%dma_start3A_144 : memref<128x16xf32, #tpu.memory_space<vmem_shared>>) target_semaphore(%run_scoped3A : memref<!tpu.dma_semaphore, #tpu.memory_space<semaphore_mem>>)
      %dma_wait3A_145 = arith.constant 0 : i32
      %dma_wait3A_146 = tpu.memref_slice %arg4[%add3A_29, %dma_wait3A_145] : memref<10240x16xf32, #tpu.memory_space<vmem_shared>> -> memref<128x16xf32, #tpu.memory_space<vmem_shared>>
      %dma_wait3A_147 = arith.constant 0 : i32
      %dma_wait3A_148 = tpu.memref_slice %arg4[%add3A_29, %dma_wait3A_147] : memref<10240x16xf32, #tpu.memory_space<vmem_shared>> -> memref<128x16xf32, #tpu.memory_space<vmem_shared>>
      tpu.wait_dma2 semaphore(%run_scoped3A : memref<!tpu.dma_semaphore, #tpu.memory_space<semaphore_mem>>) src(%arg6 : memref<128x16xf32, #tpu.memory_space<vmem>>) dst(%dma_wait3A_148 : memref<128x16xf32, #tpu.memory_space<vmem_shared>>)
      tpu.yield
    }) : () -> ()
    "tpu.region"() ({
      %run_scoped3A = tpu.sem_alloc : memref<!tpu.dma_semaphore, #tpu.memory_space<semaphore_mem>>
      %dma_start3A = arith.constant 0 : i32
      %dma_start3A_142 = tpu.memref_slice %arg2[%mul3A_2, %dma_start3A] : memref<2560x128xi32, #tpu.memory_space<hbm>> -> memref<80x128xi32, #tpu.memory_space<hbm>>
      %dma_start3A_143 = arith.constant 0 : i32
      %dma_start3A_144 = tpu.memref_slice %arg2[%mul3A_2, %dma_start3A_143] : memref<2560x128xi32, #tpu.memory_space<hbm>> -> memref<80x128xi32, #tpu.memory_space<hbm>>
      tpu.enqueue_dma source(%dma_start3A_144 : memref<80x128xi32, #tpu.memory_space<hbm>>) target(%arg5 : memref<80x128xi32, #tpu.memory_space<vmem>>) target_semaphore(%run_scoped3A : memref<!tpu.dma_semaphore, #tpu.memory_space<semaphore_mem>>)
      %dma_wait3A_145 = arith.constant 0 : i32
      %dma_wait3A_146 = tpu.memref_slice %arg2[%mul3A_2, %dma_wait3A_145] : memref<2560x128xi32, #tpu.memory_space<hbm>> -> memref<80x128xi32, #tpu.memory_space<hbm>>
      %dma_wait3A_147 = arith.constant 0 : i32
      %dma_wait3A_148 = tpu.memref_slice %arg2[%mul3A_2, %dma_wait3A_147] : memref<2560x128xi32, #tpu.memory_space<hbm>> -> memref<80x128xi32, #tpu.memory_space<hbm>>
      tpu.wait_dma2 semaphore(%run_scoped3A : memref<!tpu.dma_semaphore, #tpu.memory_space<semaphore_mem>>) src(%dma_wait3A_148 : memref<80x128xi32, #tpu.memory_space<hbm>>) dst(%arg5 : memref<80x128xi32, #tpu.memory_space<vmem>>)
      tpu.yield
    }) : () -> ()
    %broadcast_in_dim3A_30 = arith.constant 1.000000e+00 : f32
    %broadcast_in_dim3A_31 = vector.broadcast %broadcast_in_dim3A_30 : f32 to vector<16xf32>
    %scan3A_32 = arith.constant 0 : i32
    %scan3A_33 = arith.constant 0 : i32
    %scan3A_34 = arith.constant 128 : i32
    %scan3A_35 = arith.addi %scan3A_33, %scan3A_34 : i32
    %scan3A_36 = arith.constant 1 : i32
    %scan3A_37 = scf.for %scan3A_142 = %scan3A_33 to %scan3A_35 step %scan3A_36 iter_args(%scan3A_143 = %scan3A_32) -> (i32)  : i32 {
      %swap3A = arith.index_cast %scan3A_142 : i32 to index
      %swap3A_144 = arith.constant 0 : index
      %swap3A_145 = tpu.vector_load %arg6[%swap3A, %swap3A_144] {strides = array<i32>} : memref<128x16xf32, #tpu.memory_space<vmem>>, vector<1x16xf32>,
      %swap3A_146 = vector.shape_cast %swap3A_145 : vector<1x16xf32> to vector<16xf32>
      %swap3A_147 = vector.shape_cast %broadcast_in_dim3A_31 : vector<16xf32> to vector<1x16xf32>
      tpu.vector_store %arg6[%swap3A, %swap3A_144], %swap3A_147 {strides = array<i32>} : memref<128x16xf32, #tpu.memory_space<vmem>>, vector<1x16xf32>,
      %scan3A_148 = arith.constant 0 : i32
      scf.yield %scan3A_148 : i32
    }
    %scan3A_38 = arith.constant 128 : i32
    %barrier3A = arith.constant 0 : index
    tpu.barrier barrier_id(%barrier3A)
    %scan3A_39 = arith.constant 0 : i32
    %scan3A_40 = arith.constant 0 : i32
    %scan3A_41 = arith.constant 80 : i32
    %scan3A_42 = arith.addi %scan3A_40, %scan3A_41 : i32
    %scan3A_43 = arith.constant 1 : i32
    %scan3A_44 = scf.for %scan3A_142 = %scan3A_40 to %scan3A_42 step %scan3A_43 iter_args(%scan3A_143 = %scan3A_39) -> (i32)  : i32 {
      %dma_start3A = arith.constant 0 : i32
      %dma_start3A_144 = tpu.memref_slice %arg5[%scan3A_142, %dma_start3A] : memref<80x128xi32, #tpu.memory_space<vmem>> -> memref<1x128xi32, #tpu.memory_space<vmem>>
      %dma_start3A_145 = tpu.memref_squeeze %dma_start3A_144 : memref<1x128xi32, #tpu.memory_space<vmem>> -> memref<128xi32, #tpu.memory_space<vmem>>
      %dma_start3A_146 = arith.constant 0 : i32
      %dma_start3A_147 = arith.constant 0 : i32
      %dma_start3A_148 = tpu.memref_slice %arg4[%dma_start3A_146, %dma_start3A_147] : memref<10240x16xf32, #tpu.memory_space<vmem_shared>> -> memref<10240x16xf32, #tpu.memory_space<vmem_shared>>
      tpu.enqueue_indirect_dma source(%arg6 : memref<128x16xf32, #tpu.memory_space<vmem>>) target(%dma_start3A_148 : memref<10240x16xf32, #tpu.memory_space<vmem_shared>>) offsets(%dma_start3A_145 : memref<128xi32, #tpu.memory_space<vmem>>) semaphore(%arg7 : memref<!tpu.dma_semaphore, #tpu.memory_space<semaphore_mem>>) {add = true}
      %ge3A = arith.constant 8 : i32
      %ge3A_149 = arith.cmpi sge, %scan3A_142, %ge3A : i32
      %convert_element_type3A = arith.extui %ge3A_149 : i1 to i32
      %cond3A = arith.constant 0 : i32
      %cond3A_150 = arith.cmpi ne, %convert_element_type3A, %cond3A : i32
      scf.if %cond3A_150 {
        %dma_wait3A_152 = arith.constant 0 : i32
        %dma_wait3A_153 = tpu.memref_slice %arg5[%scan3A_142, %dma_wait3A_152] : memref<80x128xi32, #tpu.memory_space<vmem>> -> memref<1x128xi32, #tpu.memory_space<vmem>>
        %dma_wait3A_154 = tpu.memref_squeeze %dma_wait3A_153 : memref<1x128xi32, #tpu.memory_space<vmem>> -> memref<128xi32, #tpu.memory_space<vmem>>
        %dma_wait3A_155 = arith.constant 0 : i32
        %dma_wait3A_156 = arith.constant 0 : i32
        %dma_wait3A_157 = tpu.memref_slice %arg4[%dma_wait3A_155, %dma_wait3A_156] : memref<10240x16xf32, #tpu.memory_space<vmem_shared>> -> memref<10240x16xf32, #tpu.memory_space<vmem_shared>>
        tpu.wait_indirect_dma semaphore(%arg7 : memref<!tpu.dma_semaphore, #tpu.memory_space<semaphore_mem>>) src(%arg6 : memref<128x16xf32, #tpu.memory_space<vmem>>) dst(%dma_wait3A_157 : memref<10240x16xf32, #tpu.memory_space<vmem_shared>>)
      } else {
      }
      %scan3A_151 = arith.constant 0 : i32
      scf.yield %scan3A_151 : i32
    }
    %scan3A_45 = arith.constant 80 : i32
    %dma_wait3A = arith.constant 0 : i32
    %dma_wait3A_46 = arith.constant 0 : i32
    %dma_wait3A_47 = tpu.memref_slice %arg5[%dma_wait3A, %dma_wait3A_46] : memref<80x128xi32, #tpu.memory_space<vmem>> -> memref<1x128xi32, #tpu.memory_space<vmem>>
    %dma_wait3A_48 = tpu.memref_squeeze %dma_wait3A_47 : memref<1x128xi32, #tpu.memory_space<vmem>> -> memref<128xi32, #tpu.memory_space<vmem>>
    %dma_wait3A_49 = arith.constant 0 : i32
    %dma_wait3A_50 = arith.constant 0 : i32
    %dma_wait3A_51 = tpu.memref_slice %arg4[%dma_wait3A_49, %dma_wait3A_50] : memref<10240x16xf32, #tpu.memory_space<vmem_shared>> -> memref<10240x16xf32, #tpu.memory_space<vmem_shared>>
    tpu.wait_indirect_dma semaphore(%arg7 : memref<!tpu.dma_semaphore, #tpu.memory_space<semaphore_mem>>) src(%arg6 : memref<128x16xf32, #tpu.memory_space<vmem>>) dst(%dma_wait3A_51 : memref<10240x16xf32, #tpu.memory_space<vmem_shared>>)
    %dma_wait3A_52 = arith.constant 0 : i32
    %dma_wait3A_53 = arith.constant 0 : i32
    %dma_wait3A_54 = tpu.memref_slice %arg5[%dma_wait3A_52, %dma_wait3A_53] : memref<80x128xi32, #tpu.memory_space<vmem>> -> memref<1x128xi32, #tpu.memory_space<vmem>>
    %dma_wait3A_55 = tpu.memref_squeeze %dma_wait3A_54 : memref<1x128xi32, #tpu.memory_space<vmem>> -> memref<128xi32, #tpu.memory_space<vmem>>
    %dma_wait3A_56 = arith.constant 0 : i32
    %dma_wait3A_57 = arith.constant 0 : i32
    %dma_wait3A_58 = tpu.memref_slice %arg4[%dma_wait3A_56, %dma_wait3A_57] : memref<10240x16xf32, #tpu.memory_space<vmem_shared>> -> memref<10240x16xf32, #tpu.memory_space<vmem_shared>>
    tpu.wait_indirect_dma semaphore(%arg7 : memref<!tpu.dma_semaphore, #tpu.memory_space<semaphore_mem>>) src(%arg6 : memref<128x16xf32, #tpu.memory_space<vmem>>) dst(%dma_wait3A_58 : memref<10240x16xf32, #tpu.memory_space<vmem_shared>>)
    %dma_wait3A_59 = arith.constant 0 : i32
    %dma_wait3A_60 = arith.constant 0 : i32
    %dma_wait3A_61 = tpu.memref_slice %arg5[%dma_wait3A_59, %dma_wait3A_60] : memref<80x128xi32, #tpu.memory_space<vmem>> -> memref<1x128xi32, #tpu.memory_space<vmem>>
    %dma_wait3A_62 = tpu.memref_squeeze %dma_wait3A_61 : memref<1x128xi32, #tpu.memory_space<vmem>> -> memref<128xi32, #tpu.memory_space<vmem>>
    %dma_wait3A_63 = arith.constant 0 : i32
    %dma_wait3A_64 = arith.constant 0 : i32
    %dma_wait3A_65 = tpu.memref_slice %arg4[%dma_wait3A_63, %dma_wait3A_64] : memref<10240x16xf32, #tpu.memory_space<vmem_shared>> -> memref<10240x16xf32, #tpu.memory_space<vmem_shared>>
    tpu.wait_indirect_dma semaphore(%arg7 : memref<!tpu.dma_semaphore, #tpu.memory_space<semaphore_mem>>) src(%arg6 : memref<128x16xf32, #tpu.memory_space<vmem>>) dst(%dma_wait3A_65 : memref<10240x16xf32, #tpu.memory_space<vmem_shared>>)
    %dma_wait3A_66 = arith.constant 0 : i32
    %dma_wait3A_67 = arith.constant 0 : i32
    %dma_wait3A_68 = tpu.memref_slice %arg5[%dma_wait3A_66, %dma_wait3A_67] : memref<80x128xi32, #tpu.memory_space<vmem>> -> memref<1x128xi32, #tpu.memory_space<vmem>>
    %dma_wait3A_69 = tpu.memref_squeeze %dma_wait3A_68 : memref<1x128xi32, #tpu.memory_space<vmem>> -> memref<128xi32, #tpu.memory_space<vmem>>
    %dma_wait3A_70 = arith.constant 0 : i32
    %dma_wait3A_71 = arith.constant 0 : i32
    %dma_wait3A_72 = tpu.memref_slice %arg4[%dma_wait3A_70, %dma_wait3A_71] : memref<10240x16xf32, #tpu.memory_space<vmem_shared>> -> memref<10240x16xf32, #tpu.memory_space<vmem_shared>>
    tpu.wait_indirect_dma semaphore(%arg7 : memref<!tpu.dma_semaphore, #tpu.memory_space<semaphore_mem>>) src(%arg6 : memref<128x16xf32, #tpu.memory_space<vmem>>) dst(%dma_wait3A_72 : memref<10240x16xf32, #tpu.memory_space<vmem_shared>>)
    %dma_wait3A_73 = arith.constant 0 : i32
    %dma_wait3A_74 = arith.constant 0 : i32
    %dma_wait3A_75 = tpu.memref_slice %arg5[%dma_wait3A_73, %dma_wait3A_74] : memref<80x128xi32, #tpu.memory_space<vmem>> -> memref<1x128xi32, #tpu.memory_space<vmem>>
    %dma_wait3A_76 = tpu.memref_squeeze %dma_wait3A_75 : memref<1x128xi32, #tpu.memory_space<vmem>> -> memref<128xi32, #tpu.memory_space<vmem>>
    %dma_wait3A_77 = arith.constant 0 : i32
    %dma_wait3A_78 = arith.constant 0 : i32
    %dma_wait3A_79 = tpu.memref_slice %arg4[%dma_wait3A_77, %dma_wait3A_78] : memref<10240x16xf32, #tpu.memory_space<vmem_shared>> -> memref<10240x16xf32, #tpu.memory_space<vmem_shared>>
    tpu.wait_indirect_dma semaphore(%arg7 : memref<!tpu.dma_semaphore, #tpu.memory_space<semaphore_mem>>) src(%arg6 : memref<128x16xf32, #tpu.memory_space<vmem>>) dst(%dma_wait3A_79 : memref<10240x16xf32, #tpu.memory_space<vmem_shared>>)
    %dma_wait3A_80 = arith.constant 0 : i32
    %dma_wait3A_81 = arith.constant 0 : i32
    %dma_wait3A_82 = tpu.memref_slice %arg5[%dma_wait3A_80, %dma_wait3A_81] : memref<80x128xi32, #tpu.memory_space<vmem>> -> memref<1x128xi32, #tpu.memory_space<vmem>>
    %dma_wait3A_83 = tpu.memref_squeeze %dma_wait3A_82 : memref<1x128xi32, #tpu.memory_space<vmem>> -> memref<128xi32, #tpu.memory_space<vmem>>
    %dma_wait3A_84 = arith.constant 0 : i32
    %dma_wait3A_85 = arith.constant 0 : i32
    %dma_wait3A_86 = tpu.memref_slice %arg4[%dma_wait3A_84, %dma_wait3A_85] : memref<10240x16xf32, #tpu.memory_space<vmem_shared>> -> memref<10240x16xf32, #tpu.memory_space<vmem_shared>>
    tpu.wait_indirect_dma semaphore(%arg7 : memref<!tpu.dma_semaphore, #tpu.memory_space<semaphore_mem>>) src(%arg6 : memref<128x16xf32, #tpu.memory_space<vmem>>) dst(%dma_wait3A_86 : memref<10240x16xf32, #tpu.memory_space<vmem_shared>>)
    %dma_wait3A_87 = arith.constant 0 : i32
    %dma_wait3A_88 = arith.constant 0 : i32
    %dma_wait3A_89 = tpu.memref_slice %arg5[%dma_wait3A_87, %dma_wait3A_88] : memref<80x128xi32, #tpu.memory_space<vmem>> -> memref<1x128xi32, #tpu.memory_space<vmem>>
    %dma_wait3A_90 = tpu.memref_squeeze %dma_wait3A_89 : memref<1x128xi32, #tpu.memory_space<vmem>> -> memref<128xi32, #tpu.memory_space<vmem>>
    %dma_wait3A_91 = arith.constant 0 : i32
    %dma_wait3A_92 = arith.constant 0 : i32
    %dma_wait3A_93 = tpu.memref_slice %arg4[%dma_wait3A_91, %dma_wait3A_92] : memref<10240x16xf32, #tpu.memory_space<vmem_shared>> -> memref<10240x16xf32, #tpu.memory_space<vmem_shared>>
    tpu.wait_indirect_dma semaphore(%arg7 : memref<!tpu.dma_semaphore, #tpu.memory_space<semaphore_mem>>) src(%arg6 : memref<128x16xf32, #tpu.memory_space<vmem>>) dst(%dma_wait3A_93 : memref<10240x16xf32, #tpu.memory_space<vmem_shared>>)
    %dma_wait3A_94 = arith.constant 0 : i32
    %dma_wait3A_95 = arith.constant 0 : i32
    %dma_wait3A_96 = tpu.memref_slice %arg5[%dma_wait3A_94, %dma_wait3A_95] : memref<80x128xi32, #tpu.memory_space<vmem>> -> memref<1x128xi32, #tpu.memory_space<vmem>>
    %dma_wait3A_97 = tpu.memref_squeeze %dma_wait3A_96 : memref<1x128xi32, #tpu.memory_space<vmem>> -> memref<128xi32, #tpu.memory_space<vmem>>
    %dma_wait3A_98 = arith.constant 0 : i32
    %dma_wait3A_99 = arith.constant 0 : i32
    %dma_wait3A_100 = tpu.memref_slice %arg4[%dma_wait3A_98, %dma_wait3A_99] : memref<10240x16xf32, #tpu.memory_space<vmem_shared>> -> memref<10240x16xf32, #tpu.memory_space<vmem_shared>>
    tpu.wait_indirect_dma semaphore(%arg7 : memref<!tpu.dma_semaphore, #tpu.memory_space<semaphore_mem>>) src(%arg6 : memref<128x16xf32, #tpu.memory_space<vmem>>) dst(%dma_wait3A_100 : memref<10240x16xf32, #tpu.memory_space<vmem_shared>>)
    %barrier3A_101 = arith.constant 0 : index
    tpu.barrier barrier_id(%barrier3A_101)
    %mul3A_102 = arith.constant 640 : i32
    %mul3A_103 = arith.muli %arg1, %mul3A_102 : i32
    %add3A_104 = arith.constant 0 : i32
    %add3A_105 = arith.addi %mul3A_103, %add3A_104 : i32
    %mul3A_106 = arith.constant 640 : i32
    %mul3A_107 = arith.muli %arg1, %mul3A_106 : i32
    %add3A_108 = arith.constant 0 : i32
    %add3A_109 = arith.addi %mul3A_107, %add3A_108 : i32
    "tpu.region"() ({
      %run_scoped3A = tpu.sem_alloc : memref<!tpu.dma_semaphore, #tpu.memory_space<semaphore_mem>>
      %dma_start3A = arith.constant 0 : i32
      %dma_start3A_142 = tpu.memref_slice %arg3[%arg0, %add3A_109, %dma_start3A] : memref<2x10240x16xf32, #tpu.memory_space<hbm>> -> memref<1x128x16xf32, #tpu.memory_space<hbm>>
      %dma_start3A_143 = tpu.memref_squeeze %dma_start3A_142 : memref<1x128x16xf32, #tpu.memory_space<hbm>> -> memref<128x16xf32, #tpu.memory_space<hbm>>
      %dma_start3A_144 = arith.constant 0 : i32
      %dma_start3A_145 = tpu.memref_slice %arg4[%add3A_105, %dma_start3A_144] : memref<10240x16xf32, #tpu.memory_space<vmem_shared>> -> memref<128x16xf32, #tpu.memory_space<vmem_shared>>
      tpu.enqueue_dma source(%dma_start3A_145 : memref<128x16xf32, #tpu.memory_space<vmem_shared>>) target(%dma_start3A_143 : memref<128x16xf32, #tpu.memory_space<hbm>>) target_semaphore(%run_scoped3A : memref<!tpu.dma_semaphore, #tpu.memory_space<semaphore_mem>>)
      %dma_wait3A_146 = arith.constant 0 : i32
      %dma_wait3A_147 = tpu.memref_slice %arg3[%arg0, %add3A_109, %dma_wait3A_146] : memref<2x10240x16xf32, #tpu.memory_space<hbm>> -> memref<1x128x16xf32, #tpu.memory_space<hbm>>
      %dma_wait3A_148 = tpu.memref_squeeze %dma_wait3A_147 : memref<1x128x16xf32, #tpu.memory_space<hbm>> -> memref<128x16xf32, #tpu.memory_space<hbm>>
      %dma_wait3A_149 = arith.constant 0 : i32
      %dma_wait3A_150 = tpu.memref_slice %arg4[%add3A_105, %dma_wait3A_149] : memref<10240x16xf32, #tpu.memory_space<vmem_shared>> -> memref<128x16xf32, #tpu.memory_space<vmem_shared>>
      tpu.wait_dma2 semaphore(%run_scoped3A : memref<!tpu.dma_semaphore, #tpu.memory_space<semaphore_mem>>) src(%dma_wait3A_150 : memref<128x16xf32, #tpu.memory_space<vmem_shared>>) dst(%dma_wait3A_148 : memref<128x16xf32, #tpu.memory_space<hbm>>)
      tpu.yield
    }) : () -> ()
    %mul3A_110 = arith.constant 640 : i32
    %mul3A_111 = arith.muli %arg1, %mul3A_110 : i32
    %add3A_112 = arith.constant 128 : i32
    %add3A_113 = arith.addi %mul3A_111, %add3A_112 : i32
    %mul3A_114 = arith.constant 640 : i32
    %mul3A_115 = arith.muli %arg1, %mul3A_114 : i32
    %add3A_116 = arith.constant 128 : i32
    %add3A_117 = arith.addi %mul3A_115, %add3A_116 : i32
    "tpu.region"() ({
      %run_scoped3A = tpu.sem_alloc : memref<!tpu.dma_semaphore, #tpu.memory_space<semaphore_mem>>
      %dma_start3A = arith.constant 0 : i32
      %dma_start3A_142 = tpu.memref_slice %arg3[%arg0, %add3A_117, %dma_start3A] : memref<2x10240x16xf32, #tpu.memory_space<hbm>> -> memref<1x128x16xf32, #tpu.memory_space<hbm>>
      %dma_start3A_143 = tpu.memref_squeeze %dma_start3A_142 : memref<1x128x16xf32, #tpu.memory_space<hbm>> -> memref<128x16xf32, #tpu.memory_space<hbm>>
      %dma_start3A_144 = arith.constant 0 : i32
      %dma_start3A_145 = tpu.memref_slice %arg4[%add3A_113, %dma_start3A_144] : memref<10240x16xf32, #tpu.memory_space<vmem_shared>> -> memref<128x16xf32, #tpu.memory_space<vmem_shared>>
      tpu.enqueue_dma source(%dma_start3A_145 : memref<128x16xf32, #tpu.memory_space<vmem_shared>>) target(%dma_start3A_143 : memref<128x16xf32, #tpu.memory_space<hbm>>) target_semaphore(%run_scoped3A : memref<!tpu.dma_semaphore, #tpu.memory_space<semaphore_mem>>)
      %dma_wait3A_146 = arith.constant 0 : i32
      %dma_wait3A_147 = tpu.memref_slice %arg3[%arg0, %add3A_117, %dma_wait3A_146] : memref<2x10240x16xf32, #tpu.memory_space<hbm>> -> memref<1x128x16xf32, #tpu.memory_space<hbm>>
      %dma_wait3A_148 = tpu.memref_squeeze %dma_wait3A_147 : memref<1x128x16xf32, #tpu.memory_space<hbm>> -> memref<128x16xf32, #tpu.memory_space<hbm>>
      %dma_wait3A_149 = arith.constant 0 : i32
      %dma_wait3A_150 = tpu.memref_slice %arg4[%add3A_113, %dma_wait3A_149] : memref<10240x16xf32, #tpu.memory_space<vmem_shared>> -> memref<128x16xf32, #tpu.memory_space<vmem_shared>>
      tpu.wait_dma2 semaphore(%run_scoped3A : memref<!tpu.dma_semaphore, #tpu.memory_space<semaphore_mem>>) src(%dma_wait3A_150 : memref<128x16xf32, #tpu.memory_space<vmem_shared>>) dst(%dma_wait3A_148 : memref<128x16xf32, #tpu.memory_space<hbm>>)
      tpu.yield
    }) : () -> ()
    %mul3A_118 = arith.constant 640 : i32
    %mul3A_119 = arith.muli %arg1, %mul3A_118 : i32
    %add3A_120 = arith.constant 256 : i32
    %add3A_121 = arith.addi %mul3A_119, %add3A_120 : i32
    %mul3A_122 = arith.constant 640 : i32
    %mul3A_123 = arith.muli %arg1, %mul3A_122 : i32
    %add3A_124 = arith.constant 256 : i32
    %add3A_125 = arith.addi %mul3A_123, %add3A_124 : i32
    "tpu.region"() ({
      %run_scoped3A = tpu.sem_alloc : memref<!tpu.dma_semaphore, #tpu.memory_space<semaphore_mem>>
      %dma_start3A = arith.constant 0 : i32
      %dma_start3A_142 = tpu.memref_slice %arg3[%arg0, %add3A_125, %dma_start3A] : memref<2x10240x16xf32, #tpu.memory_space<hbm>> -> memref<1x128x16xf32, #tpu.memory_space<hbm>>
      %dma_start3A_143 = tpu.memref_squeeze %dma_start3A_142 : memref<1x128x16xf32, #tpu.memory_space<hbm>> -> memref<128x16xf32, #tpu.memory_space<hbm>>
      %dma_start3A_144 = arith.constant 0 : i32
      %dma_start3A_145 = tpu.memref_slice %arg4[%add3A_121, %dma_start3A_144] : memref<10240x16xf32, #tpu.memory_space<vmem_shared>> -> memref<128x16xf32, #tpu.memory_space<vmem_shared>>
      tpu.enqueue_dma source(%dma_start3A_145 : memref<128x16xf32, #tpu.memory_space<vmem_shared>>) target(%dma_start3A_143 : memref<128x16xf32, #tpu.memory_space<hbm>>) target_semaphore(%run_scoped3A : memref<!tpu.dma_semaphore, #tpu.memory_space<semaphore_mem>>)
      %dma_wait3A_146 = arith.constant 0 : i32
      %dma_wait3A_147 = tpu.memref_slice %arg3[%arg0, %add3A_125, %dma_wait3A_146] : memref<2x10240x16xf32, #tpu.memory_space<hbm>> -> memref<1x128x16xf32, #tpu.memory_space<hbm>>
      %dma_wait3A_148 = tpu.memref_squeeze %dma_wait3A_147 : memref<1x128x16xf32, #tpu.memory_space<hbm>> -> memref<128x16xf32, #tpu.memory_space<hbm>>
      %dma_wait3A_149 = arith.constant 0 : i32
      %dma_wait3A_150 = tpu.memref_slice %arg4[%add3A_121, %dma_wait3A_149] : memref<10240x16xf32, #tpu.memory_space<vmem_shared>> -> memref<128x16xf32, #tpu.memory_space<vmem_shared>>
      tpu.wait_dma2 semaphore(%run_scoped3A : memref<!tpu.dma_semaphore, #tpu.memory_space<semaphore_mem>>) src(%dma_wait3A_150 : memref<128x16xf32, #tpu.memory_space<vmem_shared>>) dst(%dma_wait3A_148 : memref<128x16xf32, #tpu.memory_space<hbm>>)
      tpu.yield
    }) : () -> ()
    %mul3A_126 = arith.constant 640 : i32
    %mul3A_127 = arith.muli %arg1, %mul3A_126 : i32
    %add3A_128 = arith.constant 384 : i32
    %add3A_129 = arith.addi %mul3A_127, %add3A_128 : i32
    %mul3A_130 = arith.constant 640 : i32
    %mul3A_131 = arith.muli %arg1, %mul3A_130 : i32
    %add3A_132 = arith.constant 384 : i32
    %add3A_133 = arith.addi %mul3A_131, %add3A_132 : i32
    "tpu.region"() ({
      %run_scoped3A = tpu.sem_alloc : memref<!tpu.dma_semaphore, #tpu.memory_space<semaphore_mem>>
      %dma_start3A = arith.constant 0 : i32
      %dma_start3A_142 = tpu.memref_slice %arg3[%arg0, %add3A_133, %dma_start3A] : memref<2x10240x16xf32, #tpu.memory_space<hbm>> -> memref<1x128x16xf32, #tpu.memory_space<hbm>>
      %dma_start3A_143 = tpu.memref_squeeze %dma_start3A_142 : memref<1x128x16xf32, #tpu.memory_space<hbm>> -> memref<128x16xf32, #tpu.memory_space<hbm>>
      %dma_start3A_144 = arith.constant 0 : i32
      %dma_start3A_145 = tpu.memref_slice %arg4[%add3A_129, %dma_start3A_144] : memref<10240x16xf32, #tpu.memory_space<vmem_shared>> -> memref<128x16xf32, #tpu.memory_space<vmem_shared>>
      tpu.enqueue_dma source(%dma_start3A_145 : memref<128x16xf32, #tpu.memory_space<vmem_shared>>) target(%dma_start3A_143 : memref<128x16xf32, #tpu.memory_space<hbm>>) target_semaphore(%run_scoped3A : memref<!tpu.dma_semaphore, #tpu.memory_space<semaphore_mem>>)
      %dma_wait3A_146 = arith.constant 0 : i32
      %dma_wait3A_147 = tpu.memref_slice %arg3[%arg0, %add3A_133, %dma_wait3A_146] : memref<2x10240x16xf32, #tpu.memory_space<hbm>> -> memref<1x128x16xf32, #tpu.memory_space<hbm>>
      %dma_wait3A_148 = tpu.memref_squeeze %dma_wait3A_147 : memref<1x128x16xf32, #tpu.memory_space<hbm>> -> memref<128x16xf32, #tpu.memory_space<hbm>>
      %dma_wait3A_149 = arith.constant 0 : i32
      %dma_wait3A_150 = tpu.memref_slice %arg4[%add3A_129, %dma_wait3A_149] : memref<10240x16xf32, #tpu.memory_space<vmem_shared>> -> memref<128x16xf32, #tpu.memory_space<vmem_shared>>
      tpu.wait_dma2 semaphore(%run_scoped3A : memref<!tpu.dma_semaphore, #tpu.memory_space<semaphore_mem>>) src(%dma_wait3A_150 : memref<128x16xf32, #tpu.memory_space<vmem_shared>>) dst(%dma_wait3A_148 : memref<128x16xf32, #tpu.memory_space<hbm>>)
      tpu.yield
    }) : () -> ()
    %mul3A_134 = arith.constant 640 : i32
    %mul3A_135 = arith.muli %arg1, %mul3A_134 : i32
    %add3A_136 = arith.constant 512 : i32
    %add3A_137 = arith.addi %mul3A_135, %add3A_136 : i32
    %mul3A_138 = arith.constant 640 : i32
    %mul3A_139 = arith.muli %arg1, %mul3A_138 : i32
    %add3A_140 = arith.constant 512 : i32
    %add3A_141 = arith.addi %mul3A_139, %add3A_140 : i32
    "tpu.region"() ({
      %run_scoped3A = tpu.sem_alloc : memref<!tpu.dma_semaphore, #tpu.memory_space<semaphore_mem>>
      %dma_start3A = arith.constant 0 : i32
      %dma_start3A_142 = tpu.memref_slice %arg3[%arg0, %add3A_141, %dma_start3A] : memref<2x10240x16xf32, #tpu.memory_space<hbm>> -> memref<1x128x16xf32, #tpu.memory_space<hbm>>
      %dma_start3A_143 = tpu.memref_squeeze %dma_start3A_142 : memref<1x128x16xf32, #tpu.memory_space<hbm>> -> memref<128x16xf32, #tpu.memory_space<hbm>>
      %dma_start3A_144 = arith.constant 0 : i32
      %dma_start3A_145 = tpu.memref_slice %arg4[%add3A_137, %dma_start3A_144] : memref<10240x16xf32, #tpu.memory_space<vmem_shared>> -> memref<128x16xf32, #tpu.memory_space<vmem_shared>>
      tpu.enqueue_dma source(%dma_start3A_145 : memref<128x16xf32, #tpu.memory_space<vmem_shared>>) target(%dma_start3A_143 : memref<128x16xf32, #tpu.memory_space<hbm>>) target_semaphore(%run_scoped3A : memref<!tpu.dma_semaphore, #tpu.memory_space<semaphore_mem>>)
      %dma_wait3A_146 = arith.constant 0 : i32
      %dma_wait3A_147 = tpu.memref_slice %arg3[%arg0, %add3A_141, %dma_wait3A_146] : memref<2x10240x16xf32, #tpu.memory_space<hbm>> -> memref<1x128x16xf32, #tpu.memory_space<hbm>>
      %dma_wait3A_148 = tpu.memref_squeeze %dma_wait3A_147 : memref<1x128x16xf32, #tpu.memory_space<hbm>> -> memref<128x16xf32, #tpu.memory_space<hbm>>
      %dma_wait3A_149 = arith.constant 0 : i32
      %dma_wait3A_150 = tpu.memref_slice %arg4[%add3A_137, %dma_wait3A_149] : memref<10240x16xf32, #tpu.memory_space<vmem_shared>> -> memref<128x16xf32, #tpu.memory_space<vmem_shared>>
      tpu.wait_dma2 semaphore(%run_scoped3A : memref<!tpu.dma_semaphore, #tpu.memory_space<semaphore_mem>>) src(%dma_wait3A_150 : memref<128x16xf32, #tpu.memory_space<vmem_shared>>) dst(%dma_wait3A_148 : memref<128x16xf32, #tpu.memory_space<hbm>>)
      tpu.yield
    }) : () -> ()
    return
  }
}

#map = affine_map<(d0, d1) -> (0, 0)>
#map1 = affine_map<(d0, d1) -> (0, 0, 0)>
module attributes {stable_mosaic.version = 14 : i64} {
  func.func @_spmm_body(%arg0: i32, %arg1: i32, %arg2: memref<10000x128xf32, #tpu.memory_space<hbm>>, %arg3: memref<2560x128xi32, #tpu.memory_space<hbm>>, %arg4: memref<2560x128xi32, #tpu.memory_space<hbm>>, %arg5: memref<2x10240x128xf32, #tpu.memory_space<hbm>>, %arg6: memref<10240x128xf32, #tpu.memory_space<vmem_shared>>, %arg7: memref<2x16x128xi32, #tpu.memory_space<vmem>>, %arg8: memref<2x16x128xi32, #tpu.memory_space<vmem>>, %arg9: memref<128x128xf32, #tpu.memory_space<vmem>>, %arg10: memref<128x128xf32, #tpu.memory_space<vmem>>, %arg11: memref<!tpu.dma_semaphore, #tpu.memory_space<semaphore_mem>>, %arg12: memref<!tpu.dma_semaphore, #tpu.memory_space<semaphore_mem>>, %arg13: memref<!tpu.dma_semaphore, #tpu.memory_space<semaphore_mem>>, %arg14: memref<!tpu.dma_semaphore, #tpu.memory_space<semaphore_mem>>, %arg15: memref<!tpu.dma_semaphore, #tpu.memory_space<semaphore_mem>>) attributes {dimension_semantics = [#tpu.dimension_semantics<core_parallel>, #tpu.dimension_semantics<subcore_parallel>], iteration_bounds = array<i64: 2, 16>, scalar_prefetch = 0 : i64, scratch_operands = 10 : i64, tpu.core_type = #tpu.core_type<sc_vector_subcore>, window_params = [{transform_indices = #map}, {transform_indices = #map}, {transform_indices = #map}, {transform_indices = #map1}]} {
    %mul3A = arith.constant 16 : i32
    %mul3A_0 = arith.muli %arg0, %mul3A : i32
    %add3A = arith.addi %mul3A_0, %arg1 : i32
    %mul3A_1 = arith.constant 80 : i32
    %mul3A_2 = arith.muli %add3A, %mul3A_1 : i32
    %broadcast_in_dim3A = arith.constant 0.000000e+00 : f32
    %broadcast_in_dim3A_3 = vector.broadcast %broadcast_in_dim3A : f32 to vector<16xf32>
    %scan3A = arith.constant 0 : i32
    %scan3A_4 = arith.constant 0 : i32
    %scan3A_5 = arith.constant 128 : i32
    %scan3A_6 = arith.addi %scan3A_4, %scan3A_5 : i32
    %scan3A_7 = arith.constant 1 : i32
    %scan3A_8 = scf.for %scan3A_86 = %scan3A_4 to %scan3A_6 step %scan3A_7 iter_args(%scan3A_87 = %scan3A) -> (i32)  : i32 {
      %swap3A = arith.index_cast %scan3A_86 : i32 to index
      %swap3A_88 = arith.constant 0 : index
      %swap3A_89 = tpu.vector_load %arg9[%swap3A, %swap3A_88] {strides = array<i32>} : memref<128x128xf32, #tpu.memory_space<vmem>>, vector<1x16xf32>,
      %swap3A_90 = vector.shape_cast %swap3A_89 : vector<1x16xf32> to vector<16xf32>
      %swap3A_91 = vector.shape_cast %broadcast_in_dim3A_3 : vector<16xf32> to vector<1x16xf32>
      tpu.vector_store %arg9[%swap3A, %swap3A_88], %swap3A_91 {strides = array<i32>} : memref<128x128xf32, #tpu.memory_space<vmem>>, vector<1x16xf32>,
      %swap3A_92 = arith.index_cast %scan3A_86 : i32 to index
      %swap3A_93 = arith.constant 16 : index
      %swap3A_94 = tpu.vector_load %arg9[%swap3A_92, %swap3A_93] {strides = array<i32>} : memref<128x128xf32, #tpu.memory_space<vmem>>, vector<1x16xf32>,
      %swap3A_95 = vector.shape_cast %swap3A_94 : vector<1x16xf32> to vector<16xf32>
      %swap3A_96 = vector.shape_cast %broadcast_in_dim3A_3 : vector<16xf32> to vector<1x16xf32>
      tpu.vector_store %arg9[%swap3A_92, %swap3A_93], %swap3A_96 {strides = array<i32>} : memref<128x128xf32, #tpu.memory_space<vmem>>, vector<1x16xf32>,
      %swap3A_97 = arith.index_cast %scan3A_86 : i32 to index
      %swap3A_98 = arith.constant 32 : index
      %swap3A_99 = tpu.vector_load %arg9[%swap3A_97, %swap3A_98] {strides = array<i32>} : memref<128x128xf32, #tpu.memory_space<vmem>>, vector<1x16xf32>,
      %swap3A_100 = vector.shape_cast %swap3A_99 : vector<1x16xf32> to vector<16xf32>
      %swap3A_101 = vector.shape_cast %broadcast_in_dim3A_3 : vector<16xf32> to vector<1x16xf32>
      tpu.vector_store %arg9[%swap3A_97, %swap3A_98], %swap3A_101 {strides = array<i32>} : memref<128x128xf32, #tpu.memory_space<vmem>>, vector<1x16xf32>,
      %swap3A_102 = arith.index_cast %scan3A_86 : i32 to index
      %swap3A_103 = arith.constant 48 : index
      %swap3A_104 = tpu.vector_load %arg9[%swap3A_102, %swap3A_103] {strides = array<i32>} : memref<128x128xf32, #tpu.memory_space<vmem>>, vector<1x16xf32>,
      %swap3A_105 = vector.shape_cast %swap3A_104 : vector<1x16xf32> to vector<16xf32>
      %swap3A_106 = vector.shape_cast %broadcast_in_dim3A_3 : vector<16xf32> to vector<1x16xf32>
      tpu.vector_store %arg9[%swap3A_102, %swap3A_103], %swap3A_106 {strides = array<i32>} : memref<128x128xf32, #tpu.memory_space<vmem>>, vector<1x16xf32>,
      %swap3A_107 = arith.index_cast %scan3A_86 : i32 to index
      %swap3A_108 = arith.constant 64 : index
      %swap3A_109 = tpu.vector_load %arg9[%swap3A_107, %swap3A_108] {strides = array<i32>} : memref<128x128xf32, #tpu.memory_space<vmem>>, vector<1x16xf32>,
      %swap3A_110 = vector.shape_cast %swap3A_109 : vector<1x16xf32> to vector<16xf32>
      %swap3A_111 = vector.shape_cast %broadcast_in_dim3A_3 : vector<16xf32> to vector<1x16xf32>
      tpu.vector_store %arg9[%swap3A_107, %swap3A_108], %swap3A_111 {strides = array<i32>} : memref<128x128xf32, #tpu.memory_space<vmem>>, vector<1x16xf32>,
      %swap3A_112 = arith.index_cast %scan3A_86 : i32 to index
      %swap3A_113 = arith.constant 80 : index
      %swap3A_114 = tpu.vector_load %arg9[%swap3A_112, %swap3A_113] {strides = array<i32>} : memref<128x128xf32, #tpu.memory_space<vmem>>, vector<1x16xf32>,
      %swap3A_115 = vector.shape_cast %swap3A_114 : vector<1x16xf32> to vector<16xf32>
      %swap3A_116 = vector.shape_cast %broadcast_in_dim3A_3 : vector<16xf32> to vector<1x16xf32>
      tpu.vector_store %arg9[%swap3A_112, %swap3A_113], %swap3A_116 {strides = array<i32>} : memref<128x128xf32, #tpu.memory_space<vmem>>, vector<1x16xf32>,
      %swap3A_117 = arith.index_cast %scan3A_86 : i32 to index
      %swap3A_118 = arith.constant 96 : index
      %swap3A_119 = tpu.vector_load %arg9[%swap3A_117, %swap3A_118] {strides = array<i32>} : memref<128x128xf32, #tpu.memory_space<vmem>>, vector<1x16xf32>,
      %swap3A_120 = vector.shape_cast %swap3A_119 : vector<1x16xf32> to vector<16xf32>
      %swap3A_121 = vector.shape_cast %broadcast_in_dim3A_3 : vector<16xf32> to vector<1x16xf32>
      tpu.vector_store %arg9[%swap3A_117, %swap3A_118], %swap3A_121 {strides = array<i32>} : memref<128x128xf32, #tpu.memory_space<vmem>>, vector<1x16xf32>,
      %swap3A_122 = arith.index_cast %scan3A_86 : i32 to index
      %swap3A_123 = arith.constant 112 : index
      %swap3A_124 = tpu.vector_load %arg9[%swap3A_122, %swap3A_123] {strides = array<i32>} : memref<128x128xf32, #tpu.memory_space<vmem>>, vector<1x16xf32>,
      %swap3A_125 = vector.shape_cast %swap3A_124 : vector<1x16xf32> to vector<16xf32>
      %swap3A_126 = vector.shape_cast %broadcast_in_dim3A_3 : vector<16xf32> to vector<1x16xf32>
      tpu.vector_store %arg9[%swap3A_122, %swap3A_123], %swap3A_126 {strides = array<i32>} : memref<128x128xf32, #tpu.memory_space<vmem>>, vector<1x16xf32>,
      %scan3A_127 = arith.constant 0 : i32
      scf.yield %scan3A_127 : i32
    }
    %scan3A_9 = arith.constant 128 : i32
    %mul3A_10 = arith.constant 640 : i32
    %mul3A_11 = arith.muli %arg1, %mul3A_10 : i32
    %add3A_12 = arith.constant 0 : i32
    %add3A_13 = arith.addi %mul3A_11, %add3A_12 : i32
    "tpu.region"() ({
      %run_scoped3A_86 = tpu.sem_alloc : memref<!tpu.dma_semaphore, #tpu.memory_space<semaphore_mem>>
      %dma_start3A_87 = arith.constant 0 : i32
      %dma_start3A_88 = tpu.memref_slice %arg6[%add3A_13, %dma_start3A_87] : memref<10240x128xf32, #tpu.memory_space<vmem_shared>> -> memref<128x128xf32, #tpu.memory_space<vmem_shared>>
      %dma_start3A_89 = arith.constant 0 : i32
      %dma_start3A_90 = tpu.memref_slice %arg6[%add3A_13, %dma_start3A_89] : memref<10240x128xf32, #tpu.memory_space<vmem_shared>> -> memref<128x128xf32, #tpu.memory_space<vmem_shared>>
      tpu.enqueue_dma source(%arg9 : memref<128x128xf32, #tpu.memory_space<vmem>>) target(%dma_start3A_90 : memref<128x128xf32, #tpu.memory_space<vmem_shared>>) target_semaphore(%run_scoped3A_86 : memref<!tpu.dma_semaphore, #tpu.memory_space<semaphore_mem>>)
      %dma_wait3A = arith.constant 0 : i32
      %dma_wait3A_91 = tpu.memref_slice %arg6[%add3A_13, %dma_wait3A] : memref<10240x128xf32, #tpu.memory_space<vmem_shared>> -> memref<128x128xf32, #tpu.memory_space<vmem_shared>>
      %dma_wait3A_92 = arith.constant 0 : i32
      %dma_wait3A_93 = tpu.memref_slice %arg6[%add3A_13, %dma_wait3A_92] : memref<10240x128xf32, #tpu.memory_space<vmem_shared>> -> memref<128x128xf32, #tpu.memory_space<vmem_shared>>
      tpu.wait_dma2 semaphore(%run_scoped3A_86 : memref<!tpu.dma_semaphore, #tpu.memory_space<semaphore_mem>>) src(%arg9 : memref<128x128xf32, #tpu.memory_space<vmem>>) dst(%dma_wait3A_93 : memref<128x128xf32, #tpu.memory_space<vmem_shared>>)
      tpu.yield
    }) : () -> ()
    %mul3A_14 = arith.constant 640 : i32
    %mul3A_15 = arith.muli %arg1, %mul3A_14 : i32
    %add3A_16 = arith.constant 128 : i32
    %add3A_17 = arith.addi %mul3A_15, %add3A_16 : i32
    "tpu.region"() ({
      %run_scoped3A_86 = tpu.sem_alloc : memref<!tpu.dma_semaphore, #tpu.memory_space<semaphore_mem>>
      %dma_start3A_87 = arith.constant 0 : i32
      %dma_start3A_88 = tpu.memref_slice %arg6[%add3A_17, %dma_start3A_87] : memref<10240x128xf32, #tpu.memory_space<vmem_shared>> -> memref<128x128xf32, #tpu.memory_space<vmem_shared>>
      %dma_start3A_89 = arith.constant 0 : i32
      %dma_start3A_90 = tpu.memref_slice %arg6[%add3A_17, %dma_start3A_89] : memref<10240x128xf32, #tpu.memory_space<vmem_shared>> -> memref<128x128xf32, #tpu.memory_space<vmem_shared>>
      tpu.enqueue_dma source(%arg9 : memref<128x128xf32, #tpu.memory_space<vmem>>) target(%dma_start3A_90 : memref<128x128xf32, #tpu.memory_space<vmem_shared>>) target_semaphore(%run_scoped3A_86 : memref<!tpu.dma_semaphore, #tpu.memory_space<semaphore_mem>>)
      %dma_wait3A = arith.constant 0 : i32
      %dma_wait3A_91 = tpu.memref_slice %arg6[%add3A_17, %dma_wait3A] : memref<10240x128xf32, #tpu.memory_space<vmem_shared>> -> memref<128x128xf32, #tpu.memory_space<vmem_shared>>
      %dma_wait3A_92 = arith.constant 0 : i32
      %dma_wait3A_93 = tpu.memref_slice %arg6[%add3A_17, %dma_wait3A_92] : memref<10240x128xf32, #tpu.memory_space<vmem_shared>> -> memref<128x128xf32, #tpu.memory_space<vmem_shared>>
      tpu.wait_dma2 semaphore(%run_scoped3A_86 : memref<!tpu.dma_semaphore, #tpu.memory_space<semaphore_mem>>) src(%arg9 : memref<128x128xf32, #tpu.memory_space<vmem>>) dst(%dma_wait3A_93 : memref<128x128xf32, #tpu.memory_space<vmem_shared>>)
      tpu.yield
    }) : () -> ()
    %mul3A_18 = arith.constant 640 : i32
    %mul3A_19 = arith.muli %arg1, %mul3A_18 : i32
    %add3A_20 = arith.constant 256 : i32
    %add3A_21 = arith.addi %mul3A_19, %add3A_20 : i32
    "tpu.region"() ({
      %run_scoped3A_86 = tpu.sem_alloc : memref<!tpu.dma_semaphore, #tpu.memory_space<semaphore_mem>>
      %dma_start3A_87 = arith.constant 0 : i32
      %dma_start3A_88 = tpu.memref_slice %arg6[%add3A_21, %dma_start3A_87] : memref<10240x128xf32, #tpu.memory_space<vmem_shared>> -> memref<128x128xf32, #tpu.memory_space<vmem_shared>>
      %dma_start3A_89 = arith.constant 0 : i32
      %dma_start3A_90 = tpu.memref_slice %arg6[%add3A_21, %dma_start3A_89] : memref<10240x128xf32, #tpu.memory_space<vmem_shared>> -> memref<128x128xf32, #tpu.memory_space<vmem_shared>>
      tpu.enqueue_dma source(%arg9 : memref<128x128xf32, #tpu.memory_space<vmem>>) target(%dma_start3A_90 : memref<128x128xf32, #tpu.memory_space<vmem_shared>>) target_semaphore(%run_scoped3A_86 : memref<!tpu.dma_semaphore, #tpu.memory_space<semaphore_mem>>)
      %dma_wait3A = arith.constant 0 : i32
      %dma_wait3A_91 = tpu.memref_slice %arg6[%add3A_21, %dma_wait3A] : memref<10240x128xf32, #tpu.memory_space<vmem_shared>> -> memref<128x128xf32, #tpu.memory_space<vmem_shared>>
      %dma_wait3A_92 = arith.constant 0 : i32
      %dma_wait3A_93 = tpu.memref_slice %arg6[%add3A_21, %dma_wait3A_92] : memref<10240x128xf32, #tpu.memory_space<vmem_shared>> -> memref<128x128xf32, #tpu.memory_space<vmem_shared>>
      tpu.wait_dma2 semaphore(%run_scoped3A_86 : memref<!tpu.dma_semaphore, #tpu.memory_space<semaphore_mem>>) src(%arg9 : memref<128x128xf32, #tpu.memory_space<vmem>>) dst(%dma_wait3A_93 : memref<128x128xf32, #tpu.memory_space<vmem_shared>>)
      tpu.yield
    }) : () -> ()
    %mul3A_22 = arith.constant 640 : i32
    %mul3A_23 = arith.muli %arg1, %mul3A_22 : i32
    %add3A_24 = arith.constant 384 : i32
    %add3A_25 = arith.addi %mul3A_23, %add3A_24 : i32
    "tpu.region"() ({
      %run_scoped3A_86 = tpu.sem_alloc : memref<!tpu.dma_semaphore, #tpu.memory_space<semaphore_mem>>
      %dma_start3A_87 = arith.constant 0 : i32
      %dma_start3A_88 = tpu.memref_slice %arg6[%add3A_25, %dma_start3A_87] : memref<10240x128xf32, #tpu.memory_space<vmem_shared>> -> memref<128x128xf32, #tpu.memory_space<vmem_shared>>
      %dma_start3A_89 = arith.constant 0 : i32
      %dma_start3A_90 = tpu.memref_slice %arg6[%add3A_25, %dma_start3A_89] : memref<10240x128xf32, #tpu.memory_space<vmem_shared>> -> memref<128x128xf32, #tpu.memory_space<vmem_shared>>
      tpu.enqueue_dma source(%arg9 : memref<128x128xf32, #tpu.memory_space<vmem>>) target(%dma_start3A_90 : memref<128x128xf32, #tpu.memory_space<vmem_shared>>) target_semaphore(%run_scoped3A_86 : memref<!tpu.dma_semaphore, #tpu.memory_space<semaphore_mem>>)
      %dma_wait3A = arith.constant 0 : i32
      %dma_wait3A_91 = tpu.memref_slice %arg6[%add3A_25, %dma_wait3A] : memref<10240x128xf32, #tpu.memory_space<vmem_shared>> -> memref<128x128xf32, #tpu.memory_space<vmem_shared>>
      %dma_wait3A_92 = arith.constant 0 : i32
      %dma_wait3A_93 = tpu.memref_slice %arg6[%add3A_25, %dma_wait3A_92] : memref<10240x128xf32, #tpu.memory_space<vmem_shared>> -> memref<128x128xf32, #tpu.memory_space<vmem_shared>>
      tpu.wait_dma2 semaphore(%run_scoped3A_86 : memref<!tpu.dma_semaphore, #tpu.memory_space<semaphore_mem>>) src(%arg9 : memref<128x128xf32, #tpu.memory_space<vmem>>) dst(%dma_wait3A_93 : memref<128x128xf32, #tpu.memory_space<vmem_shared>>)
      tpu.yield
    }) : () -> ()
    %mul3A_26 = arith.constant 640 : i32
    %mul3A_27 = arith.muli %arg1, %mul3A_26 : i32
    %add3A_28 = arith.constant 512 : i32
    %add3A_29 = arith.addi %mul3A_27, %add3A_28 : i32
    "tpu.region"() ({
      %run_scoped3A_86 = tpu.sem_alloc : memref<!tpu.dma_semaphore, #tpu.memory_space<semaphore_mem>>
      %dma_start3A_87 = arith.constant 0 : i32
      %dma_start3A_88 = tpu.memref_slice %arg6[%add3A_29, %dma_start3A_87] : memref<10240x128xf32, #tpu.memory_space<vmem_shared>> -> memref<128x128xf32, #tpu.memory_space<vmem_shared>>
      %dma_start3A_89 = arith.constant 0 : i32
      %dma_start3A_90 = tpu.memref_slice %arg6[%add3A_29, %dma_start3A_89] : memref<10240x128xf32, #tpu.memory_space<vmem_shared>> -> memref<128x128xf32, #tpu.memory_space<vmem_shared>>
      tpu.enqueue_dma source(%arg9 : memref<128x128xf32, #tpu.memory_space<vmem>>) target(%dma_start3A_90 : memref<128x128xf32, #tpu.memory_space<vmem_shared>>) target_semaphore(%run_scoped3A_86 : memref<!tpu.dma_semaphore, #tpu.memory_space<semaphore_mem>>)
      %dma_wait3A = arith.constant 0 : i32
      %dma_wait3A_91 = tpu.memref_slice %arg6[%add3A_29, %dma_wait3A] : memref<10240x128xf32, #tpu.memory_space<vmem_shared>> -> memref<128x128xf32, #tpu.memory_space<vmem_shared>>
      %dma_wait3A_92 = arith.constant 0 : i32
      %dma_wait3A_93 = tpu.memref_slice %arg6[%add3A_29, %dma_wait3A_92] : memref<10240x128xf32, #tpu.memory_space<vmem_shared>> -> memref<128x128xf32, #tpu.memory_space<vmem_shared>>
      tpu.wait_dma2 semaphore(%run_scoped3A_86 : memref<!tpu.dma_semaphore, #tpu.memory_space<semaphore_mem>>) src(%arg9 : memref<128x128xf32, #tpu.memory_space<vmem>>) dst(%dma_wait3A_93 : memref<128x128xf32, #tpu.memory_space<vmem_shared>>)
      tpu.yield
    }) : () -> ()
    %barrier3A = arith.constant 0 : index
    tpu.barrier barrier_id(%barrier3A)
    %run_scoped3A = arith.constant 0 : i32
    "tpu.region"() ({
      %run_scoped3A_86 = tpu.sem_alloc : memref<!tpu.dma_semaphore, #tpu.memory_space<semaphore_mem>>
      %dma_start3A_87 = arith.constant 0 : i32
      %dma_start3A_88 = arith.constant 0 : i32
      %dma_start3A_89 = tpu.memref_slice %arg7[%run_scoped3A, %dma_start3A_87, %dma_start3A_88] : memref<2x16x128xi32, #tpu.memory_space<vmem>> -> memref<1x16x128xi32, #tpu.memory_space<vmem>>
      %dma_start3A_90 = tpu.memref_squeeze %dma_start3A_89 : memref<1x16x128xi32, #tpu.memory_space<vmem>> -> memref<16x128xi32, #tpu.memory_space<vmem>>
      %dma_start3A_91 = arith.constant 0 : i32
      %dma_start3A_92 = tpu.memref_slice %arg3[%mul3A_2, %dma_start3A_91] : memref<2560x128xi32, #tpu.memory_space<hbm>> -> memref<16x128xi32, #tpu.memory_space<hbm>>
      %dma_start3A_93 = arith.constant 0 : i32
      %dma_start3A_94 = arith.constant 0 : i32
      %dma_start3A_95 = tpu.memref_slice %arg7[%run_scoped3A, %dma_start3A_93, %dma_start3A_94] : memref<2x16x128xi32, #tpu.memory_space<vmem>> -> memref<1x16x128xi32, #tpu.memory_space<vmem>>
      %dma_start3A_96 = tpu.memref_squeeze %dma_start3A_95 : memref<1x16x128xi32, #tpu.memory_space<vmem>> -> memref<16x128xi32, #tpu.memory_space<vmem>>
      %dma_start3A_97 = arith.constant 0 : i32
      %dma_start3A_98 = tpu.memref_slice %arg3[%mul3A_2, %dma_start3A_97] : memref<2560x128xi32, #tpu.memory_space<hbm>> -> memref<16x128xi32, #tpu.memory_space<hbm>>
      tpu.enqueue_dma source(%dma_start3A_98 : memref<16x128xi32, #tpu.memory_space<hbm>>) target(%dma_start3A_96 : memref<16x128xi32, #tpu.memory_space<vmem>>) target_semaphore(%run_scoped3A_86 : memref<!tpu.dma_semaphore, #tpu.memory_space<semaphore_mem>>)
      %dma_wait3A = arith.constant 0 : i32
      %dma_wait3A_99 = arith.constant 0 : i32
      %dma_wait3A_100 = tpu.memref_slice %arg7[%run_scoped3A, %dma_wait3A, %dma_wait3A_99] : memref<2x16x128xi32, #tpu.memory_space<vmem>> -> memref<1x16x128xi32, #tpu.memory_space<vmem>>
      %dma_wait3A_101 = tpu.memref_squeeze %dma_wait3A_100 : memref<1x16x128xi32, #tpu.memory_space<vmem>> -> memref<16x128xi32, #tpu.memory_space<vmem>>
      %dma_wait3A_102 = arith.constant 0 : i32
      %dma_wait3A_103 = tpu.memref_slice %arg3[%mul3A_2, %dma_wait3A_102] : memref<2560x128xi32, #tpu.memory_space<hbm>> -> memref<16x128xi32, #tpu.memory_space<hbm>>
      %dma_wait3A_104 = arith.constant 0 : i32
      %dma_wait3A_105 = arith.constant 0 : i32
      %dma_wait3A_106 = tpu.memref_slice %arg7[%run_scoped3A, %dma_wait3A_104, %dma_wait3A_105] : memref<2x16x128xi32, #tpu.memory_space<vmem>> -> memref<1x16x128xi32, #tpu.memory_space<vmem>>
      %dma_wait3A_107 = tpu.memref_squeeze %dma_wait3A_106 : memref<1x16x128xi32, #tpu.memory_space<vmem>> -> memref<16x128xi32, #tpu.memory_space<vmem>>
      %dma_wait3A_108 = arith.constant 0 : i32
      %dma_wait3A_109 = tpu.memref_slice %arg3[%mul3A_2, %dma_wait3A_108] : memref<2560x128xi32, #tpu.memory_space<hbm>> -> memref<16x128xi32, #tpu.memory_space<hbm>>
      tpu.wait_dma2 semaphore(%run_scoped3A_86 : memref<!tpu.dma_semaphore, #tpu.memory_space<semaphore_mem>>) src(%dma_wait3A_109 : memref<16x128xi32, #tpu.memory_space<hbm>>) dst(%dma_wait3A_107 : memref<16x128xi32, #tpu.memory_space<vmem>>)
      tpu.yield
    }) : () -> ()
    %run_scoped3A_30 = arith.constant 0 : i32
    "tpu.region"() ({
      %run_scoped3A_86 = tpu.sem_alloc : memref<!tpu.dma_semaphore, #tpu.memory_space<semaphore_mem>>
      %dma_start3A_87 = arith.constant 0 : i32
      %dma_start3A_88 = arith.constant 0 : i32
      %dma_start3A_89 = tpu.memref_slice %arg8[%run_scoped3A_30, %dma_start3A_87, %dma_start3A_88] : memref<2x16x128xi32, #tpu.memory_space<vmem>> -> memref<1x16x128xi32, #tpu.memory_space<vmem>>
      %dma_start3A_90 = tpu.memref_squeeze %dma_start3A_89 : memref<1x16x128xi32, #tpu.memory_space<vmem>> -> memref<16x128xi32, #tpu.memory_space<vmem>>
      %dma_start3A_91 = arith.constant 0 : i32
      %dma_start3A_92 = tpu.memref_slice %arg4[%mul3A_2, %dma_start3A_91] : memref<2560x128xi32, #tpu.memory_space<hbm>> -> memref<16x128xi32, #tpu.memory_space<hbm>>
      %dma_start3A_93 = arith.constant 0 : i32
      %dma_start3A_94 = arith.constant 0 : i32
      %dma_start3A_95 = tpu.memref_slice %arg8[%run_scoped3A_30, %dma_start3A_93, %dma_start3A_94] : memref<2x16x128xi32, #tpu.memory_space<vmem>> -> memref<1x16x128xi32, #tpu.memory_space<vmem>>
      %dma_start3A_96 = tpu.memref_squeeze %dma_start3A_95 : memref<1x16x128xi32, #tpu.memory_space<vmem>> -> memref<16x128xi32, #tpu.memory_space<vmem>>
      %dma_start3A_97 = arith.constant 0 : i32
      %dma_start3A_98 = tpu.memref_slice %arg4[%mul3A_2, %dma_start3A_97] : memref<2560x128xi32, #tpu.memory_space<hbm>> -> memref<16x128xi32, #tpu.memory_space<hbm>>
      tpu.enqueue_dma source(%dma_start3A_98 : memref<16x128xi32, #tpu.memory_space<hbm>>) target(%dma_start3A_96 : memref<16x128xi32, #tpu.memory_space<vmem>>) target_semaphore(%run_scoped3A_86 : memref<!tpu.dma_semaphore, #tpu.memory_space<semaphore_mem>>)
      %dma_wait3A = arith.constant 0 : i32
      %dma_wait3A_99 = arith.constant 0 : i32
      %dma_wait3A_100 = tpu.memref_slice %arg8[%run_scoped3A_30, %dma_wait3A, %dma_wait3A_99] : memref<2x16x128xi32, #tpu.memory_space<vmem>> -> memref<1x16x128xi32, #tpu.memory_space<vmem>>
      %dma_wait3A_101 = tpu.memref_squeeze %dma_wait3A_100 : memref<1x16x128xi32, #tpu.memory_space<vmem>> -> memref<16x128xi32, #tpu.memory_space<vmem>>
      %dma_wait3A_102 = arith.constant 0 : i32
      %dma_wait3A_103 = tpu.memref_slice %arg4[%mul3A_2, %dma_wait3A_102] : memref<2560x128xi32, #tpu.memory_space<hbm>> -> memref<16x128xi32, #tpu.memory_space<hbm>>
      %dma_wait3A_104 = arith.constant 0 : i32
      %dma_wait3A_105 = arith.constant 0 : i32
      %dma_wait3A_106 = tpu.memref_slice %arg8[%run_scoped3A_30, %dma_wait3A_104, %dma_wait3A_105] : memref<2x16x128xi32, #tpu.memory_space<vmem>> -> memref<1x16x128xi32, #tpu.memory_space<vmem>>
      %dma_wait3A_107 = tpu.memref_squeeze %dma_wait3A_106 : memref<1x16x128xi32, #tpu.memory_space<vmem>> -> memref<16x128xi32, #tpu.memory_space<vmem>>
      %dma_wait3A_108 = arith.constant 0 : i32
      %dma_wait3A_109 = tpu.memref_slice %arg4[%mul3A_2, %dma_wait3A_108] : memref<2560x128xi32, #tpu.memory_space<hbm>> -> memref<16x128xi32, #tpu.memory_space<hbm>>
      tpu.wait_dma2 semaphore(%run_scoped3A_86 : memref<!tpu.dma_semaphore, #tpu.memory_space<semaphore_mem>>) src(%dma_wait3A_109 : memref<16x128xi32, #tpu.memory_space<hbm>>) dst(%dma_wait3A_107 : memref<16x128xi32, #tpu.memory_space<vmem>>)
      tpu.yield
    }) : () -> ()
    %dma_start3A = arith.constant 0 : i32
    %dma_start3A_31 = arith.constant 0 : i32
    %dma_start3A_32 = arith.constant 0 : i32
    %dma_start3A_33 = tpu.memref_slice %arg7[%dma_start3A, %dma_start3A_31, %dma_start3A_32] : memref<2x16x128xi32, #tpu.memory_space<vmem>> -> memref<1x1x128xi32, #tpu.memory_space<vmem>>
    %dma_start3A_34 = tpu.memref_squeeze %dma_start3A_33 : memref<1x1x128xi32, #tpu.memory_space<vmem>> -> memref<128xi32, #tpu.memory_space<vmem>>
    %dma_start3A_35 = arith.constant 0 : i32
    %dma_start3A_36 = arith.constant 0 : i32
    %dma_start3A_37 = tpu.memref_slice %arg2[%dma_start3A_35, %dma_start3A_36] : memref<10000x128xf32, #tpu.memory_space<hbm>> -> memref<10000x128xf32, #tpu.memory_space<hbm>>
    tpu.enqueue_indirect_dma source(%dma_start3A_37 : memref<10000x128xf32, #tpu.memory_space<hbm>>) target(%arg9 : memref<128x128xf32, #tpu.memory_space<vmem>>) offsets(%dma_start3A_34 : memref<128xi32, #tpu.memory_space<vmem>>) semaphore(%arg11 : memref<!tpu.dma_semaphore, #tpu.memory_space<semaphore_mem>>)
    %scan3A_38 = arith.constant 0 : i32
    %scan3A_39 = arith.constant 0 : i32
    %scan3A_40 = arith.constant 5 : i32
    %scan3A_41 = arith.addi %scan3A_39, %scan3A_40 : i32
    %scan3A_42 = arith.constant 1 : i32
    %scan3A_43 = scf.for %scan3A_86 = %scan3A_39 to %scan3A_41 step %scan3A_42 iter_args(%scan3A_87 = %scan3A_38) -> (i32)  : i32 {
      %jit3A = arith.constant 2 : i32
      %eq3A = arith.constant 0 : i32
      %eq3A_88 = arith.cmpi eq, %jit3A, %eq3A : i32
      %jit3A_89 = arith.constant 1 : i32
      %select_n3A = arith.select %eq3A_88, %jit3A_89, %jit3A : i32
      %rem3A = arith.remsi %scan3A_86, %select_n3A : i32
      %ne3A = arith.constant 0 : i32
      %ne3A_90 = arith.cmpi ne, %rem3A, %ne3A : i32
      %lt3A = arith.constant 0 : i32
      %lt3A_91 = arith.cmpi slt, %rem3A, %lt3A : i32
      %lt3A_92 = arith.constant 0 : i32
      %lt3A_93 = arith.cmpi slt, %select_n3A, %lt3A_92 : i32
      %ne3A_94 = arith.xori %lt3A_91, %lt3A_93 : i1
      %and3A = arith.andi %ne3A_94, %ne3A_90 : i1
      %add3A_95 = arith.addi %rem3A, %select_n3A : i32
      %select_n3A_96 = arith.select %and3A, %add3A_95, %rem3A : i32
      %sub3A = arith.constant 1 : i32
      %sub3A_97 = arith.subi %sub3A, %select_n3A_96 : i32
      %add3A_98 = arith.constant 1 : i32
      %add3A_99 = arith.addi %scan3A_86, %add3A_98 : i32
      %lt3A_100 = arith.constant 5 : i32
      %lt3A_101 = arith.cmpi slt, %add3A_99, %lt3A_100 : i32
      %convert_element_type3A = arith.extui %lt3A_101 : i1 to i32
      %cond3A = arith.constant 0 : i32
      %cond3A_102 = arith.cmpi ne, %convert_element_type3A, %cond3A : i32
      scf.if %cond3A_102 {
        %add3A_124 = arith.constant 1 : i32
        %add3A_125 = arith.addi %scan3A_86, %add3A_124 : i32
        %mul3A_126 = arith.constant 16 : i32
        %mul3A_127 = arith.muli %add3A_125, %mul3A_126 : i32
        %add3A_128 = arith.addi %mul3A_2, %mul3A_127 : i32
        %dma_start3A_129 = arith.constant 0 : i32
        %dma_start3A_130 = arith.constant 0 : i32
        %dma_start3A_131 = tpu.memref_slice %arg7[%sub3A_97, %dma_start3A_129, %dma_start3A_130] : memref<2x16x128xi32, #tpu.memory_space<vmem>> -> memref<1x16x128xi32, #tpu.memory_space<vmem>>
        %dma_start3A_132 = tpu.memref_squeeze %dma_start3A_131 : memref<1x16x128xi32, #tpu.memory_space<vmem>> -> memref<16x128xi32, #tpu.memory_space<vmem>>
        %dma_start3A_133 = arith.constant 0 : i32
        %dma_start3A_134 = tpu.memref_slice %arg3[%add3A_128, %dma_start3A_133] : memref<2560x128xi32, #tpu.memory_space<hbm>> -> memref<16x128xi32, #tpu.memory_space<hbm>>
        %dma_start3A_135 = arith.constant 0 : i32
        %dma_start3A_136 = arith.constant 0 : i32
        %dma_start3A_137 = tpu.memref_slice %arg7[%sub3A_97, %dma_start3A_135, %dma_start3A_136] : memref<2x16x128xi32, #tpu.memory_space<vmem>> -> memref<1x16x128xi32, #tpu.memory_space<vmem>>
        %dma_start3A_138 = tpu.memref_squeeze %dma_start3A_137 : memref<1x16x128xi32, #tpu.memory_space<vmem>> -> memref<16x128xi32, #tpu.memory_space<vmem>>
        %dma_start3A_139 = arith.constant 0 : i32
        %dma_start3A_140 = tpu.memref_slice %arg3[%add3A_128, %dma_start3A_139] : memref<2560x128xi32, #tpu.memory_space<hbm>> -> memref<16x128xi32, #tpu.memory_space<hbm>>
        tpu.enqueue_dma source(%dma_start3A_140 : memref<16x128xi32, #tpu.memory_space<hbm>>) target(%dma_start3A_138 : memref<16x128xi32, #tpu.memory_space<vmem>>) target_semaphore(%arg15 : memref<!tpu.dma_semaphore, #tpu.memory_space<semaphore_mem>>)
        %add3A_141 = arith.constant 1 : i32
        %add3A_142 = arith.addi %scan3A_86, %add3A_141 : i32
        %mul3A_143 = arith.constant 16 : i32
        %mul3A_144 = arith.muli %add3A_142, %mul3A_143 : i32
        %add3A_145 = arith.addi %mul3A_2, %mul3A_144 : i32
        %dma_start3A_146 = arith.constant 0 : i32
        %dma_start3A_147 = arith.constant 0 : i32
        %dma_start3A_148 = tpu.memref_slice %arg8[%sub3A_97, %dma_start3A_146, %dma_start3A_147] : memref<2x16x128xi32, #tpu.memory_space<vmem>> -> memref<1x16x128xi32, #tpu.memory_space<vmem>>
        %dma_start3A_149 = tpu.memref_squeeze %dma_start3A_148 : memref<1x16x128xi32, #tpu.memory_space<vmem>> -> memref<16x128xi32, #tpu.memory_space<vmem>>
        %dma_start3A_150 = arith.constant 0 : i32
        %dma_start3A_151 = tpu.memref_slice %arg4[%add3A_145, %dma_start3A_150] : memref<2560x128xi32, #tpu.memory_space<hbm>> -> memref<16x128xi32, #tpu.memory_space<hbm>>
        %dma_start3A_152 = arith.constant 0 : i32
        %dma_start3A_153 = arith.constant 0 : i32
        %dma_start3A_154 = tpu.memref_slice %arg8[%sub3A_97, %dma_start3A_152, %dma_start3A_153] : memref<2x16x128xi32, #tpu.memory_space<vmem>> -> memref<1x16x128xi32, #tpu.memory_space<vmem>>
        %dma_start3A_155 = tpu.memref_squeeze %dma_start3A_154 : memref<1x16x128xi32, #tpu.memory_space<vmem>> -> memref<16x128xi32, #tpu.memory_space<vmem>>
        %dma_start3A_156 = arith.constant 0 : i32
        %dma_start3A_157 = tpu.memref_slice %arg4[%add3A_145, %dma_start3A_156] : memref<2560x128xi32, #tpu.memory_space<hbm>> -> memref<16x128xi32, #tpu.memory_space<hbm>>
        tpu.enqueue_dma source(%dma_start3A_157 : memref<16x128xi32, #tpu.memory_space<hbm>>) target(%dma_start3A_155 : memref<16x128xi32, #tpu.memory_space<vmem>>) target_semaphore(%arg15 : memref<!tpu.dma_semaphore, #tpu.memory_space<semaphore_mem>>)
      } else {
      }
      %scan3A_103 = arith.constant 0 : i32
      %scan3A_104 = arith.constant 0 : i32
      %scan3A_105 = arith.constant 8 : i32
      %scan3A_106 = arith.addi %scan3A_104, %scan3A_105 : i32
      %scan3A_107 = arith.constant 1 : i32
      %scan3A_108 = scf.for %scan3A_124 = %scan3A_104 to %scan3A_106 step %scan3A_107 iter_args(%scan3A_125 = %scan3A_103) -> (i32)  : i32 {
        %mul3A_126 = arith.constant 2 : i32
        %mul3A_127 = arith.muli %mul3A_126, %scan3A_124 : i32
        %add3A_128 = arith.constant 1 : i32
        %add3A_129 = arith.addi %mul3A_127, %add3A_128 : i32
        %dma_wait3A_130 = arith.constant 0 : i32
        %dma_wait3A_131 = tpu.memref_slice %arg7[%select_n3A_96, %mul3A_127, %dma_wait3A_130] : memref<2x16x128xi32, #tpu.memory_space<vmem>> -> memref<1x1x128xi32, #tpu.memory_space<vmem>>
        %dma_wait3A_132 = tpu.memref_squeeze %dma_wait3A_131 : memref<1x1x128xi32, #tpu.memory_space<vmem>> -> memref<128xi32, #tpu.memory_space<vmem>>
        %dma_wait3A_133 = arith.constant 0 : i32
        %dma_wait3A_134 = arith.constant 0 : i32
        %dma_wait3A_135 = tpu.memref_slice %arg2[%dma_wait3A_133, %dma_wait3A_134] : memref<10000x128xf32, #tpu.memory_space<hbm>> -> memref<10000x128xf32, #tpu.memory_space<hbm>>
        tpu.wait_indirect_dma semaphore(%arg11 : memref<!tpu.dma_semaphore, #tpu.memory_space<semaphore_mem>>) src(%dma_wait3A_135 : memref<10000x128xf32, #tpu.memory_space<hbm>>) dst(%arg9 : memref<128x128xf32, #tpu.memory_space<vmem>>)
        %dma_start3A_136 = arith.constant 0 : i32
        %dma_start3A_137 = tpu.memref_slice %arg8[%select_n3A_96, %mul3A_127, %dma_start3A_136] : memref<2x16x128xi32, #tpu.memory_space<vmem>> -> memref<1x1x128xi32, #tpu.memory_space<vmem>>
        %dma_start3A_138 = tpu.memref_squeeze %dma_start3A_137 : memref<1x1x128xi32, #tpu.memory_space<vmem>> -> memref<128xi32, #tpu.memory_space<vmem>>
        %dma_start3A_139 = arith.constant 0 : i32
        %dma_start3A_140 = arith.constant 0 : i32
        %dma_start3A_141 = tpu.memref_slice %arg6[%dma_start3A_139, %dma_start3A_140] : memref<10240x128xf32, #tpu.memory_space<vmem_shared>> -> memref<10240x128xf32, #tpu.memory_space<vmem_shared>>
        tpu.enqueue_indirect_dma source(%arg9 : memref<128x128xf32, #tpu.memory_space<vmem>>) target(%dma_start3A_141 : memref<10240x128xf32, #tpu.memory_space<vmem_shared>>) offsets(%dma_start3A_138 : memref<128xi32, #tpu.memory_space<vmem>>) semaphore(%arg13 : memref<!tpu.dma_semaphore, #tpu.memory_space<semaphore_mem>>) {add = true}
        %gt3A = arith.constant 0 : i32
        %gt3A_142 = arith.cmpi sgt, %scan3A_124, %gt3A : i32
        %convert_element_type3A_143 = arith.extui %gt3A_142 : i1 to i32
        %cond3A_144 = arith.constant 0 : i32
        %cond3A_145 = arith.cmpi ne, %convert_element_type3A_143, %cond3A_144 : i32
        scf.if %cond3A_145 {
          %sub3A_178 = arith.constant 2 : i32
          %sub3A_179 = arith.subi %add3A_129, %sub3A_178 : i32
          %dma_wait3A_180 = arith.constant 0 : i32
          %dma_wait3A_181 = tpu.memref_slice %arg8[%select_n3A_96, %sub3A_179, %dma_wait3A_180] : memref<2x16x128xi32, #tpu.memory_space<vmem>> -> memref<1x1x128xi32, #tpu.memory_space<vmem>>
          %dma_wait3A_182 = tpu.memref_squeeze %dma_wait3A_181 : memref<1x1x128xi32, #tpu.memory_space<vmem>> -> memref<128xi32, #tpu.memory_space<vmem>>
          %dma_wait3A_183 = arith.constant 0 : i32
          %dma_wait3A_184 = arith.constant 0 : i32
          %dma_wait3A_185 = tpu.memref_slice %arg6[%dma_wait3A_183, %dma_wait3A_184] : memref<10240x128xf32, #tpu.memory_space<vmem_shared>> -> memref<10240x128xf32, #tpu.memory_space<vmem_shared>>
          tpu.wait_indirect_dma semaphore(%arg14 : memref<!tpu.dma_semaphore, #tpu.memory_space<semaphore_mem>>) src(%arg10 : memref<128x128xf32, #tpu.memory_space<vmem>>) dst(%dma_wait3A_185 : memref<10240x128xf32, #tpu.memory_space<vmem_shared>>)
        } else {
        }
        %dma_start3A_146 = arith.constant 0 : i32
        %dma_start3A_147 = tpu.memref_slice %arg7[%select_n3A_96, %add3A_129, %dma_start3A_146] : memref<2x16x128xi32, #tpu.memory_space<vmem>> -> memref<1x1x128xi32, #tpu.memory_space<vmem>>
        %dma_start3A_148 = tpu.memref_squeeze %dma_start3A_147 : memref<1x1x128xi32, #tpu.memory_space<vmem>> -> memref<128xi32, #tpu.memory_space<vmem>>
        %dma_start3A_149 = arith.constant 0 : i32
        %dma_start3A_150 = arith.constant 0 : i32
        %dma_start3A_151 = tpu.memref_slice %arg2[%dma_start3A_149, %dma_start3A_150] : memref<10000x128xf32, #tpu.memory_space<hbm>> -> memref<10000x128xf32, #tpu.memory_space<hbm>>
        tpu.enqueue_indirect_dma source(%dma_start3A_151 : memref<10000x128xf32, #tpu.memory_space<hbm>>) target(%arg10 : memref<128x128xf32, #tpu.memory_space<vmem>>) offsets(%dma_start3A_148 : memref<128xi32, #tpu.memory_space<vmem>>) semaphore(%arg12 : memref<!tpu.dma_semaphore, #tpu.memory_space<semaphore_mem>>)
        %dma_wait3A_152 = arith.constant 0 : i32
        %dma_wait3A_153 = tpu.memref_slice %arg7[%select_n3A_96, %add3A_129, %dma_wait3A_152] : memref<2x16x128xi32, #tpu.memory_space<vmem>> -> memref<1x1x128xi32, #tpu.memory_space<vmem>>
        %dma_wait3A_154 = tpu.memref_squeeze %dma_wait3A_153 : memref<1x1x128xi32, #tpu.memory_space<vmem>> -> memref<128xi32, #tpu.memory_space<vmem>>
        %dma_wait3A_155 = arith.constant 0 : i32
        %dma_wait3A_156 = arith.constant 0 : i32
        %dma_wait3A_157 = tpu.memref_slice %arg2[%dma_wait3A_155, %dma_wait3A_156] : memref<10000x128xf32, #tpu.memory_space<hbm>> -> memref<10000x128xf32, #tpu.memory_space<hbm>>
        tpu.wait_indirect_dma semaphore(%arg12 : memref<!tpu.dma_semaphore, #tpu.memory_space<semaphore_mem>>) src(%dma_wait3A_157 : memref<10000x128xf32, #tpu.memory_space<hbm>>) dst(%arg10 : memref<128x128xf32, #tpu.memory_space<vmem>>)
        %dma_start3A_158 = arith.constant 0 : i32
        %dma_start3A_159 = tpu.memref_slice %arg8[%select_n3A_96, %add3A_129, %dma_start3A_158] : memref<2x16x128xi32, #tpu.memory_space<vmem>> -> memref<1x1x128xi32, #tpu.memory_space<vmem>>
        %dma_start3A_160 = tpu.memref_squeeze %dma_start3A_159 : memref<1x1x128xi32, #tpu.memory_space<vmem>> -> memref<128xi32, #tpu.memory_space<vmem>>
        %dma_start3A_161 = arith.constant 0 : i32
        %dma_start3A_162 = arith.constant 0 : i32
        %dma_start3A_163 = tpu.memref_slice %arg6[%dma_start3A_161, %dma_start3A_162] : memref<10240x128xf32, #tpu.memory_space<vmem_shared>> -> memref<10240x128xf32, #tpu.memory_space<vmem_shared>>
        tpu.enqueue_indirect_dma source(%arg10 : memref<128x128xf32, #tpu.memory_space<vmem>>) target(%dma_start3A_163 : memref<10240x128xf32, #tpu.memory_space<vmem_shared>>) offsets(%dma_start3A_160 : memref<128xi32, #tpu.memory_space<vmem>>) semaphore(%arg14 : memref<!tpu.dma_semaphore, #tpu.memory_space<semaphore_mem>>) {add = true}
        %dma_wait3A_164 = arith.constant 0 : i32
        %dma_wait3A_165 = tpu.memref_slice %arg8[%select_n3A_96, %mul3A_127, %dma_wait3A_164] : memref<2x16x128xi32, #tpu.memory_space<vmem>> -> memref<1x1x128xi32, #tpu.memory_space<vmem>>
        %dma_wait3A_166 = tpu.memref_squeeze %dma_wait3A_165 : memref<1x1x128xi32, #tpu.memory_space<vmem>> -> memref<128xi32, #tpu.memory_space<vmem>>
        %dma_wait3A_167 = arith.constant 0 : i32
        %dma_wait3A_168 = arith.constant 0 : i32
        %dma_wait3A_169 = tpu.memref_slice %arg6[%dma_wait3A_167, %dma_wait3A_168] : memref<10240x128xf32, #tpu.memory_space<vmem_shared>> -> memref<10240x128xf32, #tpu.memory_space<vmem_shared>>
        tpu.wait_indirect_dma semaphore(%arg13 : memref<!tpu.dma_semaphore, #tpu.memory_space<semaphore_mem>>) src(%arg9 : memref<128x128xf32, #tpu.memory_space<vmem>>) dst(%dma_wait3A_169 : memref<10240x128xf32, #tpu.memory_space<vmem_shared>>)
        %add3A_170 = arith.constant 2 : i32
        %add3A_171 = arith.addi %mul3A_127, %add3A_170 : i32
        %lt3A_172 = arith.constant 16 : i32
        %lt3A_173 = arith.cmpi slt, %add3A_171, %lt3A_172 : i32
        %convert_element_type3A_174 = arith.extui %lt3A_173 : i1 to i32
        %cond3A_175 = arith.constant 0 : i32
        %cond3A_176 = arith.cmpi ne, %convert_element_type3A_174, %cond3A_175 : i32
        scf.if %cond3A_176 {
          %add3A_178 = arith.constant 2 : i32
          %add3A_179 = arith.addi %mul3A_127, %add3A_178 : i32
          %dma_start3A_180 = arith.constant 0 : i32
          %dma_start3A_181 = tpu.memref_slice %arg7[%select_n3A_96, %add3A_179, %dma_start3A_180] : memref<2x16x128xi32, #tpu.memory_space<vmem>> -> memref<1x1x128xi32, #tpu.memory_space<vmem>>
          %dma_start3A_182 = tpu.memref_squeeze %dma_start3A_181 : memref<1x1x128xi32, #tpu.memory_space<vmem>> -> memref<128xi32, #tpu.memory_space<vmem>>
          %dma_start3A_183 = arith.constant 0 : i32
          %dma_start3A_184 = arith.constant 0 : i32
          %dma_start3A_185 = tpu.memref_slice %arg2[%dma_start3A_183, %dma_start3A_184] : memref<10000x128xf32, #tpu.memory_space<hbm>> -> memref<10000x128xf32, #tpu.memory_space<hbm>>
          tpu.enqueue_indirect_dma source(%dma_start3A_185 : memref<10000x128xf32, #tpu.memory_space<hbm>>) target(%arg9 : memref<128x128xf32, #tpu.memory_space<vmem>>) offsets(%dma_start3A_182 : memref<128xi32, #tpu.memory_space<vmem>>) semaphore(%arg11 : memref<!tpu.dma_semaphore, #tpu.memory_space<semaphore_mem>>)
        } else {
        }
        %scan3A_177 = arith.constant 0 : i32
        scf.yield %scan3A_177 : i32
      }
      %scan3A_109 = arith.constant 8 : i32
      %dma_wait3A = arith.constant 15 : i32
      %dma_wait3A_110 = arith.constant 0 : i32
      %dma_wait3A_111 = tpu.memref_slice %arg8[%select_n3A_96, %dma_wait3A, %dma_wait3A_110] : memref<2x16x128xi32, #tpu.memory_space<vmem>> -> memref<1x1x128xi32, #tpu.memory_space<vmem>>
      %dma_wait3A_112 = tpu.memref_squeeze %dma_wait3A_111 : memref<1x1x128xi32, #tpu.memory_space<vmem>> -> memref<128xi32, #tpu.memory_space<vmem>>
      %dma_wait3A_113 = arith.constant 0 : i32
      %dma_wait3A_114 = arith.constant 0 : i32
      %dma_wait3A_115 = tpu.memref_slice %arg6[%dma_wait3A_113, %dma_wait3A_114] : memref<10240x128xf32, #tpu.memory_space<vmem_shared>> -> memref<10240x128xf32, #tpu.memory_space<vmem_shared>>
      tpu.wait_indirect_dma semaphore(%arg14 : memref<!tpu.dma_semaphore, #tpu.memory_space<semaphore_mem>>) src(%arg10 : memref<128x128xf32, #tpu.memory_space<vmem>>) dst(%dma_wait3A_115 : memref<10240x128xf32, #tpu.memory_space<vmem_shared>>)
      %add3A_116 = arith.constant 1 : i32
      %add3A_117 = arith.addi %scan3A_86, %add3A_116 : i32
      %lt3A_118 = arith.constant 5 : i32
      %lt3A_119 = arith.cmpi slt, %add3A_117, %lt3A_118 : i32
      %convert_element_type3A_120 = arith.extui %lt3A_119 : i1 to i32
      %cond3A_121 = arith.constant 0 : i32
      %cond3A_122 = arith.cmpi ne, %convert_element_type3A_120, %cond3A_121 : i32
      scf.if %cond3A_122 {
        %add3A_124 = arith.constant 1 : i32
        %add3A_125 = arith.addi %scan3A_86, %add3A_124 : i32
        %mul3A_126 = arith.constant 16 : i32
        %mul3A_127 = arith.muli %add3A_125, %mul3A_126 : i32
        %add3A_128 = arith.addi %mul3A_2, %mul3A_127 : i32
        %dma_wait3A_129 = arith.constant 0 : i32
        %dma_wait3A_130 = arith.constant 0 : i32
        %dma_wait3A_131 = tpu.memref_slice %arg7[%sub3A_97, %dma_wait3A_129, %dma_wait3A_130] : memref<2x16x128xi32, #tpu.memory_space<vmem>> -> memref<1x16x128xi32, #tpu.memory_space<vmem>>
        %dma_wait3A_132 = tpu.memref_squeeze %dma_wait3A_131 : memref<1x16x128xi32, #tpu.memory_space<vmem>> -> memref<16x128xi32, #tpu.memory_space<vmem>>
        %dma_wait3A_133 = arith.constant 0 : i32
        %dma_wait3A_134 = tpu.memref_slice %arg3[%add3A_128, %dma_wait3A_133] : memref<2560x128xi32, #tpu.memory_space<hbm>> -> memref<16x128xi32, #tpu.memory_space<hbm>>
        %dma_wait3A_135 = arith.constant 0 : i32
        %dma_wait3A_136 = arith.constant 0 : i32
        %dma_wait3A_137 = tpu.memref_slice %arg7[%sub3A_97, %dma_wait3A_135, %dma_wait3A_136] : memref<2x16x128xi32, #tpu.memory_space<vmem>> -> memref<1x16x128xi32, #tpu.memory_space<vmem>>
        %dma_wait3A_138 = tpu.memref_squeeze %dma_wait3A_137 : memref<1x16x128xi32, #tpu.memory_space<vmem>> -> memref<16x128xi32, #tpu.memory_space<vmem>>
        %dma_wait3A_139 = arith.constant 0 : i32
        %dma_wait3A_140 = tpu.memref_slice %arg3[%add3A_128, %dma_wait3A_139] : memref<2560x128xi32, #tpu.memory_space<hbm>> -> memref<16x128xi32, #tpu.memory_space<hbm>>
        tpu.wait_dma2 semaphore(%arg15 : memref<!tpu.dma_semaphore, #tpu.memory_space<semaphore_mem>>) src(%dma_wait3A_140 : memref<16x128xi32, #tpu.memory_space<hbm>>) dst(%dma_wait3A_138 : memref<16x128xi32, #tpu.memory_space<vmem>>)
        %add3A_141 = arith.constant 1 : i32
        %add3A_142 = arith.addi %scan3A_86, %add3A_141 : i32
        %mul3A_143 = arith.constant 16 : i32
        %mul3A_144 = arith.muli %add3A_142, %mul3A_143 : i32
        %add3A_145 = arith.addi %mul3A_2, %mul3A_144 : i32
        %dma_wait3A_146 = arith.constant 0 : i32
        %dma_wait3A_147 = arith.constant 0 : i32
        %dma_wait3A_148 = tpu.memref_slice %arg8[%sub3A_97, %dma_wait3A_146, %dma_wait3A_147] : memref<2x16x128xi32, #tpu.memory_space<vmem>> -> memref<1x16x128xi32, #tpu.memory_space<vmem>>
        %dma_wait3A_149 = tpu.memref_squeeze %dma_wait3A_148 : memref<1x16x128xi32, #tpu.memory_space<vmem>> -> memref<16x128xi32, #tpu.memory_space<vmem>>
        %dma_wait3A_150 = arith.constant 0 : i32
        %dma_wait3A_151 = tpu.memref_slice %arg4[%add3A_145, %dma_wait3A_150] : memref<2560x128xi32, #tpu.memory_space<hbm>> -> memref<16x128xi32, #tpu.memory_space<hbm>>
        %dma_wait3A_152 = arith.constant 0 : i32
        %dma_wait3A_153 = arith.constant 0 : i32
        %dma_wait3A_154 = tpu.memref_slice %arg8[%sub3A_97, %dma_wait3A_152, %dma_wait3A_153] : memref<2x16x128xi32, #tpu.memory_space<vmem>> -> memref<1x16x128xi32, #tpu.memory_space<vmem>>
        %dma_wait3A_155 = tpu.memref_squeeze %dma_wait3A_154 : memref<1x16x128xi32, #tpu.memory_space<vmem>> -> memref<16x128xi32, #tpu.memory_space<vmem>>
        %dma_wait3A_156 = arith.constant 0 : i32
        %dma_wait3A_157 = tpu.memref_slice %arg4[%add3A_145, %dma_wait3A_156] : memref<2560x128xi32, #tpu.memory_space<hbm>> -> memref<16x128xi32, #tpu.memory_space<hbm>>
        tpu.wait_dma2 semaphore(%arg15 : memref<!tpu.dma_semaphore, #tpu.memory_space<semaphore_mem>>) src(%dma_wait3A_157 : memref<16x128xi32, #tpu.memory_space<hbm>>) dst(%dma_wait3A_155 : memref<16x128xi32, #tpu.memory_space<vmem>>)
        %dma_start3A_158 = arith.constant 0 : i32
        %dma_start3A_159 = arith.constant 0 : i32
        %dma_start3A_160 = tpu.memref_slice %arg7[%sub3A_97, %dma_start3A_158, %dma_start3A_159] : memref<2x16x128xi32, #tpu.memory_space<vmem>> -> memref<1x1x128xi32, #tpu.memory_space<vmem>>
        %dma_start3A_161 = tpu.memref_squeeze %dma_start3A_160 : memref<1x1x128xi32, #tpu.memory_space<vmem>> -> memref<128xi32, #tpu.memory_space<vmem>>
        %dma_start3A_162 = arith.constant 0 : i32
        %dma_start3A_163 = arith.constant 0 : i32
        %dma_start3A_164 = tpu.memref_slice %arg2[%dma_start3A_162, %dma_start3A_163] : memref<10000x128xf32, #tpu.memory_space<hbm>> -> memref<10000x128xf32, #tpu.memory_space<hbm>>
        tpu.enqueue_indirect_dma source(%dma_start3A_164 : memref<10000x128xf32, #tpu.memory_space<hbm>>) target(%arg9 : memref<128x128xf32, #tpu.memory_space<vmem>>) offsets(%dma_start3A_161 : memref<128xi32, #tpu.memory_space<vmem>>) semaphore(%arg11 : memref<!tpu.dma_semaphore, #tpu.memory_space<semaphore_mem>>)
      } else {
      }
      %scan3A_123 = arith.constant 0 : i32
      scf.yield %scan3A_123 : i32
    }
    %scan3A_44 = arith.constant 5 : i32
    %barrier3A_45 = arith.constant 0 : index
    tpu.barrier barrier_id(%barrier3A_45)
    %mul3A_46 = arith.constant 640 : i32
    %mul3A_47 = arith.muli %arg1, %mul3A_46 : i32
    %add3A_48 = arith.constant 0 : i32
    %add3A_49 = arith.addi %mul3A_47, %add3A_48 : i32
    %mul3A_50 = arith.constant 640 : i32
    %mul3A_51 = arith.muli %arg1, %mul3A_50 : i32
    %add3A_52 = arith.constant 0 : i32
    %add3A_53 = arith.addi %mul3A_51, %add3A_52 : i32
    "tpu.region"() ({
      %run_scoped3A_86 = tpu.sem_alloc : memref<!tpu.dma_semaphore, #tpu.memory_space<semaphore_mem>>
      %dma_start3A_87 = arith.constant 0 : i32
      %dma_start3A_88 = tpu.memref_slice %arg5[%arg0, %add3A_53, %dma_start3A_87] : memref<2x10240x128xf32, #tpu.memory_space<hbm>> -> memref<1x128x128xf32, #tpu.memory_space<hbm>>
      %dma_start3A_89 = tpu.memref_squeeze %dma_start3A_88 : memref<1x128x128xf32, #tpu.memory_space<hbm>> -> memref<128x128xf32, #tpu.memory_space<hbm>>
      %dma_start3A_90 = arith.constant 0 : i32
      %dma_start3A_91 = tpu.memref_slice %arg6[%add3A_49, %dma_start3A_90] : memref<10240x128xf32, #tpu.memory_space<vmem_shared>> -> memref<128x128xf32, #tpu.memory_space<vmem_shared>>
      tpu.enqueue_dma source(%dma_start3A_91 : memref<128x128xf32, #tpu.memory_space<vmem_shared>>) target(%dma_start3A_89 : memref<128x128xf32, #tpu.memory_space<hbm>>) target_semaphore(%run_scoped3A_86 : memref<!tpu.dma_semaphore, #tpu.memory_space<semaphore_mem>>)
      %dma_wait3A = arith.constant 0 : i32
      %dma_wait3A_92 = tpu.memref_slice %arg5[%arg0, %add3A_53, %dma_wait3A] : memref<2x10240x128xf32, #tpu.memory_space<hbm>> -> memref<1x128x128xf32, #tpu.memory_space<hbm>>
      %dma_wait3A_93 = tpu.memref_squeeze %dma_wait3A_92 : memref<1x128x128xf32, #tpu.memory_space<hbm>> -> memref<128x128xf32, #tpu.memory_space<hbm>>
      %dma_wait3A_94 = arith.constant 0 : i32
      %dma_wait3A_95 = tpu.memref_slice %arg6[%add3A_49, %dma_wait3A_94] : memref<10240x128xf32, #tpu.memory_space<vmem_shared>> -> memref<128x128xf32, #tpu.memory_space<vmem_shared>>
      tpu.wait_dma2 semaphore(%run_scoped3A_86 : memref<!tpu.dma_semaphore, #tpu.memory_space<semaphore_mem>>) src(%dma_wait3A_95 : memref<128x128xf32, #tpu.memory_space<vmem_shared>>) dst(%dma_wait3A_93 : memref<128x128xf32, #tpu.memory_space<hbm>>)
      tpu.yield
    }) : () -> ()
    %mul3A_54 = arith.constant 640 : i32
    %mul3A_55 = arith.muli %arg1, %mul3A_54 : i32
    %add3A_56 = arith.constant 128 : i32
    %add3A_57 = arith.addi %mul3A_55, %add3A_56 : i32
    %mul3A_58 = arith.constant 640 : i32
    %mul3A_59 = arith.muli %arg1, %mul3A_58 : i32
    %add3A_60 = arith.constant 128 : i32
    %add3A_61 = arith.addi %mul3A_59, %add3A_60 : i32
    "tpu.region"() ({
      %run_scoped3A_86 = tpu.sem_alloc : memref<!tpu.dma_semaphore, #tpu.memory_space<semaphore_mem>>
      %dma_start3A_87 = arith.constant 0 : i32
      %dma_start3A_88 = tpu.memref_slice %arg5[%arg0, %add3A_61, %dma_start3A_87] : memref<2x10240x128xf32, #tpu.memory_space<hbm>> -> memref<1x128x128xf32, #tpu.memory_space<hbm>>
      %dma_start3A_89 = tpu.memref_squeeze %dma_start3A_88 : memref<1x128x128xf32, #tpu.memory_space<hbm>> -> memref<128x128xf32, #tpu.memory_space<hbm>>
      %dma_start3A_90 = arith.constant 0 : i32
      %dma_start3A_91 = tpu.memref_slice %arg6[%add3A_57, %dma_start3A_90] : memref<10240x128xf32, #tpu.memory_space<vmem_shared>> -> memref<128x128xf32, #tpu.memory_space<vmem_shared>>
      tpu.enqueue_dma source(%dma_start3A_91 : memref<128x128xf32, #tpu.memory_space<vmem_shared>>) target(%dma_start3A_89 : memref<128x128xf32, #tpu.memory_space<hbm>>) target_semaphore(%run_scoped3A_86 : memref<!tpu.dma_semaphore, #tpu.memory_space<semaphore_mem>>)
      %dma_wait3A = arith.constant 0 : i32
      %dma_wait3A_92 = tpu.memref_slice %arg5[%arg0, %add3A_61, %dma_wait3A] : memref<2x10240x128xf32, #tpu.memory_space<hbm>> -> memref<1x128x128xf32, #tpu.memory_space<hbm>>
      %dma_wait3A_93 = tpu.memref_squeeze %dma_wait3A_92 : memref<1x128x128xf32, #tpu.memory_space<hbm>> -> memref<128x128xf32, #tpu.memory_space<hbm>>
      %dma_wait3A_94 = arith.constant 0 : i32
      %dma_wait3A_95 = tpu.memref_slice %arg6[%add3A_57, %dma_wait3A_94] : memref<10240x128xf32, #tpu.memory_space<vmem_shared>> -> memref<128x128xf32, #tpu.memory_space<vmem_shared>>
      tpu.wait_dma2 semaphore(%run_scoped3A_86 : memref<!tpu.dma_semaphore, #tpu.memory_space<semaphore_mem>>) src(%dma_wait3A_95 : memref<128x128xf32, #tpu.memory_space<vmem_shared>>) dst(%dma_wait3A_93 : memref<128x128xf32, #tpu.memory_space<hbm>>)
      tpu.yield
    }) : () -> ()
    %mul3A_62 = arith.constant 640 : i32
    %mul3A_63 = arith.muli %arg1, %mul3A_62 : i32
    %add3A_64 = arith.constant 256 : i32
    %add3A_65 = arith.addi %mul3A_63, %add3A_64 : i32
    %mul3A_66 = arith.constant 640 : i32
    %mul3A_67 = arith.muli %arg1, %mul3A_66 : i32
    %add3A_68 = arith.constant 256 : i32
    %add3A_69 = arith.addi %mul3A_67, %add3A_68 : i32
    "tpu.region"() ({
      %run_scoped3A_86 = tpu.sem_alloc : memref<!tpu.dma_semaphore, #tpu.memory_space<semaphore_mem>>
      %dma_start3A_87 = arith.constant 0 : i32
      %dma_start3A_88 = tpu.memref_slice %arg5[%arg0, %add3A_69, %dma_start3A_87] : memref<2x10240x128xf32, #tpu.memory_space<hbm>> -> memref<1x128x128xf32, #tpu.memory_space<hbm>>
      %dma_start3A_89 = tpu.memref_squeeze %dma_start3A_88 : memref<1x128x128xf32, #tpu.memory_space<hbm>> -> memref<128x128xf32, #tpu.memory_space<hbm>>
      %dma_start3A_90 = arith.constant 0 : i32
      %dma_start3A_91 = tpu.memref_slice %arg6[%add3A_65, %dma_start3A_90] : memref<10240x128xf32, #tpu.memory_space<vmem_shared>> -> memref<128x128xf32, #tpu.memory_space<vmem_shared>>
      tpu.enqueue_dma source(%dma_start3A_91 : memref<128x128xf32, #tpu.memory_space<vmem_shared>>) target(%dma_start3A_89 : memref<128x128xf32, #tpu.memory_space<hbm>>) target_semaphore(%run_scoped3A_86 : memref<!tpu.dma_semaphore, #tpu.memory_space<semaphore_mem>>)
      %dma_wait3A = arith.constant 0 : i32
      %dma_wait3A_92 = tpu.memref_slice %arg5[%arg0, %add3A_69, %dma_wait3A] : memref<2x10240x128xf32, #tpu.memory_space<hbm>> -> memref<1x128x128xf32, #tpu.memory_space<hbm>>
      %dma_wait3A_93 = tpu.memref_squeeze %dma_wait3A_92 : memref<1x128x128xf32, #tpu.memory_space<hbm>> -> memref<128x128xf32, #tpu.memory_space<hbm>>
      %dma_wait3A_94 = arith.constant 0 : i32
      %dma_wait3A_95 = tpu.memref_slice %arg6[%add3A_65, %dma_wait3A_94] : memref<10240x128xf32, #tpu.memory_space<vmem_shared>> -> memref<128x128xf32, #tpu.memory_space<vmem_shared>>
      tpu.wait_dma2 semaphore(%run_scoped3A_86 : memref<!tpu.dma_semaphore, #tpu.memory_space<semaphore_mem>>) src(%dma_wait3A_95 : memref<128x128xf32, #tpu.memory_space<vmem_shared>>) dst(%dma_wait3A_93 : memref<128x128xf32, #tpu.memory_space<hbm>>)
      tpu.yield
    }) : () -> ()
    %mul3A_70 = arith.constant 640 : i32
    %mul3A_71 = arith.muli %arg1, %mul3A_70 : i32
    %add3A_72 = arith.constant 384 : i32
    %add3A_73 = arith.addi %mul3A_71, %add3A_72 : i32
    %mul3A_74 = arith.constant 640 : i32
    %mul3A_75 = arith.muli %arg1, %mul3A_74 : i32
    %add3A_76 = arith.constant 384 : i32
    %add3A_77 = arith.addi %mul3A_75, %add3A_76 : i32
    "tpu.region"() ({
      %run_scoped3A_86 = tpu.sem_alloc : memref<!tpu.dma_semaphore, #tpu.memory_space<semaphore_mem>>
      %dma_start3A_87 = arith.constant 0 : i32
      %dma_start3A_88 = tpu.memref_slice %arg5[%arg0, %add3A_77, %dma_start3A_87] : memref<2x10240x128xf32, #tpu.memory_space<hbm>> -> memref<1x128x128xf32, #tpu.memory_space<hbm>>
      %dma_start3A_89 = tpu.memref_squeeze %dma_start3A_88 : memref<1x128x128xf32, #tpu.memory_space<hbm>> -> memref<128x128xf32, #tpu.memory_space<hbm>>
      %dma_start3A_90 = arith.constant 0 : i32
      %dma_start3A_91 = tpu.memref_slice %arg6[%add3A_73, %dma_start3A_90] : memref<10240x128xf32, #tpu.memory_space<vmem_shared>> -> memref<128x128xf32, #tpu.memory_space<vmem_shared>>
      tpu.enqueue_dma source(%dma_start3A_91 : memref<128x128xf32, #tpu.memory_space<vmem_shared>>) target(%dma_start3A_89 : memref<128x128xf32, #tpu.memory_space<hbm>>) target_semaphore(%run_scoped3A_86 : memref<!tpu.dma_semaphore, #tpu.memory_space<semaphore_mem>>)
      %dma_wait3A = arith.constant 0 : i32
      %dma_wait3A_92 = tpu.memref_slice %arg5[%arg0, %add3A_77, %dma_wait3A] : memref<2x10240x128xf32, #tpu.memory_space<hbm>> -> memref<1x128x128xf32, #tpu.memory_space<hbm>>
      %dma_wait3A_93 = tpu.memref_squeeze %dma_wait3A_92 : memref<1x128x128xf32, #tpu.memory_space<hbm>> -> memref<128x128xf32, #tpu.memory_space<hbm>>
      %dma_wait3A_94 = arith.constant 0 : i32
      %dma_wait3A_95 = tpu.memref_slice %arg6[%add3A_73, %dma_wait3A_94] : memref<10240x128xf32, #tpu.memory_space<vmem_shared>> -> memref<128x128xf32, #tpu.memory_space<vmem_shared>>
      tpu.wait_dma2 semaphore(%run_scoped3A_86 : memref<!tpu.dma_semaphore, #tpu.memory_space<semaphore_mem>>) src(%dma_wait3A_95 : memref<128x128xf32, #tpu.memory_space<vmem_shared>>) dst(%dma_wait3A_93 : memref<128x128xf32, #tpu.memory_space<hbm>>)
      tpu.yield
    }) : () -> ()
    %mul3A_78 = arith.constant 640 : i32
    %mul3A_79 = arith.muli %arg1, %mul3A_78 : i32
    %add3A_80 = arith.constant 512 : i32
    %add3A_81 = arith.addi %mul3A_79, %add3A_80 : i32
    %mul3A_82 = arith.constant 640 : i32
    %mul3A_83 = arith.muli %arg1, %mul3A_82 : i32
    %add3A_84 = arith.constant 512 : i32
    %add3A_85 = arith.addi %mul3A_83, %add3A_84 : i32
    "tpu.region"() ({
      %run_scoped3A_86 = tpu.sem_alloc : memref<!tpu.dma_semaphore, #tpu.memory_space<semaphore_mem>>
      %dma_start3A_87 = arith.constant 0 : i32
      %dma_start3A_88 = tpu.memref_slice %arg5[%arg0, %add3A_85, %dma_start3A_87] : memref<2x10240x128xf32, #tpu.memory_space<hbm>> -> memref<1x128x128xf32, #tpu.memory_space<hbm>>
      %dma_start3A_89 = tpu.memref_squeeze %dma_start3A_88 : memref<1x128x128xf32, #tpu.memory_space<hbm>> -> memref<128x128xf32, #tpu.memory_space<hbm>>
      %dma_start3A_90 = arith.constant 0 : i32
      %dma_start3A_91 = tpu.memref_slice %arg6[%add3A_81, %dma_start3A_90] : memref<10240x128xf32, #tpu.memory_space<vmem_shared>> -> memref<128x128xf32, #tpu.memory_space<vmem_shared>>
      tpu.enqueue_dma source(%dma_start3A_91 : memref<128x128xf32, #tpu.memory_space<vmem_shared>>) target(%dma_start3A_89 : memref<128x128xf32, #tpu.memory_space<hbm>>) target_semaphore(%run_scoped3A_86 : memref<!tpu.dma_semaphore, #tpu.memory_space<semaphore_mem>>)
      %dma_wait3A = arith.constant 0 : i32
      %dma_wait3A_92 = tpu.memref_slice %arg5[%arg0, %add3A_85, %dma_wait3A] : memref<2x10240x128xf32, #tpu.memory_space<hbm>> -> memref<1x128x128xf32, #tpu.memory_space<hbm>>
      %dma_wait3A_93 = tpu.memref_squeeze %dma_wait3A_92 : memref<1x128x128xf32, #tpu.memory_space<hbm>> -> memref<128x128xf32, #tpu.memory_space<hbm>>
      %dma_wait3A_94 = arith.constant 0 : i32
      %dma_wait3A_95 = tpu.memref_slice %arg6[%add3A_81, %dma_wait3A_94] : memref<10240x128xf32, #tpu.memory_space<vmem_shared>> -> memref<128x128xf32, #tpu.memory_space<vmem_shared>>
      tpu.wait_dma2 semaphore(%run_scoped3A_86 : memref<!tpu.dma_semaphore, #tpu.memory_space<semaphore_mem>>) src(%dma_wait3A_95 : memref<128x128xf32, #tpu.memory_space<vmem_shared>>) dst(%dma_wait3A_93 : memref<128x128xf32, #tpu.memory_space<hbm>>)
      tpu.yield
    }) : () -> ()
    return
  }
}

#map = affine_map<(d0, d1) -> (0, 0)>
#map1 = affine_map<(d0, d1) -> (0, 0, 0)>
module attributes {stable_mosaic.version = 14 : i64} {
  func.func @_spmm_body(%arg0: i32, %arg1: i32, %arg2: memref<10000x128xf32, #tpu.memory_space<hbm>>, %arg3: memref<2560x128xi32, #tpu.memory_space<hbm>>, %arg4: memref<2560x128xi32, #tpu.memory_space<hbm>>, %arg5: memref<2x10240x128xf32, #tpu.memory_space<hbm>>, %arg6: memref<10240x128xf32, #tpu.memory_space<vmem_shared>>, %arg7: memref<2x16x128xi32, #tpu.memory_space<vmem>>, %arg8: memref<2x16x128xi32, #tpu.memory_space<vmem>>, %arg9: memref<128x128xf32, #tpu.memory_space<vmem>>, %arg10: memref<128x128xf32, #tpu.memory_space<vmem>>, %arg11: memref<!tpu.dma_semaphore, #tpu.memory_space<semaphore_mem>>, %arg12: memref<!tpu.dma_semaphore, #tpu.memory_space<semaphore_mem>>, %arg13: memref<!tpu.dma_semaphore, #tpu.memory_space<semaphore_mem>>, %arg14: memref<!tpu.dma_semaphore, #tpu.memory_space<semaphore_mem>>, %arg15: memref<!tpu.dma_semaphore, #tpu.memory_space<semaphore_mem>>) attributes {dimension_semantics = [#tpu.dimension_semantics<core_parallel>, #tpu.dimension_semantics<subcore_parallel>], iteration_bounds = array<i64: 2, 16>, scalar_prefetch = 0 : i64, scratch_operands = 10 : i64, tpu.core_type = #tpu.core_type<sc_vector_subcore>, window_params = [{transform_indices = #map}, {transform_indices = #map}, {transform_indices = #map}, {transform_indices = #map1}]} {
    %mul3A = arith.constant 16 : i32
    %mul3A_0 = arith.muli %arg0, %mul3A : i32
    %add3A = arith.addi %mul3A_0, %arg1 : i32
    %mul3A_1 = arith.constant 80 : i32
    %mul3A_2 = arith.muli %add3A, %mul3A_1 : i32
    %broadcast_in_dim3A = arith.constant 0.000000e+00 : f32
    %broadcast_in_dim3A_3 = vector.broadcast %broadcast_in_dim3A : f32 to vector<16xf32>
    %scan3A = arith.constant 0 : i32
    %scan3A_4 = arith.constant 0 : i32
    %scan3A_5 = arith.constant 128 : i32
    %scan3A_6 = arith.addi %scan3A_4, %scan3A_5 : i32
    %scan3A_7 = arith.constant 1 : i32
    %scan3A_8 = scf.for %scan3A_86 = %scan3A_4 to %scan3A_6 step %scan3A_7 iter_args(%scan3A_87 = %scan3A) -> (i32)  : i32 {
      %swap3A = arith.index_cast %scan3A_86 : i32 to index
      %swap3A_88 = arith.constant 0 : index
      %swap3A_89 = tpu.vector_load %arg9[%swap3A, %swap3A_88] {strides = array<i32>} : memref<128x128xf32, #tpu.memory_space<vmem>>, vector<1x16xf32>,
      %swap3A_90 = vector.shape_cast %swap3A_89 : vector<1x16xf32> to vector<16xf32>
      %swap3A_91 = vector.shape_cast %broadcast_in_dim3A_3 : vector<16xf32> to vector<1x16xf32>
      tpu.vector_store %arg9[%swap3A, %swap3A_88], %swap3A_91 {strides = array<i32>} : memref<128x128xf32, #tpu.memory_space<vmem>>, vector<1x16xf32>,
      %swap3A_92 = arith.index_cast %scan3A_86 : i32 to index
      %swap3A_93 = arith.constant 16 : index
      %swap3A_94 = tpu.vector_load %arg9[%swap3A_92, %swap3A_93] {strides = array<i32>} : memref<128x128xf32, #tpu.memory_space<vmem>>, vector<1x16xf32>,
      %swap3A_95 = vector.shape_cast %swap3A_94 : vector<1x16xf32> to vector<16xf32>
      %swap3A_96 = vector.shape_cast %broadcast_in_dim3A_3 : vector<16xf32> to vector<1x16xf32>
      tpu.vector_store %arg9[%swap3A_92, %swap3A_93], %swap3A_96 {strides = array<i32>} : memref<128x128xf32, #tpu.memory_space<vmem>>, vector<1x16xf32>,
      %swap3A_97 = arith.index_cast %scan3A_86 : i32 to index
      %swap3A_98 = arith.constant 32 : index
      %swap3A_99 = tpu.vector_load %arg9[%swap3A_97, %swap3A_98] {strides = array<i32>} : memref<128x128xf32, #tpu.memory_space<vmem>>, vector<1x16xf32>,
      %swap3A_100 = vector.shape_cast %swap3A_99 : vector<1x16xf32> to vector<16xf32>
      %swap3A_101 = vector.shape_cast %broadcast_in_dim3A_3 : vector<16xf32> to vector<1x16xf32>
      tpu.vector_store %arg9[%swap3A_97, %swap3A_98], %swap3A_101 {strides = array<i32>} : memref<128x128xf32, #tpu.memory_space<vmem>>, vector<1x16xf32>,
      %swap3A_102 = arith.index_cast %scan3A_86 : i32 to index
      %swap3A_103 = arith.constant 48 : index
      %swap3A_104 = tpu.vector_load %arg9[%swap3A_102, %swap3A_103] {strides = array<i32>} : memref<128x128xf32, #tpu.memory_space<vmem>>, vector<1x16xf32>,
      %swap3A_105 = vector.shape_cast %swap3A_104 : vector<1x16xf32> to vector<16xf32>
      %swap3A_106 = vector.shape_cast %broadcast_in_dim3A_3 : vector<16xf32> to vector<1x16xf32>
      tpu.vector_store %arg9[%swap3A_102, %swap3A_103], %swap3A_106 {strides = array<i32>} : memref<128x128xf32, #tpu.memory_space<vmem>>, vector<1x16xf32>,
      %swap3A_107 = arith.index_cast %scan3A_86 : i32 to index
      %swap3A_108 = arith.constant 64 : index
      %swap3A_109 = tpu.vector_load %arg9[%swap3A_107, %swap3A_108] {strides = array<i32>} : memref<128x128xf32, #tpu.memory_space<vmem>>, vector<1x16xf32>,
      %swap3A_110 = vector.shape_cast %swap3A_109 : vector<1x16xf32> to vector<16xf32>
      %swap3A_111 = vector.shape_cast %broadcast_in_dim3A_3 : vector<16xf32> to vector<1x16xf32>
      tpu.vector_store %arg9[%swap3A_107, %swap3A_108], %swap3A_111 {strides = array<i32>} : memref<128x128xf32, #tpu.memory_space<vmem>>, vector<1x16xf32>,
      %swap3A_112 = arith.index_cast %scan3A_86 : i32 to index
      %swap3A_113 = arith.constant 80 : index
      %swap3A_114 = tpu.vector_load %arg9[%swap3A_112, %swap3A_113] {strides = array<i32>} : memref<128x128xf32, #tpu.memory_space<vmem>>, vector<1x16xf32>,
      %swap3A_115 = vector.shape_cast %swap3A_114 : vector<1x16xf32> to vector<16xf32>
      %swap3A_116 = vector.shape_cast %broadcast_in_dim3A_3 : vector<16xf32> to vector<1x16xf32>
      tpu.vector_store %arg9[%swap3A_112, %swap3A_113], %swap3A_116 {strides = array<i32>} : memref<128x128xf32, #tpu.memory_space<vmem>>, vector<1x16xf32>,
      %swap3A_117 = arith.index_cast %scan3A_86 : i32 to index
      %swap3A_118 = arith.constant 96 : index
      %swap3A_119 = tpu.vector_load %arg9[%swap3A_117, %swap3A_118] {strides = array<i32>} : memref<128x128xf32, #tpu.memory_space<vmem>>, vector<1x16xf32>,
      %swap3A_120 = vector.shape_cast %swap3A_119 : vector<1x16xf32> to vector<16xf32>
      %swap3A_121 = vector.shape_cast %broadcast_in_dim3A_3 : vector<16xf32> to vector<1x16xf32>
      tpu.vector_store %arg9[%swap3A_117, %swap3A_118], %swap3A_121 {strides = array<i32>} : memref<128x128xf32, #tpu.memory_space<vmem>>, vector<1x16xf32>,
      %swap3A_122 = arith.index_cast %scan3A_86 : i32 to index
      %swap3A_123 = arith.constant 112 : index
      %swap3A_124 = tpu.vector_load %arg9[%swap3A_122, %swap3A_123] {strides = array<i32>} : memref<128x128xf32, #tpu.memory_space<vmem>>, vector<1x16xf32>,
      %swap3A_125 = vector.shape_cast %swap3A_124 : vector<1x16xf32> to vector<16xf32>
      %swap3A_126 = vector.shape_cast %broadcast_in_dim3A_3 : vector<16xf32> to vector<1x16xf32>
      tpu.vector_store %arg9[%swap3A_122, %swap3A_123], %swap3A_126 {strides = array<i32>} : memref<128x128xf32, #tpu.memory_space<vmem>>, vector<1x16xf32>,
      %scan3A_127 = arith.constant 0 : i32
      scf.yield %scan3A_127 : i32
    }
    %scan3A_9 = arith.constant 128 : i32
    %mul3A_10 = arith.constant 640 : i32
    %mul3A_11 = arith.muli %arg1, %mul3A_10 : i32
    %add3A_12 = arith.constant 0 : i32
    %add3A_13 = arith.addi %mul3A_11, %add3A_12 : i32
    "tpu.region"() ({
      %run_scoped3A_86 = tpu.sem_alloc : memref<!tpu.dma_semaphore, #tpu.memory_space<semaphore_mem>>
      %dma_start3A_87 = arith.constant 0 : i32
      %dma_start3A_88 = tpu.memref_slice %arg6[%add3A_13, %dma_start3A_87] : memref<10240x128xf32, #tpu.memory_space<vmem_shared>> -> memref<128x128xf32, #tpu.memory_space<vmem_shared>>
      %dma_start3A_89 = arith.constant 0 : i32
      %dma_start3A_90 = tpu.memref_slice %arg6[%add3A_13, %dma_start3A_89] : memref<10240x128xf32, #tpu.memory_space<vmem_shared>> -> memref<128x128xf32, #tpu.memory_space<vmem_shared>>
      tpu.enqueue_dma source(%arg9 : memref<128x128xf32, #tpu.memory_space<vmem>>) target(%dma_start3A_90 : memref<128x128xf32, #tpu.memory_space<vmem_shared>>) target_semaphore(%run_scoped3A_86 : memref<!tpu.dma_semaphore, #tpu.memory_space<semaphore_mem>>)
      %dma_wait3A = arith.constant 0 : i32
      %dma_wait3A_91 = tpu.memref_slice %arg6[%add3A_13, %dma_wait3A] : memref<10240x128xf32, #tpu.memory_space<vmem_shared>> -> memref<128x128xf32, #tpu.memory_space<vmem_shared>>
      %dma_wait3A_92 = arith.constant 0 : i32
      %dma_wait3A_93 = tpu.memref_slice %arg6[%add3A_13, %dma_wait3A_92] : memref<10240x128xf32, #tpu.memory_space<vmem_shared>> -> memref<128x128xf32, #tpu.memory_space<vmem_shared>>
      tpu.wait_dma2 semaphore(%run_scoped3A_86 : memref<!tpu.dma_semaphore, #tpu.memory_space<semaphore_mem>>) src(%arg9 : memref<128x128xf32, #tpu.memory_space<vmem>>) dst(%dma_wait3A_93 : memref<128x128xf32, #tpu.memory_space<vmem_shared>>)
      tpu.yield
    }) : () -> ()
    %mul3A_14 = arith.constant 640 : i32
    %mul3A_15 = arith.muli %arg1, %mul3A_14 : i32
    %add3A_16 = arith.constant 128 : i32
    %add3A_17 = arith.addi %mul3A_15, %add3A_16 : i32
    "tpu.region"() ({
      %run_scoped3A_86 = tpu.sem_alloc : memref<!tpu.dma_semaphore, #tpu.memory_space<semaphore_mem>>
      %dma_start3A_87 = arith.constant 0 : i32
      %dma_start3A_88 = tpu.memref_slice %arg6[%add3A_17, %dma_start3A_87] : memref<10240x128xf32, #tpu.memory_space<vmem_shared>> -> memref<128x128xf32, #tpu.memory_space<vmem_shared>>
      %dma_start3A_89 = arith.constant 0 : i32
      %dma_start3A_90 = tpu.memref_slice %arg6[%add3A_17, %dma_start3A_89] : memref<10240x128xf32, #tpu.memory_space<vmem_shared>> -> memref<128x128xf32, #tpu.memory_space<vmem_shared>>
      tpu.enqueue_dma source(%arg9 : memref<128x128xf32, #tpu.memory_space<vmem>>) target(%dma_start3A_90 : memref<128x128xf32, #tpu.memory_space<vmem_shared>>) target_semaphore(%run_scoped3A_86 : memref<!tpu.dma_semaphore, #tpu.memory_space<semaphore_mem>>)
      %dma_wait3A = arith.constant 0 : i32
      %dma_wait3A_91 = tpu.memref_slice %arg6[%add3A_17, %dma_wait3A] : memref<10240x128xf32, #tpu.memory_space<vmem_shared>> -> memref<128x128xf32, #tpu.memory_space<vmem_shared>>
      %dma_wait3A_92 = arith.constant 0 : i32
      %dma_wait3A_93 = tpu.memref_slice %arg6[%add3A_17, %dma_wait3A_92] : memref<10240x128xf32, #tpu.memory_space<vmem_shared>> -> memref<128x128xf32, #tpu.memory_space<vmem_shared>>
      tpu.wait_dma2 semaphore(%run_scoped3A_86 : memref<!tpu.dma_semaphore, #tpu.memory_space<semaphore_mem>>) src(%arg9 : memref<128x128xf32, #tpu.memory_space<vmem>>) dst(%dma_wait3A_93 : memref<128x128xf32, #tpu.memory_space<vmem_shared>>)
      tpu.yield
    }) : () -> ()
    %mul3A_18 = arith.constant 640 : i32
    %mul3A_19 = arith.muli %arg1, %mul3A_18 : i32
    %add3A_20 = arith.constant 256 : i32
    %add3A_21 = arith.addi %mul3A_19, %add3A_20 : i32
    "tpu.region"() ({
      %run_scoped3A_86 = tpu.sem_alloc : memref<!tpu.dma_semaphore, #tpu.memory_space<semaphore_mem>>
      %dma_start3A_87 = arith.constant 0 : i32
      %dma_start3A_88 = tpu.memref_slice %arg6[%add3A_21, %dma_start3A_87] : memref<10240x128xf32, #tpu.memory_space<vmem_shared>> -> memref<128x128xf32, #tpu.memory_space<vmem_shared>>
      %dma_start3A_89 = arith.constant 0 : i32
      %dma_start3A_90 = tpu.memref_slice %arg6[%add3A_21, %dma_start3A_89] : memref<10240x128xf32, #tpu.memory_space<vmem_shared>> -> memref<128x128xf32, #tpu.memory_space<vmem_shared>>
      tpu.enqueue_dma source(%arg9 : memref<128x128xf32, #tpu.memory_space<vmem>>) target(%dma_start3A_90 : memref<128x128xf32, #tpu.memory_space<vmem_shared>>) target_semaphore(%run_scoped3A_86 : memref<!tpu.dma_semaphore, #tpu.memory_space<semaphore_mem>>)
      %dma_wait3A = arith.constant 0 : i32
      %dma_wait3A_91 = tpu.memref_slice %arg6[%add3A_21, %dma_wait3A] : memref<10240x128xf32, #tpu.memory_space<vmem_shared>> -> memref<128x128xf32, #tpu.memory_space<vmem_shared>>
      %dma_wait3A_92 = arith.constant 0 : i32
      %dma_wait3A_93 = tpu.memref_slice %arg6[%add3A_21, %dma_wait3A_92] : memref<10240x128xf32, #tpu.memory_space<vmem_shared>> -> memref<128x128xf32, #tpu.memory_space<vmem_shared>>
      tpu.wait_dma2 semaphore(%run_scoped3A_86 : memref<!tpu.dma_semaphore, #tpu.memory_space<semaphore_mem>>) src(%arg9 : memref<128x128xf32, #tpu.memory_space<vmem>>) dst(%dma_wait3A_93 : memref<128x128xf32, #tpu.memory_space<vmem_shared>>)
      tpu.yield
    }) : () -> ()
    %mul3A_22 = arith.constant 640 : i32
    %mul3A_23 = arith.muli %arg1, %mul3A_22 : i32
    %add3A_24 = arith.constant 384 : i32
    %add3A_25 = arith.addi %mul3A_23, %add3A_24 : i32
    "tpu.region"() ({
      %run_scoped3A_86 = tpu.sem_alloc : memref<!tpu.dma_semaphore, #tpu.memory_space<semaphore_mem>>
      %dma_start3A_87 = arith.constant 0 : i32
      %dma_start3A_88 = tpu.memref_slice %arg6[%add3A_25, %dma_start3A_87] : memref<10240x128xf32, #tpu.memory_space<vmem_shared>> -> memref<128x128xf32, #tpu.memory_space<vmem_shared>>
      %dma_start3A_89 = arith.constant 0 : i32
      %dma_start3A_90 = tpu.memref_slice %arg6[%add3A_25, %dma_start3A_89] : memref<10240x128xf32, #tpu.memory_space<vmem_shared>> -> memref<128x128xf32, #tpu.memory_space<vmem_shared>>
      tpu.enqueue_dma source(%arg9 : memref<128x128xf32, #tpu.memory_space<vmem>>) target(%dma_start3A_90 : memref<128x128xf32, #tpu.memory_space<vmem_shared>>) target_semaphore(%run_scoped3A_86 : memref<!tpu.dma_semaphore, #tpu.memory_space<semaphore_mem>>)
      %dma_wait3A = arith.constant 0 : i32
      %dma_wait3A_91 = tpu.memref_slice %arg6[%add3A_25, %dma_wait3A] : memref<10240x128xf32, #tpu.memory_space<vmem_shared>> -> memref<128x128xf32, #tpu.memory_space<vmem_shared>>
      %dma_wait3A_92 = arith.constant 0 : i32
      %dma_wait3A_93 = tpu.memref_slice %arg6[%add3A_25, %dma_wait3A_92] : memref<10240x128xf32, #tpu.memory_space<vmem_shared>> -> memref<128x128xf32, #tpu.memory_space<vmem_shared>>
      tpu.wait_dma2 semaphore(%run_scoped3A_86 : memref<!tpu.dma_semaphore, #tpu.memory_space<semaphore_mem>>) src(%arg9 : memref<128x128xf32, #tpu.memory_space<vmem>>) dst(%dma_wait3A_93 : memref<128x128xf32, #tpu.memory_space<vmem_shared>>)
      tpu.yield
    }) : () -> ()
    %mul3A_26 = arith.constant 640 : i32
    %mul3A_27 = arith.muli %arg1, %mul3A_26 : i32
    %add3A_28 = arith.constant 512 : i32
    %add3A_29 = arith.addi %mul3A_27, %add3A_28 : i32
    "tpu.region"() ({
      %run_scoped3A_86 = tpu.sem_alloc : memref<!tpu.dma_semaphore, #tpu.memory_space<semaphore_mem>>
      %dma_start3A_87 = arith.constant 0 : i32
      %dma_start3A_88 = tpu.memref_slice %arg6[%add3A_29, %dma_start3A_87] : memref<10240x128xf32, #tpu.memory_space<vmem_shared>> -> memref<128x128xf32, #tpu.memory_space<vmem_shared>>
      %dma_start3A_89 = arith.constant 0 : i32
      %dma_start3A_90 = tpu.memref_slice %arg6[%add3A_29, %dma_start3A_89] : memref<10240x128xf32, #tpu.memory_space<vmem_shared>> -> memref<128x128xf32, #tpu.memory_space<vmem_shared>>
      tpu.enqueue_dma source(%arg9 : memref<128x128xf32, #tpu.memory_space<vmem>>) target(%dma_start3A_90 : memref<128x128xf32, #tpu.memory_space<vmem_shared>>) target_semaphore(%run_scoped3A_86 : memref<!tpu.dma_semaphore, #tpu.memory_space<semaphore_mem>>)
      %dma_wait3A = arith.constant 0 : i32
      %dma_wait3A_91 = tpu.memref_slice %arg6[%add3A_29, %dma_wait3A] : memref<10240x128xf32, #tpu.memory_space<vmem_shared>> -> memref<128x128xf32, #tpu.memory_space<vmem_shared>>
      %dma_wait3A_92 = arith.constant 0 : i32
      %dma_wait3A_93 = tpu.memref_slice %arg6[%add3A_29, %dma_wait3A_92] : memref<10240x128xf32, #tpu.memory_space<vmem_shared>> -> memref<128x128xf32, #tpu.memory_space<vmem_shared>>
      tpu.wait_dma2 semaphore(%run_scoped3A_86 : memref<!tpu.dma_semaphore, #tpu.memory_space<semaphore_mem>>) src(%arg9 : memref<128x128xf32, #tpu.memory_space<vmem>>) dst(%dma_wait3A_93 : memref<128x128xf32, #tpu.memory_space<vmem_shared>>)
      tpu.yield
    }) : () -> ()
    %barrier3A = arith.constant 0 : index
    tpu.barrier barrier_id(%barrier3A)
    %run_scoped3A = arith.constant 0 : i32
    "tpu.region"() ({
      %run_scoped3A_86 = tpu.sem_alloc : memref<!tpu.dma_semaphore, #tpu.memory_space<semaphore_mem>>
      %dma_start3A_87 = arith.constant 0 : i32
      %dma_start3A_88 = arith.constant 0 : i32
      %dma_start3A_89 = tpu.memref_slice %arg7[%run_scoped3A, %dma_start3A_87, %dma_start3A_88] : memref<2x16x128xi32, #tpu.memory_space<vmem>> -> memref<1x16x128xi32, #tpu.memory_space<vmem>>
      %dma_start3A_90 = tpu.memref_squeeze %dma_start3A_89 : memref<1x16x128xi32, #tpu.memory_space<vmem>> -> memref<16x128xi32, #tpu.memory_space<vmem>>
      %dma_start3A_91 = arith.constant 0 : i32
      %dma_start3A_92 = tpu.memref_slice %arg3[%mul3A_2, %dma_start3A_91] : memref<2560x128xi32, #tpu.memory_space<hbm>> -> memref<16x128xi32, #tpu.memory_space<hbm>>
      %dma_start3A_93 = arith.constant 0 : i32
      %dma_start3A_94 = arith.constant 0 : i32
      %dma_start3A_95 = tpu.memref_slice %arg7[%run_scoped3A, %dma_start3A_93, %dma_start3A_94] : memref<2x16x128xi32, #tpu.memory_space<vmem>> -> memref<1x16x128xi32, #tpu.memory_space<vmem>>
      %dma_start3A_96 = tpu.memref_squeeze %dma_start3A_95 : memref<1x16x128xi32, #tpu.memory_space<vmem>> -> memref<16x128xi32, #tpu.memory_space<vmem>>
      %dma_start3A_97 = arith.constant 0 : i32
      %dma_start3A_98 = tpu.memref_slice %arg3[%mul3A_2, %dma_start3A_97] : memref<2560x128xi32, #tpu.memory_space<hbm>> -> memref<16x128xi32, #tpu.memory_space<hbm>>
      tpu.enqueue_dma source(%dma_start3A_98 : memref<16x128xi32, #tpu.memory_space<hbm>>) target(%dma_start3A_96 : memref<16x128xi32, #tpu.memory_space<vmem>>) target_semaphore(%run_scoped3A_86 : memref<!tpu.dma_semaphore, #tpu.memory_space<semaphore_mem>>)
      %dma_wait3A = arith.constant 0 : i32
      %dma_wait3A_99 = arith.constant 0 : i32
      %dma_wait3A_100 = tpu.memref_slice %arg7[%run_scoped3A, %dma_wait3A, %dma_wait3A_99] : memref<2x16x128xi32, #tpu.memory_space<vmem>> -> memref<1x16x128xi32, #tpu.memory_space<vmem>>
      %dma_wait3A_101 = tpu.memref_squeeze %dma_wait3A_100 : memref<1x16x128xi32, #tpu.memory_space<vmem>> -> memref<16x128xi32, #tpu.memory_space<vmem>>
      %dma_wait3A_102 = arith.constant 0 : i32
      %dma_wait3A_103 = tpu.memref_slice %arg3[%mul3A_2, %dma_wait3A_102] : memref<2560x128xi32, #tpu.memory_space<hbm>> -> memref<16x128xi32, #tpu.memory_space<hbm>>
      %dma_wait3A_104 = arith.constant 0 : i32
      %dma_wait3A_105 = arith.constant 0 : i32
      %dma_wait3A_106 = tpu.memref_slice %arg7[%run_scoped3A, %dma_wait3A_104, %dma_wait3A_105] : memref<2x16x128xi32, #tpu.memory_space<vmem>> -> memref<1x16x128xi32, #tpu.memory_space<vmem>>
      %dma_wait3A_107 = tpu.memref_squeeze %dma_wait3A_106 : memref<1x16x128xi32, #tpu.memory_space<vmem>> -> memref<16x128xi32, #tpu.memory_space<vmem>>
      %dma_wait3A_108 = arith.constant 0 : i32
      %dma_wait3A_109 = tpu.memref_slice %arg3[%mul3A_2, %dma_wait3A_108] : memref<2560x128xi32, #tpu.memory_space<hbm>> -> memref<16x128xi32, #tpu.memory_space<hbm>>
      tpu.wait_dma2 semaphore(%run_scoped3A_86 : memref<!tpu.dma_semaphore, #tpu.memory_space<semaphore_mem>>) src(%dma_wait3A_109 : memref<16x128xi32, #tpu.memory_space<hbm>>) dst(%dma_wait3A_107 : memref<16x128xi32, #tpu.memory_space<vmem>>)
      tpu.yield
    }) : () -> ()
    %run_scoped3A_30 = arith.constant 0 : i32
    "tpu.region"() ({
      %run_scoped3A_86 = tpu.sem_alloc : memref<!tpu.dma_semaphore, #tpu.memory_space<semaphore_mem>>
      %dma_start3A_87 = arith.constant 0 : i32
      %dma_start3A_88 = arith.constant 0 : i32
      %dma_start3A_89 = tpu.memref_slice %arg8[%run_scoped3A_30, %dma_start3A_87, %dma_start3A_88] : memref<2x16x128xi32, #tpu.memory_space<vmem>> -> memref<1x16x128xi32, #tpu.memory_space<vmem>>
      %dma_start3A_90 = tpu.memref_squeeze %dma_start3A_89 : memref<1x16x128xi32, #tpu.memory_space<vmem>> -> memref<16x128xi32, #tpu.memory_space<vmem>>
      %dma_start3A_91 = arith.constant 0 : i32
      %dma_start3A_92 = tpu.memref_slice %arg4[%mul3A_2, %dma_start3A_91] : memref<2560x128xi32, #tpu.memory_space<hbm>> -> memref<16x128xi32, #tpu.memory_space<hbm>>
      %dma_start3A_93 = arith.constant 0 : i32
      %dma_start3A_94 = arith.constant 0 : i32
      %dma_start3A_95 = tpu.memref_slice %arg8[%run_scoped3A_30, %dma_start3A_93, %dma_start3A_94] : memref<2x16x128xi32, #tpu.memory_space<vmem>> -> memref<1x16x128xi32, #tpu.memory_space<vmem>>
      %dma_start3A_96 = tpu.memref_squeeze %dma_start3A_95 : memref<1x16x128xi32, #tpu.memory_space<vmem>> -> memref<16x128xi32, #tpu.memory_space<vmem>>
      %dma_start3A_97 = arith.constant 0 : i32
      %dma_start3A_98 = tpu.memref_slice %arg4[%mul3A_2, %dma_start3A_97] : memref<2560x128xi32, #tpu.memory_space<hbm>> -> memref<16x128xi32, #tpu.memory_space<hbm>>
      tpu.enqueue_dma source(%dma_start3A_98 : memref<16x128xi32, #tpu.memory_space<hbm>>) target(%dma_start3A_96 : memref<16x128xi32, #tpu.memory_space<vmem>>) target_semaphore(%run_scoped3A_86 : memref<!tpu.dma_semaphore, #tpu.memory_space<semaphore_mem>>)
      %dma_wait3A = arith.constant 0 : i32
      %dma_wait3A_99 = arith.constant 0 : i32
      %dma_wait3A_100 = tpu.memref_slice %arg8[%run_scoped3A_30, %dma_wait3A, %dma_wait3A_99] : memref<2x16x128xi32, #tpu.memory_space<vmem>> -> memref<1x16x128xi32, #tpu.memory_space<vmem>>
      %dma_wait3A_101 = tpu.memref_squeeze %dma_wait3A_100 : memref<1x16x128xi32, #tpu.memory_space<vmem>> -> memref<16x128xi32, #tpu.memory_space<vmem>>
      %dma_wait3A_102 = arith.constant 0 : i32
      %dma_wait3A_103 = tpu.memref_slice %arg4[%mul3A_2, %dma_wait3A_102] : memref<2560x128xi32, #tpu.memory_space<hbm>> -> memref<16x128xi32, #tpu.memory_space<hbm>>
      %dma_wait3A_104 = arith.constant 0 : i32
      %dma_wait3A_105 = arith.constant 0 : i32
      %dma_wait3A_106 = tpu.memref_slice %arg8[%run_scoped3A_30, %dma_wait3A_104, %dma_wait3A_105] : memref<2x16x128xi32, #tpu.memory_space<vmem>> -> memref<1x16x128xi32, #tpu.memory_space<vmem>>
      %dma_wait3A_107 = tpu.memref_squeeze %dma_wait3A_106 : memref<1x16x128xi32, #tpu.memory_space<vmem>> -> memref<16x128xi32, #tpu.memory_space<vmem>>
      %dma_wait3A_108 = arith.constant 0 : i32
      %dma_wait3A_109 = tpu.memref_slice %arg4[%mul3A_2, %dma_wait3A_108] : memref<2560x128xi32, #tpu.memory_space<hbm>> -> memref<16x128xi32, #tpu.memory_space<hbm>>
      tpu.wait_dma2 semaphore(%run_scoped3A_86 : memref<!tpu.dma_semaphore, #tpu.memory_space<semaphore_mem>>) src(%dma_wait3A_109 : memref<16x128xi32, #tpu.memory_space<hbm>>) dst(%dma_wait3A_107 : memref<16x128xi32, #tpu.memory_space<vmem>>)
      tpu.yield
    }) : () -> ()
    %dma_start3A = arith.constant 0 : i32
    %dma_start3A_31 = arith.constant 0 : i32
    %dma_start3A_32 = arith.constant 0 : i32
    %dma_start3A_33 = tpu.memref_slice %arg7[%dma_start3A, %dma_start3A_31, %dma_start3A_32] : memref<2x16x128xi32, #tpu.memory_space<vmem>> -> memref<1x1x128xi32, #tpu.memory_space<vmem>>
    %dma_start3A_34 = tpu.memref_squeeze %dma_start3A_33 : memref<1x1x128xi32, #tpu.memory_space<vmem>> -> memref<128xi32, #tpu.memory_space<vmem>>
    %dma_start3A_35 = arith.constant 0 : i32
    %dma_start3A_36 = arith.constant 0 : i32
    %dma_start3A_37 = tpu.memref_slice %arg2[%dma_start3A_35, %dma_start3A_36] : memref<10000x128xf32, #tpu.memory_space<hbm>> -> memref<10000x128xf32, #tpu.memory_space<hbm>>
    tpu.enqueue_indirect_dma source(%dma_start3A_37 : memref<10000x128xf32, #tpu.memory_space<hbm>>) target(%arg9 : memref<128x128xf32, #tpu.memory_space<vmem>>) offsets(%dma_start3A_34 : memref<128xi32, #tpu.memory_space<vmem>>) semaphore(%arg11 : memref<!tpu.dma_semaphore, #tpu.memory_space<semaphore_mem>>)
    %scan3A_38 = arith.constant 0 : i32
    %scan3A_39 = arith.constant 0 : i32
    %scan3A_40 = arith.constant 5 : i32
    %scan3A_41 = arith.addi %scan3A_39, %scan3A_40 : i32
    %scan3A_42 = arith.constant 1 : i32
    %scan3A_43 = scf.for %scan3A_86 = %scan3A_39 to %scan3A_41 step %scan3A_42 iter_args(%scan3A_87 = %scan3A_38) -> (i32)  : i32 {
      %jit3A = arith.constant 2 : i32
      %eq3A = arith.constant 0 : i32
      %eq3A_88 = arith.cmpi eq, %jit3A, %eq3A : i32
      %jit3A_89 = arith.constant 1 : i32
      %select_n3A = arith.select %eq3A_88, %jit3A_89, %jit3A : i32
      %rem3A = arith.remsi %scan3A_86, %select_n3A : i32
      %ne3A = arith.constant 0 : i32
      %ne3A_90 = arith.cmpi ne, %rem3A, %ne3A : i32
      %lt3A = arith.constant 0 : i32
      %lt3A_91 = arith.cmpi slt, %rem3A, %lt3A : i32
      %lt3A_92 = arith.constant 0 : i32
      %lt3A_93 = arith.cmpi slt, %select_n3A, %lt3A_92 : i32
      %ne3A_94 = arith.xori %lt3A_91, %lt3A_93 : i1
      %and3A = arith.andi %ne3A_94, %ne3A_90 : i1
      %add3A_95 = arith.addi %rem3A, %select_n3A : i32
      %select_n3A_96 = arith.select %and3A, %add3A_95, %rem3A : i32
      %sub3A = arith.constant 1 : i32
      %sub3A_97 = arith.subi %sub3A, %select_n3A_96 : i32
      %add3A_98 = arith.constant 1 : i32
      %add3A_99 = arith.addi %scan3A_86, %add3A_98 : i32
      %lt3A_100 = arith.constant 5 : i32
      %lt3A_101 = arith.cmpi slt, %add3A_99, %lt3A_100 : i32
      %convert_element_type3A = arith.extui %lt3A_101 : i1 to i32
      %cond3A = arith.constant 0 : i32
      %cond3A_102 = arith.cmpi ne, %convert_element_type3A, %cond3A : i32
      scf.if %cond3A_102 {
        %add3A_124 = arith.constant 1 : i32
        %add3A_125 = arith.addi %scan3A_86, %add3A_124 : i32
        %mul3A_126 = arith.constant 16 : i32
        %mul3A_127 = arith.muli %add3A_125, %mul3A_126 : i32
        %add3A_128 = arith.addi %mul3A_2, %mul3A_127 : i32
        %dma_start3A_129 = arith.constant 0 : i32
        %dma_start3A_130 = arith.constant 0 : i32
        %dma_start3A_131 = tpu.memref_slice %arg7[%sub3A_97, %dma_start3A_129, %dma_start3A_130] : memref<2x16x128xi32, #tpu.memory_space<vmem>> -> memref<1x16x128xi32, #tpu.memory_space<vmem>>
        %dma_start3A_132 = tpu.memref_squeeze %dma_start3A_131 : memref<1x16x128xi32, #tpu.memory_space<vmem>> -> memref<16x128xi32, #tpu.memory_space<vmem>>
        %dma_start3A_133 = arith.constant 0 : i32
        %dma_start3A_134 = tpu.memref_slice %arg3[%add3A_128, %dma_start3A_133] : memref<2560x128xi32, #tpu.memory_space<hbm>> -> memref<16x128xi32, #tpu.memory_space<hbm>>
        %dma_start3A_135 = arith.constant 0 : i32
        %dma_start3A_136 = arith.constant 0 : i32
        %dma_start3A_137 = tpu.memref_slice %arg7[%sub3A_97, %dma_start3A_135, %dma_start3A_136] : memref<2x16x128xi32, #tpu.memory_space<vmem>> -> memref<1x16x128xi32, #tpu.memory_space<vmem>>
        %dma_start3A_138 = tpu.memref_squeeze %dma_start3A_137 : memref<1x16x128xi32, #tpu.memory_space<vmem>> -> memref<16x128xi32, #tpu.memory_space<vmem>>
        %dma_start3A_139 = arith.constant 0 : i32
        %dma_start3A_140 = tpu.memref_slice %arg3[%add3A_128, %dma_start3A_139] : memref<2560x128xi32, #tpu.memory_space<hbm>> -> memref<16x128xi32, #tpu.memory_space<hbm>>
        tpu.enqueue_dma source(%dma_start3A_140 : memref<16x128xi32, #tpu.memory_space<hbm>>) target(%dma_start3A_138 : memref<16x128xi32, #tpu.memory_space<vmem>>) target_semaphore(%arg15 : memref<!tpu.dma_semaphore, #tpu.memory_space<semaphore_mem>>)
        %add3A_141 = arith.constant 1 : i32
        %add3A_142 = arith.addi %scan3A_86, %add3A_141 : i32
        %mul3A_143 = arith.constant 16 : i32
        %mul3A_144 = arith.muli %add3A_142, %mul3A_143 : i32
        %add3A_145 = arith.addi %mul3A_2, %mul3A_144 : i32
        %dma_start3A_146 = arith.constant 0 : i32
        %dma_start3A_147 = arith.constant 0 : i32
        %dma_start3A_148 = tpu.memref_slice %arg8[%sub3A_97, %dma_start3A_146, %dma_start3A_147] : memref<2x16x128xi32, #tpu.memory_space<vmem>> -> memref<1x16x128xi32, #tpu.memory_space<vmem>>
        %dma_start3A_149 = tpu.memref_squeeze %dma_start3A_148 : memref<1x16x128xi32, #tpu.memory_space<vmem>> -> memref<16x128xi32, #tpu.memory_space<vmem>>
        %dma_start3A_150 = arith.constant 0 : i32
        %dma_start3A_151 = tpu.memref_slice %arg4[%add3A_145, %dma_start3A_150] : memref<2560x128xi32, #tpu.memory_space<hbm>> -> memref<16x128xi32, #tpu.memory_space<hbm>>
        %dma_start3A_152 = arith.constant 0 : i32
        %dma_start3A_153 = arith.constant 0 : i32
        %dma_start3A_154 = tpu.memref_slice %arg8[%sub3A_97, %dma_start3A_152, %dma_start3A_153] : memref<2x16x128xi32, #tpu.memory_space<vmem>> -> memref<1x16x128xi32, #tpu.memory_space<vmem>>
        %dma_start3A_155 = tpu.memref_squeeze %dma_start3A_154 : memref<1x16x128xi32, #tpu.memory_space<vmem>> -> memref<16x128xi32, #tpu.memory_space<vmem>>
        %dma_start3A_156 = arith.constant 0 : i32
        %dma_start3A_157 = tpu.memref_slice %arg4[%add3A_145, %dma_start3A_156] : memref<2560x128xi32, #tpu.memory_space<hbm>> -> memref<16x128xi32, #tpu.memory_space<hbm>>
        tpu.enqueue_dma source(%dma_start3A_157 : memref<16x128xi32, #tpu.memory_space<hbm>>) target(%dma_start3A_155 : memref<16x128xi32, #tpu.memory_space<vmem>>) target_semaphore(%arg15 : memref<!tpu.dma_semaphore, #tpu.memory_space<semaphore_mem>>)
      } else {
      }
      %scan3A_103 = arith.constant 0 : i32
      %scan3A_104 = arith.constant 0 : i32
      %scan3A_105 = arith.constant 8 : i32
      %scan3A_106 = arith.addi %scan3A_104, %scan3A_105 : i32
      %scan3A_107 = arith.constant 1 : i32
      %scan3A_108 = scf.for %scan3A_124 = %scan3A_104 to %scan3A_106 step %scan3A_107 iter_args(%scan3A_125 = %scan3A_103) -> (i32)  : i32 {
        %mul3A_126 = arith.constant 2 : i32
        %mul3A_127 = arith.muli %mul3A_126, %scan3A_124 : i32
        %add3A_128 = arith.constant 1 : i32
        %add3A_129 = arith.addi %mul3A_127, %add3A_128 : i32
        %dma_wait3A_130 = arith.constant 0 : i32
        %dma_wait3A_131 = tpu.memref_slice %arg7[%select_n3A_96, %mul3A_127, %dma_wait3A_130] : memref<2x16x128xi32, #tpu.memory_space<vmem>> -> memref<1x1x128xi32, #tpu.memory_space<vmem>>
        %dma_wait3A_132 = tpu.memref_squeeze %dma_wait3A_131 : memref<1x1x128xi32, #tpu.memory_space<vmem>> -> memref<128xi32, #tpu.memory_space<vmem>>
        %dma_wait3A_133 = arith.constant 0 : i32
        %dma_wait3A_134 = arith.constant 0 : i32
        %dma_wait3A_135 = tpu.memref_slice %arg2[%dma_wait3A_133, %dma_wait3A_134] : memref<10000x128xf32, #tpu.memory_space<hbm>> -> memref<10000x128xf32, #tpu.memory_space<hbm>>
        tpu.wait_indirect_dma semaphore(%arg11 : memref<!tpu.dma_semaphore, #tpu.memory_space<semaphore_mem>>) src(%dma_wait3A_135 : memref<10000x128xf32, #tpu.memory_space<hbm>>) dst(%arg9 : memref<128x128xf32, #tpu.memory_space<vmem>>)
        %dma_start3A_136 = arith.constant 0 : i32
        %dma_start3A_137 = tpu.memref_slice %arg8[%select_n3A_96, %mul3A_127, %dma_start3A_136] : memref<2x16x128xi32, #tpu.memory_space<vmem>> -> memref<1x1x128xi32, #tpu.memory_space<vmem>>
        %dma_start3A_138 = tpu.memref_squeeze %dma_start3A_137 : memref<1x1x128xi32, #tpu.memory_space<vmem>> -> memref<128xi32, #tpu.memory_space<vmem>>
        %dma_start3A_139 = arith.constant 0 : i32
        %dma_start3A_140 = arith.constant 0 : i32
        %dma_start3A_141 = tpu.memref_slice %arg6[%dma_start3A_139, %dma_start3A_140] : memref<10240x128xf32, #tpu.memory_space<vmem_shared>> -> memref<10240x128xf32, #tpu.memory_space<vmem_shared>>
        tpu.enqueue_indirect_dma source(%arg9 : memref<128x128xf32, #tpu.memory_space<vmem>>) target(%dma_start3A_141 : memref<10240x128xf32, #tpu.memory_space<vmem_shared>>) offsets(%dma_start3A_138 : memref<128xi32, #tpu.memory_space<vmem>>) semaphore(%arg13 : memref<!tpu.dma_semaphore, #tpu.memory_space<semaphore_mem>>) {add = true}
        %gt3A = arith.constant 0 : i32
        %gt3A_142 = arith.cmpi sgt, %scan3A_124, %gt3A : i32
        %convert_element_type3A_143 = arith.extui %gt3A_142 : i1 to i32
        %cond3A_144 = arith.constant 0 : i32
        %cond3A_145 = arith.cmpi ne, %convert_element_type3A_143, %cond3A_144 : i32
        scf.if %cond3A_145 {
          %sub3A_178 = arith.constant 2 : i32
          %sub3A_179 = arith.subi %add3A_129, %sub3A_178 : i32
          %dma_wait3A_180 = arith.constant 0 : i32
          %dma_wait3A_181 = tpu.memref_slice %arg8[%select_n3A_96, %sub3A_179, %dma_wait3A_180] : memref<2x16x128xi32, #tpu.memory_space<vmem>> -> memref<1x1x128xi32, #tpu.memory_space<vmem>>
          %dma_wait3A_182 = tpu.memref_squeeze %dma_wait3A_181 : memref<1x1x128xi32, #tpu.memory_space<vmem>> -> memref<128xi32, #tpu.memory_space<vmem>>
          %dma_wait3A_183 = arith.constant 0 : i32
          %dma_wait3A_184 = arith.constant 0 : i32
          %dma_wait3A_185 = tpu.memref_slice %arg6[%dma_wait3A_183, %dma_wait3A_184] : memref<10240x128xf32, #tpu.memory_space<vmem_shared>> -> memref<10240x128xf32, #tpu.memory_space<vmem_shared>>
          tpu.wait_indirect_dma semaphore(%arg14 : memref<!tpu.dma_semaphore, #tpu.memory_space<semaphore_mem>>) src(%arg10 : memref<128x128xf32, #tpu.memory_space<vmem>>) dst(%dma_wait3A_185 : memref<10240x128xf32, #tpu.memory_space<vmem_shared>>)
        } else {
        }
        %dma_start3A_146 = arith.constant 0 : i32
        %dma_start3A_147 = tpu.memref_slice %arg7[%select_n3A_96, %add3A_129, %dma_start3A_146] : memref<2x16x128xi32, #tpu.memory_space<vmem>> -> memref<1x1x128xi32, #tpu.memory_space<vmem>>
        %dma_start3A_148 = tpu.memref_squeeze %dma_start3A_147 : memref<1x1x128xi32, #tpu.memory_space<vmem>> -> memref<128xi32, #tpu.memory_space<vmem>>
        %dma_start3A_149 = arith.constant 0 : i32
        %dma_start3A_150 = arith.constant 0 : i32
        %dma_start3A_151 = tpu.memref_slice %arg2[%dma_start3A_149, %dma_start3A_150] : memref<10000x128xf32, #tpu.memory_space<hbm>> -> memref<10000x128xf32, #tpu.memory_space<hbm>>
        tpu.enqueue_indirect_dma source(%dma_start3A_151 : memref<10000x128xf32, #tpu.memory_space<hbm>>) target(%arg10 : memref<128x128xf32, #tpu.memory_space<vmem>>) offsets(%dma_start3A_148 : memref<128xi32, #tpu.memory_space<vmem>>) semaphore(%arg12 : memref<!tpu.dma_semaphore, #tpu.memory_space<semaphore_mem>>)
        %dma_wait3A_152 = arith.constant 0 : i32
        %dma_wait3A_153 = tpu.memref_slice %arg7[%select_n3A_96, %add3A_129, %dma_wait3A_152] : memref<2x16x128xi32, #tpu.memory_space<vmem>> -> memref<1x1x128xi32, #tpu.memory_space<vmem>>
        %dma_wait3A_154 = tpu.memref_squeeze %dma_wait3A_153 : memref<1x1x128xi32, #tpu.memory_space<vmem>> -> memref<128xi32, #tpu.memory_space<vmem>>
        %dma_wait3A_155 = arith.constant 0 : i32
        %dma_wait3A_156 = arith.constant 0 : i32
        %dma_wait3A_157 = tpu.memref_slice %arg2[%dma_wait3A_155, %dma_wait3A_156] : memref<10000x128xf32, #tpu.memory_space<hbm>> -> memref<10000x128xf32, #tpu.memory_space<hbm>>
        tpu.wait_indirect_dma semaphore(%arg12 : memref<!tpu.dma_semaphore, #tpu.memory_space<semaphore_mem>>) src(%dma_wait3A_157 : memref<10000x128xf32, #tpu.memory_space<hbm>>) dst(%arg10 : memref<128x128xf32, #tpu.memory_space<vmem>>)
        %dma_start3A_158 = arith.constant 0 : i32
        %dma_start3A_159 = tpu.memref_slice %arg8[%select_n3A_96, %add3A_129, %dma_start3A_158] : memref<2x16x128xi32, #tpu.memory_space<vmem>> -> memref<1x1x128xi32, #tpu.memory_space<vmem>>
        %dma_start3A_160 = tpu.memref_squeeze %dma_start3A_159 : memref<1x1x128xi32, #tpu.memory_space<vmem>> -> memref<128xi32, #tpu.memory_space<vmem>>
        %dma_start3A_161 = arith.constant 0 : i32
        %dma_start3A_162 = arith.constant 0 : i32
        %dma_start3A_163 = tpu.memref_slice %arg6[%dma_start3A_161, %dma_start3A_162] : memref<10240x128xf32, #tpu.memory_space<vmem_shared>> -> memref<10240x128xf32, #tpu.memory_space<vmem_shared>>
        tpu.enqueue_indirect_dma source(%arg10 : memref<128x128xf32, #tpu.memory_space<vmem>>) target(%dma_start3A_163 : memref<10240x128xf32, #tpu.memory_space<vmem_shared>>) offsets(%dma_start3A_160 : memref<128xi32, #tpu.memory_space<vmem>>) semaphore(%arg14 : memref<!tpu.dma_semaphore, #tpu.memory_space<semaphore_mem>>) {add = true}
        %dma_wait3A_164 = arith.constant 0 : i32
        %dma_wait3A_165 = tpu.memref_slice %arg8[%select_n3A_96, %mul3A_127, %dma_wait3A_164] : memref<2x16x128xi32, #tpu.memory_space<vmem>> -> memref<1x1x128xi32, #tpu.memory_space<vmem>>
        %dma_wait3A_166 = tpu.memref_squeeze %dma_wait3A_165 : memref<1x1x128xi32, #tpu.memory_space<vmem>> -> memref<128xi32, #tpu.memory_space<vmem>>
        %dma_wait3A_167 = arith.constant 0 : i32
        %dma_wait3A_168 = arith.constant 0 : i32
        %dma_wait3A_169 = tpu.memref_slice %arg6[%dma_wait3A_167, %dma_wait3A_168] : memref<10240x128xf32, #tpu.memory_space<vmem_shared>> -> memref<10240x128xf32, #tpu.memory_space<vmem_shared>>
        tpu.wait_indirect_dma semaphore(%arg13 : memref<!tpu.dma_semaphore, #tpu.memory_space<semaphore_mem>>) src(%arg9 : memref<128x128xf32, #tpu.memory_space<vmem>>) dst(%dma_wait3A_169 : memref<10240x128xf32, #tpu.memory_space<vmem_shared>>)
        %add3A_170 = arith.constant 2 : i32
        %add3A_171 = arith.addi %mul3A_127, %add3A_170 : i32
        %lt3A_172 = arith.constant 16 : i32
        %lt3A_173 = arith.cmpi slt, %add3A_171, %lt3A_172 : i32
        %convert_element_type3A_174 = arith.extui %lt3A_173 : i1 to i32
        %cond3A_175 = arith.constant 0 : i32
        %cond3A_176 = arith.cmpi ne, %convert_element_type3A_174, %cond3A_175 : i32
        scf.if %cond3A_176 {
          %add3A_178 = arith.constant 2 : i32
          %add3A_179 = arith.addi %mul3A_127, %add3A_178 : i32
          %dma_start3A_180 = arith.constant 0 : i32
          %dma_start3A_181 = tpu.memref_slice %arg7[%select_n3A_96, %add3A_179, %dma_start3A_180] : memref<2x16x128xi32, #tpu.memory_space<vmem>> -> memref<1x1x128xi32, #tpu.memory_space<vmem>>
          %dma_start3A_182 = tpu.memref_squeeze %dma_start3A_181 : memref<1x1x128xi32, #tpu.memory_space<vmem>> -> memref<128xi32, #tpu.memory_space<vmem>>
          %dma_start3A_183 = arith.constant 0 : i32
          %dma_start3A_184 = arith.constant 0 : i32
          %dma_start3A_185 = tpu.memref_slice %arg2[%dma_start3A_183, %dma_start3A_184] : memref<10000x128xf32, #tpu.memory_space<hbm>> -> memref<10000x128xf32, #tpu.memory_space<hbm>>
          tpu.enqueue_indirect_dma source(%dma_start3A_185 : memref<10000x128xf32, #tpu.memory_space<hbm>>) target(%arg9 : memref<128x128xf32, #tpu.memory_space<vmem>>) offsets(%dma_start3A_182 : memref<128xi32, #tpu.memory_space<vmem>>) semaphore(%arg11 : memref<!tpu.dma_semaphore, #tpu.memory_space<semaphore_mem>>)
        } else {
        }
        %scan3A_177 = arith.constant 0 : i32
        scf.yield %scan3A_177 : i32
      }
      %scan3A_109 = arith.constant 8 : i32
      %dma_wait3A = arith.constant 15 : i32
      %dma_wait3A_110 = arith.constant 0 : i32
      %dma_wait3A_111 = tpu.memref_slice %arg8[%select_n3A_96, %dma_wait3A, %dma_wait3A_110] : memref<2x16x128xi32, #tpu.memory_space<vmem>> -> memref<1x1x128xi32, #tpu.memory_space<vmem>>
      %dma_wait3A_112 = tpu.memref_squeeze %dma_wait3A_111 : memref<1x1x128xi32, #tpu.memory_space<vmem>> -> memref<128xi32, #tpu.memory_space<vmem>>
      %dma_wait3A_113 = arith.constant 0 : i32
      %dma_wait3A_114 = arith.constant 0 : i32
      %dma_wait3A_115 = tpu.memref_slice %arg6[%dma_wait3A_113, %dma_wait3A_114] : memref<10240x128xf32, #tpu.memory_space<vmem_shared>> -> memref<10240x128xf32, #tpu.memory_space<vmem_shared>>
      tpu.wait_indirect_dma semaphore(%arg14 : memref<!tpu.dma_semaphore, #tpu.memory_space<semaphore_mem>>) src(%arg10 : memref<128x128xf32, #tpu.memory_space<vmem>>) dst(%dma_wait3A_115 : memref<10240x128xf32, #tpu.memory_space<vmem_shared>>)
      %add3A_116 = arith.constant 1 : i32
      %add3A_117 = arith.addi %scan3A_86, %add3A_116 : i32
      %lt3A_118 = arith.constant 5 : i32
      %lt3A_119 = arith.cmpi slt, %add3A_117, %lt3A_118 : i32
      %convert_element_type3A_120 = arith.extui %lt3A_119 : i1 to i32
      %cond3A_121 = arith.constant 0 : i32
      %cond3A_122 = arith.cmpi ne, %convert_element_type3A_120, %cond3A_121 : i32
      scf.if %cond3A_122 {
        %add3A_124 = arith.constant 1 : i32
        %add3A_125 = arith.addi %scan3A_86, %add3A_124 : i32
        %mul3A_126 = arith.constant 16 : i32
        %mul3A_127 = arith.muli %add3A_125, %mul3A_126 : i32
        %add3A_128 = arith.addi %mul3A_2, %mul3A_127 : i32
        %dma_wait3A_129 = arith.constant 0 : i32
        %dma_wait3A_130 = arith.constant 0 : i32
        %dma_wait3A_131 = tpu.memref_slice %arg7[%sub3A_97, %dma_wait3A_129, %dma_wait3A_130] : memref<2x16x128xi32, #tpu.memory_space<vmem>> -> memref<1x16x128xi32, #tpu.memory_space<vmem>>
        %dma_wait3A_132 = tpu.memref_squeeze %dma_wait3A_131 : memref<1x16x128xi32, #tpu.memory_space<vmem>> -> memref<16x128xi32, #tpu.memory_space<vmem>>
        %dma_wait3A_133 = arith.constant 0 : i32
        %dma_wait3A_134 = tpu.memref_slice %arg3[%add3A_128, %dma_wait3A_133] : memref<2560x128xi32, #tpu.memory_space<hbm>> -> memref<16x128xi32, #tpu.memory_space<hbm>>
        %dma_wait3A_135 = arith.constant 0 : i32
        %dma_wait3A_136 = arith.constant 0 : i32
        %dma_wait3A_137 = tpu.memref_slice %arg7[%sub3A_97, %dma_wait3A_135, %dma_wait3A_136] : memref<2x16x128xi32, #tpu.memory_space<vmem>> -> memref<1x16x128xi32, #tpu.memory_space<vmem>>
        %dma_wait3A_138 = tpu.memref_squeeze %dma_wait3A_137 : memref<1x16x128xi32, #tpu.memory_space<vmem>> -> memref<16x128xi32, #tpu.memory_space<vmem>>
        %dma_wait3A_139 = arith.constant 0 : i32
        %dma_wait3A_140 = tpu.memref_slice %arg3[%add3A_128, %dma_wait3A_139] : memref<2560x128xi32, #tpu.memory_space<hbm>> -> memref<16x128xi32, #tpu.memory_space<hbm>>
        tpu.wait_dma2 semaphore(%arg15 : memref<!tpu.dma_semaphore, #tpu.memory_space<semaphore_mem>>) src(%dma_wait3A_140 : memref<16x128xi32, #tpu.memory_space<hbm>>) dst(%dma_wait3A_138 : memref<16x128xi32, #tpu.memory_space<vmem>>)
        %add3A_141 = arith.constant 1 : i32
        %add3A_142 = arith.addi %scan3A_86, %add3A_141 : i32
        %mul3A_143 = arith.constant 16 : i32
        %mul3A_144 = arith.muli %add3A_142, %mul3A_143 : i32
        %add3A_145 = arith.addi %mul3A_2, %mul3A_144 : i32
        %dma_wait3A_146 = arith.constant 0 : i32
        %dma_wait3A_147 = arith.constant 0 : i32
        %dma_wait3A_148 = tpu.memref_slice %arg8[%sub3A_97, %dma_wait3A_146, %dma_wait3A_147] : memref<2x16x128xi32, #tpu.memory_space<vmem>> -> memref<1x16x128xi32, #tpu.memory_space<vmem>>
        %dma_wait3A_149 = tpu.memref_squeeze %dma_wait3A_148 : memref<1x16x128xi32, #tpu.memory_space<vmem>> -> memref<16x128xi32, #tpu.memory_space<vmem>>
        %dma_wait3A_150 = arith.constant 0 : i32
        %dma_wait3A_151 = tpu.memref_slice %arg4[%add3A_145, %dma_wait3A_150] : memref<2560x128xi32, #tpu.memory_space<hbm>> -> memref<16x128xi32, #tpu.memory_space<hbm>>
        %dma_wait3A_152 = arith.constant 0 : i32
        %dma_wait3A_153 = arith.constant 0 : i32
        %dma_wait3A_154 = tpu.memref_slice %arg8[%sub3A_97, %dma_wait3A_152, %dma_wait3A_153] : memref<2x16x128xi32, #tpu.memory_space<vmem>> -> memref<1x16x128xi32, #tpu.memory_space<vmem>>
        %dma_wait3A_155 = tpu.memref_squeeze %dma_wait3A_154 : memref<1x16x128xi32, #tpu.memory_space<vmem>> -> memref<16x128xi32, #tpu.memory_space<vmem>>
        %dma_wait3A_156 = arith.constant 0 : i32
        %dma_wait3A_157 = tpu.memref_slice %arg4[%add3A_145, %dma_wait3A_156] : memref<2560x128xi32, #tpu.memory_space<hbm>> -> memref<16x128xi32, #tpu.memory_space<hbm>>
        tpu.wait_dma2 semaphore(%arg15 : memref<!tpu.dma_semaphore, #tpu.memory_space<semaphore_mem>>) src(%dma_wait3A_157 : memref<16x128xi32, #tpu.memory_space<hbm>>) dst(%dma_wait3A_155 : memref<16x128xi32, #tpu.memory_space<vmem>>)
        %dma_start3A_158 = arith.constant 0 : i32
        %dma_start3A_159 = arith.constant 0 : i32
        %dma_start3A_160 = tpu.memref_slice %arg7[%sub3A_97, %dma_start3A_158, %dma_start3A_159] : memref<2x16x128xi32, #tpu.memory_space<vmem>> -> memref<1x1x128xi32, #tpu.memory_space<vmem>>
        %dma_start3A_161 = tpu.memref_squeeze %dma_start3A_160 : memref<1x1x128xi32, #tpu.memory_space<vmem>> -> memref<128xi32, #tpu.memory_space<vmem>>
        %dma_start3A_162 = arith.constant 0 : i32
        %dma_start3A_163 = arith.constant 0 : i32
        %dma_start3A_164 = tpu.memref_slice %arg2[%dma_start3A_162, %dma_start3A_163] : memref<10000x128xf32, #tpu.memory_space<hbm>> -> memref<10000x128xf32, #tpu.memory_space<hbm>>
        tpu.enqueue_indirect_dma source(%dma_start3A_164 : memref<10000x128xf32, #tpu.memory_space<hbm>>) target(%arg9 : memref<128x128xf32, #tpu.memory_space<vmem>>) offsets(%dma_start3A_161 : memref<128xi32, #tpu.memory_space<vmem>>) semaphore(%arg11 : memref<!tpu.dma_semaphore, #tpu.memory_space<semaphore_mem>>)
      } else {
      }
      %scan3A_123 = arith.constant 0 : i32
      scf.yield %scan3A_123 : i32
    }
    %scan3A_44 = arith.constant 5 : i32
    %barrier3A_45 = arith.constant 0 : index
    tpu.barrier barrier_id(%barrier3A_45)
    %mul3A_46 = arith.constant 640 : i32
    %mul3A_47 = arith.muli %arg1, %mul3A_46 : i32
    %add3A_48 = arith.constant 0 : i32
    %add3A_49 = arith.addi %mul3A_47, %add3A_48 : i32
    %mul3A_50 = arith.constant 640 : i32
    %mul3A_51 = arith.muli %arg1, %mul3A_50 : i32
    %add3A_52 = arith.constant 0 : i32
    %add3A_53 = arith.addi %mul3A_51, %add3A_52 : i32
    "tpu.region"() ({
      %run_scoped3A_86 = tpu.sem_alloc : memref<!tpu.dma_semaphore, #tpu.memory_space<semaphore_mem>>
      %dma_start3A_87 = arith.constant 0 : i32
      %dma_start3A_88 = tpu.memref_slice %arg5[%arg0, %add3A_53, %dma_start3A_87] : memref<2x10240x128xf32, #tpu.memory_space<hbm>> -> memref<1x128x128xf32, #tpu.memory_space<hbm>>
      %dma_start3A_89 = tpu.memref_squeeze %dma_start3A_88 : memref<1x128x128xf32, #tpu.memory_space<hbm>> -> memref<128x128xf32, #tpu.memory_space<hbm>>
      %dma_start3A_90 = arith.constant 0 : i32
      %dma_start3A_91 = tpu.memref_slice %arg6[%add3A_49, %dma_start3A_90] : memref<10240x128xf32, #tpu.memory_space<vmem_shared>> -> memref<128x128xf32, #tpu.memory_space<vmem_shared>>
      tpu.enqueue_dma source(%dma_start3A_91 : memref<128x128xf32, #tpu.memory_space<vmem_shared>>) target(%dma_start3A_89 : memref<128x128xf32, #tpu.memory_space<hbm>>) target_semaphore(%run_scoped3A_86 : memref<!tpu.dma_semaphore, #tpu.memory_space<semaphore_mem>>)
      %dma_wait3A = arith.constant 0 : i32
      %dma_wait3A_92 = tpu.memref_slice %arg5[%arg0, %add3A_53, %dma_wait3A] : memref<2x10240x128xf32, #tpu.memory_space<hbm>> -> memref<1x128x128xf32, #tpu.memory_space<hbm>>
      %dma_wait3A_93 = tpu.memref_squeeze %dma_wait3A_92 : memref<1x128x128xf32, #tpu.memory_space<hbm>> -> memref<128x128xf32, #tpu.memory_space<hbm>>
      %dma_wait3A_94 = arith.constant 0 : i32
      %dma_wait3A_95 = tpu.memref_slice %arg6[%add3A_49, %dma_wait3A_94] : memref<10240x128xf32, #tpu.memory_space<vmem_shared>> -> memref<128x128xf32, #tpu.memory_space<vmem_shared>>
      tpu.wait_dma2 semaphore(%run_scoped3A_86 : memref<!tpu.dma_semaphore, #tpu.memory_space<semaphore_mem>>) src(%dma_wait3A_95 : memref<128x128xf32, #tpu.memory_space<vmem_shared>>) dst(%dma_wait3A_93 : memref<128x128xf32, #tpu.memory_space<hbm>>)
      tpu.yield
    }) : () -> ()
    %mul3A_54 = arith.constant 640 : i32
    %mul3A_55 = arith.muli %arg1, %mul3A_54 : i32
    %add3A_56 = arith.constant 128 : i32
    %add3A_57 = arith.addi %mul3A_55, %add3A_56 : i32
    %mul3A_58 = arith.constant 640 : i32
    %mul3A_59 = arith.muli %arg1, %mul3A_58 : i32
    %add3A_60 = arith.constant 128 : i32
    %add3A_61 = arith.addi %mul3A_59, %add3A_60 : i32
    "tpu.region"() ({
      %run_scoped3A_86 = tpu.sem_alloc : memref<!tpu.dma_semaphore, #tpu.memory_space<semaphore_mem>>
      %dma_start3A_87 = arith.constant 0 : i32
      %dma_start3A_88 = tpu.memref_slice %arg5[%arg0, %add3A_61, %dma_start3A_87] : memref<2x10240x128xf32, #tpu.memory_space<hbm>> -> memref<1x128x128xf32, #tpu.memory_space<hbm>>
      %dma_start3A_89 = tpu.memref_squeeze %dma_start3A_88 : memref<1x128x128xf32, #tpu.memory_space<hbm>> -> memref<128x128xf32, #tpu.memory_space<hbm>>
      %dma_start3A_90 = arith.constant 0 : i32
      %dma_start3A_91 = tpu.memref_slice %arg6[%add3A_57, %dma_start3A_90] : memref<10240x128xf32, #tpu.memory_space<vmem_shared>> -> memref<128x128xf32, #tpu.memory_space<vmem_shared>>
      tpu.enqueue_dma source(%dma_start3A_91 : memref<128x128xf32, #tpu.memory_space<vmem_shared>>) target(%dma_start3A_89 : memref<128x128xf32, #tpu.memory_space<hbm>>) target_semaphore(%run_scoped3A_86 : memref<!tpu.dma_semaphore, #tpu.memory_space<semaphore_mem>>)
      %dma_wait3A = arith.constant 0 : i32
      %dma_wait3A_92 = tpu.memref_slice %arg5[%arg0, %add3A_61, %dma_wait3A] : memref<2x10240x128xf32, #tpu.memory_space<hbm>> -> memref<1x128x128xf32, #tpu.memory_space<hbm>>
      %dma_wait3A_93 = tpu.memref_squeeze %dma_wait3A_92 : memref<1x128x128xf32, #tpu.memory_space<hbm>> -> memref<128x128xf32, #tpu.memory_space<hbm>>
      %dma_wait3A_94 = arith.constant 0 : i32
      %dma_wait3A_95 = tpu.memref_slice %arg6[%add3A_57, %dma_wait3A_94] : memref<10240x128xf32, #tpu.memory_space<vmem_shared>> -> memref<128x128xf32, #tpu.memory_space<vmem_shared>>
      tpu.wait_dma2 semaphore(%run_scoped3A_86 : memref<!tpu.dma_semaphore, #tpu.memory_space<semaphore_mem>>) src(%dma_wait3A_95 : memref<128x128xf32, #tpu.memory_space<vmem_shared>>) dst(%dma_wait3A_93 : memref<128x128xf32, #tpu.memory_space<hbm>>)
      tpu.yield
    }) : () -> ()
    %mul3A_62 = arith.constant 640 : i32
    %mul3A_63 = arith.muli %arg1, %mul3A_62 : i32
    %add3A_64 = arith.constant 256 : i32
    %add3A_65 = arith.addi %mul3A_63, %add3A_64 : i32
    %mul3A_66 = arith.constant 640 : i32
    %mul3A_67 = arith.muli %arg1, %mul3A_66 : i32
    %add3A_68 = arith.constant 256 : i32
    %add3A_69 = arith.addi %mul3A_67, %add3A_68 : i32
    "tpu.region"() ({
      %run_scoped3A_86 = tpu.sem_alloc : memref<!tpu.dma_semaphore, #tpu.memory_space<semaphore_mem>>
      %dma_start3A_87 = arith.constant 0 : i32
      %dma_start3A_88 = tpu.memref_slice %arg5[%arg0, %add3A_69, %dma_start3A_87] : memref<2x10240x128xf32, #tpu.memory_space<hbm>> -> memref<1x128x128xf32, #tpu.memory_space<hbm>>
      %dma_start3A_89 = tpu.memref_squeeze %dma_start3A_88 : memref<1x128x128xf32, #tpu.memory_space<hbm>> -> memref<128x128xf32, #tpu.memory_space<hbm>>
      %dma_start3A_90 = arith.constant 0 : i32
      %dma_start3A_91 = tpu.memref_slice %arg6[%add3A_65, %dma_start3A_90] : memref<10240x128xf32, #tpu.memory_space<vmem_shared>> -> memref<128x128xf32, #tpu.memory_space<vmem_shared>>
      tpu.enqueue_dma source(%dma_start3A_91 : memref<128x128xf32, #tpu.memory_space<vmem_shared>>) target(%dma_start3A_89 : memref<128x128xf32, #tpu.memory_space<hbm>>) target_semaphore(%run_scoped3A_86 : memref<!tpu.dma_semaphore, #tpu.memory_space<semaphore_mem>>)
      %dma_wait3A = arith.constant 0 : i32
      %dma_wait3A_92 = tpu.memref_slice %arg5[%arg0, %add3A_69, %dma_wait3A] : memref<2x10240x128xf32, #tpu.memory_space<hbm>> -> memref<1x128x128xf32, #tpu.memory_space<hbm>>
      %dma_wait3A_93 = tpu.memref_squeeze %dma_wait3A_92 : memref<1x128x128xf32, #tpu.memory_space<hbm>> -> memref<128x128xf32, #tpu.memory_space<hbm>>
      %dma_wait3A_94 = arith.constant 0 : i32
      %dma_wait3A_95 = tpu.memref_slice %arg6[%add3A_65, %dma_wait3A_94] : memref<10240x128xf32, #tpu.memory_space<vmem_shared>> -> memref<128x128xf32, #tpu.memory_space<vmem_shared>>
      tpu.wait_dma2 semaphore(%run_scoped3A_86 : memref<!tpu.dma_semaphore, #tpu.memory_space<semaphore_mem>>) src(%dma_wait3A_95 : memref<128x128xf32, #tpu.memory_space<vmem_shared>>) dst(%dma_wait3A_93 : memref<128x128xf32, #tpu.memory_space<hbm>>)
      tpu.yield
    }) : () -> ()
    %mul3A_70 = arith.constant 640 : i32
    %mul3A_71 = arith.muli %arg1, %mul3A_70 : i32
    %add3A_72 = arith.constant 384 : i32
    %add3A_73 = arith.addi %mul3A_71, %add3A_72 : i32
    %mul3A_74 = arith.constant 640 : i32
    %mul3A_75 = arith.muli %arg1, %mul3A_74 : i32
    %add3A_76 = arith.constant 384 : i32
    %add3A_77 = arith.addi %mul3A_75, %add3A_76 : i32
    "tpu.region"() ({
      %run_scoped3A_86 = tpu.sem_alloc : memref<!tpu.dma_semaphore, #tpu.memory_space<semaphore_mem>>
      %dma_start3A_87 = arith.constant 0 : i32
      %dma_start3A_88 = tpu.memref_slice %arg5[%arg0, %add3A_77, %dma_start3A_87] : memref<2x10240x128xf32, #tpu.memory_space<hbm>> -> memref<1x128x128xf32, #tpu.memory_space<hbm>>
      %dma_start3A_89 = tpu.memref_squeeze %dma_start3A_88 : memref<1x128x128xf32, #tpu.memory_space<hbm>> -> memref<128x128xf32, #tpu.memory_space<hbm>>
      %dma_start3A_90 = arith.constant 0 : i32
      %dma_start3A_91 = tpu.memref_slice %arg6[%add3A_73, %dma_start3A_90] : memref<10240x128xf32, #tpu.memory_space<vmem_shared>> -> memref<128x128xf32, #tpu.memory_space<vmem_shared>>
      tpu.enqueue_dma source(%dma_start3A_91 : memref<128x128xf32, #tpu.memory_space<vmem_shared>>) target(%dma_start3A_89 : memref<128x128xf32, #tpu.memory_space<hbm>>) target_semaphore(%run_scoped3A_86 : memref<!tpu.dma_semaphore, #tpu.memory_space<semaphore_mem>>)
      %dma_wait3A = arith.constant 0 : i32
      %dma_wait3A_92 = tpu.memref_slice %arg5[%arg0, %add3A_77, %dma_wait3A] : memref<2x10240x128xf32, #tpu.memory_space<hbm>> -> memref<1x128x128xf32, #tpu.memory_space<hbm>>
      %dma_wait3A_93 = tpu.memref_squeeze %dma_wait3A_92 : memref<1x128x128xf32, #tpu.memory_space<hbm>> -> memref<128x128xf32, #tpu.memory_space<hbm>>
      %dma_wait3A_94 = arith.constant 0 : i32
      %dma_wait3A_95 = tpu.memref_slice %arg6[%add3A_73, %dma_wait3A_94] : memref<10240x128xf32, #tpu.memory_space<vmem_shared>> -> memref<128x128xf32, #tpu.memory_space<vmem_shared>>
      tpu.wait_dma2 semaphore(%run_scoped3A_86 : memref<!tpu.dma_semaphore, #tpu.memory_space<semaphore_mem>>) src(%dma_wait3A_95 : memref<128x128xf32, #tpu.memory_space<vmem_shared>>) dst(%dma_wait3A_93 : memref<128x128xf32, #tpu.memory_space<hbm>>)
      tpu.yield
    }) : () -> ()
    %mul3A_78 = arith.constant 640 : i32
    %mul3A_79 = arith.muli %arg1, %mul3A_78 : i32
    %add3A_80 = arith.constant 512 : i32
    %add3A_81 = arith.addi %mul3A_79, %add3A_80 : i32
    %mul3A_82 = arith.constant 640 : i32
    %mul3A_83 = arith.muli %arg1, %mul3A_82 : i32
    %add3A_84 = arith.constant 512 : i32
    %add3A_85 = arith.addi %mul3A_83, %add3A_84 : i32
    "tpu.region"() ({
      %run_scoped3A_86 = tpu.sem_alloc : memref<!tpu.dma_semaphore, #tpu.memory_space<semaphore_mem>>
      %dma_start3A_87 = arith.constant 0 : i32
      %dma_start3A_88 = tpu.memref_slice %arg5[%arg0, %add3A_85, %dma_start3A_87] : memref<2x10240x128xf32, #tpu.memory_space<hbm>> -> memref<1x128x128xf32, #tpu.memory_space<hbm>>
      %dma_start3A_89 = tpu.memref_squeeze %dma_start3A_88 : memref<1x128x128xf32, #tpu.memory_space<hbm>> -> memref<128x128xf32, #tpu.memory_space<hbm>>
      %dma_start3A_90 = arith.constant 0 : i32
      %dma_start3A_91 = tpu.memref_slice %arg6[%add3A_81, %dma_start3A_90] : memref<10240x128xf32, #tpu.memory_space<vmem_shared>> -> memref<128x128xf32, #tpu.memory_space<vmem_shared>>
      tpu.enqueue_dma source(%dma_start3A_91 : memref<128x128xf32, #tpu.memory_space<vmem_shared>>) target(%dma_start3A_89 : memref<128x128xf32, #tpu.memory_space<hbm>>) target_semaphore(%run_scoped3A_86 : memref<!tpu.dma_semaphore, #tpu.memory_space<semaphore_mem>>)
      %dma_wait3A = arith.constant 0 : i32
      %dma_wait3A_92 = tpu.memref_slice %arg5[%arg0, %add3A_85, %dma_wait3A] : memref<2x10240x128xf32, #tpu.memory_space<hbm>> -> memref<1x128x128xf32, #tpu.memory_space<hbm>>
      %dma_wait3A_93 = tpu.memref_squeeze %dma_wait3A_92 : memref<1x128x128xf32, #tpu.memory_space<hbm>> -> memref<128x128xf32, #tpu.memory_space<hbm>>
      %dma_wait3A_94 = arith.constant 0 : i32
      %dma_wait3A_95 = tpu.memref_slice %arg6[%add3A_81, %dma_wait3A_94] : memref<10240x128xf32, #tpu.memory_space<vmem_shared>> -> memref<128x128xf32, #tpu.memory_space<vmem_shared>>
      tpu.wait_dma2 semaphore(%run_scoped3A_86 : memref<!tpu.dma_semaphore, #tpu.memory_space<semaphore_mem>>) src(%dma_wait3A_95 : memref<128x128xf32, #tpu.memory_space<vmem_shared>>) dst(%dma_wait3A_93 : memref<128x128xf32, #tpu.memory_space<hbm>>)
      tpu.yield
    }) : () -> ()
    return
  }
}

module attributes {stable_mosaic.version = 14 : i64} {
  func.func @_scale_body(%arg0: i32, %arg1: memref<2x2000x16xf32, #tpu.memory_space<vmem>>, %arg2: memref<2000x128xf32, #tpu.memory_space<vmem>>, %arg3: memref<2000x128xf32, #tpu.memory_space<vmem>>) attributes {dimension_semantics = [#tpu.dimension_semantics<arbitrary>], iteration_bounds = array<i64: 5>, scalar_prefetch = 0 : i64, scratch_operands = 0 : i64, tpu.core_type = #tpu.core_type<tc>, window_params = [{transform_indices = @transform_0, window_bounds = array<i64: 2, 2000, 16>}, {transform_indices = @transform_1, window_bounds = array<i64: 2000, 128>}, {transform_indices = @transform_2, window_bounds = array<i64: 2000, 128>}]} {
    %get3A = arith.constant 0 : index
    %get3A_0 = arith.constant 0 : index
    %get3A_1 = vector.load %arg2[%get3A, %get3A_0] : memref<2000x128xf32, #tpu.memory_space<vmem>>, vector<2000x128xf32>
    %get3A_2 = arith.constant 0 : index
    %get3A_3 = arith.constant 0 : index
    %get3A_4 = arith.constant 0 : index
    %get3A_5 = vector.load %arg1[%get3A_2, %get3A_3, %get3A_4] : memref<2x2000x16xf32, #tpu.memory_space<vmem>>, vector<1x2000x1xf32>
    %get3A_6 = vector.shape_cast %get3A_5 : vector<1x2000x1xf32> to vector<2000x1xf32>
    %get3A_7 = arith.constant 1 : index
    %get3A_8 = arith.constant 0 : index
    %get3A_9 = arith.constant 0 : index
    %get3A_10 = vector.load %arg1[%get3A_7, %get3A_8, %get3A_9] : memref<2x2000x16xf32, #tpu.memory_space<vmem>>, vector<1x2000x1xf32>
    %get3A_11 = vector.shape_cast %get3A_10 : vector<1x2000x1xf32> to vector<2000x1xf32>
    %add3A = arith.addf %get3A_6, %get3A_11 : vector<2000x1xf32>
    %add3A_12 = arith.constant 1.000000e+00 : f32
    %add3A_13 = vector.broadcast %add3A_12 : f32 to vector<2000x1xf32>
    %add3A_14 = arith.addf %add3A, %add3A_13 : vector<2000x1xf32>
    %rsqrt3A = math.rsqrt %add3A_14 : vector<2000x1xf32>
    %mul3A = vector.broadcast %rsqrt3A : vector<2000x1xf32> to vector<2000x128xf32>
    %mul3A_15 = arith.mulf %get3A_1, %mul3A : vector<2000x128xf32>
    %swap3A = arith.constant 0 : index
    %swap3A_16 = arith.constant 0 : index
    %swap3A_17 = vector.load %arg3[%swap3A, %swap3A_16] : memref<2000x128xf32, #tpu.memory_space<vmem>>, vector<2000x128xf32>
    tpu.vector_store %arg3[%swap3A, %swap3A_16], %mul3A_15 {strides = array<i32>} : memref<2000x128xf32, #tpu.memory_space<vmem>>, vector<2000x128xf32>,
    return
  }
  func.func @transform_0(%arg0: i32) -> (i32, i32, i32) {
    %c0_i32 = arith.constant 0 : i32
    %c0_i32_0 = arith.constant 0 : i32
    %c0_i32_1 = arith.constant 0 : i32
    return %c0_i32, %arg0, %c0_i32_0 : i32, i32, i32
  }
  func.func @transform_1(%arg0: i32) -> (i32, i32) {
    %c0_i32 = arith.constant 0 : i32
    %c0_i32_0 = arith.constant 0 : i32
    return %arg0, %c0_i32 : i32, i32
  }
  func.func @transform_2(%arg0: i32) -> (i32, i32) {
    %c0_i32 = arith.constant 0 : i32
    %c0_i32_0 = arith.constant 0 : i32
    return %arg0, %c0_i32 : i32, i32
  }
}

module attributes {stable_mosaic.version = 14 : i64} {
  func.func @_layer1_body(%arg0: i32, %arg1: memref<2x2000x16xf32, #tpu.memory_space<vmem>>, %arg2: memref<2x2000x128xf32, #tpu.memory_space<vmem>>, %arg3: memref<2000x128xf32, #tpu.memory_space<vmem>>, %arg4: memref<128x128xf32, #tpu.memory_space<vmem>>, %arg5: memref<1x128xf32, #tpu.memory_space<vmem>>, %arg6: memref<2000x128xf32, #tpu.memory_space<vmem>>) attributes {dimension_semantics = [#tpu.dimension_semantics<arbitrary>], iteration_bounds = array<i64: 5>, scalar_prefetch = 0 : i64, scratch_operands = 0 : i64, tpu.core_type = #tpu.core_type<tc>, window_params = [{transform_indices = @transform_0, window_bounds = array<i64: 2, 2000, 16>}, {transform_indices = @transform_1, window_bounds = array<i64: 2, 2000, 128>}, {transform_indices = @transform_2, window_bounds = array<i64: 2000, 128>}, {pipeline_mode = #tpu.pipeline_mode<synchronous>, transform_indices = @transform_3, window_bounds = array<i64: 128, 128>}, {pipeline_mode = #tpu.pipeline_mode<synchronous>, transform_indices = @transform_4, window_bounds = array<i64: 1, 128>}, {transform_indices = @transform_5, window_bounds = array<i64: 2000, 128>}]} {
    %get3A = arith.constant 0 : index
    %get3A_0 = arith.constant 0 : index
    %get3A_1 = arith.constant 0 : index
    %get3A_2 = vector.load %arg1[%get3A, %get3A_0, %get3A_1] : memref<2x2000x16xf32, #tpu.memory_space<vmem>>, vector<1x2000x1xf32>
    %get3A_3 = vector.shape_cast %get3A_2 : vector<1x2000x1xf32> to vector<2000x1xf32>
    %get3A_4 = arith.constant 1 : index
    %get3A_5 = arith.constant 0 : index
    %get3A_6 = arith.constant 0 : index
    %get3A_7 = vector.load %arg1[%get3A_4, %get3A_5, %get3A_6] : memref<2x2000x16xf32, #tpu.memory_space<vmem>>, vector<1x2000x1xf32>
    %get3A_8 = vector.shape_cast %get3A_7 : vector<1x2000x1xf32> to vector<2000x1xf32>
    %add3A = arith.addf %get3A_3, %get3A_8 : vector<2000x1xf32>
    %add3A_9 = arith.constant 1.000000e+00 : f32
    %add3A_10 = vector.broadcast %add3A_9 : f32 to vector<2000x1xf32>
    %add3A_11 = arith.addf %add3A, %add3A_10 : vector<2000x1xf32>
    %rsqrt3A = math.rsqrt %add3A_11 : vector<2000x1xf32>
    %get3A_12 = arith.constant 0 : index
    %get3A_13 = arith.constant 0 : index
    %get3A_14 = arith.constant 0 : index
    %get3A_15 = vector.load %arg2[%get3A_12, %get3A_13, %get3A_14] : memref<2x2000x128xf32, #tpu.memory_space<vmem>>, vector<1x2000x128xf32>
    %get3A_16 = vector.shape_cast %get3A_15 : vector<1x2000x128xf32> to vector<2000x128xf32>
    %get3A_17 = arith.constant 1 : index
    %get3A_18 = arith.constant 0 : index
    %get3A_19 = arith.constant 0 : index
    %get3A_20 = vector.load %arg2[%get3A_17, %get3A_18, %get3A_19] : memref<2x2000x128xf32, #tpu.memory_space<vmem>>, vector<1x2000x128xf32>
    %get3A_21 = vector.shape_cast %get3A_20 : vector<1x2000x128xf32> to vector<2000x128xf32>
    %add3A_22 = arith.addf %get3A_16, %get3A_21 : vector<2000x128xf32>
    %get3A_23 = arith.constant 0 : index
    %get3A_24 = arith.constant 0 : index
    %get3A_25 = vector.load %arg3[%get3A_23, %get3A_24] : memref<2000x128xf32, #tpu.memory_space<vmem>>, vector<2000x128xf32>
    %add3A_26 = arith.addf %add3A_22, %get3A_25 : vector<2000x128xf32>
    %mul3A = vector.broadcast %rsqrt3A : vector<2000x1xf32> to vector<2000x128xf32>
    %mul3A_27 = arith.mulf %add3A_26, %mul3A : vector<2000x128xf32>
    %get3A_28 = arith.constant 0 : index
    %get3A_29 = arith.constant 0 : index
    %get3A_30 = vector.load %arg4[%get3A_28, %get3A_29] : memref<128x128xf32, #tpu.memory_space<vmem>>, vector<128x128xf32>
    %dot_general3A = arith.constant dense<0.000000e+00> : vector<2000x128xf32>
    %dot_general3A_31 = tpu.matmul %mul3A_27, %get3A_30, %dot_general3A {dimension_numbers = #tpu.dot_dimension_numbers<[1], [0], [0], [1], [0, 0, 1, 1], [], []>, transpose_lhs_hint = false} : vector<2000x128xf32>, vector<128x128xf32>, vector<2000x128xf32> -> vector<2000x128xf32>
    %get3A_32 = arith.constant 0 : index
    %get3A_33 = arith.constant 0 : index
    %get3A_34 = vector.load %arg5[%get3A_32, %get3A_33] : memref<1x128xf32, #tpu.memory_space<vmem>>, vector<1x128xf32>
    %add3A_35 = vector.broadcast %get3A_34 : vector<1x128xf32> to vector<2000x128xf32>
    %add3A_36 = arith.addf %dot_general3A_31, %add3A_35 : vector<2000x128xf32>
    %max3A = arith.constant 0.000000e+00 : f32
    %max3A_37 = vector.broadcast %max3A : f32 to vector<2000x128xf32>
    %max3A_38 = arith.maximumf %add3A_36, %max3A_37 : vector<2000x128xf32>
    %mul3A_39 = vector.broadcast %rsqrt3A : vector<2000x1xf32> to vector<2000x128xf32>
    %mul3A_40 = arith.mulf %max3A_38, %mul3A_39 : vector<2000x128xf32>
    %swap3A = arith.constant 0 : index
    %swap3A_41 = arith.constant 0 : index
    %swap3A_42 = vector.load %arg6[%swap3A, %swap3A_41] : memref<2000x128xf32, #tpu.memory_space<vmem>>, vector<2000x128xf32>
    tpu.vector_store %arg6[%swap3A, %swap3A_41], %mul3A_40 {strides = array<i32>} : memref<2000x128xf32, #tpu.memory_space<vmem>>, vector<2000x128xf32>,
    return
  }
  func.func @transform_0(%arg0: i32) -> (i32, i32, i32) {
    %c0_i32 = arith.constant 0 : i32
    %c0_i32_0 = arith.constant 0 : i32
    %c0_i32_1 = arith.constant 0 : i32
    return %c0_i32, %arg0, %c0_i32_0 : i32, i32, i32
  }
  func.func @transform_1(%arg0: i32) -> (i32, i32, i32) {
    %c0_i32 = arith.constant 0 : i32
    %c0_i32_0 = arith.constant 0 : i32
    %c0_i32_1 = arith.constant 0 : i32
    return %c0_i32, %arg0, %c0_i32_0 : i32, i32, i32
  }
  func.func @transform_2(%arg0: i32) -> (i32, i32) {
    %c0_i32 = arith.constant 0 : i32
    %c0_i32_0 = arith.constant 0 : i32
    return %arg0, %c0_i32 : i32, i32
  }
  func.func @transform_3(%arg0: i32) -> (i32, i32) {
    %c0_i32 = arith.constant 0 : i32
    %c0_i32_0 = arith.constant 0 : i32
    %c0_i32_1 = arith.constant 0 : i32
    return %c0_i32, %c0_i32_0 : i32, i32
  }
  func.func @transform_4(%arg0: i32) -> (i32, i32) {
    %c0_i32 = arith.constant 0 : i32
    %c0_i32_0 = arith.constant 0 : i32
    %c0_i32_1 = arith.constant 0 : i32
    return %c0_i32, %c0_i32_0 : i32, i32
  }
  func.func @transform_5(%arg0: i32) -> (i32, i32) {
    %c0_i32 = arith.constant 0 : i32
    %c0_i32_0 = arith.constant 0 : i32
    return %arg0, %c0_i32 : i32, i32
  }
}

module attributes {stable_mosaic.version = 14 : i64} {
  func.func @_layer2_body(%arg0: i32, %arg1: memref<2x2000x16xf32, #tpu.memory_space<vmem>>, %arg2: memref<2x2000x128xf32, #tpu.memory_space<vmem>>, %arg3: memref<2000x128xf32, #tpu.memory_space<vmem>>, %arg4: memref<128x256xf32, #tpu.memory_space<vmem>>, %arg5: memref<1x256xf32, #tpu.memory_space<vmem>>, %arg6: memref<256x128xf32, #tpu.memory_space<vmem>>, %arg7: memref<2000x128xf32, #tpu.memory_space<vmem>>) attributes {dimension_semantics = [#tpu.dimension_semantics<arbitrary>], iteration_bounds = array<i64: 5>, scalar_prefetch = 0 : i64, scratch_operands = 0 : i64, tpu.core_type = #tpu.core_type<tc>, window_params = [{transform_indices = @transform_0, window_bounds = array<i64: 2, 2000, 16>}, {transform_indices = @transform_1, window_bounds = array<i64: 2, 2000, 128>}, {transform_indices = @transform_2, window_bounds = array<i64: 2000, 128>}, {pipeline_mode = #tpu.pipeline_mode<synchronous>, transform_indices = @transform_3, window_bounds = array<i64: 128, 256>}, {pipeline_mode = #tpu.pipeline_mode<synchronous>, transform_indices = @transform_4, window_bounds = array<i64: 1, 256>}, {pipeline_mode = #tpu.pipeline_mode<synchronous>, transform_indices = @transform_5, window_bounds = array<i64: 256, 128>}, {transform_indices = @transform_6, window_bounds = array<i64: 2000, 128>}]} {
    %get3A = arith.constant 0 : index
    %get3A_0 = arith.constant 0 : index
    %get3A_1 = arith.constant 0 : index
    %get3A_2 = vector.load %arg1[%get3A, %get3A_0, %get3A_1] : memref<2x2000x16xf32, #tpu.memory_space<vmem>>, vector<1x2000x1xf32>
    %get3A_3 = vector.shape_cast %get3A_2 : vector<1x2000x1xf32> to vector<2000x1xf32>
    %get3A_4 = arith.constant 1 : index
    %get3A_5 = arith.constant 0 : index
    %get3A_6 = arith.constant 0 : index
    %get3A_7 = vector.load %arg1[%get3A_4, %get3A_5, %get3A_6] : memref<2x2000x16xf32, #tpu.memory_space<vmem>>, vector<1x2000x1xf32>
    %get3A_8 = vector.shape_cast %get3A_7 : vector<1x2000x1xf32> to vector<2000x1xf32>
    %add3A = arith.addf %get3A_3, %get3A_8 : vector<2000x1xf32>
    %add3A_9 = arith.constant 1.000000e+00 : f32
    %add3A_10 = vector.broadcast %add3A_9 : f32 to vector<2000x1xf32>
    %add3A_11 = arith.addf %add3A, %add3A_10 : vector<2000x1xf32>
    %rsqrt3A = math.rsqrt %add3A_11 : vector<2000x1xf32>
    %get3A_12 = arith.constant 0 : index
    %get3A_13 = arith.constant 0 : index
    %get3A_14 = arith.constant 0 : index
    %get3A_15 = vector.load %arg2[%get3A_12, %get3A_13, %get3A_14] : memref<2x2000x128xf32, #tpu.memory_space<vmem>>, vector<1x2000x128xf32>
    %get3A_16 = vector.shape_cast %get3A_15 : vector<1x2000x128xf32> to vector<2000x128xf32>
    %get3A_17 = arith.constant 1 : index
    %get3A_18 = arith.constant 0 : index
    %get3A_19 = arith.constant 0 : index
    %get3A_20 = vector.load %arg2[%get3A_17, %get3A_18, %get3A_19] : memref<2x2000x128xf32, #tpu.memory_space<vmem>>, vector<1x2000x128xf32>
    %get3A_21 = vector.shape_cast %get3A_20 : vector<1x2000x128xf32> to vector<2000x128xf32>
    %add3A_22 = arith.addf %get3A_16, %get3A_21 : vector<2000x128xf32>
    %get3A_23 = arith.constant 0 : index
    %get3A_24 = arith.constant 0 : index
    %get3A_25 = vector.load %arg3[%get3A_23, %get3A_24] : memref<2000x128xf32, #tpu.memory_space<vmem>>, vector<2000x128xf32>
    %add3A_26 = arith.addf %add3A_22, %get3A_25 : vector<2000x128xf32>
    %mul3A = vector.broadcast %rsqrt3A : vector<2000x1xf32> to vector<2000x128xf32>
    %mul3A_27 = arith.mulf %add3A_26, %mul3A : vector<2000x128xf32>
    %get3A_28 = arith.constant 0 : index
    %get3A_29 = arith.constant 0 : index
    %get3A_30 = vector.load %arg4[%get3A_28, %get3A_29] : memref<128x256xf32, #tpu.memory_space<vmem>>, vector<128x256xf32>
    %dot_general3A = arith.constant dense<0.000000e+00> : vector<2000x256xf32>
    %dot_general3A_31 = tpu.matmul %mul3A_27, %get3A_30, %dot_general3A {dimension_numbers = #tpu.dot_dimension_numbers<[1], [0], [0], [1], [0, 0, 1, 1], [], []>, transpose_lhs_hint = false} : vector<2000x128xf32>, vector<128x256xf32>, vector<2000x256xf32> -> vector<2000x256xf32>
    %get3A_32 = arith.constant 0 : index
    %get3A_33 = arith.constant 0 : index
    %get3A_34 = vector.load %arg5[%get3A_32, %get3A_33] : memref<1x256xf32, #tpu.memory_space<vmem>>, vector<1x256xf32>
    %add3A_35 = vector.broadcast %get3A_34 : vector<1x256xf32> to vector<2000x256xf32>
    %add3A_36 = arith.addf %dot_general3A_31, %add3A_35 : vector<2000x256xf32>
    %max3A = arith.constant 0.000000e+00 : f32
    %max3A_37 = vector.broadcast %max3A : f32 to vector<2000x256xf32>
    %max3A_38 = arith.maximumf %add3A_36, %max3A_37 : vector<2000x256xf32>
    %get3A_39 = arith.constant 0 : index
    %get3A_40 = arith.constant 0 : index
    %get3A_41 = vector.load %arg6[%get3A_39, %get3A_40] : memref<256x128xf32, #tpu.memory_space<vmem>>, vector<256x128xf32>
    %dot_general3A_42 = arith.constant dense<0.000000e+00> : vector<2000x128xf32>
    %dot_general3A_43 = tpu.matmul %max3A_38, %get3A_41, %dot_general3A_42 {dimension_numbers = #tpu.dot_dimension_numbers<[1], [0], [0], [1], [0, 0, 1, 1], [], []>, transpose_lhs_hint = false} : vector<2000x256xf32>, vector<256x128xf32>, vector<2000x128xf32> -> vector<2000x128xf32>
    %mul3A_44 = vector.broadcast %rsqrt3A : vector<2000x1xf32> to vector<2000x128xf32>
    %mul3A_45 = arith.mulf %dot_general3A_43, %mul3A_44 : vector<2000x128xf32>
    %swap3A = arith.constant 0 : index
    %swap3A_46 = arith.constant 0 : index
    %swap3A_47 = vector.load %arg7[%swap3A, %swap3A_46] : memref<2000x128xf32, #tpu.memory_space<vmem>>, vector<2000x128xf32>
    tpu.vector_store %arg7[%swap3A, %swap3A_46], %mul3A_45 {strides = array<i32>} : memref<2000x128xf32, #tpu.memory_space<vmem>>, vector<2000x128xf32>,
    return
  }
  func.func @transform_0(%arg0: i32) -> (i32, i32, i32) {
    %c0_i32 = arith.constant 0 : i32
    %c0_i32_0 = arith.constant 0 : i32
    %c0_i32_1 = arith.constant 0 : i32
    return %c0_i32, %arg0, %c0_i32_0 : i32, i32, i32
  }
  func.func @transform_1(%arg0: i32) -> (i32, i32, i32) {
    %c0_i32 = arith.constant 0 : i32
    %c0_i32_0 = arith.constant 0 : i32
    %c0_i32_1 = arith.constant 0 : i32
    return %c0_i32, %arg0, %c0_i32_0 : i32, i32, i32
  }
  func.func @transform_2(%arg0: i32) -> (i32, i32) {
    %c0_i32 = arith.constant 0 : i32
    %c0_i32_0 = arith.constant 0 : i32
    return %arg0, %c0_i32 : i32, i32
  }
  func.func @transform_3(%arg0: i32) -> (i32, i32) {
    %c0_i32 = arith.constant 0 : i32
    %c0_i32_0 = arith.constant 0 : i32
    %c0_i32_1 = arith.constant 0 : i32
    return %c0_i32, %c0_i32_0 : i32, i32
  }
  func.func @transform_4(%arg0: i32) -> (i32, i32) {
    %c0_i32 = arith.constant 0 : i32
    %c0_i32_0 = arith.constant 0 : i32
    %c0_i32_1 = arith.constant 0 : i32
    return %c0_i32, %c0_i32_0 : i32, i32
  }
  func.func @transform_5(%arg0: i32) -> (i32, i32) {
    %c0_i32 = arith.constant 0 : i32
    %c0_i32_0 = arith.constant 0 : i32
    %c0_i32_1 = arith.constant 0 : i32
    return %c0_i32, %c0_i32_0 : i32, i32
  }
  func.func @transform_6(%arg0: i32) -> (i32, i32) {
    %c0_i32 = arith.constant 0 : i32
    %c0_i32_0 = arith.constant 0 : i32
    return %arg0, %c0_i32 : i32, i32
  }
}

module attributes {stable_mosaic.version = 14 : i64} {
  func.func @_out_body(%arg0: i32, %arg1: memref<2x2000x16xf32, #tpu.memory_space<vmem>>, %arg2: memref<2x2000x128xf32, #tpu.memory_space<vmem>>, %arg3: memref<2000x128xf32, #tpu.memory_space<vmem>>, %arg4: memref<1x64xf32, #tpu.memory_space<vmem>>, %arg5: memref<1x64xf32, #tpu.memory_space<vmem>>, %arg6: memref<2000x64xf32, #tpu.memory_space<vmem>>, %arg7: memref<2000x64xf32, #tpu.memory_space<vmem>>) attributes {dimension_semantics = [#tpu.dimension_semantics<arbitrary>], iteration_bounds = array<i64: 5>, scalar_prefetch = 0 : i64, scratch_operands = 0 : i64, tpu.core_type = #tpu.core_type<tc>, window_params = [{transform_indices = @transform_0, window_bounds = array<i64: 2, 2000, 16>}, {transform_indices = @transform_1, window_bounds = array<i64: 2, 2000, 128>}, {transform_indices = @transform_2, window_bounds = array<i64: 2000, 128>}, {pipeline_mode = #tpu.pipeline_mode<synchronous>, transform_indices = @transform_3, window_bounds = array<i64: 1, 64>}, {pipeline_mode = #tpu.pipeline_mode<synchronous>, transform_indices = @transform_4, window_bounds = array<i64: 1, 64>}, {transform_indices = @transform_5, window_bounds = array<i64: 2000, 64>}, {transform_indices = @transform_6, window_bounds = array<i64: 2000, 64>}]} {
    %get3A = arith.constant 0 : index
    %get3A_0 = arith.constant 0 : index
    %get3A_1 = arith.constant 0 : index
    %get3A_2 = vector.load %arg1[%get3A, %get3A_0, %get3A_1] : memref<2x2000x16xf32, #tpu.memory_space<vmem>>, vector<1x2000x1xf32>
    %get3A_3 = vector.shape_cast %get3A_2 : vector<1x2000x1xf32> to vector<2000x1xf32>
    %get3A_4 = arith.constant 1 : index
    %get3A_5 = arith.constant 0 : index
    %get3A_6 = arith.constant 0 : index
    %get3A_7 = vector.load %arg1[%get3A_4, %get3A_5, %get3A_6] : memref<2x2000x16xf32, #tpu.memory_space<vmem>>, vector<1x2000x1xf32>
    %get3A_8 = vector.shape_cast %get3A_7 : vector<1x2000x1xf32> to vector<2000x1xf32>
    %add3A = arith.addf %get3A_3, %get3A_8 : vector<2000x1xf32>
    %add3A_9 = arith.constant 1.000000e+00 : f32
    %add3A_10 = vector.broadcast %add3A_9 : f32 to vector<2000x1xf32>
    %add3A_11 = arith.addf %add3A, %add3A_10 : vector<2000x1xf32>
    %rsqrt3A = math.rsqrt %add3A_11 : vector<2000x1xf32>
    %get3A_12 = arith.constant 0 : index
    %get3A_13 = arith.constant 0 : index
    %get3A_14 = arith.constant 0 : index
    %get3A_15 = vector.load %arg2[%get3A_12, %get3A_13, %get3A_14] : memref<2x2000x128xf32, #tpu.memory_space<vmem>>, vector<1x2000x128xf32>
    %get3A_16 = vector.shape_cast %get3A_15 : vector<1x2000x128xf32> to vector<2000x128xf32>
    %get3A_17 = arith.constant 1 : index
    %get3A_18 = arith.constant 0 : index
    %get3A_19 = arith.constant 0 : index
    %get3A_20 = vector.load %arg2[%get3A_17, %get3A_18, %get3A_19] : memref<2x2000x128xf32, #tpu.memory_space<vmem>>, vector<1x2000x128xf32>
    %get3A_21 = vector.shape_cast %get3A_20 : vector<1x2000x128xf32> to vector<2000x128xf32>
    %add3A_22 = arith.addf %get3A_16, %get3A_21 : vector<2000x128xf32>
    %get3A_23 = arith.constant 0 : index
    %get3A_24 = arith.constant 0 : index
    %get3A_25 = vector.load %arg3[%get3A_23, %get3A_24] : memref<2000x128xf32, #tpu.memory_space<vmem>>, vector<2000x128xf32>
    %add3A_26 = arith.addf %add3A_22, %get3A_25 : vector<2000x128xf32>
    %mul3A = vector.broadcast %rsqrt3A : vector<2000x1xf32> to vector<2000x128xf32>
    %mul3A_27 = arith.mulf %add3A_26, %mul3A : vector<2000x128xf32>
    %slice3A = vector.extract_strided_slice %mul3A_27 {offsets = [0, 0], sizes = [2000, 64], strides = [1, 1]} : vector<2000x128xf32> to vector<2000x64xf32>
    %get3A_28 = arith.constant 0 : index
    %get3A_29 = arith.constant 0 : index
    %get3A_30 = vector.load %arg4[%get3A_28, %get3A_29] : memref<1x64xf32, #tpu.memory_space<vmem>>, vector<1x64xf32>
    %add3A_31 = vector.broadcast %get3A_30 : vector<1x64xf32> to vector<2000x64xf32>
    %add3A_32 = arith.addf %slice3A, %add3A_31 : vector<2000x64xf32>
    %swap3A = arith.constant 0 : index
    %swap3A_33 = arith.constant 0 : index
    %swap3A_34 = vector.load %arg6[%swap3A, %swap3A_33] : memref<2000x64xf32, #tpu.memory_space<vmem>>, vector<2000x64xf32>
    tpu.vector_store %arg6[%swap3A, %swap3A_33], %add3A_32 {strides = array<i32>} : memref<2000x64xf32, #tpu.memory_space<vmem>>, vector<2000x64xf32>,
    %slice3A_35 = vector.extract_strided_slice %mul3A_27 {offsets = [0, 64], sizes = [2000, 64], strides = [1, 1]} : vector<2000x128xf32> to vector<2000x64xf32>
    %get3A_36 = arith.constant 0 : index
    %get3A_37 = arith.constant 0 : index
    %get3A_38 = vector.load %arg5[%get3A_36, %get3A_37] : memref<1x64xf32, #tpu.memory_space<vmem>>, vector<1x64xf32>
    %add3A_39 = vector.broadcast %get3A_38 : vector<1x64xf32> to vector<2000x64xf32>
    %add3A_40 = arith.addf %slice3A_35, %add3A_39 : vector<2000x64xf32>
    %swap3A_41 = arith.constant 0 : index
    %swap3A_42 = arith.constant 0 : index
    %swap3A_43 = vector.load %arg7[%swap3A_41, %swap3A_42] : memref<2000x64xf32, #tpu.memory_space<vmem>>, vector<2000x64xf32>
    tpu.vector_store %arg7[%swap3A_41, %swap3A_42], %add3A_40 {strides = array<i32>} : memref<2000x64xf32, #tpu.memory_space<vmem>>, vector<2000x64xf32>,
    return
  }
  func.func @transform_0(%arg0: i32) -> (i32, i32, i32) {
    %c0_i32 = arith.constant 0 : i32
    %c0_i32_0 = arith.constant 0 : i32
    %c0_i32_1 = arith.constant 0 : i32
    return %c0_i32, %arg0, %c0_i32_0 : i32, i32, i32
  }
  func.func @transform_1(%arg0: i32) -> (i32, i32, i32) {
    %c0_i32 = arith.constant 0 : i32
    %c0_i32_0 = arith.constant 0 : i32
    %c0_i32_1 = arith.constant 0 : i32
    return %c0_i32, %arg0, %c0_i32_0 : i32, i32, i32
  }
  func.func @transform_2(%arg0: i32) -> (i32, i32) {
    %c0_i32 = arith.constant 0 : i32
    %c0_i32_0 = arith.constant 0 : i32
    return %arg0, %c0_i32 : i32, i32
  }
  func.func @transform_3(%arg0: i32) -> (i32, i32) {
    %c0_i32 = arith.constant 0 : i32
    %c0_i32_0 = arith.constant 0 : i32
    %c0_i32_1 = arith.constant 0 : i32
    return %c0_i32, %c0_i32_0 : i32, i32
  }
  func.func @transform_4(%arg0: i32) -> (i32, i32) {
    %c0_i32 = arith.constant 0 : i32
    %c0_i32_0 = arith.constant 0 : i32
    %c0_i32_1 = arith.constant 0 : i32
    return %c0_i32, %c0_i32_0 : i32, i32
  }
  func.func @transform_5(%arg0: i32) -> (i32, i32) {
    %c0_i32 = arith.constant 0 : i32
    %c0_i32_0 = arith.constant 0 : i32
    return %arg0, %c0_i32 : i32, i32
  }
  func.func @transform_6(%arg0: i32) -> (i32, i32) {
    %c0_i32 = arith.constant 0 : i32
    %c0_i32_0 = arith.constant 0 : i32
    return %arg0, %c0_i32 : i32, i32
  }
}

</mosaic_0001>

<sc_bundles>
// kernel: kernel.10.cloned.1.call-start
scs
__scs_entry_jumppad:
0x0: {  	(pc) =	sbr.rel $0x88, $3  }
0x1: {  	(tag) =	ssettag $0x0;
	lr =	simm.s32 $0x1  }
0x2: {  	[smem:$0x3F97] =	sst lr;
	_ =	strace $0xD0000000  }
0x3: {  	_ = 	snop  }
0x4: {  	_ = 	snop  }
0x5: {  	_ = 	snop  }
0x6: {  	_ = 	snop  }
0x7: {  	_ = 	snop  }
__scs_overlays_trampoline_lowered:
0x8: {  	[smem:$0x3FA6] =	sst s0  }
0x9: {  	[smem:$0x3FA7] =	sst s1  }
0xa: {  	[smem:$0x3FA8] =	sst s2  }
0xb: {  	[smem:$0x3FA9] =	sst s3  }
0xc: {  	[smem:$0x3FAA] =	sst s4  }
0xd: {  	[smem:$0x3FAB] =	sst s5  }
0xe: {  	[smem:$0x3FAC] =	sst s6  }
0xf: {  	[smem:$0x3FAD] =	sst s7  }
0x10: {  	[smem:$0x3FAE] =	sst s8  }
0x11: {  	[smem:$0x3FAF] =	sst s9;
	s0 =	simm.s32 @!p0 $0x0  }
0x12: {  	s1 =	sld [smem:$0x3F95];
	s0 =	simm.s32 @p0 $0x1  }
0x13: {  	[smem:$0x3FB0] =	sst s0;
	s0 =	simm.s32 @!p1 $0x0  }
0x14: {  	s2 =	sld [smem:$0x3F94];
	s0 =	simm.s32 @p1 $0x1  }
0x15: {  	[smem:$0x3FB1] =	sst s0;
	s0 =	simm.s32 @!p2 $0x0  }
0x16: {  	s3 =	sld [smem:$0x3FDB];
	s0 =	simm.s32 @p2 $0x1  }
0x17: {  	s4 =	simm.s32 $0x1BF5;
	[smem:$0x3FB3] =	sst s0  }
0x18: {  	s0 =	sld [smem:$0x3F96];
	_ =	swait.ge [sflag:s4], $0x0  }
0x19: {  	s7 =	sld [smem:$0x3F97]  }
0x1a: {  	s8 =	sadd.s32 $0xFFFFE003, lr  }
0x1b: {  	s9 =	sadd.s32 $0xFFFFFEF7, lr;
	s5 =	simm.s32 $0xFFFFFFFF;
	p2 =	slt.u32 s8, $0xFFFFF086  }
0x1c: {  	p1 =	slt.u32 s9, $0xF7A;
	s5 =	simm.s32 @!p2 $0x0  }
0x1d: {  	s5 =	simm.s32 @p1 $0x1;
	p0 =	seq.s32 s7, s2  }
0x1e: {  	s7 =	smul.u32 @!p0 $0xF7A, s2;
	p2 =	seq.s32 @!p0 s5, $0x0  }
0x1f: {  	s9 =	smul.u32 $0xF7A, s1;
	s8 =	simm.s32 @!p0 $0x1BF5;
	p2 =	por !p2, p0  }
0x20: {  	[sflag:s8] =	ssyncset.s32 @!p0 $0xFFFFF086;
	s6 =	sadd.s32 @!p0 s3, s7;
	s7 =	simm.s32 @!p0 $0x108  }
0x21: {  	s3 =	sadd.s32 s3, s9;
	s6 =	sadd.s32 @!p0 $0x88, s6;
	s7 =	simm.s32 @p2 $0x1082  }
0x22: {  	[simem:s7], [sflag:s8] =	dma.local @!p0 [hbm:s6], $0xF7A  }
0x23: {  	s9 =	sor.u32 $0xD0000000, s2;
	s6 =	simm.s32 $0x108;
	_ =	swait.ge @!p0 [sflag:s8], $0x0  }
0x24: {  	s3 =	sadd.s32 $0x88, s3;
	s6 =	simm.s32 @!p1 $0x1082;
	[sflag:s4] =	ssyncset.s32 $0xFFFFF086  }
0x25: {  	[simem:s6], [sflag:s4] =	dma.local [hbm:s3], $0xF7A  }
0x26: {  	[smem:$0x3F97] =	sst s1;
	(tag) =	ssettag s2;
	_ =	strace s9  }
0x27: {  	s1 =	sld [smem:$0x3FA7]  }
0x28: {  	s2 =	sld [smem:$0x3FA8]  }
0x29: {  	s4 =	sld [smem:$0x3FAA]  }
0x2a: {  	p0 =	seq.s32 s5, $0x0;
	s5 =	sld [smem:$0x3FAB]  }
0x2b: {  	s6 =	sld [smem:$0x3FAC]  }
0x2c: {  	s7 =	sld [smem:$0x3FAD]  }
0x2d: {  	s3 =	simm.s32 $0x108;
	s8 =	sld [smem:$0x3FAE]  }
0x2e: {  	s3 =	simm.s32 @!p0 $0x1082;
	s9 =	sld [smem:$0x3FAF]  }
0x2f: {  	lr =	sadd.s32 s0, s3;
	s0 =	sld [smem:$0x3FA6]  }
0x30: {  	s3 =	sld [smem:$0x3FA9]  }
0x31: {  	[smem:$0x3FB2] =	sst s10  }
0x32: {  	s10 =	sld [smem:$0x3FB0];
	_ =	sdelay $0x3  }
0x33: {  	p0 =	seq.s32 s10, $0x1;
	s10 =	sld [smem:$0x3FB2];
	_ =	sdelay $0x3  }
0x34: {  	[smem:$0x3FB2] =	sst s10  }
0x35: {  	s10 =	sld [smem:$0x3FB1];
	_ =	sdelay $0x3  }
0x36: {  	p1 =	seq.s32 s10, $0x1;
	s10 =	sld [smem:$0x3FB2];
	_ =	sdelay $0x3  }
0x37: {  	[smem:$0x3FB2] =	sst s10  }
0x38: {  	s10 =	sld [smem:$0x3FB3]  }
0x39: {  	_ = 	snop;
	(pc) =	sbr.ind lr, $3  }
0x3a: {  	_ = 	snop  }
0x3b: {  	_ = 	snop  }
0x3c: {  	p2 =	seq.s32 s10, $0x1;
	s10 =	sld [smem:$0x3FB2]  }
0x3d: {  	_ =	shalt  }
0x3e: {  	_ =	shalt  }
0x3f: {  	_ =	shalt  }
0x40: {  	_ =	shalt  }
0x41: {  	_ =	shalt  }
0x42: {  	_ =	shalt  }
0x43: {  	_ =	shalt  }
0x44: {  	_ =	shalt  }
0x45: {  	_ =	shalt  }
0x46: {  	_ =	shalt  }
0x47: {  	_ =	shalt  }
0x48: {  	_ =	shalt  }
0x49: {  	_ =	shalt  }
0x4a: {  	_ =	shalt  }
0x4b: {  	_ =	shalt  }
0x4c: {  	_ =	shalt  }
0x4d: {  	_ =	shalt  }
0x4e: {  	_ =	shalt  }
0x4f: {  	_ =	shalt  }
0x50: {  	_ =	shalt  }
0x51: {  	_ =	shalt  }
0x52: {  	_ =	shalt  }
0x53: {  	_ =	shalt  }
0x54: {  	_ =	shalt  }
0x55: {  	_ =	shalt  }
0x56: {  	_ =	shalt  }
0x57: {  	_ =	shalt  }
0x58: {  	_ =	shalt  }
0x59: {  	_ =	shalt  }
0x5a: {  	_ =	shalt  }
0x5b: {  	_ =	shalt  }
0x5c: {  	_ =	shalt  }
0x5d: {  	_ =	shalt  }
0x5e: {  	_ =	shalt  }
0x5f: {  	_ =	shalt  }
0x60: {  	_ =	shalt  }
0x61: {  	_ =	shalt  }
0x62: {  	_ =	shalt  }
0x63: {  	_ =	shalt  }
0x64: {  	_ =	shalt  }
0x65: {  	_ =	shalt  }
0x66: {  	_ =	shalt  }
0x67: {  	_ =	shalt  }
0x68: {  	_ =	shalt  }
0x69: {  	_ =	shalt  }
0x6a: {  	_ =	shalt  }
0x6b: {  	_ =	shalt  }
0x6c: {  	_ =	shalt  }
0x6d: {  	_ =	shalt  }
0x6e: {  	_ =	shalt  }
0x6f: {  	_ =	shalt  }
0x70: {  	_ =	shalt  }
0x71: {  	_ =	shalt  }
0x72: {  	_ =	shalt  }
0x73: {  	_ =	shalt  }
0x74: {  	_ =	shalt  }
0x75: {  	_ =	shalt  }
0x76: {  	_ =	shalt  }
0x77: {  	_ =	shalt  }
0x78: {  	_ =	shalt  }
0x79: {  	_ =	shalt  }
0x7a: {  	_ =	shalt  }
0x7b: {  	_ =	shalt  }
0x7c: {  	_ =	shalt  }
0x7d: {  	_ =	shalt  }
0x7e: {  	_ =	shalt  }
0x7f: {  	_ =	shalt  }
0x80: {  	_ =	shalt  }
0x81: {  	_ =	shalt  }
0x82: {  	_ =	shalt  }
0x83: {  	_ =	shalt  }
0x84: {  	_ =	shalt  }
0x85: {  	_ =	shalt  }
0x86: {  	_ =	shalt  }
0x87: {  	_ =	shalt  }
.Lfunc_end0:
.L_simem_size_0:
called_computation_lowered:
.L_overlay_start_0:
0x88: {  	s2 =	sld [smem:$0x3FD9]  }
0x89: {  	s3 =	sld [smem:$0x3FFE];
	_ =	sdelay $0x1  }
0x8a: {  	s1 =	srdreg.scid  }
0x8b: {  	s0 =	sand.u32 $0x1, s1  }
0x8c: {  	s14 =	sshll.u32 s0, $0xA;
	s2 =	sadd.s32 s3, s2  }
0x8d: {  	s2 =	sadd.s32 s2, s14  }
0x8e: {  	[smem:$0x3FBE] =	sst s2  }
0x8f: {  	_ = 	snop  }
0x90: {  	s2 =	sld [smem:$0x3FD0];
	_ =	sdelay $0x2  }
0x91: {  	s15 =	simm.s32 $0xA;
	s4 =	simm.s32 $0x10  }
0x92: {  	[smem:s4], [sflag:s15] =	dma.local [hbm:s2], $0x1  }
0x93: {  	_ =	swait.eq [sflag:s15], $0x1  }
0x94: {  	[sflag:s15] =	ssyncset.done $0x0  }
0x95: {  	[sflag:s15] =	ssyncadd.s32 $0xFFFFFFFF  }
0x96: {  	s16 =	sld [smem:$0x11];
	(tm) =	ssettm $0x1  }
0x97: {  	s17 =	sld [smem:$0x3FFB];
	_ =	sdelay $0x3  }
0x98: {  	_ =	strace s17  }
0x99: {  	s3 =	sld [smem:$0x3FFC];
	_ =	sdelay $0x3  }
0x9a: {  	_ =	strace s3  }
0x9b: {  	s3 =	sld [smem:$0x3FFD];
	_ =	sdelay $0x3  }
0x9c: {  	_ =	strace s3  }
0x9d: {  	_ =	strace $0x8FFFFFFF  }
0x9e: {  	s18 =	sld [smem:$0x3FDB];
	_ =	sdelay $0x1  }
0x9f: {  	s19 =	simm.s32 $_scs_section_size  }
0xa0: {  	s5 =	simm.s32 $_size__tile_overlayer_lowered;
	s6 =	simm.s32 $_tile_overlayer_lowered  }
0xa1: {  	s22 =	simm.s32 $0x1BFF;
	s21 =	sshll.u32 s6, $0x1;
	s3 =	sadd.s32 s19, s18  }
0xa2: {  	s7 =	simm.s32 $0x0;
	s20 =	sshll.u32 s5, $0x1;
	s5 =	sadd.s32 s21, s3  }
0xa3: {  	[timem:s7], [sflag:s22] =	dma.local [hbm:s5], s20  }
0xa4: {  	_ =	swait.ge [sflag:s22], s20  }
0xa5: {  	s4 =	ssub.s32 $0x0, s20;
	[sflag:s22] =	ssyncset.done $0x0  }
0xa6: {  	[sflag:s22] =	ssyncadd.s32 s4;
	_ =	sdelay $0x1  }
0xa7: {  	s23 =	simm.s32 $0x1B8B  }
0xa8: {  	_ =	swait.ge [sflag:s23], $0x1  }
0xa9: {  	[sflag:s23] =	ssyncset.done $0x0  }
0xaa: {  	s25 =	simm.s32 $0x1B8E;
	s24 =	sld [smem:$0x3FFE];
	[sflag:s23] =	ssyncadd.s32 $0xFFFFFFFF  }
0xab: {  	s26 =	simm.s32 $execute0_lowered;
	[smem:$0x3FD2] =	sst s25  }
0xac: {  	s5 =	sshll.u32 s26, $0x1;
	_ =	strace $0x80000046;
	[dreg:$0x1] =	wrdreg $0xFFFFFFFF  }
0xad: {  	s28 =	simm.s32 $_size_execute0_lowered;
	s3 =	sadd.s32 s3, s5;
	[dreg:$0x0] =	wrdreg $0x0  }
0xae: {  	s5 =	sshll.u32 s28, $0x1;
	[dreg:$0x2] =	wrdreg s3  }
0xaf: {  	[dreg:$0x3] =	wrdreg s5  }
0xb0: {  	[dreg:$0x4] =	wrdreg $0xC0  }
0xb1: {  	_ =	task [dreg:s7], $0x5FFFF  }
0xb2: {  	[dreg:$0x1] =	wrdreg $0xFFFFFFFF  }
0xb3: {  	[dreg:$0x0] =	wrdreg $0x60  }
0xb4: {  	[dreg:$0x2] =	wrdreg s16  }
0xb5: {  	[dreg:$0x3] =	wrdreg s24  }
0xb6: {  	[dreg:$0x4] =	wrdreg $0x0  }
0xb7: {  	[dreg:$0x5] =	wrdreg $0x9  }
0xb8: {  	_ =	task.clear_ibuf [dreg:s7], $0x6FFFF;
	_ =	strace $0x90000046  }
0xb9: {  	s29 =	simm.s32 $0x9;
	_ =	strace $0x80000048  }
0xba: {  	_ =	swait.ge [sflag:s29], $0x1  }
0xbb: {  	[sflag:s29] =	ssyncadd.s32 $0xFFFFFFFF  }
0xbc: {  	_ =	strace $0x90000048  }
0xbd: {  	_ =	sfence  }
0xbe: {  	s30 =	sld [smem:$0x0];
	_ =	sdelay $0x2  }
0xbf: {  	s31 =	sshll.u32 s1, $0xD;
	s1 =	sshrl.u32 s1, $0x2  }
0xc0: {  	s3 =	sand.u32 $0x4000, s31;
	s1 =	sadd.s32 s1, s30  }
0xc1: {  	s0 =	sor.u32 s3, s0;
	s1 =	sshll.u32 s1, $0x11  }
0xc2: {  	s0 =	sor.u32 s1, s0  }
0xc3: {  	s0 =	sadd.s32 $0x8F2B, s0  }
0xc4: {  	[sflag:s0] =	ssyncadd.remote.s32 $0x1  }
0xc5: {  	_ =	sfence.sel $0xFFFF  }
0xc6: {  	[dreg:$0x0] =	wrdreg $0xFFFFFFFF;
	(pc) =	sbr.abs _section_cstart, $3  }
0xc7: {  	[dreg:$0x1] =	wrdreg $0xFFFFFFFF  }
0xc8: {  	_ =	task.clear_ibuf [dreg:s7], $0x2FFFF;
	_ =	strace $0x9FFFFFFF  }
0xc9: {  	(tm) =	ssettm $0x7FFFFFFF  }
tec
execute0_lowered:
.L_overlay_start_1:
0x0: {  	(tag) =	ssettag $0x1  }
0x1: {  	s9 =	rddreg [dreg:$0x0]  }
0x2: {  	s4 =	rddreg [dreg:$0x1]  }
0x3: {  	s2 =	rddreg [dreg:$0x2];
	s3 =	srdreg.scid  }
0x4: {  	s0 =	rddreg [dreg:$0x3];
	s1 =	stileid.u32;
	s19 =	simm.s32 $0x80  }
0x5: {  	s20 =	simm.s32 $0x1;
	s6 =	sand.u32 $0x1, s3;
	s7 =	smul.u32 $0x50000, s1  }
0x6: {  	s3 =	simm.s32 $0x0;
	s10 =	smul.u32 $0x14000, s1;
	s14 =	sadd.s32 $0x3800, s4  }
0x7: {  	s5 =	ssub.s32 $0x2, s6;
	[smem:$0x7FF] =	sst s3;
	s29 =	sshll.u32 s6, $0x4  }
0x8: {  	s16 =	smul.u32 $0x140000, s6;
	s8 =	sshrl.u32 s5, $0x1;
	_ =	strace $0x80000047  }
0x9: {  	s30 =	sshrl.u32 s7, $0x2;
	s31 =	sadd.s32 $0x4000, s10;
	s11 =	sor.u32 s1, s29  }
0xa: {  	s12 =	sadd.s32 $0x8000, s10;
	s13 =	sadd.s32 $0xC000, s10;
	s17 =	sadd.s32 $0x10000, s10  }
0xb: {  	s15 =	ssub.s32 s5, s8;
	s4 =	sadd.s32 s30, s2;
	s5 =	sadd.s32 s31, s2  }
0xc: {  	s6 =	sadd.s32 s12, s2;
	s7 =	sadd.s32 s13, s2;
	s11 =	smul.u32 $0x500, s11  }
0xd: {  	s10 =	sadd.s32 s10, s16;
	s18 =	sadd.s32 s16, s31;
	s8 =	sadd.s32 s17, s2  }
0xe: {  	s12 =	sadd.s32 s16, s12;
	s13 =	sadd.s32 s16, s13;
	s16 =	sadd.s32 s16, s17  }
0xf: {  	s17 =	simm.s32 $0x2;
	s10 =	sshrl.u32 s10, $0x3;
	s18 =	sshrl.u32 s18, $0x3  }
0x10: {  	s12 =	sshrl.u32 s12, $0x3;
	s13 =	sshrl.u32 s13, $0x3;
	s16 =	sshrl.u32 s16, $0x3  }
0x11: {  	s15 =	smax.u32 s15, $0x1;
	s9 =	sadd.s32 s9, s11;
	s10 =	sadd.s32 s14, s10  }
0x12: {  	s11 =	sadd.s32 s14, s18;
	s12 =	sadd.s32 s14, s12;
	s13 =	sadd.s32 s14, s13  }
0x13: {  	v0 =	vimm.f32 $0.0e+00;
	v1 =	vimm.f32 $1.000000000e+00;
	s14 =	sadd.s32 s14, s16;
	s16 =	simm.s32 $0x5000;
	s18 =	simm.s32 $0x2800  }
.LBB2_1:
0x14: {  	s21 =	simm.s32 $0x200;
	s22 =	simm.s32 $0x0  }
.LBB2_2:
0x15: {  	p0 =	sne.s32 s21, $0xFE00;
	[tilespmem:s22+$0x5000] =	vst v0;
	s22 =	smov.u32 s21;
	s21 =	sadd.s32 $0x200, s21  }
.Ltmp0:
0x16: {  	(pc) =	sbr.rel @p0 .LBB2_2-.Ltmp0, $2  }
0x17: {  	_ =	sdelay $0x2  }
0x18: {  	s22 =	sshra.s32 s22, $0x2  }
0x19: {  	[tilespmem:s22+$0x5000] =	vst v0  }
0x1a: {  	[spmem:s4] =	stream.linear.scatter [tilespmem:s16], [sflag:$0x2], $0x4000, $0x38;
	[tilespmem:$0x9000] =	vst v63  }
0x1b: {  	_ =	swait.ge [sflag:s17], $0x4000  }
0x1c: {  	[sflag:s17] =	ssyncset.done $0x0  }
0x1d: {  	[sflag:s17] =	ssyncadd.s32 $0xFFFFC000  }
0x1e: {  	[spmem:s5] =	stream.linear.scatter [tilespmem:s16], [sflag:$0x2], $0x4000, $0x38;
	[tilespmem:$0x9000] =	vst v63  }
0x1f: {  	_ =	swait.ge [sflag:s17], $0x4000  }
0x20: {  	[sflag:s17] =	ssyncset.done $0x0  }
0x21: {  	[sflag:s17] =	ssyncadd.s32 $0xFFFFC000  }
0x22: {  	[spmem:s6] =	stream.linear.scatter [tilespmem:s16], [sflag:$0x2], $0x4000, $0x38;
	[tilespmem:$0x9000] =	vst v63  }
0x23: {  	_ =	swait.ge [sflag:s17], $0x4000  }
0x24: {  	[sflag:s17] =	ssyncset.done $0x0  }
0x25: {  	[sflag:s17] =	ssyncadd.s32 $0xFFFFC000  }
0x26: {  	[spmem:s7] =	stream.linear.scatter [tilespmem:s16], [sflag:$0x2], $0x4000, $0x38;
	[tilespmem:$0x9000] =	vst v63  }
0x27: {  	_ =	swait.ge [sflag:s17], $0x4000  }
0x28: {  	[sflag:s17] =	ssyncset.done $0x0  }
0x29: {  	[sflag:s17] =	ssyncadd.s32 $0xFFFFC000  }
0x2a: {  	[spmem:s8] =	stream.linear.scatter [tilespmem:s16], [sflag:$0x2], $0x4000, $0x38;
	[tilespmem:$0x9000] =	vst v63  }
0x2b: {  	_ =	swait.ge [sflag:s17], $0x4000  }
0x2c: {  	[sflag:s17] =	ssyncset.done $0x0  }
0x2d: {  	s21 =	simm.s32 $0x0;
	[sflag:s17] =	ssyncadd.s32 $0xFFFFC000  }
0x2e: {  	[tilespmem:s18], [sflag:$0x2] =	stream.linear.gather [hbm4b:s9+s21], $0x2800, $0x38;
	[tilespmem:$0x9000] =	vst v63  }
0x2f: {  	_ =	swait.ge [sflag:s17], $0x2800  }
0x30: {  	[sflag:s17] =	ssyncset.done $0x0  }
0x31: {  	s22 =	simm.s32 $0x0;
	s21 =	simm.s32 $0x200;
	[sflag:s17] =	ssyncadd.s32 $0xFFFFD800  }
.LBB2_4:
0x32: {  	p0 =	sne.s32 s21, $0xFE00;
	[tilespmem:s22+$0x5000] =	vst v1;
	s22 =	smov.u32 s21;
	s21 =	sadd.s32 $0x200, s21  }
.Ltmp1:
0x33: {  	(pc) =	sbr.rel @p0 .LBB2_4-.Ltmp1, $2  }
0x34: {  	_ =	sdelay $0x2  }
0x35: {  	s22 =	sshra.s32 s22, $0x2  }
0x36: {  	[tilespmem:s22+$0x5000] =	vst v1;
	p0 =	por $0x1, $0x1  }
0x37: {  	s21 =	simm.s32 $0x2800;
	[bflag:$0x0] =	sbarrier.arrive $0xFFFF;
	s23 =	simm.s32 @!p0 $0x1  }
0x38: {  	[spmem:s2] =	stream.indirect.scatter.add.f32 [tilespmem:s16], [sflag:$0x1], $0x10, s21, s19, $0xb8;
	[tilespmem:$0x9000] =	vst v63  }
0x39: {  	_ =	swait.ge @!p0 [sflag:s23], $0x800  }
0x3a: {  	s22 =	simm.s32 $0x1;
	[sflag:s23] =	ssyncset.done @!p0 $0x0  }
.LBB2_6:
0x3b: {  	[sflag:s23] =	ssyncadd.s32 @!p0 $0xFFFFF800  }
0x3c: {  	s21 =	sadd.s32 $0x80, s21;
	s23 =	smov.u32 s22;
	s22 =	sadd.s32 $0x1, s22  }
0x3d: {  	p1 =	sne.s32 s22, $0x50  }
0x3e: {  	[spmem:s2] =	stream.indirect.scatter.add.f32 [tilespmem:s16], [sflag:$0x1], $0x10, s21, s19, $0xb8;
	[tilespmem:$0x9000] =	vst v63  }
.Ltmp2:
0x3f: {  	_ = 	snop;
	(pc) =	sbr.rel @p1 .LBB2_6-.Ltmp2, $4  }
0x40: {  	p0 =	slt.u32 s23, $0x8  }
0x41: {  	s23 =	simm.s32 @!p0 $0x1  }
0x42: {  	_ =	swait.ge @!p0 [sflag:s23], $0x800  }
0x43: {  	[sflag:s23] =	ssyncset.done @!p0 $0x0  }
0x44: {  	[sflag:s23] =	ssyncadd.s32 @!p0 $0xFFFFF800  }
0x45: {  	_ =	swait.ge [sflag:s20], $0x800  }
0x46: {  	[sflag:s20] =	ssyncset.done $0x0  }
0x47: {  	[sflag:s20] =	ssyncadd.s32 $0xFFFFF800  }
0x48: {  	_ =	swait.ge [sflag:s20], $0x800  }
0x49: {  	[sflag:s20] =	ssyncset.done $0x0  }
0x4a: {  	[sflag:s20] =	ssyncadd.s32 $0xFFFFF800  }
0x4b: {  	_ =	swait.ge [sflag:s20], $0x800  }
0x4c: {  	[sflag:s20] =	ssyncset.done $0x0  }
0x4d: {  	[sflag:s20] =	ssyncadd.s32 $0xFFFFF800  }
0x4e: {  	_ =	swait.ge [sflag:s20], $0x800  }
0x4f: {  	[sflag:s20] =	ssyncset.done $0x0  }
0x50: {  	[sflag:s20] =	ssyncadd.s32 $0xFFFFF800  }
0x51: {  	_ =	swait.ge [sflag:s20], $0x800  }
0x52: {  	[sflag:s20] =	ssyncset.done $0x0  }
0x53: {  	[sflag:s20] =	ssyncadd.s32 $0xFFFFF800  }
0x54: {  	_ =	swait.ge [sflag:s20], $0x800  }
0x55: {  	[sflag:s20] =	ssyncset.done $0x0  }
0x56: {  	[sflag:s20] =	ssyncadd.s32 $0xFFFFF800  }
0x57: {  	_ =	swait.ge [sflag:s20], $0x800  }
0x58: {  	[sflag:s20] =	ssyncset.done $0x0  }
0x59: {  	[sflag:s20] =	ssyncadd.s32 $0xFFFFF800  }
0x5a: {  	_ =	swait.ge [sflag:s20], $0x800  }
0x5b: {  	[sflag:s20] =	ssyncset.done $0x0  }
0x5c: {  	s21 =	sshll.u32 s1, $0x6;
	[sflag:s20] =	ssyncadd.s32 $0xFFFFF800  }
0x5d: {  	s22 =	sshrl.u32 s4, $0x3;
	s21 =	sor.u32 $0x1C02, s21;
	[bflag:$0x0] =	sbarrier.arrive $0xFFFF  }
0x5e: {  	[hbm:s10], [sflag:s21] =	dma.local [spmem:s22], $0x800  }
0x5f: {  	_ =	swait.ge [sflag:s17], $0x800  }
0x60: {  	[sflag:s17] =	ssyncset.done $0x0  }
0x61: {  	s28 =	sshrl.u32 s5, $0x3;
	[sflag:s17] =	ssyncadd.s32 $0xFFFFF800  }
0x62: {  	[hbm:s11], [sflag:s21] =	dma.local [spmem:s28], $0x800  }
0x63: {  	_ =	swait.ge [sflag:s17], $0x800  }
0x64: {  	[sflag:s17] =	ssyncset.done $0x0  }
0x65: {  	s29 =	sshrl.u32 s6, $0x3;
	[sflag:s17] =	ssyncadd.s32 $0xFFFFF800  }
0x66: {  	[hbm:s12], [sflag:s21] =	dma.local [spmem:s29], $0x800  }
0x67: {  	_ =	swait.ge [sflag:s17], $0x800  }
0x68: {  	[sflag:s17] =	ssyncset.done $0x0  }
0x69: {  	s30 =	sshrl.u32 s7, $0x3;
	[sflag:s17] =	ssyncadd.s32 $0xFFFFF800  }
0x6a: {  	[hbm:s13], [sflag:s21] =	dma.local [spmem:s30], $0x800  }
0x6b: {  	s3 =	sadd.s32 $0x1, s3;
	_ =	swait.ge [sflag:s17], $0x800  }
0x6c: {  	p0 =	sne.s32 s3, s15;
	[sflag:s17] =	ssyncset.done $0x0  }
.Ltmp3:
0x6d: {  	s31 =	sshrl.u32 s8, $0x3;
	[sflag:s17] =	ssyncadd.s32 $0xFFFFF800;
	(pc) =	sbr.rel @p0 .LBB2_1-.Ltmp3, $4  }
0x6e: {  	[hbm:s14], [sflag:s21] =	dma.local [spmem:s31], $0x800  }
0x6f: {  	_ =	swait.ge [sflag:s17], $0x800  }
0x70: {  	[sflag:s17] =	ssyncset.done $0x0  }
0x71: {  	[sflag:s17] =	ssyncadd.s32 $0xFFFFF800  }
0x72: {  	_ =	sfence.sel $0x180000  }
0x73: {  	[bflag:$0x0] =	sbarrier.arrive $0xFFFF  }
0x74: {  	p0 =	sne.s32 s1, $0x0;
	_ =	strace $0x90000047  }
0x75: {  	s0 =	sadd.s32 @!p0 $0x100000, s0;
	[bflag:$0x2] =	sbarrier.arrive $0xFFFF  }
0x76: {  	[sflag:s0] =	ssyncadd.tile.s32 @!p0 $0x1;
	_ =	shalt  }
.Lfunc_end2:
_tile_overlayer_lowered:
.L_overlay_start_2:
0x77: {  	(tag) =	ssettag $0x2  }
0x78: {  	s0 =	rddreg [dreg:$0x0];
	s2 =	stileid.u32  }
0x79: {  	s1 =	rddreg [dreg:$0x1];
	p0 =	sne.s32 s2, $0x0  }
0x7a: {  	s3 =	rddreg [dreg:$0x2];
	[bflag:$0x3] =	sbarrier.arrive $0xFFFF;
	s2 =	simm.s32 @!p0 $0x1C02  }
0x7b: {  	[timem:s3], [sflag:s2] =	dma.local @!p0 [hbm:s0], s1  }
0x7c: {  	s0 =	simm.s32 @!p0 $0x2  }
0x7d: {  	_ =	swait.ge @!p0 [sflag:s0], s1  }
0x7e: {  	s1 =	ssub.s32 @!p0 $0x0, s1;
	[sflag:s0] =	ssyncset.done @!p0 $0x0  }
0x7f: {  	[sflag:s0] =	ssyncadd.s32 @!p0 s1  }
0x80: {  	[bflag:$0x3] =	sbarrier.arrive $0xFFFF  }
0x81: {  	_ =	shalt  }

// kernel: kernel.13.cloned.1.call-start
scs
__scs_entry_jumppad:
0x0: {  	(pc) =	sbr.rel $0x88, $3  }
0x1: {  	(tag) =	ssettag $0x0;
	lr =	simm.s32 $0x1  }
0x2: {  	[smem:$0x3F97] =	sst lr;
	_ =	strace $0xD0000000  }
0x3: {  	_ = 	snop  }
0x4: {  	_ = 	snop  }
0x5: {  	_ = 	snop  }
0x6: {  	_ = 	snop  }
0x7: {  	_ = 	snop  }
__scs_overlays_trampoline_lowered:
0x8: {  	[smem:$0x3FA6] =	sst s0  }
0x9: {  	[smem:$0x3FA7] =	sst s1  }
0xa: {  	[smem:$0x3FA8] =	sst s2  }
0xb: {  	[smem:$0x3FA9] =	sst s3  }
0xc: {  	[smem:$0x3FAA] =	sst s4  }
0xd: {  	[smem:$0x3FAB] =	sst s5  }
0xe: {  	[smem:$0x3FAC] =	sst s6  }
0xf: {  	[smem:$0x3FAD] =	sst s7  }
0x10: {  	[smem:$0x3FAE] =	sst s8  }
0x11: {  	[smem:$0x3FAF] =	sst s9;
	s0 =	simm.s32 @!p0 $0x0  }
0x12: {  	s1 =	sld [smem:$0x3F95];
	s0 =	simm.s32 @p0 $0x1  }
0x13: {  	[smem:$0x3FB0] =	sst s0;
	s0 =	simm.s32 @!p1 $0x0  }
0x14: {  	s2 =	sld [smem:$0x3F94];
	s0 =	simm.s32 @p1 $0x1  }
0x15: {  	[smem:$0x3FB1] =	sst s0;
	s0 =	simm.s32 @!p2 $0x0  }
0x16: {  	s3 =	sld [smem:$0x3FDB];
	s0 =	simm.s32 @p2 $0x1  }
0x17: {  	s4 =	simm.s32 $0x1BF5;
	[smem:$0x3FB3] =	sst s0  }
0x18: {  	s0 =	sld [smem:$0x3F96];
	_ =	swait.ge [sflag:s4], $0x0  }
0x19: {  	s7 =	sld [smem:$0x3F97]  }
0x1a: {  	s8 =	sadd.s32 $0xFFFFE003, lr  }
0x1b: {  	s9 =	sadd.s32 $0xFFFFFEF7, lr;
	s5 =	simm.s32 $0xFFFFFFFF;
	p2 =	slt.u32 s8, $0xFFFFF086  }
0x1c: {  	p1 =	slt.u32 s9, $0xF7A;
	s5 =	simm.s32 @!p2 $0x0  }
0x1d: {  	s5 =	simm.s32 @p1 $0x1;
	p0 =	seq.s32 s7, s2  }
0x1e: {  	s7 =	smul.u32 @!p0 $0xF7A, s2;
	p2 =	seq.s32 @!p0 s5, $0x0  }
0x1f: {  	s9 =	smul.u32 $0xF7A, s1;
	s8 =	simm.s32 @!p0 $0x1BF5;
	p2 =	por !p2, p0  }
0x20: {  	[sflag:s8] =	ssyncset.s32 @!p0 $0xFFFFF086;
	s6 =	sadd.s32 @!p0 s3, s7;
	s7 =	simm.s32 @!p0 $0x108  }
0x21: {  	s3 =	sadd.s32 s3, s9;
	s6 =	sadd.s32 @!p0 $0x88, s6;
	s7 =	simm.s32 @p2 $0x1082  }
0x22: {  	[simem:s7], [sflag:s8] =	dma.local @!p0 [hbm:s6], $0xF7A  }
0x23: {  	s9 =	sor.u32 $0xD0000000, s2;
	s6 =	simm.s32 $0x108;
	_ =	swait.ge @!p0 [sflag:s8], $0x0  }
0x24: {  	s3 =	sadd.s32 $0x88, s3;
	s6 =	simm.s32 @!p1 $0x1082;
	[sflag:s4] =	ssyncset.s32 $0xFFFFF086  }
0x25: {  	[simem:s6], [sflag:s4] =	dma.local [hbm:s3], $0xF7A  }
0x26: {  	[smem:$0x3F97] =	sst s1;
	(tag) =	ssettag s2;
	_ =	strace s9  }
0x27: {  	s1 =	sld [smem:$0x3FA7]  }
0x28: {  	s2 =	sld [smem:$0x3FA8]  }
0x29: {  	s4 =	sld [smem:$0x3FAA]  }
0x2a: {  	p0 =	seq.s32 s5, $0x0;
	s5 =	sld [smem:$0x3FAB]  }
0x2b: {  	s6 =	sld [smem:$0x3FAC]  }
0x2c: {  	s7 =	sld [smem:$0x3FAD]  }
0x2d: {  	s3 =	simm.s32 $0x108;
	s8 =	sld [smem:$0x3FAE]  }
0x2e: {  	s3 =	simm.s32 @!p0 $0x1082;
	s9 =	sld [smem:$0x3FAF]  }
0x2f: {  	lr =	sadd.s32 s0, s3;
	s0 =	sld [smem:$0x3FA6]  }
0x30: {  	s3 =	sld [smem:$0x3FA9]  }
0x31: {  	[smem:$0x3FB2] =	sst s10  }
0x32: {  	s10 =	sld [smem:$0x3FB0];
	_ =	sdelay $0x3  }
0x33: {  	p0 =	seq.s32 s10, $0x1;
	s10 =	sld [smem:$0x3FB2];
	_ =	sdelay $0x3  }
0x34: {  	[smem:$0x3FB2] =	sst s10  }
0x35: {  	s10 =	sld [smem:$0x3FB1];
	_ =	sdelay $0x3  }
0x36: {  	p1 =	seq.s32 s10, $0x1;
	s10 =	sld [smem:$0x3FB2];
	_ =	sdelay $0x3  }
0x37: {  	[smem:$0x3FB2] =	sst s10  }
0x38: {  	s10 =	sld [smem:$0x3FB3]  }
0x39: {  	_ = 	snop;
	(pc) =	sbr.ind lr, $3  }
0x3a: {  	_ = 	snop  }
0x3b: {  	_ = 	snop  }
0x3c: {  	p2 =	seq.s32 s10, $0x1;
	s10 =	sld [smem:$0x3FB2]  }
0x3d: {  	_ =	shalt  }
0x3e: {  	_ =	shalt  }
0x3f: {  	_ =	shalt  }
0x40: {  	_ =	shalt  }
0x41: {  	_ =	shalt  }
0x42: {  	_ =	shalt  }
0x43: {  	_ =	shalt  }
0x44: {  	_ =	shalt  }
0x45: {  	_ =	shalt  }
0x46: {  	_ =	shalt  }
0x47: {  	_ =	shalt  }
0x48: {  	_ =	shalt  }
0x49: {  	_ =	shalt  }
0x4a: {  	_ =	shalt  }
0x4b: {  	_ =	shalt  }
0x4c: {  	_ =	shalt  }
0x4d: {  	_ =	shalt  }
0x4e: {  	_ =	shalt  }
0x4f: {  	_ =	shalt  }
0x50: {  	_ =	shalt  }
0x51: {  	_ =	shalt  }
0x52: {  	_ =	shalt  }
0x53: {  	_ =	shalt  }
0x54: {  	_ =	shalt  }
0x55: {  	_ =	shalt  }
0x56: {  	_ =	shalt  }
0x57: {  	_ =	shalt  }
0x58: {  	_ =	shalt  }
0x59: {  	_ =	shalt  }
0x5a: {  	_ =	shalt  }
0x5b: {  	_ =	shalt  }
0x5c: {  	_ =	shalt  }
0x5d: {  	_ =	shalt  }
0x5e: {  	_ =	shalt  }
0x5f: {  	_ =	shalt  }
0x60: {  	_ =	shalt  }
0x61: {  	_ =	shalt  }
0x62: {  	_ =	shalt  }
0x63: {  	_ =	shalt  }
0x64: {  	_ =	shalt  }
0x65: {  	_ =	shalt  }
0x66: {  	_ =	shalt  }
0x67: {  	_ =	shalt  }
0x68: {  	_ =	shalt  }
0x69: {  	_ =	shalt  }
0x6a: {  	_ =	shalt  }
0x6b: {  	_ =	shalt  }
0x6c: {  	_ =	shalt  }
0x6d: {  	_ =	shalt  }
0x6e: {  	_ =	shalt  }
0x6f: {  	_ =	shalt  }
0x70: {  	_ =	shalt  }
0x71: {  	_ =	shalt  }
0x72: {  	_ =	shalt  }
0x73: {  	_ =	shalt  }
0x74: {  	_ =	shalt  }
0x75: {  	_ =	shalt  }
0x76: {  	_ =	shalt  }
0x77: {  	_ =	shalt  }
0x78: {  	_ =	shalt  }
0x79: {  	_ =	shalt  }
0x7a: {  	_ =	shalt  }
0x7b: {  	_ =	shalt  }
0x7c: {  	_ =	shalt  }
0x7d: {  	_ =	shalt  }
0x7e: {  	_ =	shalt  }
0x7f: {  	_ =	shalt  }
0x80: {  	_ =	shalt  }
0x81: {  	_ =	shalt  }
0x82: {  	_ =	shalt  }
0x83: {  	_ =	shalt  }
0x84: {  	_ =	shalt  }
0x85: {  	_ =	shalt  }
0x86: {  	_ =	shalt  }
0x87: {  	_ =	shalt  }
.Lfunc_end0:
.L_simem_size_0:
called_computation.1_lowered:
.L_overlay_start_0:
0x88: {  	s2 =	sld [smem:$0x3FD9]  }
0x89: {  	s3 =	sld [smem:$0x3FFE];
	_ =	sdelay $0x1  }
0x8a: {  	s1 =	srdreg.scid  }
0x8b: {  	s0 =	sand.u32 $0x1, s1  }
0x8c: {  	s14 =	sshll.u32 s0, $0xA;
	s2 =	sadd.s32 s3, s2  }
0x8d: {  	s2 =	sadd.s32 s2, s14  }
0x8e: {  	[smem:$0x3FBE] =	sst s2  }
0x8f: {  	_ = 	snop  }
0x90: {  	s2 =	sld [smem:$0x3FD0];
	_ =	sdelay $0x2  }
0x91: {  	s15 =	simm.s32 $0xA;
	s4 =	simm.s32 $0x10  }
0x92: {  	[smem:s4], [sflag:s15] =	dma.local [hbm:s2], $0x1  }
0x93: {  	_ =	swait.eq [sflag:s15], $0x1  }
0x94: {  	[sflag:s15] =	ssyncset.done $0x0  }
0x95: {  	s16 =	sld [smem:$0x10];
	[sflag:s15] =	ssyncadd.s32 $0xFFFFFFFF  }
0x96: {  	s17 =	sld [smem:$0x11];
	(tm) =	ssettm $0x1  }
0x97: {  	s18 =	sld [smem:$0x3FFB];
	_ =	sdelay $0x3  }
0x98: {  	_ =	strace s18  }
0x99: {  	s4 =	sld [smem:$0x3FFC];
	_ =	sdelay $0x3  }
0x9a: {  	_ =	strace s4  }
0x9b: {  	s4 =	sld [smem:$0x3FFD];
	_ =	sdelay $0x3  }
0x9c: {  	_ =	strace s4  }
0x9d: {  	_ =	strace $0x8FFFFFFF  }
0x9e: {  	s19 =	sld [smem:$0x3FDB];
	_ =	sdelay $0x1  }
0x9f: {  	s5 =	simm.s32 $_scs_section_size  }
0xa0: {  	s6 =	simm.s32 $_size__tile_overlayer_lowered;
	s7 =	simm.s32 $_tile_overlayer_lowered  }
0xa1: {  	s22 =	simm.s32 $0x1BFF;
	s21 =	sshll.u32 s7, $0x1;
	s4 =	sadd.s32 s5, s19  }
0xa2: {  	s8 =	simm.s32 $0x0;
	s20 =	sshll.u32 s6, $0x1;
	s6 =	sadd.s32 s21, s4  }
0xa3: {  	[timem:s8], [sflag:s22] =	dma.local [hbm:s6], s20  }
0xa4: {  	_ =	swait.ge [sflag:s22], s20  }
0xa5: {  	s5 =	ssub.s32 $0x0, s20;
	[sflag:s22] =	ssyncset.done $0x0  }
0xa6: {  	[sflag:s22] =	ssyncadd.s32 s5;
	_ =	sdelay $0x1  }
0xa7: {  	s23 =	simm.s32 $0x1B8B  }
0xa8: {  	_ =	swait.ge [sflag:s23], $0x1  }
0xa9: {  	[sflag:s23] =	ssyncset.done $0x0  }
0xaa: {  	s25 =	simm.s32 $0x1B8E;
	s24 =	sld [smem:$0x3FFE];
	[sflag:s23] =	ssyncadd.s32 $0xFFFFFFFF  }
0xab: {  	s26 =	simm.s32 $execute0_lowered;
	[smem:$0x3FD2] =	sst s25  }
0xac: {  	s6 =	sshll.u32 s26, $0x1;
	_ =	strace $0x80000049;
	[dreg:$0x1] =	wrdreg $0xFFFFFFFF  }
0xad: {  	s28 =	simm.s32 $_size_execute0_lowered;
	s4 =	sadd.s32 s4, s6;
	[dreg:$0x0] =	wrdreg $0x0  }
0xae: {  	s6 =	sshll.u32 s28, $0x1;
	[dreg:$0x2] =	wrdreg s4  }
0xaf: {  	[dreg:$0x3] =	wrdreg s6  }
0xb0: {  	[dreg:$0x4] =	wrdreg $0xC0  }
0xb1: {  	_ =	task [dreg:s8], $0x5FFFF  }
0xb2: {  	[dreg:$0x1] =	wrdreg $0xFFFFFFFF  }
0xb3: {  	[dreg:$0x0] =	wrdreg $0x60  }
0xb4: {  	[dreg:$0x2] =	wrdreg s24  }
0xb5: {  	[dreg:$0x3] =	wrdreg s16  }
0xb6: {  	[dreg:$0x4] =	wrdreg s17  }
0xb7: {  	[dreg:$0x5] =	wrdreg $0x0  }
0xb8: {  	[dreg:$0x6] =	wrdreg $0x9  }
0xb9: {  	_ =	task.clear_ibuf [dreg:s8], $0x7FFFF;
	_ =	strace $0x90000049  }
0xba: {  	s29 =	simm.s32 $0x9;
	_ =	strace $0x8000004B  }
0xbb: {  	_ =	swait.ge [sflag:s29], $0x1  }
0xbc: {  	[sflag:s29] =	ssyncadd.s32 $0xFFFFFFFF  }
0xbd: {  	_ =	strace $0x9000004B  }
0xbe: {  	_ =	sfence  }
0xbf: {  	s30 =	sld [smem:$0x0];
	_ =	sdelay $0x2  }
0xc0: {  	s31 =	sshll.u32 s1, $0xD;
	s1 =	sshrl.u32 s1, $0x2  }
0xc1: {  	s3 =	sand.u32 $0x4000, s31;
	s1 =	sadd.s32 s1, s30  }
0xc2: {  	s0 =	sor.u32 s3, s0;
	s1 =	sshll.u32 s1, $0x11  }
0xc3: {  	s0 =	sor.u32 s1, s0  }
0xc4: {  	s0 =	sadd.s32 $0x8F2B, s0  }
0xc5: {  	[sflag:s0] =	ssyncadd.remote.s32 $0x1  }
0xc6: {  	_ =	sfence.sel $0xFFFF  }
0xc7: {  	[dreg:$0x0] =	wrdreg $0xFFFFFFFF;
	(pc) =	sbr.abs _section_cstart, $3  }
0xc8: {  	[dreg:$0x1] =	wrdreg $0xFFFFFFFF  }
0xc9: {  	_ =	task.clear_ibuf [dreg:s8], $0x2FFFF;
	_ =	strace $0x9FFFFFFF  }
0xca: {  	(tm) =	ssettm $0x7FFFFFFF  }
0xcb: {  	_ =	shalt  }
tec
execute0_lowered:
.L_overlay_start_1:
0x0: {  	(tag) =	ssettag $0x1  }
0x1: {  	s0 =	rddreg [dreg:$0x0]  }
0x2: {  	s1 =	rddreg [dreg:$0x1]  }
0x3: {  	s2 =	rddreg [dreg:$0x2]  }
0x4: {  	s3 =	rddreg [dreg:$0x3]  }
0x5: {  	s5 =	simm.s32 $0x0;
	s4 =	srdreg.scid;
	s21 =	stileid.u32  }
0x6: {  	s28 =	simm.s32 $0x1A000;
	s29 =	simm.s32 $0x2;
	s30 =	simm.s32 $0x3  }
0x7: {  	s31 =	simm.s32 $0x4;
	[smem:$0x7FF] =	sst s5;
	s8 =	smul.u32 $0x50000, s21  }
0x8: {  	s4 =	sand.u32 $0x1, s4;
	s6 =	sadd.s32 $0x53800, s0;
	s12 =	smul.u32 $0x14000, s21  }
0x9: {  	s0 =	sadd.s32 $0x7AA00, s0;
	_ =	strace $0x8000004A;
	s17 =	smul.u32 $0x140000, s4  }
0xa: {  	s7 =	ssub.s32 $0x2, s4;
	s10 =	sshll.u32 s4, $0x4;
	s4 =	smul.u32 $0x28000, s4  }
0xb: {  	s9 =	sshrl.u32 s7, $0x1;
	s11 =	sor.u32 s21, s10;
	s13 =	sshrl.u32 s8, $0x2  }
0xc: {  	s14 =	sadd.s32 $0x4000, s12;
	s15 =	sadd.s32 $0x8000, s12;
	s16 =	sadd.s32 $0xC000, s12  }
0xd: {  	s18 =	sadd.s32 $0x10000, s12;
	s21 =	smul.u32 $0x2800, s21;
	s19 =	ssub.s32 s7, s9  }
0xe: {  	s7 =	sadd.s32 s13, s3;
	s8 =	sadd.s32 s14, s3;
	s13 =	smul.u32 $0x500, s11  }
0xf: {  	s9 =	sadd.s32 s15, s3;
	s10 =	sadd.s32 s16, s3;
	s11 =	sadd.s32 s18, s3  }
0x10: {  	s12 =	sadd.s32 s12, s17;
	s14 =	sadd.s32 s17, s14;
	s22 =	sadd.s32 s17, s15  }
0x11: {  	s24 =	sadd.s32 s17, s16;
	s17 =	sadd.s32 s17, s18;
	s12 =	sshrl.u32 s12, $0x3  }
0x12: {  	s23 =	sshrl.u32 s22, $0x3;
	s25 =	sshrl.u32 s24, $0x3;
	s18 =	sshrl.u32 s17, $0x3  }
0x13: {  	s26 =	sadd.s32 s21, s4;
	s19 =	smax.u32 s19, $0x1;
	s21 =	simm.s32 $0x16000  }
0x14: {  	s22 =	simm.s32 $0x6;
	s20 =	sadd.s32 s1, s13;
	s13 =	sadd.s32 s2, s13  }
0x15: {  	s12 =	sadd.s32 s0, s12;
	s17 =	sadd.s32 s0, s25;
	[dreg:$0x5] =	wrdreg s20  }
0x16: {  	s18 =	sadd.s32 s0, s18;
	[dreg:$0x6] =	wrdreg s13;
	s20 =	sshrl.u32 s14, $0x3  }
0x17: {  	s4 =	sadd.s32 $0x800, s26;
	[dreg:$0x7] =	wrdreg s12;
	s12 =	sadd.s32 s0, s20  }
0x18: {  	s25 =	simm.s32 $0x80;
	[dreg:$0x8] =	wrdreg s12;
	s12 =	sadd.s32 s0, s23  }
0x19: {  	v0 =	vimm.f32 $0.0e+00;
	s26 =	simm.s32 $0x1;
	s23 =	simm.s32 $0x14000;
	[dreg:$0x9] =	wrdreg s12  }
.LBB2_1:
0x1a: {  	s0 =	simm.s32 $0x0;
	s12 =	simm.s32 $0x200  }
.LBB2_2:
0x1b: {  	p0 =	sne.s32 s12, $0xFE00;
	[tilespmem:s0+$0x16070] =	vst v0  }
0x1c: {  	[tilespmem:s0+$0x16000] =	vst v0  }
0x1d: {  	[tilespmem:s0+$0x16010] =	vst v0  }
.Ltmp0:
0x1e: {  	[tilespmem:s0+$0x16020] =	vst v0;
	(pc) =	sbr.rel @p0 .LBB2_2-.Ltmp0, $4  }
0x1f: {  	[tilespmem:s0+$0x16030] =	vst v0  }
0x20: {  	[tilespmem:s0+$0x16040] =	vst v0  }
0x21: {  	[tilespmem:s0+$0x16050] =	vst v0  }
0x22: {  	[tilespmem:s0+$0x16060] =	vst v0;
	s0 =	sshra.s32 s12, $0x2;
	s12 =	sadd.s32 $0x200, s12  }
0x23: {  	[tilespmem:s0+$0x16070] =	vst v0  }
0x24: {  	[tilespmem:s0+$0x16000] =	vst v0  }
0x25: {  	[tilespmem:s0+$0x16010] =	vst v0  }
0x26: {  	[tilespmem:s0+$0x16020] =	vst v0  }
0x27: {  	[tilespmem:s0+$0x16030] =	vst v0  }
0x28: {  	[tilespmem:s0+$0x16040] =	vst v0  }
0x29: {  	[tilespmem:s0+$0x16050] =	vst v0  }
0x2a: {  	[tilespmem:s0+$0x16060] =	vst v0  }
0x2b: {  	[spmem:s7] =	stream.linear.scatter [tilespmem:s21], [sflag:$0x6], $0x4000, $0x38;
	[tilespmem:$0x1E000] =	vst v63  }
0x2c: {  	_ =	swait.ge [sflag:s22], $0x4000  }
0x2d: {  	[sflag:s22] =	ssyncset.done $0x0  }
0x2e: {  	[sflag:s22] =	ssyncadd.s32 $0xFFFFC000  }
0x2f: {  	[spmem:s8] =	stream.linear.scatter [tilespmem:s21], [sflag:$0x6], $0x4000, $0x38;
	[tilespmem:$0x1E000] =	vst v63  }
0x30: {  	_ =	swait.ge [sflag:s22], $0x4000  }
0x31: {  	[sflag:s22] =	ssyncset.done $0x0  }
0x32: {  	[sflag:s22] =	ssyncadd.s32 $0xFFFFC000  }
0x33: {  	[spmem:s9] =	stream.linear.scatter [tilespmem:s21], [sflag:$0x6], $0x4000, $0x38;
	[tilespmem:$0x1E000] =	vst v63  }
0x34: {  	_ =	swait.ge [sflag:s22], $0x4000  }
0x35: {  	[sflag:s22] =	ssyncset.done $0x0  }
0x36: {  	[sflag:s22] =	ssyncadd.s32 $0xFFFFC000  }
0x37: {  	[spmem:s10] =	stream.linear.scatter [tilespmem:s21], [sflag:$0x6], $0x4000, $0x38;
	[tilespmem:$0x1E000] =	vst v63  }
0x38: {  	_ =	swait.ge [sflag:s22], $0x4000  }
0x39: {  	[sflag:s22] =	ssyncset.done $0x0  }
0x3a: {  	[sflag:s22] =	ssyncadd.s32 $0xFFFFC000  }
0x3b: {  	[spmem:s11] =	stream.linear.scatter [tilespmem:s21], [sflag:$0x6], $0x4000, $0x38;
	[tilespmem:$0x1E000] =	vst v63  }
0x3c: {  	_ =	swait.ge [sflag:s22], $0x4000  }
0x3d: {  	[sflag:s22] =	ssyncset.done $0x0  }
0x3e: {  	[sflag:s22] =	ssyncadd.s32 $0xFFFFC000  }
0x3f: {  	[bflag:$0x0] =	sbarrier.arrive $0xFFFF  }
0x40: {  	s0 =	simm.s32 $0x0;
	s12 =	rddreg [dreg:$0x5]  }
0x41: {  	[tilespmem:s23], [sflag:$0x6] =	stream.linear.gather [hbm4b:s12+s0], $0x800, $0x38;
	[tilespmem:$0x1E000] =	vst v63  }
0x42: {  	_ =	swait.ge [sflag:s22], $0x800  }
0x43: {  	[sflag:s22] =	ssyncset.done $0x0  }
0x44: {  	s13 =	simm.s32 $0x15000;
	s24 =	rddreg [dreg:$0x6];
	[sflag:s22] =	ssyncadd.s32 $0xFFFFF800  }
0x45: {  	[tilespmem:s13], [sflag:$0x6] =	stream.linear.gather [hbm4b:s24+s0], $0x800, $0x38;
	[tilespmem:$0x1E000] =	vst v63  }
0x46: {  	_ =	swait.ge [sflag:s22], $0x800  }
0x47: {  	[sflag:s22] =	ssyncset.done $0x0  }
0x48: {  	s20 =	smov.u32 s4;
	[sflag:s22] =	ssyncadd.s32 $0xFFFFF800  }
0x49: {  	[tilespmem:s21], [sflag:$0x1] =	stream.indirect.gather [hbm4b:s6+s25], $0x80, s23, s25, $0xb8;
	[tilespmem:$0x1E000] =	vst v63  }
.LBB2_4:
0x4a: {  	s12 =	sand.u32 $0x1, s0  }
0x4b: {  	p0 =	seq.s32 s0, $0x4;
	s24 =	sxor.u32 $0x1, s12  }
0x4c: {  	s14 =	sshrl.u32 @!p0 s20, $0x3;
	s13 =	sshll.u32 @!p0 s24, $0xB  }
0x4d: {  	s16 =	simm.s32 @!p0 $0x0;
	s15 =	sadd.s32 @!p0 s1, s14;
	s24 =	sor.u32 @!p0 $0x14000, s13  }
0x4e: {  	[tilespmem:s24], [sflag:$0x5] =	stream.linear.gather @!p0 [hbm4b:s15+s16], $0x800, $0x38;
	[tilespmem:$0x1E000] =	vst v63  }
0x4f: {  	s14 =	sadd.s32 @!p0 s2, s14;
	s13 =	sor.u32 @!p0 $0x15000, s13  }
0x50: {  	[tilespmem:s13], [sflag:$0x5] =	stream.linear.gather @!p0 [hbm4b:s14+s16], $0x800, $0x38;
	[tilespmem:$0x1E000] =	vst v63  }
0x51: {  	_ =	swait.ge [sflag:s26], $0x4000  }
0x52: {  	s12 =	sshll.u32 s12, $0xB;
	[sflag:s26] =	ssyncset.done $0x0  }
0x53: {  	s14 =	sor.u32 $0x15000, s12;
	[sflag:s26] =	ssyncadd.s32 $0xFFFFC000  }
0x54: {  	[spmem:s3] =	stream.indirect.scatter.add.f32 [tilespmem:s21], [sflag:$0x3], $0x80, s14, s25, $0xb8;
	[tilespmem:$0x1E000] =	vst v63  }
0x55: {  	s15 =	sor.u32 $0x14080, s12  }
0x56: {  	[tilespmem:s28], [sflag:$0x2] =	stream.indirect.gather [hbm4b:s6+s25], $0x80, s15, s25, $0xb8;
	[tilespmem:$0x1E000] =	vst v63  }
0x57: {  	_ =	swait.ge [sflag:s29], $0x4000  }
0x58: {  	[sflag:s29] =	ssyncset.done $0x0  }
0x59: {  	s16 =	sor.u32 $0x15080, s12;
	[sflag:s29] =	ssyncadd.s32 $0xFFFFC000  }
0x5a: {  	[spmem:s3] =	stream.indirect.scatter.add.f32 [tilespmem:s28], [sflag:$0x4], $0x80, s16, s25, $0xb8;
	[tilespmem:$0x1E000] =	vst v63  }
0x5b: {  	_ =	swait.ge [sflag:s30], $0x4000  }
0x5c: {  	[sflag:s30] =	ssyncset.done $0x0  }
0x5d: {  	s14 =	sor.u32 $0x14100, s12;
	[sflag:s30] =	ssyncadd.s32 $0xFFFFC000  }
0x5e: {  	[tilespmem:s21], [sflag:$0x1] =	stream.indirect.gather [hbm4b:s6+s25], $0x80, s14, s25, $0xb8;
	[tilespmem:$0x1E000] =	vst v63  }
0x5f: {  	_ =	swait.ge [sflag:s26], $0x4000  }
0x60: {  	[sflag:s26] =	ssyncset.done $0x0  }
0x61: {  	s15 =	sor.u32 $0x15100, s12;
	[sflag:s26] =	ssyncadd.s32 $0xFFFFC000  }
0x62: {  	[spmem:s3] =	stream.indirect.scatter.add.f32 [tilespmem:s21], [sflag:$0x3], $0x80, s15, s25, $0xb8;
	[tilespmem:$0x1E000] =	vst v63  }
0x63: {  	_ =	swait.ge [sflag:s31], $0x4000  }
0x64: {  	[sflag:s31] =	ssyncset.done $0x0  }
0x65: {  	s16 =	sor.u32 $0x14180, s12;
	[sflag:s31] =	ssyncadd.s32 $0xFFFFC000  }
0x66: {  	[tilespmem:s28], [sflag:$0x2] =	stream.indirect.gather [hbm4b:s6+s25], $0x80, s16, s25, $0xb8;
	[tilespmem:$0x1E000] =	vst v63  }
0x67: {  	_ =	swait.ge [sflag:s29], $0x4000  }
0x68: {  	[sflag:s29] =	ssyncset.done $0x0  }
0x69: {  	s14 =	sor.u32 $0x15180, s12;
	[sflag:s29] =	ssyncadd.s32 $0xFFFFC000  }
0x6a: {  	[spmem:s3] =	stream.indirect.scatter.add.f32 [tilespmem:s28], [sflag:$0x4], $0x80, s14, s25, $0xb8;
	[tilespmem:$0x1E000] =	vst v63  }
0x6b: {  	_ =	swait.ge [sflag:s30], $0x4000  }
0x6c: {  	[sflag:s30] =	ssyncset.done $0x0  }
0x6d: {  	s15 =	sor.u32 $0x14200, s12;
	[sflag:s30] =	ssyncadd.s32 $0xFFFFC000  }
0x6e: {  	[tilespmem:s21], [sflag:$0x1] =	stream.indirect.gather [hbm4b:s6+s25], $0x80, s15, s25, $0xb8;
	[tilespmem:$0x1E000] =	vst v63  }
0x6f: {  	_ =	swait.ge [sflag:s26], $0x4000  }
0x70: {  	[sflag:s26] =	ssyncset.done $0x0  }
0x71: {  	s16 =	sor.u32 $0x15200, s12;
	[sflag:s26] =	ssyncadd.s32 $0xFFFFC000  }
0x72: {  	[spmem:s3] =	stream.indirect.scatter.add.f32 [tilespmem:s21], [sflag:$0x3], $0x80, s16, s25, $0xb8;
	[tilespmem:$0x1E000] =	vst v63  }
0x73: {  	_ =	swait.ge [sflag:s31], $0x4000  }
0x74: {  	[sflag:s31] =	ssyncset.done $0x0  }
0x75: {  	s14 =	sor.u32 $0x14280, s12;
	[sflag:s31] =	ssyncadd.s32 $0xFFFFC000  }
0x76: {  	[tilespmem:s28], [sflag:$0x2] =	stream.indirect.gather [hbm4b:s6+s25], $0x80, s14, s25, $0xb8;
	[tilespmem:$0x1E000] =	vst v63  }
0x77: {  	_ =	swait.ge [sflag:s29], $0x4000  }
0x78: {  	[sflag:s29] =	ssyncset.done $0x0  }
0x79: {  	s15 =	sor.u32 $0x15280, s12;
	[sflag:s29] =	ssyncadd.s32 $0xFFFFC000  }
0x7a: {  	[spmem:s3] =	stream.indirect.scatter.add.f32 [tilespmem:s28], [sflag:$0x4], $0x80, s15, s25, $0xb8;
	[tilespmem:$0x1E000] =	vst v63  }
0x7b: {  	_ =	swait.ge [sflag:s30], $0x4000  }
0x7c: {  	[sflag:s30] =	ssyncset.done $0x0  }
0x7d: {  	s16 =	sor.u32 $0x14300, s12;
	[sflag:s30] =	ssyncadd.s32 $0xFFFFC000  }
0x7e: {  	[tilespmem:s21], [sflag:$0x1] =	stream.indirect.gather [hbm4b:s6+s25], $0x80, s16, s25, $0xb8;
	[tilespmem:$0x1E000] =	vst v63  }
0x7f: {  	_ =	swait.ge [sflag:s26], $0x4000  }
0x80: {  	[sflag:s26] =	ssyncset.done $0x0  }
0x81: {  	s14 =	sor.u32 $0x15300, s12;
	[sflag:s26] =	ssyncadd.s32 $0xFFFFC000  }
0x82: {  	[spmem:s3] =	stream.indirect.scatter.add.f32 [tilespmem:s21], [sflag:$0x3], $0x80, s14, s25, $0xb8;
	[tilespmem:$0x1E000] =	vst v63  }
0x83: {  	_ =	swait.ge [sflag:s31], $0x4000  }
0x84: {  	[sflag:s31] =	ssyncset.done $0x0  }
0x85: {  	s15 =	sor.u32 $0x14380, s12;
	[sflag:s31] =	ssyncadd.s32 $0xFFFFC000  }
0x86: {  	[tilespmem:s28], [sflag:$0x2] =	stream.indirect.gather [hbm4b:s6+s25], $0x80, s15, s25, $0xb8;
	[tilespmem:$0x1E000] =	vst v63  }
0x87: {  	_ =	swait.ge [sflag:s29], $0x4000  }
0x88: {  	[sflag:s29] =	ssyncset.done $0x0  }
0x89: {  	s16 =	sor.u32 $0x15380, s12;
	[sflag:s29] =	ssyncadd.s32 $0xFFFFC000  }
0x8a: {  	[spmem:s3] =	stream.indirect.scatter.add.f32 [tilespmem:s28], [sflag:$0x4], $0x80, s16, s25, $0xb8;
	[tilespmem:$0x1E000] =	vst v63  }
0x8b: {  	_ =	swait.ge [sflag:s30], $0x4000  }
0x8c: {  	[sflag:s30] =	ssyncset.done $0x0  }
0x8d: {  	s14 =	sor.u32 $0x14400, s12;
	[sflag:s30] =	ssyncadd.s32 $0xFFFFC000  }
0x8e: {  	[tilespmem:s21], [sflag:$0x1] =	stream.indirect.gather [hbm4b:s6+s25], $0x80, s14, s25, $0xb8;
	[tilespmem:$0x1E000] =	vst v63  }
0x8f: {  	_ =	swait.ge [sflag:s26], $0x4000  }
0x90: {  	[sflag:s26] =	ssyncset.done $0x0  }
0x91: {  	s15 =	sor.u32 $0x15400, s12;
	[sflag:s26] =	ssyncadd.s32 $0xFFFFC000  }
0x92: {  	[spmem:s3] =	stream.indirect.scatter.add.f32 [tilespmem:s21], [sflag:$0x3], $0x80, s15, s25, $0xb8;
	[tilespmem:$0x1E000] =	vst v63  }
0x93: {  	_ =	swait.ge [sflag:s31], $0x4000  }
0x94: {  	[sflag:s31] =	ssyncset.done $0x0  }
0x95: {  	s16 =	sor.u32 $0x14480, s12;
	[sflag:s31] =	ssyncadd.s32 $0xFFFFC000  }
0x96: {  	[tilespmem:s28], [sflag:$0x2] =	stream.indirect.gather [hbm4b:s6+s25], $0x80, s16, s25, $0xb8;
	[tilespmem:$0x1E000] =	vst v63  }
0x97: {  	_ =	swait.ge [sflag:s29], $0x4000  }
0x98: {  	[sflag:s29] =	ssyncset.done $0x0  }
0x99: {  	s14 =	sor.u32 $0x15480, s12;
	[sflag:s29] =	ssyncadd.s32 $0xFFFFC000  }
0x9a: {  	[spmem:s3] =	stream.indirect.scatter.add.f32 [tilespmem:s28], [sflag:$0x4], $0x80, s14, s25, $0xb8;
	[tilespmem:$0x1E000] =	vst v63  }
0x9b: {  	_ =	swait.ge [sflag:s30], $0x4000  }
0x9c: {  	[sflag:s30] =	ssyncset.done $0x0  }
0x9d: {  	s15 =	sor.u32 $0x14500, s12;
	[sflag:s30] =	ssyncadd.s32 $0xFFFFC000  }
0x9e: {  	[tilespmem:s21], [sflag:$0x1] =	stream.indirect.gather [hbm4b:s6+s25], $0x80, s15, s25, $0xb8;
	[tilespmem:$0x1E000] =	vst v63  }
0x9f: {  	_ =	swait.ge [sflag:s26], $0x4000  }
0xa0: {  	[sflag:s26] =	ssyncset.done $0x0  }
0xa1: {  	s16 =	sor.u32 $0x15500, s12;
	[sflag:s26] =	ssyncadd.s32 $0xFFFFC000  }
0xa2: {  	[spmem:s3] =	stream.indirect.scatter.add.f32 [tilespmem:s21], [sflag:$0x3], $0x80, s16, s25, $0xb8;
	[tilespmem:$0x1E000] =	vst v63  }
0xa3: {  	_ =	swait.ge [sflag:s31], $0x4000  }
0xa4: {  	[sflag:s31] =	ssyncset.done $0x0  }
0xa5: {  	s14 =	sor.u32 $0x14580, s12;
	[sflag:s31] =	ssyncadd.s32 $0xFFFFC000  }
0xa6: {  	[tilespmem:s28], [sflag:$0x2] =	stream.indirect.gather [hbm4b:s6+s25], $0x80, s14, s25, $0xb8;
	[tilespmem:$0x1E000] =	vst v63  }
0xa7: {  	_ =	swait.ge [sflag:s29], $0x4000  }
0xa8: {  	[sflag:s29] =	ssyncset.done $0x0  }
0xa9: {  	s15 =	sor.u32 $0x15580, s12;
	[sflag:s29] =	ssyncadd.s32 $0xFFFFC000  }
0xaa: {  	[spmem:s3] =	stream.indirect.scatter.add.f32 [tilespmem:s28], [sflag:$0x4], $0x80, s15, s25, $0xb8;
	[tilespmem:$0x1E000] =	vst v63  }
0xab: {  	_ =	swait.ge [sflag:s30], $0x4000  }
0xac: {  	[sflag:s30] =	ssyncset.done $0x0  }
0xad: {  	s16 =	sor.u32 $0x14600, s12;
	[sflag:s30] =	ssyncadd.s32 $0xFFFFC000  }
0xae: {  	[tilespmem:s21], [sflag:$0x1] =	stream.indirect.gather [hbm4b:s6+s25], $0x80, s16, s25, $0xb8;
	[tilespmem:$0x1E000] =	vst v63  }
0xaf: {  	_ =	swait.ge [sflag:s26], $0x4000  }
0xb0: {  	[sflag:s26] =	ssyncset.done $0x0  }
0xb1: {  	s14 =	sor.u32 $0x15600, s12;
	[sflag:s26] =	ssyncadd.s32 $0xFFFFC000  }
0xb2: {  	[spmem:s3] =	stream.indirect.scatter.add.f32 [tilespmem:s21], [sflag:$0x3], $0x80, s14, s25, $0xb8;
	[tilespmem:$0x1E000] =	vst v63  }
0xb3: {  	_ =	swait.ge [sflag:s31], $0x4000  }
0xb4: {  	[sflag:s31] =	ssyncset.done $0x0  }
0xb5: {  	s15 =	sor.u32 $0x14680, s12;
	[sflag:s31] =	ssyncadd.s32 $0xFFFFC000  }
0xb6: {  	[tilespmem:s28], [sflag:$0x2] =	stream.indirect.gather [hbm4b:s6+s25], $0x80, s15, s25, $0xb8;
	[tilespmem:$0x1E000] =	vst v63  }
0xb7: {  	_ =	swait.ge [sflag:s29], $0x4000  }
0xb8: {  	[sflag:s29] =	ssyncset.done $0x0  }
0xb9: {  	s16 =	sor.u32 $0x15680, s12;
	[sflag:s29] =	ssyncadd.s32 $0xFFFFC000  }
0xba: {  	[spmem:s3] =	stream.indirect.scatter.add.f32 [tilespmem:s28], [sflag:$0x4], $0x80, s16, s25, $0xb8;
	[tilespmem:$0x1E000] =	vst v63  }
0xbb: {  	_ =	swait.ge [sflag:s30], $0x4000  }
0xbc: {  	[sflag:s30] =	ssyncset.done $0x0  }
0xbd: {  	s14 =	sor.u32 $0x14700, s12;
	[sflag:s30] =	ssyncadd.s32 $0xFFFFC000  }
0xbe: {  	[tilespmem:s21], [sflag:$0x1] =	stream.indirect.gather [hbm4b:s6+s25], $0x80, s14, s25, $0xb8;
	[tilespmem:$0x1E000] =	vst v63  }
0xbf: {  	_ =	swait.ge [sflag:s26], $0x4000  }
0xc0: {  	[sflag:s26] =	ssyncset.done $0x0  }
0xc1: {  	s15 =	sor.u32 $0x15700, s12;
	[sflag:s26] =	ssyncadd.s32 $0xFFFFC000  }
0xc2: {  	[spmem:s3] =	stream.indirect.scatter.add.f32 [tilespmem:s21], [sflag:$0x3], $0x80, s15, s25, $0xb8;
	[tilespmem:$0x1E000] =	vst v63  }
0xc3: {  	_ =	swait.ge [sflag:s31], $0x4000  }
0xc4: {  	[sflag:s31] =	ssyncset.done $0x0  }
0xc5: {  	s16 =	sor.u32 $0x14780, s12;
	[sflag:s31] =	ssyncadd.s32 $0xFFFFC000  }
0xc6: {  	[tilespmem:s28], [sflag:$0x2] =	stream.indirect.gather [hbm4b:s6+s25], $0x80, s16, s25, $0xb8;
	[tilespmem:$0x1E000] =	vst v63  }
0xc7: {  	_ =	swait.ge [sflag:s29], $0x4000  }
0xc8: {  	[sflag:s29] =	ssyncset.done $0x0  }
0xc9: {  	s12 =	sor.u32 $0x15780, s12;
	[sflag:s29] =	ssyncadd.s32 $0xFFFFC000  }
0xca: {  	[spmem:s3] =	stream.indirect.scatter.add.f32 [tilespmem:s28], [sflag:$0x4], $0x80, s12, s25, $0xb8;
	[tilespmem:$0x1E000] =	vst v63  }
0xcb: {  	_ =	swait.ge [sflag:s30], $0x4000  }
0xcc: {  	[sflag:s30] =	ssyncset.done $0x0  }
0xcd: {  	[sflag:s30] =	ssyncadd.s32 $0xFFFFC000  }
0xce: {  	_ =	swait.ge [sflag:s31], $0x4000  }
0xcf: {  	[sflag:s31] =	ssyncset.done $0x0  }
0xd0: {  	s0 =	sadd.s32 $0x1, s0;
	s12 =	simm.s32 @!p0 $0x5;
	[sflag:s31] =	ssyncadd.s32 $0xFFFFC000  }
0xd1: {  	p1 =	sne.s32 @!p0 s0, $0x5;
	_ =	swait.ge @!p0 [sflag:s12], $0x800  }
0xd2: {  	p1 =	por p0, !p1;
	[sflag:s12] =	ssyncset.done @!p0 $0x0  }
.Ltmp1:
0xd3: {  	[sflag:s12] =	ssyncadd.s32 @!p0 $0xFFFFF800;
	(pc) =	sbr.rel @!p1 .LBB2_4-.Ltmp1, $4  }
0xd4: {  	_ =	swait.ge @!p0 [sflag:s12], $0x800  }
0xd5: {  	s20 =	sadd.s32 @!p0 $0x800, s20;
	[sflag:s12] =	ssyncset.done @!p0 $0x0  }
0xd6: {  	s13 =	simm.s32 @!p0 $0x16000;
	[sflag:s12] =	ssyncadd.s32 @!p0 $0xFFFFF800;
	s12 =	simm.s32 @!p0 $0x80  }
0xd7: {  	[tilespmem:s13], [sflag:$0x1] =	stream.indirect.gather @!p0 [hbm4b:s6+s12], $0x80, s24, s12, $0xb8;
	[tilespmem:$0x1E000] =	vst v63  }
0xd8: {  	s0 =	stileid.u32  }
0xd9: {  	[bflag:$0x0] =	sbarrier.arrive $0xFFFF;
	s0 =	sshll.u32 s0, $0x6  }
0xda: {  	s12 =	sshrl.u32 s7, $0x3;
	s13 =	rddreg [dreg:$0x7];
	s0 =	sor.u32 $0x1C06, s0  }
0xdb: {  	[hbm:s13], [sflag:s0] =	dma.local [spmem:s12], $0x800  }
0xdc: {  	_ =	swait.ge [sflag:s22], $0x800  }
0xdd: {  	[sflag:s22] =	ssyncset.done $0x0  }
0xde: {  	s13 =	sshrl.u32 s8, $0x3;
	s14 =	rddreg [dreg:$0x8];
	[sflag:s22] =	ssyncadd.s32 $0xFFFFF800  }
0xdf: {  	[hbm:s14], [sflag:s0] =	dma.local [spmem:s13], $0x800  }
0xe0: {  	_ =	swait.ge [sflag:s22], $0x800  }
0xe1: {  	[sflag:s22] =	ssyncset.done $0x0  }
0xe2: {  	s15 =	sshrl.u32 s9, $0x3;
	s16 =	rddreg [dreg:$0x9];
	[sflag:s22] =	ssyncadd.s32 $0xFFFFF800  }
0xe3: {  	[hbm:s16], [sflag:s0] =	dma.local [spmem:s15], $0x800  }
0xe4: {  	_ =	swait.ge [sflag:s22], $0x800  }
0xe5: {  	[sflag:s22] =	ssyncset.done $0x0  }
0xe6: {  	s20 =	sshrl.u32 s10, $0x3;
	[sflag:s22] =	ssyncadd.s32 $0xFFFFF800  }
0xe7: {  	[hbm:s17], [sflag:s0] =	dma.local [spmem:s20], $0x800  }
0xe8: {  	s5 =	sadd.s32 $0x1, s5;
	_ =	swait.ge [sflag:s22], $0x800  }
0xe9: {  	p0 =	sne.s32 s5, s19;
	[sflag:s22] =	ssyncset.done $0x0  }
.Ltmp2:
0xea: {  	s24 =	sshrl.u32 s11, $0x3;
	[sflag:s22] =	ssyncadd.s32 $0xFFFFF800;
	(pc) =	sbr.rel @p0 .LBB2_1-.Ltmp2, $4  }
0xeb: {  	[hbm:s18], [sflag:s0] =	dma.local [spmem:s24], $0x800  }
0xec: {  	_ =	swait.ge [sflag:s22], $0x800  }
0xed: {  	[sflag:s22] =	ssyncset.done $0x0  }
0xee: {  	[sflag:s22] =	ssyncadd.s32 $0xFFFFF800  }
0xef: {  	_ =	sfence.sel $0x180000  }
0xf0: {  	[bflag:$0x0] =	sbarrier.arrive $0xFFFF  }
0xf1: {  	_ =	strace $0x9000004A  }
0xf2: {  	s0 =	stileid.u32;
	[bflag:$0x2] =	sbarrier.arrive $0xFFFF  }
0xf3: {  	p0 =	sne.s32 s0, $0x0;
	s0 =	rddreg [dreg:$0x4]  }
0xf4: {  	s0 =	sadd.s32 @!p0 $0x100000, s0  }
0xf5: {  	[sflag:s0] =	ssyncadd.tile.s32 @!p0 $0x1;
	_ =	shalt  }
.Lfunc_end2:
_tile_overlayer_lowered:
.L_overlay_start_2:
0xf6: {  	(tag) =	ssettag $0x2  }
0xf7: {  	s0 =	rddreg [dreg:$0x0];
	s2 =	stileid.u32  }
0xf8: {  	s1 =	rddreg [dreg:$0x1];
	p0 =	sne.s32 s2, $0x0  }
0xf9: {  	s3 =	rddreg [dreg:$0x2];
	[bflag:$0x3] =	sbarrier.arrive $0xFFFF;
	s2 =	simm.s32 @!p0 $0x1C06  }
0xfa: {  	[timem:s3], [sflag:s2] =	dma.local @!p0 [hbm:s0], s1  }
0xfb: {  	s0 =	simm.s32 @!p0 $0x6  }
0xfc: {  	_ =	swait.ge @!p0 [sflag:s0], s1  }
0xfd: {  	s1 =	ssub.s32 @!p0 $0x0, s1;
	[sflag:s0] =	ssyncset.done @!p0 $0x0  }
0xfe: {  	[sflag:s0] =	ssyncadd.s32 @!p0 s1  }
0xff: {  	[bflag:$0x3] =	sbarrier.arrive $0xFFFF  }
0x100: {  	_ =	shalt  }

// kernel: kernel.16.cloned.1.call-start
scs
__scs_entry_jumppad:
0x0: {  	(pc) =	sbr.rel $0x88, $3  }
0x1: {  	(tag) =	ssettag $0x0;
	lr =	simm.s32 $0x1  }
0x2: {  	[smem:$0x3F97] =	sst lr;
	_ =	strace $0xD0000000  }
0x3: {  	_ = 	snop  }
0x4: {  	_ = 	snop  }
0x5: {  	_ = 	snop  }
0x6: {  	_ = 	snop  }
0x7: {  	_ = 	snop  }
__scs_overlays_trampoline_lowered:
0x8: {  	[smem:$0x3FA6] =	sst s0  }
0x9: {  	[smem:$0x3FA7] =	sst s1  }
0xa: {  	[smem:$0x3FA8] =	sst s2  }
0xb: {  	[smem:$0x3FA9] =	sst s3  }
0xc: {  	[smem:$0x3FAA] =	sst s4  }
0xd: {  	[smem:$0x3FAB] =	sst s5  }
0xe: {  	[smem:$0x3FAC] =	sst s6  }
0xf: {  	[smem:$0x3FAD] =	sst s7  }
0x10: {  	[smem:$0x3FAE] =	sst s8  }
0x11: {  	[smem:$0x3FAF] =	sst s9;
	s0 =	simm.s32 @!p0 $0x0  }
0x12: {  	s1 =	sld [smem:$0x3F95];
	s0 =	simm.s32 @p0 $0x1  }
0x13: {  	[smem:$0x3FB0] =	sst s0;
	s0 =	simm.s32 @!p1 $0x0  }
0x14: {  	s2 =	sld [smem:$0x3F94];
	s0 =	simm.s32 @p1 $0x1  }
0x15: {  	[smem:$0x3FB1] =	sst s0;
	s0 =	simm.s32 @!p2 $0x0  }
0x16: {  	s3 =	sld [smem:$0x3FDB];
	s0 =	simm.s32 @p2 $0x1  }
0x17: {  	s4 =	simm.s32 $0x1BF5;
	[smem:$0x3FB3] =	sst s0  }
0x18: {  	s0 =	sld [smem:$0x3F96];
	_ =	swait.ge [sflag:s4], $0x0  }
0x19: {  	s7 =	sld [smem:$0x3F97]  }
0x1a: {  	s8 =	sadd.s32 $0xFFFFE003, lr  }
0x1b: {  	s9 =	sadd.s32 $0xFFFFFEF7, lr;
	s5 =	simm.s32 $0xFFFFFFFF;
	p2 =	slt.u32 s8, $0xFFFFF086  }
0x1c: {  	p1 =	slt.u32 s9, $0xF7A;
	s5 =	simm.s32 @!p2 $0x0  }
0x1d: {  	s5 =	simm.s32 @p1 $0x1;
	p0 =	seq.s32 s7, s2  }
0x1e: {  	s7 =	smul.u32 @!p0 $0xF7A, s2;
	p2 =	seq.s32 @!p0 s5, $0x0  }
0x1f: {  	s9 =	smul.u32 $0xF7A, s1;
	s8 =	simm.s32 @!p0 $0x1BF5;
	p2 =	por !p2, p0  }
0x20: {  	[sflag:s8] =	ssyncset.s32 @!p0 $0xFFFFF086;
	s6 =	sadd.s32 @!p0 s3, s7;
	s7 =	simm.s32 @!p0 $0x108  }
0x21: {  	s3 =	sadd.s32 s3, s9;
	s6 =	sadd.s32 @!p0 $0x88, s6;
	s7 =	simm.s32 @p2 $0x1082  }
0x22: {  	[simem:s7], [sflag:s8] =	dma.local @!p0 [hbm:s6], $0xF7A  }
0x23: {  	s9 =	sor.u32 $0xD0000000, s2;
	s6 =	simm.s32 $0x108;
	_ =	swait.ge @!p0 [sflag:s8], $0x0  }
0x24: {  	s3 =	sadd.s32 $0x88, s3;
	s6 =	simm.s32 @!p1 $0x1082;
	[sflag:s4] =	ssyncset.s32 $0xFFFFF086  }
0x25: {  	[simem:s6], [sflag:s4] =	dma.local [hbm:s3], $0xF7A  }
0x26: {  	[smem:$0x3F97] =	sst s1;
	(tag) =	ssettag s2;
	_ =	strace s9  }
0x27: {  	s1 =	sld [smem:$0x3FA7]  }
0x28: {  	s2 =	sld [smem:$0x3FA8]  }
0x29: {  	s4 =	sld [smem:$0x3FAA]  }
0x2a: {  	p0 =	seq.s32 s5, $0x0;
	s5 =	sld [smem:$0x3FAB]  }
0x2b: {  	s6 =	sld [smem:$0x3FAC]  }
0x2c: {  	s7 =	sld [smem:$0x3FAD]  }
0x2d: {  	s3 =	simm.s32 $0x108;
	s8 =	sld [smem:$0x3FAE]  }
0x2e: {  	s3 =	simm.s32 @!p0 $0x1082;
	s9 =	sld [smem:$0x3FAF]  }
0x2f: {  	lr =	sadd.s32 s0, s3;
	s0 =	sld [smem:$0x3FA6]  }
0x30: {  	s3 =	sld [smem:$0x3FA9]  }
0x31: {  	[smem:$0x3FB2] =	sst s10  }
0x32: {  	s10 =	sld [smem:$0x3FB0];
	_ =	sdelay $0x3  }
0x33: {  	p0 =	seq.s32 s10, $0x1;
	s10 =	sld [smem:$0x3FB2];
	_ =	sdelay $0x3  }
0x34: {  	[smem:$0x3FB2] =	sst s10  }
0x35: {  	s10 =	sld [smem:$0x3FB1];
	_ =	sdelay $0x3  }
0x36: {  	p1 =	seq.s32 s10, $0x1;
	s10 =	sld [smem:$0x3FB2];
	_ =	sdelay $0x3  }
0x37: {  	[smem:$0x3FB2] =	sst s10  }
0x38: {  	s10 =	sld [smem:$0x3FB3]  }
0x39: {  	_ = 	snop;
	(pc) =	sbr.ind lr, $3  }
0x3a: {  	_ = 	snop  }
0x3b: {  	_ = 	snop  }
0x3c: {  	p2 =	seq.s32 s10, $0x1;
	s10 =	sld [smem:$0x3FB2]  }
0x3d: {  	_ =	shalt  }
0x3e: {  	_ =	shalt  }
0x3f: {  	_ =	shalt  }
0x40: {  	_ =	shalt  }
0x41: {  	_ =	shalt  }
0x42: {  	_ =	shalt  }
0x43: {  	_ =	shalt  }
0x44: {  	_ =	shalt  }
0x45: {  	_ =	shalt  }
0x46: {  	_ =	shalt  }
0x47: {  	_ =	shalt  }
0x48: {  	_ =	shalt  }
0x49: {  	_ =	shalt  }
0x4a: {  	_ =	shalt  }
0x4b: {  	_ =	shalt  }
0x4c: {  	_ =	shalt  }
0x4d: {  	_ =	shalt  }
0x4e: {  	_ =	shalt  }
0x4f: {  	_ =	shalt  }
0x50: {  	_ =	shalt  }
0x51: {  	_ =	shalt  }
0x52: {  	_ =	shalt  }
0x53: {  	_ =	shalt  }
0x54: {  	_ =	shalt  }
0x55: {  	_ =	shalt  }
0x56: {  	_ =	shalt  }
0x57: {  	_ =	shalt  }
0x58: {  	_ =	shalt  }
0x59: {  	_ =	shalt  }
0x5a: {  	_ =	shalt  }
0x5b: {  	_ =	shalt  }
0x5c: {  	_ =	shalt  }
0x5d: {  	_ =	shalt  }
0x5e: {  	_ =	shalt  }
0x5f: {  	_ =	shalt  }
0x60: {  	_ =	shalt  }
0x61: {  	_ =	shalt  }
0x62: {  	_ =	shalt  }
0x63: {  	_ =	shalt  }
0x64: {  	_ =	shalt  }
0x65: {  	_ =	shalt  }
0x66: {  	_ =	shalt  }
0x67: {  	_ =	shalt  }
0x68: {  	_ =	shalt  }
0x69: {  	_ =	shalt  }
0x6a: {  	_ =	shalt  }
0x6b: {  	_ =	shalt  }
0x6c: {  	_ =	shalt  }
0x6d: {  	_ =	shalt  }
0x6e: {  	_ =	shalt  }
0x6f: {  	_ =	shalt  }
0x70: {  	_ =	shalt  }
0x71: {  	_ =	shalt  }
0x72: {  	_ =	shalt  }
0x73: {  	_ =	shalt  }
0x74: {  	_ =	shalt  }
0x75: {  	_ =	shalt  }
0x76: {  	_ =	shalt  }
0x77: {  	_ =	shalt  }
0x78: {  	_ =	shalt  }
0x79: {  	_ =	shalt  }
0x7a: {  	_ =	shalt  }
0x7b: {  	_ =	shalt  }
0x7c: {  	_ =	shalt  }
0x7d: {  	_ =	shalt  }
0x7e: {  	_ =	shalt  }
0x7f: {  	_ =	shalt  }
0x80: {  	_ =	shalt  }
0x81: {  	_ =	shalt  }
0x82: {  	_ =	shalt  }
0x83: {  	_ =	shalt  }
0x84: {  	_ =	shalt  }
0x85: {  	_ =	shalt  }
0x86: {  	_ =	shalt  }
0x87: {  	_ =	shalt  }
.Lfunc_end0:
.L_simem_size_0:
called_computation.2_lowered:
.L_overlay_start_0:
0x88: {  	s2 =	sld [smem:$0x3FD9]  }
0x89: {  	s3 =	sld [smem:$0x3FFE];
	_ =	sdelay $0x1  }
0x8a: {  	s1 =	srdreg.scid  }
0x8b: {  	s0 =	sand.u32 $0x1, s1  }
0x8c: {  	s14 =	sshll.u32 s0, $0xA;
	s2 =	sadd.s32 s3, s2  }
0x8d: {  	s2 =	sadd.s32 s2, s14  }
0x8e: {  	[smem:$0x3FBE] =	sst s2  }
0x8f: {  	_ = 	snop  }
0x90: {  	s2 =	sld [smem:$0x3FD0];
	_ =	sdelay $0x2  }
0x91: {  	s15 =	simm.s32 $0xA;
	s4 =	simm.s32 $0x10  }
0x92: {  	[smem:s4], [sflag:s15] =	dma.local [hbm:s2], $0x1  }
0x93: {  	_ =	swait.eq [sflag:s15], $0x1  }
0x94: {  	[sflag:s15] =	ssyncset.done $0x0  }
0x95: {  	s16 =	sld [smem:$0x10];
	[sflag:s15] =	ssyncadd.s32 $0xFFFFFFFF  }
0x96: {  	s17 =	sld [smem:$0x11];
	(tm) =	ssettm $0x1  }
0x97: {  	s18 =	sld [smem:$0x3FFB];
	_ =	sdelay $0x3  }
0x98: {  	_ =	strace s18  }
0x99: {  	s4 =	sld [smem:$0x3FFC];
	_ =	sdelay $0x3  }
0x9a: {  	_ =	strace s4  }
0x9b: {  	s4 =	sld [smem:$0x3FFD];
	_ =	sdelay $0x3  }
0x9c: {  	_ =	strace s4  }
0x9d: {  	_ =	strace $0x8FFFFFFF  }
0x9e: {  	s19 =	sld [smem:$0x3FDB];
	_ =	sdelay $0x1  }
0x9f: {  	s5 =	simm.s32 $_scs_section_size  }
0xa0: {  	s6 =	simm.s32 $_size__tile_overlayer_lowered;
	s7 =	simm.s32 $_tile_overlayer_lowered  }
0xa1: {  	s22 =	simm.s32 $0x1BFF;
	s21 =	sshll.u32 s7, $0x1;
	s4 =	sadd.s32 s5, s19  }
0xa2: {  	s8 =	simm.s32 $0x0;
	s20 =	sshll.u32 s6, $0x1;
	s6 =	sadd.s32 s21, s4  }
0xa3: {  	[timem:s8], [sflag:s22] =	dma.local [hbm:s6], s20  }
0xa4: {  	_ =	swait.ge [sflag:s22], s20  }
0xa5: {  	s5 =	ssub.s32 $0x0, s20;
	[sflag:s22] =	ssyncset.done $0x0  }
0xa6: {  	[sflag:s22] =	ssyncadd.s32 s5;
	_ =	sdelay $0x1  }
0xa7: {  	s23 =	simm.s32 $0x1B8B  }
0xa8: {  	_ =	swait.ge [sflag:s23], $0x1  }
0xa9: {  	[sflag:s23] =	ssyncset.done $0x0  }
0xaa: {  	s25 =	simm.s32 $0x1B8E;
	s24 =	sld [smem:$0x3FFE];
	[sflag:s23] =	ssyncadd.s32 $0xFFFFFFFF  }
0xab: {  	s26 =	simm.s32 $execute0_lowered;
	[smem:$0x3FD2] =	sst s25  }
0xac: {  	s6 =	sshll.u32 s26, $0x1;
	_ =	strace $0x8000004C;
	[dreg:$0x1] =	wrdreg $0xFFFFFFFF  }
0xad: {  	s28 =	simm.s32 $_size_execute0_lowered;
	s4 =	sadd.s32 s4, s6;
	[dreg:$0x0] =	wrdreg $0x0  }
0xae: {  	s6 =	sshll.u32 s28, $0x1;
	[dreg:$0x2] =	wrdreg s4  }
0xaf: {  	[dreg:$0x3] =	wrdreg s6  }
0xb0: {  	[dreg:$0x4] =	wrdreg $0xC0  }
0xb1: {  	_ =	task [dreg:s8], $0x5FFFF  }
0xb2: {  	[dreg:$0x1] =	wrdreg $0xFFFFFFFF  }
0xb3: {  	[dreg:$0x0] =	wrdreg $0x60  }
0xb4: {  	[dreg:$0x2] =	wrdreg s24  }
0xb5: {  	[dreg:$0x3] =	wrdreg s16  }
0xb6: {  	[dreg:$0x4] =	wrdreg s17  }
0xb7: {  	[dreg:$0x5] =	wrdreg $0x0  }
0xb8: {  	[dreg:$0x6] =	wrdreg $0x9  }
0xb9: {  	_ =	task.clear_ibuf [dreg:s8], $0x7FFFF;
	_ =	strace $0x9000004C  }
0xba: {  	s29 =	simm.s32 $0x9;
	_ =	strace $0x8000004E  }
0xbb: {  	_ =	swait.ge [sflag:s29], $0x1  }
0xbc: {  	[sflag:s29] =	ssyncadd.s32 $0xFFFFFFFF  }
0xbd: {  	_ =	strace $0x9000004E  }
0xbe: {  	_ =	sfence  }
0xbf: {  	s30 =	sld [smem:$0x0];
	_ =	sdelay $0x2  }
0xc0: {  	s31 =	sshll.u32 s1, $0xD;
	s1 =	sshrl.u32 s1, $0x2  }
0xc1: {  	s3 =	sand.u32 $0x4000, s31;
	s1 =	sadd.s32 s1, s30  }
0xc2: {  	s0 =	sor.u32 s3, s0;
	s1 =	sshll.u32 s1, $0x11  }
0xc3: {  	s0 =	sor.u32 s1, s0  }
0xc4: {  	s0 =	sadd.s32 $0x8F2B, s0  }
0xc5: {  	[sflag:s0] =	ssyncadd.remote.s32 $0x1  }
0xc6: {  	_ =	sfence.sel $0xFFFF  }
0xc7: {  	[dreg:$0x0] =	wrdreg $0xFFFFFFFF;
	(pc) =	sbr.abs _section_cstart, $3  }
0xc8: {  	[dreg:$0x1] =	wrdreg $0xFFFFFFFF  }
0xc9: {  	_ =	task.clear_ibuf [dreg:s8], $0x2FFFF;
	_ =	strace $0x9FFFFFFF  }
0xca: {  	(tm) =	ssettm $0x7FFFFFFF  }
0xcb: {  	_ =	shalt  }
tec
execute0_lowered:
.L_overlay_start_1:
0x0: {  	(tag) =	ssettag $0x1  }
0x1: {  	s0 =	rddreg [dreg:$0x0]  }
0x2: {  	s1 =	rddreg [dreg:$0x1]  }
0x3: {  	s2 =	rddreg [dreg:$0x2]  }
0x4: {  	s3 =	rddreg [dreg:$0x3]  }
0x5: {  	s5 =	simm.s32 $0x0;
	s4 =	srdreg.scid;
	s21 =	stileid.u32  }
0x6: {  	s28 =	simm.s32 $0x1A000;
	s29 =	simm.s32 $0x2;
	s30 =	simm.s32 $0x3  }
0x7: {  	s31 =	simm.s32 $0x4;
	[smem:$0x7FF] =	sst s5;
	s8 =	smul.u32 $0x50000, s21  }
0x8: {  	s4 =	sand.u32 $0x1, s4;
	s6 =	sadd.s32 $0x53800, s0;
	s12 =	smul.u32 $0x14000, s21  }
0x9: {  	s0 =	sadd.s32 $0x7AA00, s0;
	_ =	strace $0x8000004D;
	s17 =	smul.u32 $0x140000, s4  }
0xa: {  	s7 =	ssub.s32 $0x2, s4;
	s10 =	sshll.u32 s4, $0x4;
	s4 =	smul.u32 $0x28000, s4  }
0xb: {  	s9 =	sshrl.u32 s7, $0x1;
	s11 =	sor.u32 s21, s10;
	s13 =	sshrl.u32 s8, $0x2  }
0xc: {  	s14 =	sadd.s32 $0x4000, s12;
	s15 =	sadd.s32 $0x8000, s12;
	s16 =	sadd.s32 $0xC000, s12  }
0xd: {  	s18 =	sadd.s32 $0x10000, s12;
	s21 =	smul.u32 $0x2800, s21;
	s19 =	ssub.s32 s7, s9  }
0xe: {  	s7 =	sadd.s32 s13, s3;
	s8 =	sadd.s32 s14, s3;
	s13 =	smul.u32 $0x500, s11  }
0xf: {  	s9 =	sadd.s32 s15, s3;
	s10 =	sadd.s32 s16, s3;
	s11 =	sadd.s32 s18, s3  }
0x10: {  	s12 =	sadd.s32 s12, s17;
	s14 =	sadd.s32 s17, s14;
	s22 =	sadd.s32 s17, s15  }
0x11: {  	s24 =	sadd.s32 s17, s16;
	s17 =	sadd.s32 s17, s18;
	s12 =	sshrl.u32 s12, $0x3  }
0x12: {  	s23 =	sshrl.u32 s22, $0x3;
	s25 =	sshrl.u32 s24, $0x3;
	s18 =	sshrl.u32 s17, $0x3  }
0x13: {  	s26 =	sadd.s32 s21, s4;
	s19 =	smax.u32 s19, $0x1;
	s21 =	simm.s32 $0x16000  }
0x14: {  	s22 =	simm.s32 $0x6;
	s20 =	sadd.s32 s1, s13;
	s13 =	sadd.s32 s2, s13  }
0x15: {  	s12 =	sadd.s32 s0, s12;
	s17 =	sadd.s32 s0, s25;
	[dreg:$0x5] =	wrdreg s20  }
0x16: {  	s18 =	sadd.s32 s0, s18;
	[dreg:$0x6] =	wrdreg s13;
	s20 =	sshrl.u32 s14, $0x3  }
0x17: {  	s4 =	sadd.s32 $0x800, s26;
	[dreg:$0x7] =	wrdreg s12;
	s12 =	sadd.s32 s0, s20  }
0x18: {  	s25 =	simm.s32 $0x80;
	[dreg:$0x8] =	wrdreg s12;
	s12 =	sadd.s32 s0, s23  }
0x19: {  	v0 =	vimm.f32 $0.0e+00;
	s26 =	simm.s32 $0x1;
	s23 =	simm.s32 $0x14000;
	[dreg:$0x9] =	wrdreg s12  }
.LBB2_1:
0x1a: {  	s0 =	simm.s32 $0x0;
	s12 =	simm.s32 $0x200  }
.LBB2_2:
0x1b: {  	p0 =	sne.s32 s12, $0xFE00;
	[tilespmem:s0+$0x16070] =	vst v0  }
0x1c: {  	[tilespmem:s0+$0x16000] =	vst v0  }
0x1d: {  	[tilespmem:s0+$0x16010] =	vst v0  }
.Ltmp0:
0x1e: {  	[tilespmem:s0+$0x16020] =	vst v0;
	(pc) =	sbr.rel @p0 .LBB2_2-.Ltmp0, $4  }
0x1f: {  	[tilespmem:s0+$0x16030] =	vst v0  }
0x20: {  	[tilespmem:s0+$0x16040] =	vst v0  }
0x21: {  	[tilespmem:s0+$0x16050] =	vst v0  }
0x22: {  	[tilespmem:s0+$0x16060] =	vst v0;
	s0 =	sshra.s32 s12, $0x2;
	s12 =	sadd.s32 $0x200, s12  }
0x23: {  	[tilespmem:s0+$0x16070] =	vst v0  }
0x24: {  	[tilespmem:s0+$0x16000] =	vst v0  }
0x25: {  	[tilespmem:s0+$0x16010] =	vst v0  }
0x26: {  	[tilespmem:s0+$0x16020] =	vst v0  }
0x27: {  	[tilespmem:s0+$0x16030] =	vst v0  }
0x28: {  	[tilespmem:s0+$0x16040] =	vst v0  }
0x29: {  	[tilespmem:s0+$0x16050] =	vst v0  }
0x2a: {  	[tilespmem:s0+$0x16060] =	vst v0  }
0x2b: {  	[spmem:s7] =	stream.linear.scatter [tilespmem:s21], [sflag:$0x6], $0x4000, $0x38;
	[tilespmem:$0x1E000] =	vst v63  }
0x2c: {  	_ =	swait.ge [sflag:s22], $0x4000  }
0x2d: {  	[sflag:s22] =	ssyncset.done $0x0  }
0x2e: {  	[sflag:s22] =	ssyncadd.s32 $0xFFFFC000  }
0x2f: {  	[spmem:s8] =	stream.linear.scatter [tilespmem:s21], [sflag:$0x6], $0x4000, $0x38;
	[tilespmem:$0x1E000] =	vst v63  }
0x30: {  	_ =	swait.ge [sflag:s22], $0x4000  }
0x31: {  	[sflag:s22] =	ssyncset.done $0x0  }
0x32: {  	[sflag:s22] =	ssyncadd.s32 $0xFFFFC000  }
0x33: {  	[spmem:s9] =	stream.linear.scatter [tilespmem:s21], [sflag:$0x6], $0x4000, $0x38;
	[tilespmem:$0x1E000] =	vst v63  }
0x34: {  	_ =	swait.ge [sflag:s22], $0x4000  }
0x35: {  	[sflag:s22] =	ssyncset.done $0x0  }
0x36: {  	[sflag:s22] =	ssyncadd.s32 $0xFFFFC000  }
0x37: {  	[spmem:s10] =	stream.linear.scatter [tilespmem:s21], [sflag:$0x6], $0x4000, $0x38;
	[tilespmem:$0x1E000] =	vst v63  }
0x38: {  	_ =	swait.ge [sflag:s22], $0x4000  }
0x39: {  	[sflag:s22] =	ssyncset.done $0x0  }
0x3a: {  	[sflag:s22] =	ssyncadd.s32 $0xFFFFC000  }
0x3b: {  	[spmem:s11] =	stream.linear.scatter [tilespmem:s21], [sflag:$0x6], $0x4000, $0x38;
	[tilespmem:$0x1E000] =	vst v63  }
0x3c: {  	_ =	swait.ge [sflag:s22], $0x4000  }
0x3d: {  	[sflag:s22] =	ssyncset.done $0x0  }
0x3e: {  	[sflag:s22] =	ssyncadd.s32 $0xFFFFC000  }
0x3f: {  	[bflag:$0x0] =	sbarrier.arrive $0xFFFF  }
0x40: {  	s0 =	simm.s32 $0x0;
	s12 =	rddreg [dreg:$0x5]  }
0x41: {  	[tilespmem:s23], [sflag:$0x6] =	stream.linear.gather [hbm4b:s12+s0], $0x800, $0x38;
	[tilespmem:$0x1E000] =	vst v63  }
0x42: {  	_ =	swait.ge [sflag:s22], $0x800  }
0x43: {  	[sflag:s22] =	ssyncset.done $0x0  }
0x44: {  	s13 =	simm.s32 $0x15000;
	s24 =	rddreg [dreg:$0x6];
	[sflag:s22] =	ssyncadd.s32 $0xFFFFF800  }
0x45: {  	[tilespmem:s13], [sflag:$0x6] =	stream.linear.gather [hbm4b:s24+s0], $0x800, $0x38;
	[tilespmem:$0x1E000] =	vst v63  }
0x46: {  	_ =	swait.ge [sflag:s22], $0x800  }
0x47: {  	[sflag:s22] =	ssyncset.done $0x0  }
0x48: {  	s20 =	smov.u32 s4;
	[sflag:s22] =	ssyncadd.s32 $0xFFFFF800  }
0x49: {  	[tilespmem:s21], [sflag:$0x1] =	stream.indirect.gather [hbm4b:s6+s25], $0x80, s23, s25, $0xb8;
	[tilespmem:$0x1E000] =	vst v63  }
.LBB2_4:
0x4a: {  	s12 =	sand.u32 $0x1, s0  }
0x4b: {  	p0 =	seq.s32 s0, $0x4;
	s24 =	sxor.u32 $0x1, s12  }
0x4c: {  	s14 =	sshrl.u32 @!p0 s20, $0x3;
	s13 =	sshll.u32 @!p0 s24, $0xB  }
0x4d: {  	s16 =	simm.s32 @!p0 $0x0;
	s15 =	sadd.s32 @!p0 s1, s14;
	s24 =	sor.u32 @!p0 $0x14000, s13  }
0x4e: {  	[tilespmem:s24], [sflag:$0x5] =	stream.linear.gather @!p0 [hbm4b:s15+s16], $0x800, $0x38;
	[tilespmem:$0x1E000] =	vst v63  }
0x4f: {  	s14 =	sadd.s32 @!p0 s2, s14;
	s13 =	sor.u32 @!p0 $0x15000, s13  }
0x50: {  	[tilespmem:s13], [sflag:$0x5] =	stream.linear.gather @!p0 [hbm4b:s14+s16], $0x800, $0x38;
	[tilespmem:$0x1E000] =	vst v63  }
0x51: {  	_ =	swait.ge [sflag:s26], $0x4000  }
0x52: {  	s12 =	sshll.u32 s12, $0xB;
	[sflag:s26] =	ssyncset.done $0x0  }
0x53: {  	s14 =	sor.u32 $0x15000, s12;
	[sflag:s26] =	ssyncadd.s32 $0xFFFFC000  }
0x54: {  	[spmem:s3] =	stream.indirect.scatter.add.f32 [tilespmem:s21], [sflag:$0x3], $0x80, s14, s25, $0xb8;
	[tilespmem:$0x1E000] =	vst v63  }
0x55: {  	s15 =	sor.u32 $0x14080, s12  }
0x56: {  	[tilespmem:s28], [sflag:$0x2] =	stream.indirect.gather [hbm4b:s6+s25], $0x80, s15, s25, $0xb8;
	[tilespmem:$0x1E000] =	vst v63  }
0x57: {  	_ =	swait.ge [sflag:s29], $0x4000  }
0x58: {  	[sflag:s29] =	ssyncset.done $0x0  }
0x59: {  	s16 =	sor.u32 $0x15080, s12;
	[sflag:s29] =	ssyncadd.s32 $0xFFFFC000  }
0x5a: {  	[spmem:s3] =	stream.indirect.scatter.add.f32 [tilespmem:s28], [sflag:$0x4], $0x80, s16, s25, $0xb8;
	[tilespmem:$0x1E000] =	vst v63  }
0x5b: {  	_ =	swait.ge [sflag:s30], $0x4000  }
0x5c: {  	[sflag:s30] =	ssyncset.done $0x0  }
0x5d: {  	s14 =	sor.u32 $0x14100, s12;
	[sflag:s30] =	ssyncadd.s32 $0xFFFFC000  }
0x5e: {  	[tilespmem:s21], [sflag:$0x1] =	stream.indirect.gather [hbm4b:s6+s25], $0x80, s14, s25, $0xb8;
	[tilespmem:$0x1E000] =	vst v63  }
0x5f: {  	_ =	swait.ge [sflag:s26], $0x4000  }
0x60: {  	[sflag:s26] =	ssyncset.done $0x0  }
0x61: {  	s15 =	sor.u32 $0x15100, s12;
	[sflag:s26] =	ssyncadd.s32 $0xFFFFC000  }
0x62: {  	[spmem:s3] =	stream.indirect.scatter.add.f32 [tilespmem:s21], [sflag:$0x3], $0x80, s15, s25, $0xb8;
	[tilespmem:$0x1E000] =	vst v63  }
0x63: {  	_ =	swait.ge [sflag:s31], $0x4000  }
0x64: {  	[sflag:s31] =	ssyncset.done $0x0  }
0x65: {  	s16 =	sor.u32 $0x14180, s12;
	[sflag:s31] =	ssyncadd.s32 $0xFFFFC000  }
0x66: {  	[tilespmem:s28], [sflag:$0x2] =	stream.indirect.gather [hbm4b:s6+s25], $0x80, s16, s25, $0xb8;
	[tilespmem:$0x1E000] =	vst v63  }
0x67: {  	_ =	swait.ge [sflag:s29], $0x4000  }
0x68: {  	[sflag:s29] =	ssyncset.done $0x0  }
0x69: {  	s14 =	sor.u32 $0x15180, s12;
	[sflag:s29] =	ssyncadd.s32 $0xFFFFC000  }
0x6a: {  	[spmem:s3] =	stream.indirect.scatter.add.f32 [tilespmem:s28], [sflag:$0x4], $0x80, s14, s25, $0xb8;
	[tilespmem:$0x1E000] =	vst v63  }
0x6b: {  	_ =	swait.ge [sflag:s30], $0x4000  }
0x6c: {  	[sflag:s30] =	ssyncset.done $0x0  }
0x6d: {  	s15 =	sor.u32 $0x14200, s12;
	[sflag:s30] =	ssyncadd.s32 $0xFFFFC000  }
0x6e: {  	[tilespmem:s21], [sflag:$0x1] =	stream.indirect.gather [hbm4b:s6+s25], $0x80, s15, s25, $0xb8;
	[tilespmem:$0x1E000] =	vst v63  }
0x6f: {  	_ =	swait.ge [sflag:s26], $0x4000  }
0x70: {  	[sflag:s26] =	ssyncset.done $0x0  }
0x71: {  	s16 =	sor.u32 $0x15200, s12;
	[sflag:s26] =	ssyncadd.s32 $0xFFFFC000  }
0x72: {  	[spmem:s3] =	stream.indirect.scatter.add.f32 [tilespmem:s21], [sflag:$0x3], $0x80, s16, s25, $0xb8;
	[tilespmem:$0x1E000] =	vst v63  }
0x73: {  	_ =	swait.ge [sflag:s31], $0x4000  }
0x74: {  	[sflag:s31] =	ssyncset.done $0x0  }
0x75: {  	s14 =	sor.u32 $0x14280, s12;
	[sflag:s31] =	ssyncadd.s32 $0xFFFFC000  }
0x76: {  	[tilespmem:s28], [sflag:$0x2] =	stream.indirect.gather [hbm4b:s6+s25], $0x80, s14, s25, $0xb8;
	[tilespmem:$0x1E000] =	vst v63  }
0x77: {  	_ =	swait.ge [sflag:s29], $0x4000  }
0x78: {  	[sflag:s29] =	ssyncset.done $0x0  }
0x79: {  	s15 =	sor.u32 $0x15280, s12;
	[sflag:s29] =	ssyncadd.s32 $0xFFFFC000  }
0x7a: {  	[spmem:s3] =	stream.indirect.scatter.add.f32 [tilespmem:s28], [sflag:$0x4], $0x80, s15, s25, $0xb8;
	[tilespmem:$0x1E000] =	vst v63  }
0x7b: {  	_ =	swait.ge [sflag:s30], $0x4000  }
0x7c: {  	[sflag:s30] =	ssyncset.done $0x0  }
0x7d: {  	s16 =	sor.u32 $0x14300, s12;
	[sflag:s30] =	ssyncadd.s32 $0xFFFFC000  }
0x7e: {  	[tilespmem:s21], [sflag:$0x1] =	stream.indirect.gather [hbm4b:s6+s25], $0x80, s16, s25, $0xb8;
	[tilespmem:$0x1E000] =	vst v63  }
0x7f: {  	_ =	swait.ge [sflag:s26], $0x4000  }
0x80: {  	[sflag:s26] =	ssyncset.done $0x0  }
0x81: {  	s14 =	sor.u32 $0x15300, s12;
	[sflag:s26] =	ssyncadd.s32 $0xFFFFC000  }
0x82: {  	[spmem:s3] =	stream.indirect.scatter.add.f32 [tilespmem:s21], [sflag:$0x3], $0x80, s14, s25, $0xb8;
	[tilespmem:$0x1E000] =	vst v63  }
0x83: {  	_ =	swait.ge [sflag:s31], $0x4000  }
0x84: {  	[sflag:s31] =	ssyncset.done $0x0  }
0x85: {  	s15 =	sor.u32 $0x14380, s12;
	[sflag:s31] =	ssyncadd.s32 $0xFFFFC000  }
0x86: {  	[tilespmem:s28], [sflag:$0x2] =	stream.indirect.gather [hbm4b:s6+s25], $0x80, s15, s25, $0xb8;
	[tilespmem:$0x1E000] =	vst v63  }
0x87: {  	_ =	swait.ge [sflag:s29], $0x4000  }
0x88: {  	[sflag:s29] =	ssyncset.done $0x0  }
0x89: {  	s16 =	sor.u32 $0x15380, s12;
	[sflag:s29] =	ssyncadd.s32 $0xFFFFC000  }
0x8a: {  	[spmem:s3] =	stream.indirect.scatter.add.f32 [tilespmem:s28], [sflag:$0x4], $0x80, s16, s25, $0xb8;
	[tilespmem:$0x1E000] =	vst v63  }
0x8b: {  	_ =	swait.ge [sflag:s30], $0x4000  }
0x8c: {  	[sflag:s30] =	ssyncset.done $0x0  }
0x8d: {  	s14 =	sor.u32 $0x14400, s12;
	[sflag:s30] =	ssyncadd.s32 $0xFFFFC000  }
0x8e: {  	[tilespmem:s21], [sflag:$0x1] =	stream.indirect.gather [hbm4b:s6+s25], $0x80, s14, s25, $0xb8;
	[tilespmem:$0x1E000] =	vst v63  }
0x8f: {  	_ =	swait.ge [sflag:s26], $0x4000  }
0x90: {  	[sflag:s26] =	ssyncset.done $0x0  }
0x91: {  	s15 =	sor.u32 $0x15400, s12;
	[sflag:s26] =	ssyncadd.s32 $0xFFFFC000  }
0x92: {  	[spmem:s3] =	stream.indirect.scatter.add.f32 [tilespmem:s21], [sflag:$0x3], $0x80, s15, s25, $0xb8;
	[tilespmem:$0x1E000] =	vst v63  }
0x93: {  	_ =	swait.ge [sflag:s31], $0x4000  }
0x94: {  	[sflag:s31] =	ssyncset.done $0x0  }
0x95: {  	s16 =	sor.u32 $0x14480, s12;
	[sflag:s31] =	ssyncadd.s32 $0xFFFFC000  }
0x96: {  	[tilespmem:s28], [sflag:$0x2] =	stream.indirect.gather [hbm4b:s6+s25], $0x80, s16, s25, $0xb8;
	[tilespmem:$0x1E000] =	vst v63  }
0x97: {  	_ =	swait.ge [sflag:s29], $0x4000  }
0x98: {  	[sflag:s29] =	ssyncset.done $0x0  }
0x99: {  	s14 =	sor.u32 $0x15480, s12;
	[sflag:s29] =	ssyncadd.s32 $0xFFFFC000  }
0x9a: {  	[spmem:s3] =	stream.indirect.scatter.add.f32 [tilespmem:s28], [sflag:$0x4], $0x80, s14, s25, $0xb8;
	[tilespmem:$0x1E000] =	vst v63  }
0x9b: {  	_ =	swait.ge [sflag:s30], $0x4000  }
0x9c: {  	[sflag:s30] =	ssyncset.done $0x0  }
0x9d: {  	s15 =	sor.u32 $0x14500, s12;
	[sflag:s30] =	ssyncadd.s32 $0xFFFFC000  }
0x9e: {  	[tilespmem:s21], [sflag:$0x1] =	stream.indirect.gather [hbm4b:s6+s25], $0x80, s15, s25, $0xb8;
	[tilespmem:$0x1E000] =	vst v63  }
0x9f: {  	_ =	swait.ge [sflag:s26], $0x4000  }
0xa0: {  	[sflag:s26] =	ssyncset.done $0x0  }
0xa1: {  	s16 =	sor.u32 $0x15500, s12;
	[sflag:s26] =	ssyncadd.s32 $0xFFFFC000  }
0xa2: {  	[spmem:s3] =	stream.indirect.scatter.add.f32 [tilespmem:s21], [sflag:$0x3], $0x80, s16, s25, $0xb8;
	[tilespmem:$0x1E000] =	vst v63  }
0xa3: {  	_ =	swait.ge [sflag:s31], $0x4000  }
0xa4: {  	[sflag:s31] =	ssyncset.done $0x0  }
0xa5: {  	s14 =	sor.u32 $0x14580, s12;
	[sflag:s31] =	ssyncadd.s32 $0xFFFFC000  }
0xa6: {  	[tilespmem:s28], [sflag:$0x2] =	stream.indirect.gather [hbm4b:s6+s25], $0x80, s14, s25, $0xb8;
	[tilespmem:$0x1E000] =	vst v63  }
0xa7: {  	_ =	swait.ge [sflag:s29], $0x4000  }
0xa8: {  	[sflag:s29] =	ssyncset.done $0x0  }
0xa9: {  	s15 =	sor.u32 $0x15580, s12;
	[sflag:s29] =	ssyncadd.s32 $0xFFFFC000  }
0xaa: {  	[spmem:s3] =	stream.indirect.scatter.add.f32 [tilespmem:s28], [sflag:$0x4], $0x80, s15, s25, $0xb8;
	[tilespmem:$0x1E000] =	vst v63  }
0xab: {  	_ =	swait.ge [sflag:s30], $0x4000  }
0xac: {  	[sflag:s30] =	ssyncset.done $0x0  }
0xad: {  	s16 =	sor.u32 $0x14600, s12;
	[sflag:s30] =	ssyncadd.s32 $0xFFFFC000  }
0xae: {  	[tilespmem:s21], [sflag:$0x1] =	stream.indirect.gather [hbm4b:s6+s25], $0x80, s16, s25, $0xb8;
	[tilespmem:$0x1E000] =	vst v63  }
0xaf: {  	_ =	swait.ge [sflag:s26], $0x4000  }
0xb0: {  	[sflag:s26] =	ssyncset.done $0x0  }
0xb1: {  	s14 =	sor.u32 $0x15600, s12;
	[sflag:s26] =	ssyncadd.s32 $0xFFFFC000  }
0xb2: {  	[spmem:s3] =	stream.indirect.scatter.add.f32 [tilespmem:s21], [sflag:$0x3], $0x80, s14, s25, $0xb8;
	[tilespmem:$0x1E000] =	vst v63  }
0xb3: {  	_ =	swait.ge [sflag:s31], $0x4000  }
0xb4: {  	[sflag:s31] =	ssyncset.done $0x0  }
0xb5: {  	s15 =	sor.u32 $0x14680, s12;
	[sflag:s31] =	ssyncadd.s32 $0xFFFFC000  }
0xb6: {  	[tilespmem:s28], [sflag:$0x2] =	stream.indirect.gather [hbm4b:s6+s25], $0x80, s15, s25, $0xb8;
	[tilespmem:$0x1E000] =	vst v63  }
0xb7: {  	_ =	swait.ge [sflag:s29], $0x4000  }
0xb8: {  	[sflag:s29] =	ssyncset.done $0x0  }
0xb9: {  	s16 =	sor.u32 $0x15680, s12;
	[sflag:s29] =	ssyncadd.s32 $0xFFFFC000  }
0xba: {  	[spmem:s3] =	stream.indirect.scatter.add.f32 [tilespmem:s28], [sflag:$0x4], $0x80, s16, s25, $0xb8;
	[tilespmem:$0x1E000] =	vst v63  }
0xbb: {  	_ =	swait.ge [sflag:s30], $0x4000  }
0xbc: {  	[sflag:s30] =	ssyncset.done $0x0  }
0xbd: {  	s14 =	sor.u32 $0x14700, s12;
	[sflag:s30] =	ssyncadd.s32 $0xFFFFC000  }
0xbe: {  	[tilespmem:s21], [sflag:$0x1] =	stream.indirect.gather [hbm4b:s6+s25], $0x80, s14, s25, $0xb8;
	[tilespmem:$0x1E000] =	vst v63  }
0xbf: {  	_ =	swait.ge [sflag:s26], $0x4000  }
0xc0: {  	[sflag:s26] =	ssyncset.done $0x0  }
0xc1: {  	s15 =	sor.u32 $0x15700, s12;
	[sflag:s26] =	ssyncadd.s32 $0xFFFFC000  }
0xc2: {  	[spmem:s3] =	stream.indirect.scatter.add.f32 [tilespmem:s21], [sflag:$0x3], $0x80, s15, s25, $0xb8;
	[tilespmem:$0x1E000] =	vst v63  }
0xc3: {  	_ =	swait.ge [sflag:s31], $0x4000  }
0xc4: {  	[sflag:s31] =	ssyncset.done $0x0  }
0xc5: {  	s16 =	sor.u32 $0x14780, s12;
	[sflag:s31] =	ssyncadd.s32 $0xFFFFC000  }
0xc6: {  	[tilespmem:s28], [sflag:$0x2] =	stream.indirect.gather [hbm4b:s6+s25], $0x80, s16, s25, $0xb8;
	[tilespmem:$0x1E000] =	vst v63  }
0xc7: {  	_ =	swait.ge [sflag:s29], $0x4000  }
0xc8: {  	[sflag:s29] =	ssyncset.done $0x0  }
0xc9: {  	s12 =	sor.u32 $0x15780, s12;
	[sflag:s29] =	ssyncadd.s32 $0xFFFFC000  }
0xca: {  	[spmem:s3] =	stream.indirect.scatter.add.f32 [tilespmem:s28], [sflag:$0x4], $0x80, s12, s25, $0xb8;
	[tilespmem:$0x1E000] =	vst v63  }
0xcb: {  	_ =	swait.ge [sflag:s30], $0x4000  }
0xcc: {  	[sflag:s30] =	ssyncset.done $0x0  }
0xcd: {  	[sflag:s30] =	ssyncadd.s32 $0xFFFFC000  }
0xce: {  	_ =	swait.ge [sflag:s31], $0x4000  }
0xcf: {  	[sflag:s31] =	ssyncset.done $0x0  }
0xd0: {  	s0 =	sadd.s32 $0x1, s0;
	s12 =	simm.s32 @!p0 $0x5;
	[sflag:s31] =	ssyncadd.s32 $0xFFFFC000  }
0xd1: {  	p1 =	sne.s32 @!p0 s0, $0x5;
	_ =	swait.ge @!p0 [sflag:s12], $0x800  }
0xd2: {  	p1 =	por p0, !p1;
	[sflag:s12] =	ssyncset.done @!p0 $0x0  }
.Ltmp1:
0xd3: {  	[sflag:s12] =	ssyncadd.s32 @!p0 $0xFFFFF800;
	(pc) =	sbr.rel @!p1 .LBB2_4-.Ltmp1, $4  }
0xd4: {  	_ =	swait.ge @!p0 [sflag:s12], $0x800  }
0xd5: {  	s20 =	sadd.s32 @!p0 $0x800, s20;
	[sflag:s12] =	ssyncset.done @!p0 $0x0  }
0xd6: {  	s13 =	simm.s32 @!p0 $0x16000;
	[sflag:s12] =	ssyncadd.s32 @!p0 $0xFFFFF800;
	s12 =	simm.s32 @!p0 $0x80  }
0xd7: {  	[tilespmem:s13], [sflag:$0x1] =	stream.indirect.gather @!p0 [hbm4b:s6+s12], $0x80, s24, s12, $0xb8;
	[tilespmem:$0x1E000] =	vst v63  }
0xd8: {  	s0 =	stileid.u32  }
0xd9: {  	[bflag:$0x0] =	sbarrier.arrive $0xFFFF;
	s0 =	sshll.u32 s0, $0x6  }
0xda: {  	s12 =	sshrl.u32 s7, $0x3;
	s13 =	rddreg [dreg:$0x7];
	s0 =	sor.u32 $0x1C06, s0  }
0xdb: {  	[hbm:s13], [sflag:s0] =	dma.local [spmem:s12], $0x800  }
0xdc: {  	_ =	swait.ge [sflag:s22], $0x800  }
0xdd: {  	[sflag:s22] =	ssyncset.done $0x0  }
0xde: {  	s13 =	sshrl.u32 s8, $0x3;
	s14 =	rddreg [dreg:$0x8];
	[sflag:s22] =	ssyncadd.s32 $0xFFFFF800  }
0xdf: {  	[hbm:s14], [sflag:s0] =	dma.local [spmem:s13], $0x800  }
0xe0: {  	_ =	swait.ge [sflag:s22], $0x800  }
0xe1: {  	[sflag:s22] =	ssyncset.done $0x0  }
0xe2: {  	s15 =	sshrl.u32 s9, $0x3;
	s16 =	rddreg [dreg:$0x9];
	[sflag:s22] =	ssyncadd.s32 $0xFFFFF800  }
0xe3: {  	[hbm:s16], [sflag:s0] =	dma.local [spmem:s15], $0x800  }
0xe4: {  	_ =	swait.ge [sflag:s22], $0x800  }
0xe5: {  	[sflag:s22] =	ssyncset.done $0x0  }
0xe6: {  	s20 =	sshrl.u32 s10, $0x3;
	[sflag:s22] =	ssyncadd.s32 $0xFFFFF800  }
0xe7: {  	[hbm:s17], [sflag:s0] =	dma.local [spmem:s20], $0x800  }
0xe8: {  	s5 =	sadd.s32 $0x1, s5;
	_ =	swait.ge [sflag:s22], $0x800  }
0xe9: {  	p0 =	sne.s32 s5, s19;
	[sflag:s22] =	ssyncset.done $0x0  }
.Ltmp2:
0xea: {  	s24 =	sshrl.u32 s11, $0x3;
	[sflag:s22] =	ssyncadd.s32 $0xFFFFF800;
	(pc) =	sbr.rel @p0 .LBB2_1-.Ltmp2, $4  }
0xeb: {  	[hbm:s18], [sflag:s0] =	dma.local [spmem:s24], $0x800  }
0xec: {  	_ =	swait.ge [sflag:s22], $0x800  }
0xed: {  	[sflag:s22] =	ssyncset.done $0x0  }
0xee: {  	[sflag:s22] =	ssyncadd.s32 $0xFFFFF800  }
0xef: {  	_ =	sfence.sel $0x180000  }
0xf0: {  	[bflag:$0x0] =	sbarrier.arrive $0xFFFF  }
0xf1: {  	_ =	strace $0x9000004D  }
0xf2: {  	s0 =	stileid.u32;
	[bflag:$0x2] =	sbarrier.arrive $0xFFFF  }
0xf3: {  	p0 =	sne.s32 s0, $0x0;
	s0 =	rddreg [dreg:$0x4]  }
0xf4: {  	s0 =	sadd.s32 @!p0 $0x100000, s0  }
0xf5: {  	[sflag:s0] =	ssyncadd.tile.s32 @!p0 $0x1;
	_ =	shalt  }
.Lfunc_end2:
_tile_overlayer_lowered:
.L_overlay_start_2:
0xf6: {  	(tag) =	ssettag $0x2  }
0xf7: {  	s0 =	rddreg [dreg:$0x0];
	s2 =	stileid.u32  }
0xf8: {  	s1 =	rddreg [dreg:$0x1];
	p0 =	sne.s32 s2, $0x0  }
0xf9: {  	s3 =	rddreg [dreg:$0x2];
	[bflag:$0x3] =	sbarrier.arrive $0xFFFF;
	s2 =	simm.s32 @!p0 $0x1C06  }
0xfa: {  	[timem:s3], [sflag:s2] =	dma.local @!p0 [hbm:s0], s1  }
0xfb: {  	s0 =	simm.s32 @!p0 $0x6  }
0xfc: {  	_ =	swait.ge @!p0 [sflag:s0], s1  }
0xfd: {  	s1 =	ssub.s32 @!p0 $0x0, s1;
	[sflag:s0] =	ssyncset.done @!p0 $0x0  }
0xfe: {  	[sflag:s0] =	ssyncadd.s32 @!p0 s1  }
0xff: {  	[bflag:$0x3] =	sbarrier.arrive $0xFFFF  }
0x100: {  	_ =	shalt  }

// kernel: kernel.19.cloned.1.call-start
scs
__scs_entry_jumppad:
0x0: {  	(pc) =	sbr.rel $0x88, $3  }
0x1: {  	(tag) =	ssettag $0x0;
	lr =	simm.s32 $0x1  }
0x2: {  	[smem:$0x3F97] =	sst lr;
	_ =	strace $0xD0000000  }
0x3: {  	_ = 	snop  }
0x4: {  	_ = 	snop  }
0x5: {  	_ = 	snop  }
0x6: {  	_ = 	snop  }
0x7: {  	_ = 	snop  }
__scs_overlays_trampoline_lowered:
0x8: {  	[smem:$0x3FA6] =	sst s0  }
0x9: {  	[smem:$0x3FA7] =	sst s1  }
0xa: {  	[smem:$0x3FA8] =	sst s2  }
0xb: {  	[smem:$0x3FA9] =	sst s3  }
0xc: {  	[smem:$0x3FAA] =	sst s4  }
0xd: {  	[smem:$0x3FAB] =	sst s5  }
0xe: {  	[smem:$0x3FAC] =	sst s6  }
0xf: {  	[smem:$0x3FAD] =	sst s7  }
0x10: {  	[smem:$0x3FAE] =	sst s8  }
0x11: {  	[smem:$0x3FAF] =	sst s9;
	s0 =	simm.s32 @!p0 $0x0  }
0x12: {  	s1 =	sld [smem:$0x3F95];
	s0 =	simm.s32 @p0 $0x1  }
0x13: {  	[smem:$0x3FB0] =	sst s0;
	s0 =	simm.s32 @!p1 $0x0  }
0x14: {  	s2 =	sld [smem:$0x3F94];
	s0 =	simm.s32 @p1 $0x1  }
0x15: {  	[smem:$0x3FB1] =	sst s0;
	s0 =	simm.s32 @!p2 $0x0  }
0x16: {  	s3 =	sld [smem:$0x3FDB];
	s0 =	simm.s32 @p2 $0x1  }
0x17: {  	s4 =	simm.s32 $0x1BF5;
	[smem:$0x3FB3] =	sst s0  }
0x18: {  	s0 =	sld [smem:$0x3F96];
	_ =	swait.ge [sflag:s4], $0x0  }
0x19: {  	s7 =	sld [smem:$0x3F97]  }
0x1a: {  	s8 =	sadd.s32 $0xFFFFE003, lr  }
0x1b: {  	s9 =	sadd.s32 $0xFFFFFEF7, lr;
	s5 =	simm.s32 $0xFFFFFFFF;
	p2 =	slt.u32 s8, $0xFFFFF086  }
0x1c: {  	p1 =	slt.u32 s9, $0xF7A;
	s5 =	simm.s32 @!p2 $0x0  }
0x1d: {  	s5 =	simm.s32 @p1 $0x1;
	p0 =	seq.s32 s7, s2  }
0x1e: {  	s7 =	smul.u32 @!p0 $0xF7A, s2;
	p2 =	seq.s32 @!p0 s5, $0x0  }
0x1f: {  	s9 =	smul.u32 $0xF7A, s1;
	s8 =	simm.s32 @!p0 $0x1BF5;
	p2 =	por !p2, p0  }
0x20: {  	[sflag:s8] =	ssyncset.s32 @!p0 $0xFFFFF086;
	s6 =	sadd.s32 @!p0 s3, s7;
	s7 =	simm.s32 @!p0 $0x108  }
0x21: {  	s3 =	sadd.s32 s3, s9;
	s6 =	sadd.s32 @!p0 $0x88, s6;
	s7 =	simm.s32 @p2 $0x1082  }
0x22: {  	[simem:s7], [sflag:s8] =	dma.local @!p0 [hbm:s6], $0xF7A  }
0x23: {  	s9 =	sor.u32 $0xD0000000, s2;
	s6 =	simm.s32 $0x108;
	_ =	swait.ge @!p0 [sflag:s8], $0x0  }
0x24: {  	s3 =	sadd.s32 $0x88, s3;
	s6 =	simm.s32 @!p1 $0x1082;
	[sflag:s4] =	ssyncset.s32 $0xFFFFF086  }
0x25: {  	[simem:s6], [sflag:s4] =	dma.local [hbm:s3], $0xF7A  }
0x26: {  	[smem:$0x3F97] =	sst s1;
	(tag) =	ssettag s2;
	_ =	strace s9  }
0x27: {  	s1 =	sld [smem:$0x3FA7]  }
0x28: {  	s2 =	sld [smem:$0x3FA8]  }
0x29: {  	s4 =	sld [smem:$0x3FAA]  }
0x2a: {  	p0 =	seq.s32 s5, $0x0;
	s5 =	sld [smem:$0x3FAB]  }
0x2b: {  	s6 =	sld [smem:$0x3FAC]  }
0x2c: {  	s7 =	sld [smem:$0x3FAD]  }
0x2d: {  	s3 =	simm.s32 $0x108;
	s8 =	sld [smem:$0x3FAE]  }
0x2e: {  	s3 =	simm.s32 @!p0 $0x1082;
	s9 =	sld [smem:$0x3FAF]  }
0x2f: {  	lr =	sadd.s32 s0, s3;
	s0 =	sld [smem:$0x3FA6]  }
0x30: {  	s3 =	sld [smem:$0x3FA9]  }
0x31: {  	[smem:$0x3FB2] =	sst s10  }
0x32: {  	s10 =	sld [smem:$0x3FB0];
	_ =	sdelay $0x3  }
0x33: {  	p0 =	seq.s32 s10, $0x1;
	s10 =	sld [smem:$0x3FB2];
	_ =	sdelay $0x3  }
0x34: {  	[smem:$0x3FB2] =	sst s10  }
0x35: {  	s10 =	sld [smem:$0x3FB1];
	_ =	sdelay $0x3  }
0x36: {  	p1 =	seq.s32 s10, $0x1;
	s10 =	sld [smem:$0x3FB2];
	_ =	sdelay $0x3  }
0x37: {  	[smem:$0x3FB2] =	sst s10  }
0x38: {  	s10 =	sld [smem:$0x3FB3]  }
0x39: {  	_ = 	snop;
	(pc) =	sbr.ind lr, $3  }
0x3a: {  	_ = 	snop  }
0x3b: {  	_ = 	snop  }
0x3c: {  	p2 =	seq.s32 s10, $0x1;
	s10 =	sld [smem:$0x3FB2]  }
0x3d: {  	_ =	shalt  }
0x3e: {  	_ =	shalt  }
0x3f: {  	_ =	shalt  }
0x40: {  	_ =	shalt  }
0x41: {  	_ =	shalt  }
0x42: {  	_ =	shalt  }
0x43: {  	_ =	shalt  }
0x44: {  	_ =	shalt  }
0x45: {  	_ =	shalt  }
0x46: {  	_ =	shalt  }
0x47: {  	_ =	shalt  }
0x48: {  	_ =	shalt  }
0x49: {  	_ =	shalt  }
0x4a: {  	_ =	shalt  }
0x4b: {  	_ =	shalt  }
0x4c: {  	_ =	shalt  }
0x4d: {  	_ =	shalt  }
0x4e: {  	_ =	shalt  }
0x4f: {  	_ =	shalt  }
0x50: {  	_ =	shalt  }
0x51: {  	_ =	shalt  }
0x52: {  	_ =	shalt  }
0x53: {  	_ =	shalt  }
0x54: {  	_ =	shalt  }
0x55: {  	_ =	shalt  }
0x56: {  	_ =	shalt  }
0x57: {  	_ =	shalt  }
0x58: {  	_ =	shalt  }
0x59: {  	_ =	shalt  }
0x5a: {  	_ =	shalt  }
0x5b: {  	_ =	shalt  }
0x5c: {  	_ =	shalt  }
0x5d: {  	_ =	shalt  }
0x5e: {  	_ =	shalt  }
0x5f: {  	_ =	shalt  }
0x60: {  	_ =	shalt  }
0x61: {  	_ =	shalt  }
0x62: {  	_ =	shalt  }
0x63: {  	_ =	shalt  }
0x64: {  	_ =	shalt  }
0x65: {  	_ =	shalt  }
0x66: {  	_ =	shalt  }
0x67: {  	_ =	shalt  }
0x68: {  	_ =	shalt  }
0x69: {  	_ =	shalt  }
0x6a: {  	_ =	shalt  }
0x6b: {  	_ =	shalt  }
0x6c: {  	_ =	shalt  }
0x6d: {  	_ =	shalt  }
0x6e: {  	_ =	shalt  }
0x6f: {  	_ =	shalt  }
0x70: {  	_ =	shalt  }
0x71: {  	_ =	shalt  }
0x72: {  	_ =	shalt  }
0x73: {  	_ =	shalt  }
0x74: {  	_ =	shalt  }
0x75: {  	_ =	shalt  }
0x76: {  	_ =	shalt  }
0x77: {  	_ =	shalt  }
0x78: {  	_ =	shalt  }
0x79: {  	_ =	shalt  }
0x7a: {  	_ =	shalt  }
0x7b: {  	_ =	shalt  }
0x7c: {  	_ =	shalt  }
0x7d: {  	_ =	shalt  }
0x7e: {  	_ =	shalt  }
0x7f: {  	_ =	shalt  }
0x80: {  	_ =	shalt  }
0x81: {  	_ =	shalt  }
0x82: {  	_ =	shalt  }
0x83: {  	_ =	shalt  }
0x84: {  	_ =	shalt  }
0x85: {  	_ =	shalt  }
0x86: {  	_ =	shalt  }
0x87: {  	_ =	shalt  }
.Lfunc_end0:
.L_simem_size_0:
called_computation.3_lowered:
.L_overlay_start_0:
0x88: {  	s2 =	sld [smem:$0x3FD9]  }
0x89: {  	s3 =	sld [smem:$0x3FFE];
	_ =	sdelay $0x1  }
0x8a: {  	s1 =	srdreg.scid  }
0x8b: {  	s0 =	sand.u32 $0x1, s1  }
0x8c: {  	s14 =	sshll.u32 s0, $0xA;
	s2 =	sadd.s32 s3, s2  }
0x8d: {  	s2 =	sadd.s32 s2, s14  }
0x8e: {  	[smem:$0x3FBE] =	sst s2  }
0x8f: {  	_ = 	snop  }
0x90: {  	s2 =	sld [smem:$0x3FD0];
	_ =	sdelay $0x2  }
0x91: {  	s15 =	simm.s32 $0xA;
	s4 =	simm.s32 $0x10  }
0x92: {  	[smem:s4], [sflag:s15] =	dma.local [hbm:s2], $0x1  }
0x93: {  	_ =	swait.eq [sflag:s15], $0x1  }
0x94: {  	[sflag:s15] =	ssyncset.done $0x0  }
0x95: {  	s16 =	sld [smem:$0x10];
	[sflag:s15] =	ssyncadd.s32 $0xFFFFFFFF  }
0x96: {  	s17 =	sld [smem:$0x11];
	(tm) =	ssettm $0x1  }
0x97: {  	s18 =	sld [smem:$0x3FFB];
	_ =	sdelay $0x3  }
0x98: {  	_ =	strace s18  }
0x99: {  	s4 =	sld [smem:$0x3FFC];
	_ =	sdelay $0x3  }
0x9a: {  	_ =	strace s4  }
0x9b: {  	s4 =	sld [smem:$0x3FFD];
	_ =	sdelay $0x3  }
0x9c: {  	_ =	strace s4  }
0x9d: {  	_ =	strace $0x8FFFFFFF  }
0x9e: {  	s19 =	sld [smem:$0x3FDB];
	_ =	sdelay $0x1  }
0x9f: {  	s5 =	simm.s32 $_scs_section_size  }
0xa0: {  	s6 =	simm.s32 $_size__tile_overlayer_lowered;
	s7 =	simm.s32 $_tile_overlayer_lowered  }
0xa1: {  	s22 =	simm.s32 $0x1BFF;
	s21 =	sshll.u32 s7, $0x1;
	s4 =	sadd.s32 s5, s19  }
0xa2: {  	s8 =	simm.s32 $0x0;
	s20 =	sshll.u32 s6, $0x1;
	s6 =	sadd.s32 s21, s4  }
0xa3: {  	[timem:s8], [sflag:s22] =	dma.local [hbm:s6], s20  }
0xa4: {  	_ =	swait.ge [sflag:s22], s20  }
0xa5: {  	s5 =	ssub.s32 $0x0, s20;
	[sflag:s22] =	ssyncset.done $0x0  }
0xa6: {  	[sflag:s22] =	ssyncadd.s32 s5;
	_ =	sdelay $0x1  }
0xa7: {  	s23 =	simm.s32 $0x1B8B  }
0xa8: {  	_ =	swait.ge [sflag:s23], $0x1  }
0xa9: {  	[sflag:s23] =	ssyncset.done $0x0  }
0xaa: {  	s25 =	simm.s32 $0x1B8E;
	s24 =	sld [smem:$0x3FFE];
	[sflag:s23] =	ssyncadd.s32 $0xFFFFFFFF  }
0xab: {  	s26 =	simm.s32 $execute0_lowered;
	[smem:$0x3FD2] =	sst s25  }
0xac: {  	s6 =	sshll.u32 s26, $0x1;
	_ =	strace $0x8000004F;
	[dreg:$0x1] =	wrdreg $0xFFFFFFFF  }
0xad: {  	s28 =	simm.s32 $_size_execute0_lowered;
	s4 =	sadd.s32 s4, s6;
	[dreg:$0x0] =	wrdreg $0x0  }
0xae: {  	s6 =	sshll.u32 s28, $0x1;
	[dreg:$0x2] =	wrdreg s4  }
0xaf: {  	[dreg:$0x3] =	wrdreg s6  }
0xb0: {  	[dreg:$0x4] =	wrdreg $0xC0  }
0xb1: {  	_ =	task [dreg:s8], $0x5FFFF  }
0xb2: {  	[dreg:$0x1] =	wrdreg $0xFFFFFFFF  }
0xb3: {  	[dreg:$0x0] =	wrdreg $0x60  }
0xb4: {  	[dreg:$0x2] =	wrdreg s24  }
0xb5: {  	[dreg:$0x3] =	wrdreg s16  }
0xb6: {  	[dreg:$0x4] =	wrdreg s17  }
0xb7: {  	[dreg:$0x5] =	wrdreg $0x0  }
0xb8: {  	[dreg:$0x6] =	wrdreg $0x9  }
0xb9: {  	_ =	task.clear_ibuf [dreg:s8], $0x7FFFF;
	_ =	strace $0x9000004F  }
0xba: {  	s29 =	simm.s32 $0x9;
	_ =	strace $0x80000051  }
0xbb: {  	_ =	swait.ge [sflag:s29], $0x1  }
0xbc: {  	[sflag:s29] =	ssyncadd.s32 $0xFFFFFFFF  }
0xbd: {  	_ =	strace $0x90000051  }
0xbe: {  	_ =	sfence  }
0xbf: {  	s30 =	sld [smem:$0x0];
	_ =	sdelay $0x2  }
0xc0: {  	s31 =	sshll.u32 s1, $0xD;
	s1 =	sshrl.u32 s1, $0x2  }
0xc1: {  	s3 =	sand.u32 $0x4000, s31;
	s1 =	sadd.s32 s1, s30  }
0xc2: {  	s0 =	sor.u32 s3, s0;
	s1 =	sshll.u32 s1, $0x11  }
0xc3: {  	s0 =	sor.u32 s1, s0  }
0xc4: {  	s0 =	sadd.s32 $0x8F2B, s0  }
0xc5: {  	[sflag:s0] =	ssyncadd.remote.s32 $0x1  }
0xc6: {  	_ =	sfence.sel $0xFFFF  }
0xc7: {  	[dreg:$0x0] =	wrdreg $0xFFFFFFFF;
	(pc) =	sbr.abs _section_cstart, $3  }
0xc8: {  	[dreg:$0x1] =	wrdreg $0xFFFFFFFF  }
0xc9: {  	_ =	task.clear_ibuf [dreg:s8], $0x2FFFF;
	_ =	strace $0x9FFFFFFF  }
0xca: {  	(tm) =	ssettm $0x7FFFFFFF  }
0xcb: {  	_ =	shalt  }
tec
execute0_lowered:
.L_overlay_start_1:
0x0: {  	(tag) =	ssettag $0x1  }
0x1: {  	s0 =	rddreg [dreg:$0x0]  }
0x2: {  	s1 =	rddreg [dreg:$0x1]  }
0x3: {  	s2 =	rddreg [dreg:$0x2]  }
0x4: {  	s3 =	rddreg [dreg:$0x3]  }
0x5: {  	s5 =	simm.s32 $0x0;
	s4 =	srdreg.scid;
	s21 =	stileid.u32  }
0x6: {  	s28 =	simm.s32 $0x1A000;
	s29 =	simm.s32 $0x2;
	s30 =	simm.s32 $0x3  }
0x7: {  	s31 =	simm.s32 $0x4;
	[smem:$0x7FF] =	sst s5;
	s8 =	smul.u32 $0x50000, s21  }
0x8: {  	s4 =	sand.u32 $0x1, s4;
	s6 =	sadd.s32 $0x53800, s0;
	s12 =	smul.u32 $0x14000, s21  }
0x9: {  	s0 =	sadd.s32 $0x7AA00, s0;
	_ =	strace $0x80000050;
	s17 =	smul.u32 $0x140000, s4  }
0xa: {  	s7 =	ssub.s32 $0x2, s4;
	s10 =	sshll.u32 s4, $0x4;
	s4 =	smul.u32 $0x28000, s4  }
0xb: {  	s9 =	sshrl.u32 s7, $0x1;
	s11 =	sor.u32 s21, s10;
	s13 =	sshrl.u32 s8, $0x2  }
0xc: {  	s14 =	sadd.s32 $0x4000, s12;
	s15 =	sadd.s32 $0x8000, s12;
	s16 =	sadd.s32 $0xC000, s12  }
0xd: {  	s18 =	sadd.s32 $0x10000, s12;
	s21 =	smul.u32 $0x2800, s21;
	s19 =	ssub.s32 s7, s9  }
0xe: {  	s7 =	sadd.s32 s13, s3;
	s8 =	sadd.s32 s14, s3;
	s13 =	smul.u32 $0x500, s11  }
0xf: {  	s9 =	sadd.s32 s15, s3;
	s10 =	sadd.s32 s16, s3;
	s11 =	sadd.s32 s18, s3  }
0x10: {  	s12 =	sadd.s32 s12, s17;
	s14 =	sadd.s32 s17, s14;
	s22 =	sadd.s32 s17, s15  }
0x11: {  	s24 =	sadd.s32 s17, s16;
	s17 =	sadd.s32 s17, s18;
	s12 =	sshrl.u32 s12, $0x3  }
0x12: {  	s23 =	sshrl.u32 s22, $0x3;
	s25 =	sshrl.u32 s24, $0x3;
	s18 =	sshrl.u32 s17, $0x3  }
0x13: {  	s26 =	sadd.s32 s21, s4;
	s19 =	smax.u32 s19, $0x1;
	s21 =	simm.s32 $0x16000  }
0x14: {  	s22 =	simm.s32 $0x6;
	s20 =	sadd.s32 s1, s13;
	s13 =	sadd.s32 s2, s13  }
0x15: {  	s12 =	sadd.s32 s0, s12;
	s17 =	sadd.s32 s0, s25;
	[dreg:$0x5] =	wrdreg s20  }
0x16: {  	s18 =	sadd.s32 s0, s18;
	[dreg:$0x6] =	wrdreg s13;
	s20 =	sshrl.u32 s14, $0x3  }
0x17: {  	s4 =	sadd.s32 $0x800, s26;
	[dreg:$0x7] =	wrdreg s12;
	s12 =	sadd.s32 s0, s20  }
0x18: {  	s25 =	simm.s32 $0x80;
	[dreg:$0x8] =	wrdreg s12;
	s12 =	sadd.s32 s0, s23  }
0x19: {  	v0 =	vimm.f32 $0.0e+00;
	s26 =	simm.s32 $0x1;
	s23 =	simm.s32 $0x14000;
	[dreg:$0x9] =	wrdreg s12  }
.LBB2_1:
0x1a: {  	s0 =	simm.s32 $0x0;
	s12 =	simm.s32 $0x200  }
.LBB2_2:
0x1b: {  	p0 =	sne.s32 s12, $0xFE00;
	[tilespmem:s0+$0x16070] =	vst v0  }
0x1c: {  	[tilespmem:s0+$0x16000] =	vst v0  }
0x1d: {  	[tilespmem:s0+$0x16010] =	vst v0  }
.Ltmp0:
0x1e: {  	[tilespmem:s0+$0x16020] =	vst v0;
	(pc) =	sbr.rel @p0 .LBB2_2-.Ltmp0, $4  }
0x1f: {  	[tilespmem:s0+$0x16030] =	vst v0  }
0x20: {  	[tilespmem:s0+$0x16040] =	vst v0  }
0x21: {  	[tilespmem:s0+$0x16050] =	vst v0  }
0x22: {  	[tilespmem:s0+$0x16060] =	vst v0;
	s0 =	sshra.s32 s12, $0x2;
	s12 =	sadd.s32 $0x200, s12  }
0x23: {  	[tilespmem:s0+$0x16070] =	vst v0  }
0x24: {  	[tilespmem:s0+$0x16000] =	vst v0  }
0x25: {  	[tilespmem:s0+$0x16010] =	vst v0  }
0x26: {  	[tilespmem:s0+$0x16020] =	vst v0  }
0x27: {  	[tilespmem:s0+$0x16030] =	vst v0  }
0x28: {  	[tilespmem:s0+$0x16040] =	vst v0  }
0x29: {  	[tilespmem:s0+$0x16050] =	vst v0  }
0x2a: {  	[tilespmem:s0+$0x16060] =	vst v0  }
0x2b: {  	[spmem:s7] =	stream.linear.scatter [tilespmem:s21], [sflag:$0x6], $0x4000, $0x38;
	[tilespmem:$0x1E000] =	vst v63  }
0x2c: {  	_ =	swait.ge [sflag:s22], $0x4000  }
0x2d: {  	[sflag:s22] =	ssyncset.done $0x0  }
0x2e: {  	[sflag:s22] =	ssyncadd.s32 $0xFFFFC000  }
0x2f: {  	[spmem:s8] =	stream.linear.scatter [tilespmem:s21], [sflag:$0x6], $0x4000, $0x38;
	[tilespmem:$0x1E000] =	vst v63  }
0x30: {  	_ =	swait.ge [sflag:s22], $0x4000  }
0x31: {  	[sflag:s22] =	ssyncset.done $0x0  }
0x32: {  	[sflag:s22] =	ssyncadd.s32 $0xFFFFC000  }
0x33: {  	[spmem:s9] =	stream.linear.scatter [tilespmem:s21], [sflag:$0x6], $0x4000, $0x38;
	[tilespmem:$0x1E000] =	vst v63  }
0x34: {  	_ =	swait.ge [sflag:s22], $0x4000  }
0x35: {  	[sflag:s22] =	ssyncset.done $0x0  }
0x36: {  	[sflag:s22] =	ssyncadd.s32 $0xFFFFC000  }
0x37: {  	[spmem:s10] =	stream.linear.scatter [tilespmem:s21], [sflag:$0x6], $0x4000, $0x38;
	[tilespmem:$0x1E000] =	vst v63  }
0x38: {  	_ =	swait.ge [sflag:s22], $0x4000  }
0x39: {  	[sflag:s22] =	ssyncset.done $0x0  }
0x3a: {  	[sflag:s22] =	ssyncadd.s32 $0xFFFFC000  }
0x3b: {  	[spmem:s11] =	stream.linear.scatter [tilespmem:s21], [sflag:$0x6], $0x4000, $0x38;
	[tilespmem:$0x1E000] =	vst v63  }
0x3c: {  	_ =	swait.ge [sflag:s22], $0x4000  }
0x3d: {  	[sflag:s22] =	ssyncset.done $0x0  }
0x3e: {  	[sflag:s22] =	ssyncadd.s32 $0xFFFFC000  }
0x3f: {  	[bflag:$0x0] =	sbarrier.arrive $0xFFFF  }
0x40: {  	s0 =	simm.s32 $0x0;
	s12 =	rddreg [dreg:$0x5]  }
0x41: {  	[tilespmem:s23], [sflag:$0x6] =	stream.linear.gather [hbm4b:s12+s0], $0x800, $0x38;
	[tilespmem:$0x1E000] =	vst v63  }
0x42: {  	_ =	swait.ge [sflag:s22], $0x800  }
0x43: {  	[sflag:s22] =	ssyncset.done $0x0  }
0x44: {  	s13 =	simm.s32 $0x15000;
	s24 =	rddreg [dreg:$0x6];
	[sflag:s22] =	ssyncadd.s32 $0xFFFFF800  }
0x45: {  	[tilespmem:s13], [sflag:$0x6] =	stream.linear.gather [hbm4b:s24+s0], $0x800, $0x38;
	[tilespmem:$0x1E000] =	vst v63  }
0x46: {  	_ =	swait.ge [sflag:s22], $0x800  }
0x47: {  	[sflag:s22] =	ssyncset.done $0x0  }
0x48: {  	s20 =	smov.u32 s4;
	[sflag:s22] =	ssyncadd.s32 $0xFFFFF800  }
0x49: {  	[tilespmem:s21], [sflag:$0x1] =	stream.indirect.gather [hbm4b:s6+s25], $0x80, s23, s25, $0xb8;
	[tilespmem:$0x1E000] =	vst v63  }
.LBB2_4:
0x4a: {  	s12 =	sand.u32 $0x1, s0  }
0x4b: {  	p0 =	seq.s32 s0, $0x4;
	s24 =	sxor.u32 $0x1, s12  }
0x4c: {  	s14 =	sshrl.u32 @!p0 s20, $0x3;
	s13 =	sshll.u32 @!p0 s24, $0xB  }
0x4d: {  	s16 =	simm.s32 @!p0 $0x0;
	s15 =	sadd.s32 @!p0 s1, s14;
	s24 =	sor.u32 @!p0 $0x14000, s13  }
0x4e: {  	[tilespmem:s24], [sflag:$0x5] =	stream.linear.gather @!p0 [hbm4b:s15+s16], $0x800, $0x38;
	[tilespmem:$0x1E000] =	vst v63  }
0x4f: {  	s14 =	sadd.s32 @!p0 s2, s14;
	s13 =	sor.u32 @!p0 $0x15000, s13  }
0x50: {  	[tilespmem:s13], [sflag:$0x5] =	stream.linear.gather @!p0 [hbm4b:s14+s16], $0x800, $0x38;
	[tilespmem:$0x1E000] =	vst v63  }
0x51: {  	_ =	swait.ge [sflag:s26], $0x4000  }
0x52: {  	s12 =	sshll.u32 s12, $0xB;
	[sflag:s26] =	ssyncset.done $0x0  }
0x53: {  	s14 =	sor.u32 $0x15000, s12;
	[sflag:s26] =	ssyncadd.s32 $0xFFFFC000  }
0x54: {  	[spmem:s3] =	stream.indirect.scatter.add.f32 [tilespmem:s21], [sflag:$0x3], $0x80, s14, s25, $0xb8;
	[tilespmem:$0x1E000] =	vst v63  }
0x55: {  	s15 =	sor.u32 $0x14080, s12  }
0x56: {  	[tilespmem:s28], [sflag:$0x2] =	stream.indirect.gather [hbm4b:s6+s25], $0x80, s15, s25, $0xb8;
	[tilespmem:$0x1E000] =	vst v63  }
0x57: {  	_ =	swait.ge [sflag:s29], $0x4000  }
0x58: {  	[sflag:s29] =	ssyncset.done $0x0  }
0x59: {  	s16 =	sor.u32 $0x15080, s12;
	[sflag:s29] =	ssyncadd.s32 $0xFFFFC000  }
0x5a: {  	[spmem:s3] =	stream.indirect.scatter.add.f32 [tilespmem:s28], [sflag:$0x4], $0x80, s16, s25, $0xb8;
	[tilespmem:$0x1E000] =	vst v63  }
0x5b: {  	_ =	swait.ge [sflag:s30], $0x4000  }
0x5c: {  	[sflag:s30] =	ssyncset.done $0x0  }
0x5d: {  	s14 =	sor.u32 $0x14100, s12;
	[sflag:s30] =	ssyncadd.s32 $0xFFFFC000  }
0x5e: {  	[tilespmem:s21], [sflag:$0x1] =	stream.indirect.gather [hbm4b:s6+s25], $0x80, s14, s25, $0xb8;
	[tilespmem:$0x1E000] =	vst v63  }
0x5f: {  	_ =	swait.ge [sflag:s26], $0x4000  }
0x60: {  	[sflag:s26] =	ssyncset.done $0x0  }
0x61: {  	s15 =	sor.u32 $0x15100, s12;
	[sflag:s26] =	ssyncadd.s32 $0xFFFFC000  }
0x62: {  	[spmem:s3] =	stream.indirect.scatter.add.f32 [tilespmem:s21], [sflag:$0x3], $0x80, s15, s25, $0xb8;
	[tilespmem:$0x1E000] =	vst v63  }
0x63: {  	_ =	swait.ge [sflag:s31], $0x4000  }
0x64: {  	[sflag:s31] =	ssyncset.done $0x0  }
0x65: {  	s16 =	sor.u32 $0x14180, s12;
	[sflag:s31] =	ssyncadd.s32 $0xFFFFC000  }
0x66: {  	[tilespmem:s28], [sflag:$0x2] =	stream.indirect.gather [hbm4b:s6+s25], $0x80, s16, s25, $0xb8;
	[tilespmem:$0x1E000] =	vst v63  }
0x67: {  	_ =	swait.ge [sflag:s29], $0x4000  }
0x68: {  	[sflag:s29] =	ssyncset.done $0x0  }
0x69: {  	s14 =	sor.u32 $0x15180, s12;
	[sflag:s29] =	ssyncadd.s32 $0xFFFFC000  }
0x6a: {  	[spmem:s3] =	stream.indirect.scatter.add.f32 [tilespmem:s28], [sflag:$0x4], $0x80, s14, s25, $0xb8;
	[tilespmem:$0x1E000] =	vst v63  }
0x6b: {  	_ =	swait.ge [sflag:s30], $0x4000  }
0x6c: {  	[sflag:s30] =	ssyncset.done $0x0  }
0x6d: {  	s15 =	sor.u32 $0x14200, s12;
	[sflag:s30] =	ssyncadd.s32 $0xFFFFC000  }
0x6e: {  	[tilespmem:s21], [sflag:$0x1] =	stream.indirect.gather [hbm4b:s6+s25], $0x80, s15, s25, $0xb8;
	[tilespmem:$0x1E000] =	vst v63  }
0x6f: {  	_ =	swait.ge [sflag:s26], $0x4000  }
0x70: {  	[sflag:s26] =	ssyncset.done $0x0  }
0x71: {  	s16 =	sor.u32 $0x15200, s12;
	[sflag:s26] =	ssyncadd.s32 $0xFFFFC000  }
0x72: {  	[spmem:s3] =	stream.indirect.scatter.add.f32 [tilespmem:s21], [sflag:$0x3], $0x80, s16, s25, $0xb8;
	[tilespmem:$0x1E000] =	vst v63  }
0x73: {  	_ =	swait.ge [sflag:s31], $0x4000  }
0x74: {  	[sflag:s31] =	ssyncset.done $0x0  }
0x75: {  	s14 =	sor.u32 $0x14280, s12;
	[sflag:s31] =	ssyncadd.s32 $0xFFFFC000  }
0x76: {  	[tilespmem:s28], [sflag:$0x2] =	stream.indirect.gather [hbm4b:s6+s25], $0x80, s14, s25, $0xb8;
	[tilespmem:$0x1E000] =	vst v63  }
0x77: {  	_ =	swait.ge [sflag:s29], $0x4000  }
0x78: {  	[sflag:s29] =	ssyncset.done $0x0  }
0x79: {  	s15 =	sor.u32 $0x15280, s12;
	[sflag:s29] =	ssyncadd.s32 $0xFFFFC000  }
0x7a: {  	[spmem:s3] =	stream.indirect.scatter.add.f32 [tilespmem:s28], [sflag:$0x4], $0x80, s15, s25, $0xb8;
	[tilespmem:$0x1E000] =	vst v63  }
0x7b: {  	_ =	swait.ge [sflag:s30], $0x4000  }
0x7c: {  	[sflag:s30] =	ssyncset.done $0x0  }
0x7d: {  	s16 =	sor.u32 $0x14300, s12;
	[sflag:s30] =	ssyncadd.s32 $0xFFFFC000  }
0x7e: {  	[tilespmem:s21], [sflag:$0x1] =	stream.indirect.gather [hbm4b:s6+s25], $0x80, s16, s25, $0xb8;
	[tilespmem:$0x1E000] =	vst v63  }
0x7f: {  	_ =	swait.ge [sflag:s26], $0x4000  }
0x80: {  	[sflag:s26] =	ssyncset.done $0x0  }
0x81: {  	s14 =	sor.u32 $0x15300, s12;
	[sflag:s26] =	ssyncadd.s32 $0xFFFFC000  }
0x82: {  	[spmem:s3] =	stream.indirect.scatter.add.f32 [tilespmem:s21], [sflag:$0x3], $0x80, s14, s25, $0xb8;
	[tilespmem:$0x1E000] =	vst v63  }
0x83: {  	_ =	swait.ge [sflag:s31], $0x4000  }
0x84: {  	[sflag:s31] =	ssyncset.done $0x0  }
0x85: {  	s15 =	sor.u32 $0x14380, s12;
	[sflag:s31] =	ssyncadd.s32 $0xFFFFC000  }
0x86: {  	[tilespmem:s28], [sflag:$0x2] =	stream.indirect.gather [hbm4b:s6+s25], $0x80, s15, s25, $0xb8;
	[tilespmem:$0x1E000] =	vst v63  }
0x87: {  	_ =	swait.ge [sflag:s29], $0x4000  }
0x88: {  	[sflag:s29] =	ssyncset.done $0x0  }
0x89: {  	s16 =	sor.u32 $0x15380, s12;
	[sflag:s29] =	ssyncadd.s32 $0xFFFFC000  }
0x8a: {  	[spmem:s3] =	stream.indirect.scatter.add.f32 [tilespmem:s28], [sflag:$0x4], $0x80, s16, s25, $0xb8;
	[tilespmem:$0x1E000] =	vst v63  }
0x8b: {  	_ =	swait.ge [sflag:s30], $0x4000  }
0x8c: {  	[sflag:s30] =	ssyncset.done $0x0  }
0x8d: {  	s14 =	sor.u32 $0x14400, s12;
	[sflag:s30] =	ssyncadd.s32 $0xFFFFC000  }
0x8e: {  	[tilespmem:s21], [sflag:$0x1] =	stream.indirect.gather [hbm4b:s6+s25], $0x80, s14, s25, $0xb8;
	[tilespmem:$0x1E000] =	vst v63  }
0x8f: {  	_ =	swait.ge [sflag:s26], $0x4000  }
0x90: {  	[sflag:s26] =	ssyncset.done $0x0  }
0x91: {  	s15 =	sor.u32 $0x15400, s12;
	[sflag:s26] =	ssyncadd.s32 $0xFFFFC000  }
0x92: {  	[spmem:s3] =	stream.indirect.scatter.add.f32 [tilespmem:s21], [sflag:$0x3], $0x80, s15, s25, $0xb8;
	[tilespmem:$0x1E000] =	vst v63  }
0x93: {  	_ =	swait.ge [sflag:s31], $0x4000  }
0x94: {  	[sflag:s31] =	ssyncset.done $0x0  }
0x95: {  	s16 =	sor.u32 $0x14480, s12;
	[sflag:s31] =	ssyncadd.s32 $0xFFFFC000  }
0x96: {  	[tilespmem:s28], [sflag:$0x2] =	stream.indirect.gather [hbm4b:s6+s25], $0x80, s16, s25, $0xb8;
	[tilespmem:$0x1E000] =	vst v63  }
0x97: {  	_ =	swait.ge [sflag:s29], $0x4000  }
0x98: {  	[sflag:s29] =	ssyncset.done $0x0  }
0x99: {  	s14 =	sor.u32 $0x15480, s12;
	[sflag:s29] =	ssyncadd.s32 $0xFFFFC000  }
0x9a: {  	[spmem:s3] =	stream.indirect.scatter.add.f32 [tilespmem:s28], [sflag:$0x4], $0x80, s14, s25, $0xb8;
	[tilespmem:$0x1E000] =	vst v63  }
0x9b: {  	_ =	swait.ge [sflag:s30], $0x4000  }
0x9c: {  	[sflag:s30] =	ssyncset.done $0x0  }
0x9d: {  	s15 =	sor.u32 $0x14500, s12;
	[sflag:s30] =	ssyncadd.s32 $0xFFFFC000  }
0x9e: {  	[tilespmem:s21], [sflag:$0x1] =	stream.indirect.gather [hbm4b:s6+s25], $0x80, s15, s25, $0xb8;
	[tilespmem:$0x1E000] =	vst v63  }
0x9f: {  	_ =	swait.ge [sflag:s26], $0x4000  }
0xa0: {  	[sflag:s26] =	ssyncset.done $0x0  }
0xa1: {  	s16 =	sor.u32 $0x15500, s12;
	[sflag:s26] =	ssyncadd.s32 $0xFFFFC000  }
0xa2: {  	[spmem:s3] =	stream.indirect.scatter.add.f32 [tilespmem:s21], [sflag:$0x3], $0x80, s16, s25, $0xb8;
	[tilespmem:$0x1E000] =	vst v63  }
0xa3: {  	_ =	swait.ge [sflag:s31], $0x4000  }
0xa4: {  	[sflag:s31] =	ssyncset.done $0x0  }
0xa5: {  	s14 =	sor.u32 $0x14580, s12;
	[sflag:s31] =	ssyncadd.s32 $0xFFFFC000  }
0xa6: {  	[tilespmem:s28], [sflag:$0x2] =	stream.indirect.gather [hbm4b:s6+s25], $0x80, s14, s25, $0xb8;
	[tilespmem:$0x1E000] =	vst v63  }
0xa7: {  	_ =	swait.ge [sflag:s29], $0x4000  }
0xa8: {  	[sflag:s29] =	ssyncset.done $0x0  }
0xa9: {  	s15 =	sor.u32 $0x15580, s12;
	[sflag:s29] =	ssyncadd.s32 $0xFFFFC000  }
0xaa: {  	[spmem:s3] =	stream.indirect.scatter.add.f32 [tilespmem:s28], [sflag:$0x4], $0x80, s15, s25, $0xb8;
	[tilespmem:$0x1E000] =	vst v63  }
0xab: {  	_ =	swait.ge [sflag:s30], $0x4000  }
0xac: {  	[sflag:s30] =	ssyncset.done $0x0  }
0xad: {  	s16 =	sor.u32 $0x14600, s12;
	[sflag:s30] =	ssyncadd.s32 $0xFFFFC000  }
0xae: {  	[tilespmem:s21], [sflag:$0x1] =	stream.indirect.gather [hbm4b:s6+s25], $0x80, s16, s25, $0xb8;
	[tilespmem:$0x1E000] =	vst v63  }
0xaf: {  	_ =	swait.ge [sflag:s26], $0x4000  }
0xb0: {  	[sflag:s26] =	ssyncset.done $0x0  }
0xb1: {  	s14 =	sor.u32 $0x15600, s12;
	[sflag:s26] =	ssyncadd.s32 $0xFFFFC000  }
0xb2: {  	[spmem:s3] =	stream.indirect.scatter.add.f32 [tilespmem:s21], [sflag:$0x3], $0x80, s14, s25, $0xb8;
	[tilespmem:$0x1E000] =	vst v63  }
0xb3: {  	_ =	swait.ge [sflag:s31], $0x4000  }
0xb4: {  	[sflag:s31] =	ssyncset.done $0x0  }
0xb5: {  	s15 =	sor.u32 $0x14680, s12;
	[sflag:s31] =	ssyncadd.s32 $0xFFFFC000  }
0xb6: {  	[tilespmem:s28], [sflag:$0x2] =	stream.indirect.gather [hbm4b:s6+s25], $0x80, s15, s25, $0xb8;
	[tilespmem:$0x1E000] =	vst v63  }
0xb7: {  	_ =	swait.ge [sflag:s29], $0x4000  }
0xb8: {  	[sflag:s29] =	ssyncset.done $0x0  }
0xb9: {  	s16 =	sor.u32 $0x15680, s12;
	[sflag:s29] =	ssyncadd.s32 $0xFFFFC000  }
0xba: {  	[spmem:s3] =	stream.indirect.scatter.add.f32 [tilespmem:s28], [sflag:$0x4], $0x80, s16, s25, $0xb8;
	[tilespmem:$0x1E000] =	vst v63  }
0xbb: {  	_ =	swait.ge [sflag:s30], $0x4000  }
0xbc: {  	[sflag:s30] =	ssyncset.done $0x0  }
0xbd: {  	s14 =	sor.u32 $0x14700, s12;
	[sflag:s30] =	ssyncadd.s32 $0xFFFFC000  }
0xbe: {  	[tilespmem:s21], [sflag:$0x1] =	stream.indirect.gather [hbm4b:s6+s25], $0x80, s14, s25, $0xb8;
	[tilespmem:$0x1E000] =	vst v63  }
0xbf: {  	_ =	swait.ge [sflag:s26], $0x4000  }
0xc0: {  	[sflag:s26] =	ssyncset.done $0x0  }
0xc1: {  	s15 =	sor.u32 $0x15700, s12;
	[sflag:s26] =	ssyncadd.s32 $0xFFFFC000  }
0xc2: {  	[spmem:s3] =	stream.indirect.scatter.add.f32 [tilespmem:s21], [sflag:$0x3], $0x80, s15, s25, $0xb8;
	[tilespmem:$0x1E000] =	vst v63  }
0xc3: {  	_ =	swait.ge [sflag:s31], $0x4000  }
0xc4: {  	[sflag:s31] =	ssyncset.done $0x0  }
0xc5: {  	s16 =	sor.u32 $0x14780, s12;
	[sflag:s31] =	ssyncadd.s32 $0xFFFFC000  }
0xc6: {  	[tilespmem:s28], [sflag:$0x2] =	stream.indirect.gather [hbm4b:s6+s25], $0x80, s16, s25, $0xb8;
	[tilespmem:$0x1E000] =	vst v63  }
0xc7: {  	_ =	swait.ge [sflag:s29], $0x4000  }
0xc8: {  	[sflag:s29] =	ssyncset.done $0x0  }
0xc9: {  	s12 =	sor.u32 $0x15780, s12;
	[sflag:s29] =	ssyncadd.s32 $0xFFFFC000  }
0xca: {  	[spmem:s3] =	stream.indirect.scatter.add.f32 [tilespmem:s28], [sflag:$0x4], $0x80, s12, s25, $0xb8;
	[tilespmem:$0x1E000] =	vst v63  }
0xcb: {  	_ =	swait.ge [sflag:s30], $0x4000  }
0xcc: {  	[sflag:s30] =	ssyncset.done $0x0  }
0xcd: {  	[sflag:s30] =	ssyncadd.s32 $0xFFFFC000  }
0xce: {  	_ =	swait.ge [sflag:s31], $0x4000  }
0xcf: {  	[sflag:s31] =	ssyncset.done $0x0  }
0xd0: {  	s0 =	sadd.s32 $0x1, s0;
	s12 =	simm.s32 @!p0 $0x5;
	[sflag:s31] =	ssyncadd.s32 $0xFFFFC000  }
0xd1: {  	p1 =	sne.s32 @!p0 s0, $0x5;
	_ =	swait.ge @!p0 [sflag:s12], $0x800  }
0xd2: {  	p1 =	por p0, !p1;
	[sflag:s12] =	ssyncset.done @!p0 $0x0  }
.Ltmp1:
0xd3: {  	[sflag:s12] =	ssyncadd.s32 @!p0 $0xFFFFF800;
	(pc) =	sbr.rel @!p1 .LBB2_4-.Ltmp1, $4  }
0xd4: {  	_ =	swait.ge @!p0 [sflag:s12], $0x800  }
0xd5: {  	s20 =	sadd.s32 @!p0 $0x800, s20;
	[sflag:s12] =	ssyncset.done @!p0 $0x0  }
0xd6: {  	s13 =	simm.s32 @!p0 $0x16000;
	[sflag:s12] =	ssyncadd.s32 @!p0 $0xFFFFF800;
	s12 =	simm.s32 @!p0 $0x80  }
0xd7: {  	[tilespmem:s13], [sflag:$0x1] =	stream.indirect.gather @!p0 [hbm4b:s6+s12], $0x80, s24, s12, $0xb8;
	[tilespmem:$0x1E000] =	vst v63  }
0xd8: {  	s0 =	stileid.u32  }
0xd9: {  	[bflag:$0x0] =	sbarrier.arrive $0xFFFF;
	s0 =	sshll.u32 s0, $0x6  }
0xda: {  	s12 =	sshrl.u32 s7, $0x3;
	s13 =	rddreg [dreg:$0x7];
	s0 =	sor.u32 $0x1C06, s0  }
0xdb: {  	[hbm:s13], [sflag:s0] =	dma.local [spmem:s12], $0x800  }
0xdc: {  	_ =	swait.ge [sflag:s22], $0x800  }
0xdd: {  	[sflag:s22] =	ssyncset.done $0x0  }
0xde: {  	s13 =	sshrl.u32 s8, $0x3;
	s14 =	rddreg [dreg:$0x8];
	[sflag:s22] =	ssyncadd.s32 $0xFFFFF800  }
0xdf: {  	[hbm:s14], [sflag:s0] =	dma.local [spmem:s13], $0x800  }
0xe0: {  	_ =	swait.ge [sflag:s22], $0x800  }
0xe1: {  	[sflag:s22] =	ssyncset.done $0x0  }
0xe2: {  	s15 =	sshrl.u32 s9, $0x3;
	s16 =	rddreg [dreg:$0x9];
	[sflag:s22] =	ssyncadd.s32 $0xFFFFF800  }
0xe3: {  	[hbm:s16], [sflag:s0] =	dma.local [spmem:s15], $0x800  }
0xe4: {  	_ =	swait.ge [sflag:s22], $0x800  }
0xe5: {  	[sflag:s22] =	ssyncset.done $0x0  }
0xe6: {  	s20 =	sshrl.u32 s10, $0x3;
	[sflag:s22] =	ssyncadd.s32 $0xFFFFF800  }
0xe7: {  	[hbm:s17], [sflag:s0] =	dma.local [spmem:s20], $0x800  }
0xe8: {  	s5 =	sadd.s32 $0x1, s5;
	_ =	swait.ge [sflag:s22], $0x800  }
0xe9: {  	p0 =	sne.s32 s5, s19;
	[sflag:s22] =	ssyncset.done $0x0  }
.Ltmp2:
0xea: {  	s24 =	sshrl.u32 s11, $0x3;
	[sflag:s22] =	ssyncadd.s32 $0xFFFFF800;
	(pc) =	sbr.rel @p0 .LBB2_1-.Ltmp2, $4  }
0xeb: {  	[hbm:s18], [sflag:s0] =	dma.local [spmem:s24], $0x800  }
0xec: {  	_ =	swait.ge [sflag:s22], $0x800  }
0xed: {  	[sflag:s22] =	ssyncset.done $0x0  }
0xee: {  	[sflag:s22] =	ssyncadd.s32 $0xFFFFF800  }
0xef: {  	_ =	sfence.sel $0x180000  }
0xf0: {  	[bflag:$0x0] =	sbarrier.arrive $0xFFFF  }
0xf1: {  	_ =	strace $0x90000050  }
0xf2: {  	s0 =	stileid.u32;
	[bflag:$0x2] =	sbarrier.arrive $0xFFFF  }
0xf3: {  	p0 =	sne.s32 s0, $0x0;
	s0 =	rddreg [dreg:$0x4]  }
0xf4: {  	s0 =	sadd.s32 @!p0 $0x100000, s0  }
0xf5: {  	[sflag:s0] =	ssyncadd.tile.s32 @!p0 $0x1;
	_ =	shalt  }
.Lfunc_end2:
_tile_overlayer_lowered:
.L_overlay_start_2:
0xf6: {  	(tag) =	ssettag $0x2  }
0xf7: {  	s0 =	rddreg [dreg:$0x0];
	s2 =	stileid.u32  }
0xf8: {  	s1 =	rddreg [dreg:$0x1];
	p0 =	sne.s32 s2, $0x0  }
0xf9: {  	s3 =	rddreg [dreg:$0x2];
	[bflag:$0x3] =	sbarrier.arrive $0xFFFF;
	s2 =	simm.s32 @!p0 $0x1C06  }
0xfa: {  	[timem:s3], [sflag:s2] =	dma.local @!p0 [hbm:s0], s1  }
0xfb: {  	s0 =	simm.s32 @!p0 $0x6  }
0xfc: {  	_ =	swait.ge @!p0 [sflag:s0], s1  }
0xfd: {  	s1 =	ssub.s32 @!p0 $0x0, s1;
	[sflag:s0] =	ssyncset.done @!p0 $0x0  }
0xfe: {  	[sflag:s0] =	ssyncadd.s32 @!p0 s1  }
0xff: {  	[bflag:$0x3] =	sbarrier.arrive $0xFFFF  }
0x100: {  	_ =	shalt  }

</sc_bundles>
